<compile_context>
chip_gen: v7x
topology: tpu7x:2x2x1
jax: 0.10.2.dev20260603
libtpu: 0.0.44.dev20260713+nightly
codegen_flags: <defaults>
</compile_context>

<pallas_src>
import jax
import jax.numpy as jnp
from jax import lax
from jax.experimental import pallas as pl
from jax.experimental.pallas import tpu as pltpu
from jax.experimental.pallas import tpu_sc as plsc

N = 10000
E = 320000
D = 128
NCLS = 40

NC = 2
NS = 16
NW = NC * NS
WIN = 128
EPW = E // NW

NB = 4
RANGE = 2528
N_PAD = NB * RANGE
CAPW = 22
CAP = CAPW * WIN
ACC_ROWS = RANGE + 160
DUMMY = 160
NCH = 2 * CAPW

_mesh = plsc.VectorSubcoreMesh(core_axis_name="c", subcore_axis_name="s")
_params = pltpu.CompilerParams(needs_layout_passes=False)


def _part_body(ei_hbm, srcp_hbm, dstp_hbm, cnt_hbm, deg_hbm,
               sin, din, sbuf, dbuf, cnts, hist, sem):
    c = lax.axis_index("c")
    s = lax.axis_index("s")
    w = s * NC + c

    iota = lax.iota(jnp.int32, 16)

    def pre(r, _):
        for k in range(8):
            v = r * 128 + k * 16 + iota
            for b in range(NB):
                sbuf[b][r, pl.ds(k * 16, 16)] = v
                dbuf[b][r, pl.ds(k * 16, 16)] = RANGE + v % DUMMY
        return 0

    lax.fori_loop(0, CAPW, pre, 0)

    def zhist(r, _):
        hist[pl.ds(r * 16, 16)] = jnp.zeros((16,), jnp.float32)
        return 0

    lax.fori_loop(0, N_PAD // 16, zhist, 0)

    base = w * (EPW - 16)
    pltpu.sync_copy(ei_hbm.at[0].at[pl.ds(base, EPW - 16)],
                    sin.at[pl.ds(0, EPW - 16)])
    pltpu.sync_copy(ei_hbm.at[1].at[pl.ds(base, EPW - 16)],
                    din.at[pl.ds(0, EPW - 16)])

    @pl.when(w < 4)
    def _():
        xb = 32 * (EPW - 16) + w * 128
        pltpu.sync_copy(ei_hbm.at[0].at[pl.ds(xb, 128)],
                        sin.at[pl.ds(EPW - 16, 128)])
        pltpu.sync_copy(ei_hbm.at[1].at[pl.ds(xb, 128)],
                        din.at[pl.ds(EPW - 16, 128)])

    nv = jnp.where(w < 4, (EPW - 16 + 128) // 16, (EPW - 16) // 16)

    ones16 = jnp.ones((16,), jnp.float32)

    def step(k, offs):
        sv = sin[pl.ds(k * 16, 16)]
        dv = din[pl.ds(k * 16, 16)]
        plsc.addupdate_scatter(hist, [dv], ones16)
        new_offs = []
        for b in range(NB):
            lo = b * RANGE
            m = (dv >= lo) & (dv < lo + RANGE) if b else (dv < RANGE)
            mi = m.astype(jnp.int32)
            pos = offs[b] + plsc.cumsum(mi) - 1
            pr = lax.shift_right_logical(pos, 7)
            pc = lax.bitwise_and(pos, 127)
            plsc.store_scatter(sbuf[b], [pr, pc], sv, mask=m)
            plsc.store_scatter(dbuf[b], [pr, pc], dv - lo, mask=m)
            cnt = jnp.sum(mi, axis=0)
            new_offs.append(jnp.minimum(offs[b] + cnt, CAP - 16))
        return tuple(new_offs)

    offs = lax.fori_loop(0, nv, step, (0, 0, 0, 0))

    for b in range(NB):
        pltpu.sync_copy(sbuf[b], srcp_hbm.at[w, b])
        pltpu.sync_copy(dbuf[b], dstp_hbm.at[w, b])
        cv = jnp.full((16,), offs[b], jnp.int32)
        cnts[pl.ds(b * 16, 16)] = cv
    pltpu.sync_copy(cnts, cnt_hbm.at[w])
    pltpu.sync_copy(hist, deg_hbm.at[w])


_sc_partition = pl.kernel(
    _part_body,
    out_type=[
        jax.ShapeDtypeStruct((NW, NB, CAPW, WIN), jnp.int32),
        jax.ShapeDtypeStruct((NW, NB, CAPW, WIN), jnp.int32),
        jax.ShapeDtypeStruct((NW, NB * 16), jnp.int32),
        jax.ShapeDtypeStruct((NW, N_PAD), jnp.float32),
    ],
    mesh=_mesh,
    scratch_types=[
        pltpu.VMEM((10112,), jnp.int32),
        pltpu.VMEM((10112,), jnp.int32),
        [pltpu.VMEM((CAPW, WIN), jnp.int32) for _ in range(NB)],
        [pltpu.VMEM((CAPW, WIN), jnp.int32) for _ in range(NB)],
        pltpu.VMEM((NB * 16,), jnp.int32),
        pltpu.VMEM((N_PAD,), jnp.float32),
        pltpu.SemaphoreType.DMA,
    ],
    compiler_params=_params,
)


def _agg_body(t_hbm, srcp_hbm, dstp_hbm, cnt_hbm, out_hbm,
              srcv, dstv, rows, cbuf, zbig, acc, gsem):
    c = lax.axis_index("c")
    s = lax.axis_index("s")

    def zrow(r, _):
        for k in range(D // 16):
            zbig[r, pl.ds(k * 16, 16)] = jnp.zeros((16,), jnp.float32)
        return 0

    lax.fori_loop(0, 128, zrow, 0)

    pltpu.sync_copy(cnt_hbm.at[2 * s], cbuf.at[0])
    pltpu.sync_copy(cnt_hbm.at[2 * s + 1], cbuf.at[1])

    for p in range(2):
        b = 2 * p + c

        zb = s * (ACC_ROWS // NS)
        pltpu.sync_copy(zbig, acc.at[pl.ds(zb, 128)])
        pltpu.sync_copy(zbig.at[pl.ds(0, 40)], acc.at[pl.ds(zb + 128, 40)])
        plsc.subcore_barrier()

        pltpu.sync_copy(srcp_hbm.at[2 * s, b], srcv.at[pl.ds(0, CAPW)])
        pltpu.sync_copy(srcp_hbm.at[2 * s + 1, b], srcv.at[pl.ds(CAPW, CAPW)])
        pltpu.sync_copy(dstp_hbm.at[2 * s, b], dstv.at[pl.ds(0, CAPW)])
        pltpu.sync_copy(dstp_hbm.at[2 * s + 1, b], dstv.at[pl.ds(CAPW, CAPW)])

        nw0 = lax.shift_right_logical(
            jnp.max(cbuf[0, pl.ds(b * 16, 16)], axis=0) + WIN - 1, 7)
        nw1 = lax.shift_right_logical(
            jnp.max(cbuf[1, pl.ds(b * 16, 16)], axis=0) + WIN - 1, 7)
        nt = nw0 + nw1

        def jj(j):
            return jnp.where(j < nw0, j, j - nw0 + CAPW)

        @pl.when(nt > 0)
        def _():
            pltpu.async_copy(t_hbm.at[srcv.at[jj(0)]], rows[0], gsem[0])

        def step(i, _):
            j0 = 2 * i
            j1 = j0 + 1

            @pl.when(j1 < nt)
            def _():
                pltpu.async_copy(t_hbm.at[srcv.at[jj(j1)]], rows[1], gsem[1])

            pltpu.make_async_copy(
                t_hbm.at[srcv.at[jj(j0)]], rows[0], gsem[0]).wait()
            pltpu.sync_copy(rows[0], acc.at[dstv.at[jj(j0)]], add=True)

            @pl.when(j0 + 2 < nt)
            def _():
                pltpu.async_copy(t_hbm.at[srcv.at[jj(j0 + 2)]], rows[0], gsem[0])

            @pl.when(j1 < nt)
            def _():
                pltpu.make_async_copy(
                    t_hbm.at[srcv.at[jj(j1)]], rows[1], gsem[1]).wait()
                pltpu.sync_copy(rows[1], acc.at[dstv.at[jj(j1)]], add=True)

            return 0

        lax.fori_loop(0, (nt + 1) // 2, step, 0)
        plsc.subcore_barrier()

        gb = b * RANGE + 160 * s

        @pl.when(s < NS - 1)
        def _():
            pltpu.sync_copy(acc.at[pl.ds(160 * s, 160)],
                            out_hbm.at[pl.ds(gb, 160)])

        @pl.when(s == NS - 1)
        def _():
            pltpu.sync_copy(acc.at[pl.ds(160 * s, 128)],
                            out_hbm.at[pl.ds(gb, 128)])

        plsc.subcore_barrier()


_sc_agg = pl.kernel(
    _agg_body,
    out_type=jax.ShapeDtypeStruct((N_PAD, D), jnp.float32),
    mesh=_mesh,
    scratch_types=[
        pltpu.VMEM((NCH, WIN), jnp.int32),
        pltpu.VMEM((NCH, WIN), jnp.int32),
        [pltpu.VMEM((WIN, D), jnp.float32) for _ in range(2)],
        pltpu.VMEM((2, NB * 16), jnp.int32),
        pltpu.VMEM((128, D), jnp.float32),
        pltpu.VMEM_SHARED((ACC_ROWS, D), jnp.float32),
        [pltpu.SemaphoreType.DMA for _ in range(2)],
    ],
    compiler_params=_params,
)


def _k1_body(x_ref, w_ref, t0_ref):
    t0_ref[...] = jnp.dot(x_ref[...], w_ref[...],
                          preferred_element_type=jnp.float32)


def _kdeg_body(degp_ref, o_ref):
    d = jnp.sum(degp_ref[...], axis=0)
    o_ref[...] = (1.0 / jnp.maximum(d, 1.0)).reshape(1, N_PAD)


def _k3_body(x_ref, agg_ref, dinv_ref, ws_ref, b_ref, wn1_ref,
             h1_ref, t1_ref):
    hn = agg_ref[:N, :] * dinv_ref[...]
    h1 = jnp.maximum(
        jnp.dot(x_ref[...], ws_ref[...], preferred_element_type=jnp.float32)
        + hn + b_ref[...], 0.0)
    h1_ref[...] = h1
    t1_ref[...] = jnp.dot(h1, wn1_ref[...], preferred_element_type=jnp.float32)


def _k5_body(h1_ref, agg_ref, dinv_ref, ws1_ref, b1_ref, fcw_ref, fcb_ref,
             o_ref):
    hn = agg_ref[:N, :] * dinv_ref[...]
    h2 = (jnp.dot(h1_ref[...], ws1_ref[...], preferred_element_type=jnp.float32)
          + hn + b1_ref[...])
    o_ref[...] = jnp.dot(h2, fcw_ref[...],
                         preferred_element_type=jnp.float32) + fcb_ref[...]


def kernel(x, edge_index, W_self0, W_neigh0, b0, W_self1, W_neigh1, b1,
           fc_W, fc_b):
    b0r = b0.reshape(1, D)
    b1r = b1.reshape(1, D)
    fcbr = fc_b.reshape(1, NCLS)

    t0 = pl.pallas_call(
        _k1_body,
        out_shape=jax.ShapeDtypeStruct((N, D), jnp.float32),
    )(x, W_neigh0)

    srcp, dstp, cntp, degp = _sc_partition(edge_index.astype(jnp.int32))

    dinv2d = pl.pallas_call(
        _kdeg_body,
        out_shape=jax.ShapeDtypeStruct((1, N_PAD), jnp.float32),
    )(degp)
    dinv_col = dinv2d.reshape(N_PAD, 1)[:N]

    agg0 = _sc_agg(t0, srcp, dstp, cntp)

    h1, t1 = pl.pallas_call(
        _k3_body,
        out_shape=[
            jax.ShapeDtypeStruct((N, D), jnp.float32),
            jax.ShapeDtypeStruct((N, D), jnp.float32),
        ],
    )(x, agg0, dinv_col, W_self0, b0r, W_neigh1)

    agg1 = _sc_agg(t1, srcp, dstp, cntp)

    out = pl.pallas_call(
        _k5_body,
        out_shape=jax.ShapeDtypeStruct((N, NCLS), jnp.float32),
    )(h1, agg1, dinv_col, W_self1, b1r, fc_W, fcbr)

    return out

# --- scband reference (transcript-rebuilt; emitter-appended) ---
"""Pipeline reference for scband-gnnclassifier-79207786873553 (READ-ONLY COPY).

The authoritative reference and input builder live on the scoring server;
editing this copy changes nothing except your own understanding.
"""

import jax, jax.numpy as jnp
import numpy as np

N = 10000
E = 320000
D_IN = 128
D_HID = 128
D_OUT = 128
N_CLASS = 40


def setup_inputs(seed: int = 0) -> dict:
    key = jax.random.key(seed)
    ks = jax.random.split(key, 10)
    x = jax.random.normal(ks[0], (N, D_IN), dtype=jnp.float32)
    edge_index = jax.random.randint(ks[1], (2, E), 0, N)
    # GraphSAGE layer 0 (mean aggregator): fc_self + fc_neigh, D_IN -> D_HID
    s0 = 1.0 / np.sqrt(D_IN)
    W_self0 = jax.random.normal(ks[2], (D_IN, D_HID), dtype=jnp.float32) * s0
    W_neigh0 = jax.random.normal(ks[3], (D_IN, D_HID), dtype=jnp.float32) * s0
    b0 = jnp.zeros((D_HID,), dtype=jnp.float32)
    # GraphSAGE layer 1: D_HID -> D_OUT
    s1 = 1.0 / np.sqrt(D_HID)
    W_self1 = jax.random.normal(ks[4], (D_HID, D_OUT), dtype=jnp.float32) * s1
    W_neigh1 = jax.random.normal(ks[5], (D_HID, D_OUT), dtype=jnp.float32) * s1
    b1 = jnp.zeros((D_OUT,), dtype=jnp.float32)
    # Final classifier fc: D_OUT -> N_CLASS
    s2 = 1.0 / np.sqrt(D_OUT)
    fc_W = jax.random.normal(ks[6], (D_OUT, N_CLASS), dtype=jnp.float32) * s2
    fc_b = jnp.zeros((N_CLASS,), dtype=jnp.float32)
    return {
        "x": x,
        "edge_index": edge_index,
        "W_self0": W_self0,
        "W_neigh0": W_neigh0,
        "b0": b0,
        "W_self1": W_self1,
        "W_neigh1": W_neigh1,
        "b1": b1,
        "fc_W": fc_W,
        "fc_b": fc_b,
    }


def _sage_mean_layer(h, src, dst, W_self, W_neigh, b, activation):
    # mean aggregation over incoming edges (undirected handled by edge list)
    msgs = jnp.take(h, src, axis=0)  # gather [E, d]
    agg = jax.ops.segment_sum(msgs, dst, num_segments=N)  # scatter-add [N, d]
    deg = jax.ops.segment_sum(jnp.ones((src.shape[0],), dtype=h.dtype), dst, num_segments=N)
    h_neigh = agg / jnp.clip(deg, 1.0, None)[:, None]
    out = h @ W_self + h_neigh @ W_neigh + b
    if activation:
        out = jax.nn.relu(out)
    return out


def reference(x, edge_index, W_self0, W_neigh0, b0, W_self1, W_neigh1, b1, fc_W, fc_b):
    src = edge_index[0]
    dst = edge_index[1]
    h = _sage_mean_layer(x, src, dst, W_self0, W_neigh0, b0, activation=True)
    h = _sage_mean_layer(h, src, dst, W_self1, W_neigh1, b1, activation=False)
    logits = h @ fc_W + fc_b
    return logits

if __name__ == "__main__":
    import jax
    _d = setup_inputs()
    print(jax.jit(kernel)(*tuple(_d.values())))

</pallas_src>

<mosaic_0001>
#map = affine_map<(d0, d1) -> (0, 0)>
#map1 = affine_map<(d0, d1) -> (0, 0, 0, 0)>
module attributes {stable_mosaic.version = 14 : i64} {
  func.func @_agg_body(%arg0: i32, %arg1: i32, %arg2: memref<10000x128xf32, #tpu.memory_space<hbm>>, %arg3: memref<32x4x22x128xi32, #tpu.memory_space<hbm>>, %arg4: memref<32x4x22x128xi32, #tpu.memory_space<hbm>>, %arg5: memref<32x64xi32, #tpu.memory_space<hbm>>, %arg6: memref<10112x128xf32, #tpu.memory_space<hbm>>, %arg7: memref<44x128xi32, #tpu.memory_space<vmem>>, %arg8: memref<44x128xi32, #tpu.memory_space<vmem>>, %arg9: memref<128x128xf32, #tpu.memory_space<vmem>>, %arg10: memref<128x128xf32, #tpu.memory_space<vmem>>, %arg11: memref<2x64xi32, #tpu.memory_space<vmem>>, %arg12: memref<128x128xf32, #tpu.memory_space<vmem>>, %arg13: memref<2688x128xf32, #tpu.memory_space<vmem_shared>>, %arg14: memref<!tpu.dma_semaphore, #tpu.memory_space<semaphore_mem>>, %arg15: memref<!tpu.dma_semaphore, #tpu.memory_space<semaphore_mem>>) attributes {dimension_semantics = [#tpu.dimension_semantics<core_parallel>, #tpu.dimension_semantics<subcore_parallel>], iteration_bounds = array<i64: 2, 16>, scalar_prefetch = 0 : i64, scratch_operands = 9 : i64, tpu.core_type = #tpu.core_type<sc_vector_subcore>, window_params = [{transform_indices = #map}, {transform_indices = #map1}, {transform_indices = #map1}, {transform_indices = #map}, {transform_indices = #map}]} {
    %scan3A = arith.constant 0 : i32
    %scan3A_0 = arith.constant 0 : i32
    %scan3A_1 = arith.constant 128 : i32
    %scan3A_2 = arith.addi %scan3A_0, %scan3A_1 : i32
    %scan3A_3 = arith.constant 1 : i32
    %scan3A_4 = scf.for %scan3A_233 = %scan3A_0 to %scan3A_2 step %scan3A_3 iter_args(%scan3A_234 = %scan3A) -> (i32)  : i32 {
      %broadcast_in_dim3A = arith.constant 0.000000e+00 : f32
      %broadcast_in_dim3A_235 = vector.broadcast %broadcast_in_dim3A : f32 to vector<16xf32>
      %swap3A = arith.index_cast %scan3A_233 : i32 to index
      %swap3A_236 = arith.constant 0 : index
      %swap3A_237 = tpu.vector_load %arg12[%swap3A, %swap3A_236] {strides = array<i32>} : memref<128x128xf32, #tpu.memory_space<vmem>>, vector<16xf32>,
      tpu.vector_store %arg12[%swap3A, %swap3A_236], %broadcast_in_dim3A_235 {strides = array<i32>} : memref<128x128xf32, #tpu.memory_space<vmem>>, vector<16xf32>,
      %broadcast_in_dim3A_238 = arith.constant 0.000000e+00 : f32
      %broadcast_in_dim3A_239 = vector.broadcast %broadcast_in_dim3A_238 : f32 to vector<16xf32>
      %swap3A_240 = arith.index_cast %scan3A_233 : i32 to index
      %swap3A_241 = arith.constant 16 : index
      %swap3A_242 = tpu.vector_load %arg12[%swap3A_240, %swap3A_241] {strides = array<i32>} : memref<128x128xf32, #tpu.memory_space<vmem>>, vector<16xf32>,
      tpu.vector_store %arg12[%swap3A_240, %swap3A_241], %broadcast_in_dim3A_239 {strides = array<i32>} : memref<128x128xf32, #tpu.memory_space<vmem>>, vector<16xf32>,
      %broadcast_in_dim3A_243 = arith.constant 0.000000e+00 : f32
      %broadcast_in_dim3A_244 = vector.broadcast %broadcast_in_dim3A_243 : f32 to vector<16xf32>
      %swap3A_245 = arith.index_cast %scan3A_233 : i32 to index
      %swap3A_246 = arith.constant 32 : index
      %swap3A_247 = tpu.vector_load %arg12[%swap3A_245, %swap3A_246] {strides = array<i32>} : memref<128x128xf32, #tpu.memory_space<vmem>>, vector<16xf32>,
      tpu.vector_store %arg12[%swap3A_245, %swap3A_246], %broadcast_in_dim3A_244 {strides = array<i32>} : memref<128x128xf32, #tpu.memory_space<vmem>>, vector<16xf32>,
      %broadcast_in_dim3A_248 = arith.constant 0.000000e+00 : f32
      %broadcast_in_dim3A_249 = vector.broadcast %broadcast_in_dim3A_248 : f32 to vector<16xf32>
      %swap3A_250 = arith.index_cast %scan3A_233 : i32 to index
      %swap3A_251 = arith.constant 48 : index
      %swap3A_252 = tpu.vector_load %arg12[%swap3A_250, %swap3A_251] {strides = array<i32>} : memref<128x128xf32, #tpu.memory_space<vmem>>, vector<16xf32>,
      tpu.vector_store %arg12[%swap3A_250, %swap3A_251], %broadcast_in_dim3A_249 {strides = array<i32>} : memref<128x128xf32, #tpu.memory_space<vmem>>, vector<16xf32>,
      %broadcast_in_dim3A_253 = arith.constant 0.000000e+00 : f32
      %broadcast_in_dim3A_254 = vector.broadcast %broadcast_in_dim3A_253 : f32 to vector<16xf32>
      %swap3A_255 = arith.index_cast %scan3A_233 : i32 to index
      %swap3A_256 = arith.constant 64 : index
      %swap3A_257 = tpu.vector_load %arg12[%swap3A_255, %swap3A_256] {strides = array<i32>} : memref<128x128xf32, #tpu.memory_space<vmem>>, vector<16xf32>,
      tpu.vector_store %arg12[%swap3A_255, %swap3A_256], %broadcast_in_dim3A_254 {strides = array<i32>} : memref<128x128xf32, #tpu.memory_space<vmem>>, vector<16xf32>,
      %broadcast_in_dim3A_258 = arith.constant 0.000000e+00 : f32
      %broadcast_in_dim3A_259 = vector.broadcast %broadcast_in_dim3A_258 : f32 to vector<16xf32>
      %swap3A_260 = arith.index_cast %scan3A_233 : i32 to index
      %swap3A_261 = arith.constant 80 : index
      %swap3A_262 = tpu.vector_load %arg12[%swap3A_260, %swap3A_261] {strides = array<i32>} : memref<128x128xf32, #tpu.memory_space<vmem>>, vector<16xf32>,
      tpu.vector_store %arg12[%swap3A_260, %swap3A_261], %broadcast_in_dim3A_259 {strides = array<i32>} : memref<128x128xf32, #tpu.memory_space<vmem>>, vector<16xf32>,
      %broadcast_in_dim3A_263 = arith.constant 0.000000e+00 : f32
      %broadcast_in_dim3A_264 = vector.broadcast %broadcast_in_dim3A_263 : f32 to vector<16xf32>
      %swap3A_265 = arith.index_cast %scan3A_233 : i32 to index
      %swap3A_266 = arith.constant 96 : index
      %swap3A_267 = tpu.vector_load %arg12[%swap3A_265, %swap3A_266] {strides = array<i32>} : memref<128x128xf32, #tpu.memory_space<vmem>>, vector<16xf32>,
      tpu.vector_store %arg12[%swap3A_265, %swap3A_266], %broadcast_in_dim3A_264 {strides = array<i32>} : memref<128x128xf32, #tpu.memory_space<vmem>>, vector<16xf32>,
      %broadcast_in_dim3A_268 = arith.constant 0.000000e+00 : f32
      %broadcast_in_dim3A_269 = vector.broadcast %broadcast_in_dim3A_268 : f32 to vector<16xf32>
      %swap3A_270 = arith.index_cast %scan3A_233 : i32 to index
      %swap3A_271 = arith.constant 112 : index
      %swap3A_272 = tpu.vector_load %arg12[%swap3A_270, %swap3A_271] {strides = array<i32>} : memref<128x128xf32, #tpu.memory_space<vmem>>, vector<16xf32>,
      tpu.vector_store %arg12[%swap3A_270, %swap3A_271], %broadcast_in_dim3A_269 {strides = array<i32>} : memref<128x128xf32, #tpu.memory_space<vmem>>, vector<16xf32>,
      %scan3A_273 = arith.constant 0 : i32
      scf.yield %scan3A_273 : i32
    }
    %scan3A_5 = arith.constant 128 : i32
    %mul3A = arith.constant 2 : i32
    %mul3A_6 = arith.muli %mul3A, %arg1 : i32
    %run_scoped3A = arith.constant 0 : i32
    "tpu.region"() ({
      %run_scoped3A_233 = tpu.sem_alloc : memref<!tpu.dma_semaphore, #tpu.memory_space<semaphore_mem>>
      %dma_start3A = arith.constant 0 : i32
      %dma_start3A_234 = tpu.memref_slice %arg11[%run_scoped3A, %dma_start3A] : memref<2x64xi32, #tpu.memory_space<vmem>> -> memref<1x64xi32, #tpu.memory_space<vmem>>
      %dma_start3A_235 = tpu.memref_squeeze %dma_start3A_234 : memref<1x64xi32, #tpu.memory_space<vmem>> -> memref<64xi32, #tpu.memory_space<vmem>>
      %dma_start3A_236 = arith.constant 0 : i32
      %dma_start3A_237 = tpu.memref_slice %arg5[%mul3A_6, %dma_start3A_236] : memref<32x64xi32, #tpu.memory_space<hbm>> -> memref<1x64xi32, #tpu.memory_space<hbm>>
      %dma_start3A_238 = tpu.memref_squeeze %dma_start3A_237 : memref<1x64xi32, #tpu.memory_space<hbm>> -> memref<64xi32, #tpu.memory_space<hbm>>
      %dma_start3A_239 = arith.constant 0 : i32
      %dma_start3A_240 = tpu.memref_slice %arg11[%run_scoped3A, %dma_start3A_239] : memref<2x64xi32, #tpu.memory_space<vmem>> -> memref<1x64xi32, #tpu.memory_space<vmem>>
      %dma_start3A_241 = tpu.memref_squeeze %dma_start3A_240 : memref<1x64xi32, #tpu.memory_space<vmem>> -> memref<64xi32, #tpu.memory_space<vmem>>
      %dma_start3A_242 = arith.constant 0 : i32
      %dma_start3A_243 = tpu.memref_slice %arg5[%mul3A_6, %dma_start3A_242] : memref<32x64xi32, #tpu.memory_space<hbm>> -> memref<1x64xi32, #tpu.memory_space<hbm>>
      %dma_start3A_244 = tpu.memref_squeeze %dma_start3A_243 : memref<1x64xi32, #tpu.memory_space<hbm>> -> memref<64xi32, #tpu.memory_space<hbm>>
      tpu.enqueue_dma source(%dma_start3A_244 : memref<64xi32, #tpu.memory_space<hbm>>) target(%dma_start3A_241 : memref<64xi32, #tpu.memory_space<vmem>>) target_semaphore(%run_scoped3A_233 : memref<!tpu.dma_semaphore, #tpu.memory_space<semaphore_mem>>)
      %dma_wait3A = arith.constant 0 : i32
      %dma_wait3A_245 = tpu.memref_slice %arg11[%run_scoped3A, %dma_wait3A] : memref<2x64xi32, #tpu.memory_space<vmem>> -> memref<1x64xi32, #tpu.memory_space<vmem>>
      %dma_wait3A_246 = tpu.memref_squeeze %dma_wait3A_245 : memref<1x64xi32, #tpu.memory_space<vmem>> -> memref<64xi32, #tpu.memory_space<vmem>>
      %dma_wait3A_247 = arith.constant 0 : i32
      %dma_wait3A_248 = tpu.memref_slice %arg5[%mul3A_6, %dma_wait3A_247] : memref<32x64xi32, #tpu.memory_space<hbm>> -> memref<1x64xi32, #tpu.memory_space<hbm>>
      %dma_wait3A_249 = tpu.memref_squeeze %dma_wait3A_248 : memref<1x64xi32, #tpu.memory_space<hbm>> -> memref<64xi32, #tpu.memory_space<hbm>>
      %dma_wait3A_250 = arith.constant 0 : i32
      %dma_wait3A_251 = tpu.memref_slice %arg11[%run_scoped3A, %dma_wait3A_250] : memref<2x64xi32, #tpu.memory_space<vmem>> -> memref<1x64xi32, #tpu.memory_space<vmem>>
      %dma_wait3A_252 = tpu.memref_squeeze %dma_wait3A_251 : memref<1x64xi32, #tpu.memory_space<vmem>> -> memref<64xi32, #tpu.memory_space<vmem>>
      %dma_wait3A_253 = arith.constant 0 : i32
      %dma_wait3A_254 = tpu.memref_slice %arg5[%mul3A_6, %dma_wait3A_253] : memref<32x64xi32, #tpu.memory_space<hbm>> -> memref<1x64xi32, #tpu.memory_space<hbm>>
      %dma_wait3A_255 = tpu.memref_squeeze %dma_wait3A_254 : memref<1x64xi32, #tpu.memory_space<hbm>> -> memref<64xi32, #tpu.memory_space<hbm>>
      tpu.wait_dma2 semaphore(%run_scoped3A_233 : memref<!tpu.dma_semaphore, #tpu.memory_space<semaphore_mem>>) src(%dma_wait3A_255 : memref<64xi32, #tpu.memory_space<hbm>>) dst(%dma_wait3A_252 : memref<64xi32, #tpu.memory_space<vmem>>)
      tpu.yield
    }) : () -> ()
    %mul3A_7 = arith.constant 2 : i32
    %mul3A_8 = arith.muli %mul3A_7, %arg1 : i32
    %add3A = arith.constant 1 : i32
    %add3A_9 = arith.addi %mul3A_8, %add3A : i32
    %run_scoped3A_10 = arith.constant 1 : i32
    "tpu.region"() ({
      %run_scoped3A_233 = tpu.sem_alloc : memref<!tpu.dma_semaphore, #tpu.memory_space<semaphore_mem>>
      %dma_start3A = arith.constant 0 : i32
      %dma_start3A_234 = tpu.memref_slice %arg11[%run_scoped3A_10, %dma_start3A] : memref<2x64xi32, #tpu.memory_space<vmem>> -> memref<1x64xi32, #tpu.memory_space<vmem>>
      %dma_start3A_235 = tpu.memref_squeeze %dma_start3A_234 : memref<1x64xi32, #tpu.memory_space<vmem>> -> memref<64xi32, #tpu.memory_space<vmem>>
      %dma_start3A_236 = arith.constant 0 : i32
      %dma_start3A_237 = tpu.memref_slice %arg5[%add3A_9, %dma_start3A_236] : memref<32x64xi32, #tpu.memory_space<hbm>> -> memref<1x64xi32, #tpu.memory_space<hbm>>
      %dma_start3A_238 = tpu.memref_squeeze %dma_start3A_237 : memref<1x64xi32, #tpu.memory_space<hbm>> -> memref<64xi32, #tpu.memory_space<hbm>>
      %dma_start3A_239 = arith.constant 0 : i32
      %dma_start3A_240 = tpu.memref_slice %arg11[%run_scoped3A_10, %dma_start3A_239] : memref<2x64xi32, #tpu.memory_space<vmem>> -> memref<1x64xi32, #tpu.memory_space<vmem>>
      %dma_start3A_241 = tpu.memref_squeeze %dma_start3A_240 : memref<1x64xi32, #tpu.memory_space<vmem>> -> memref<64xi32, #tpu.memory_space<vmem>>
      %dma_start3A_242 = arith.constant 0 : i32
      %dma_start3A_243 = tpu.memref_slice %arg5[%add3A_9, %dma_start3A_242] : memref<32x64xi32, #tpu.memory_space<hbm>> -> memref<1x64xi32, #tpu.memory_space<hbm>>
      %dma_start3A_244 = tpu.memref_squeeze %dma_start3A_243 : memref<1x64xi32, #tpu.memory_space<hbm>> -> memref<64xi32, #tpu.memory_space<hbm>>
      tpu.enqueue_dma source(%dma_start3A_244 : memref<64xi32, #tpu.memory_space<hbm>>) target(%dma_start3A_241 : memref<64xi32, #tpu.memory_space<vmem>>) target_semaphore(%run_scoped3A_233 : memref<!tpu.dma_semaphore, #tpu.memory_space<semaphore_mem>>)
      %dma_wait3A = arith.constant 0 : i32
      %dma_wait3A_245 = tpu.memref_slice %arg11[%run_scoped3A_10, %dma_wait3A] : memref<2x64xi32, #tpu.memory_space<vmem>> -> memref<1x64xi32, #tpu.memory_space<vmem>>
      %dma_wait3A_246 = tpu.memref_squeeze %dma_wait3A_245 : memref<1x64xi32, #tpu.memory_space<vmem>> -> memref<64xi32, #tpu.memory_space<vmem>>
      %dma_wait3A_247 = arith.constant 0 : i32
      %dma_wait3A_248 = tpu.memref_slice %arg5[%add3A_9, %dma_wait3A_247] : memref<32x64xi32, #tpu.memory_space<hbm>> -> memref<1x64xi32, #tpu.memory_space<hbm>>
      %dma_wait3A_249 = tpu.memref_squeeze %dma_wait3A_248 : memref<1x64xi32, #tpu.memory_space<hbm>> -> memref<64xi32, #tpu.memory_space<hbm>>
      %dma_wait3A_250 = arith.constant 0 : i32
      %dma_wait3A_251 = tpu.memref_slice %arg11[%run_scoped3A_10, %dma_wait3A_250] : memref<2x64xi32, #tpu.memory_space<vmem>> -> memref<1x64xi32, #tpu.memory_space<vmem>>
      %dma_wait3A_252 = tpu.memref_squeeze %dma_wait3A_251 : memref<1x64xi32, #tpu.memory_space<vmem>> -> memref<64xi32, #tpu.memory_space<vmem>>
      %dma_wait3A_253 = arith.constant 0 : i32
      %dma_wait3A_254 = tpu.memref_slice %arg5[%add3A_9, %dma_wait3A_253] : memref<32x64xi32, #tpu.memory_space<hbm>> -> memref<1x64xi32, #tpu.memory_space<hbm>>
      %dma_wait3A_255 = tpu.memref_squeeze %dma_wait3A_254 : memref<1x64xi32, #tpu.memory_space<hbm>> -> memref<64xi32, #tpu.memory_space<hbm>>
      tpu.wait_dma2 semaphore(%run_scoped3A_233 : memref<!tpu.dma_semaphore, #tpu.memory_space<semaphore_mem>>) src(%dma_wait3A_255 : memref<64xi32, #tpu.memory_space<hbm>>) dst(%dma_wait3A_252 : memref<64xi32, #tpu.memory_space<vmem>>)
      tpu.yield
    }) : () -> ()
    %add3A_11 = arith.constant 0 : i32
    %add3A_12 = arith.addi %add3A_11, %arg0 : i32
    %mul3A_13 = arith.constant 168 : i32
    %mul3A_14 = arith.muli %arg1, %mul3A_13 : i32
    "tpu.region"() ({
      %run_scoped3A_233 = tpu.sem_alloc : memref<!tpu.dma_semaphore, #tpu.memory_space<semaphore_mem>>
      %dma_start3A = arith.constant 0 : i32
      %dma_start3A_234 = tpu.memref_slice %arg13[%mul3A_14, %dma_start3A] : memref<2688x128xf32, #tpu.memory_space<vmem_shared>> -> memref<128x128xf32, #tpu.memory_space<vmem_shared>>
      %dma_start3A_235 = arith.constant 0 : i32
      %dma_start3A_236 = tpu.memref_slice %arg13[%mul3A_14, %dma_start3A_235] : memref<2688x128xf32, #tpu.memory_space<vmem_shared>> -> memref<128x128xf32, #tpu.memory_space<vmem_shared>>
      tpu.enqueue_dma source(%arg12 : memref<128x128xf32, #tpu.memory_space<vmem>>) target(%dma_start3A_236 : memref<128x128xf32, #tpu.memory_space<vmem_shared>>) target_semaphore(%run_scoped3A_233 : memref<!tpu.dma_semaphore, #tpu.memory_space<semaphore_mem>>)
      %dma_wait3A = arith.constant 0 : i32
      %dma_wait3A_237 = tpu.memref_slice %arg13[%mul3A_14, %dma_wait3A] : memref<2688x128xf32, #tpu.memory_space<vmem_shared>> -> memref<128x128xf32, #tpu.memory_space<vmem_shared>>
      %dma_wait3A_238 = arith.constant 0 : i32
      %dma_wait3A_239 = tpu.memref_slice %arg13[%mul3A_14, %dma_wait3A_238] : memref<2688x128xf32, #tpu.memory_space<vmem_shared>> -> memref<128x128xf32, #tpu.memory_space<vmem_shared>>
      tpu.wait_dma2 semaphore(%run_scoped3A_233 : memref<!tpu.dma_semaphore, #tpu.memory_space<semaphore_mem>>) src(%arg12 : memref<128x128xf32, #tpu.memory_space<vmem>>) dst(%dma_wait3A_239 : memref<128x128xf32, #tpu.memory_space<vmem_shared>>)
      tpu.yield
    }) : () -> ()
    %add3A_15 = arith.constant 128 : i32
    %add3A_16 = arith.addi %mul3A_14, %add3A_15 : i32
    "tpu.region"() ({
      %run_scoped3A_233 = tpu.sem_alloc : memref<!tpu.dma_semaphore, #tpu.memory_space<semaphore_mem>>
      %dma_start3A = arith.constant 0 : i32
      %dma_start3A_234 = arith.constant 0 : i32
      %dma_start3A_235 = tpu.memref_slice %arg12[%dma_start3A, %dma_start3A_234] : memref<128x128xf32, #tpu.memory_space<vmem>> -> memref<40x128xf32, #tpu.memory_space<vmem>>
      %dma_start3A_236 = arith.constant 0 : i32
      %dma_start3A_237 = tpu.memref_slice %arg13[%add3A_16, %dma_start3A_236] : memref<2688x128xf32, #tpu.memory_space<vmem_shared>> -> memref<40x128xf32, #tpu.memory_space<vmem_shared>>
      %dma_start3A_238 = arith.constant 0 : i32
      %dma_start3A_239 = tpu.memref_slice %arg13[%add3A_16, %dma_start3A_238] : memref<2688x128xf32, #tpu.memory_space<vmem_shared>> -> memref<40x128xf32, #tpu.memory_space<vmem_shared>>
      %dma_start3A_240 = arith.constant 0 : i32
      %dma_start3A_241 = arith.constant 0 : i32
      %dma_start3A_242 = tpu.memref_slice %arg12[%dma_start3A_240, %dma_start3A_241] : memref<128x128xf32, #tpu.memory_space<vmem>> -> memref<40x128xf32, #tpu.memory_space<vmem>>
      tpu.enqueue_dma source(%dma_start3A_242 : memref<40x128xf32, #tpu.memory_space<vmem>>) target(%dma_start3A_239 : memref<40x128xf32, #tpu.memory_space<vmem_shared>>) target_semaphore(%run_scoped3A_233 : memref<!tpu.dma_semaphore, #tpu.memory_space<semaphore_mem>>)
      %dma_wait3A = arith.constant 0 : i32
      %dma_wait3A_243 = arith.constant 0 : i32
      %dma_wait3A_244 = tpu.memref_slice %arg12[%dma_wait3A, %dma_wait3A_243] : memref<128x128xf32, #tpu.memory_space<vmem>> -> memref<40x128xf32, #tpu.memory_space<vmem>>
      %dma_wait3A_245 = arith.constant 0 : i32
      %dma_wait3A_246 = tpu.memref_slice %arg13[%add3A_16, %dma_wait3A_245] : memref<2688x128xf32, #tpu.memory_space<vmem_shared>> -> memref<40x128xf32, #tpu.memory_space<vmem_shared>>
      %dma_wait3A_247 = arith.constant 0 : i32
      %dma_wait3A_248 = tpu.memref_slice %arg13[%add3A_16, %dma_wait3A_247] : memref<2688x128xf32, #tpu.memory_space<vmem_shared>> -> memref<40x128xf32, #tpu.memory_space<vmem_shared>>
      %dma_wait3A_249 = arith.constant 0 : i32
      %dma_wait3A_250 = arith.constant 0 : i32
      %dma_wait3A_251 = tpu.memref_slice %arg12[%dma_wait3A_249, %dma_wait3A_250] : memref<128x128xf32, #tpu.memory_space<vmem>> -> memref<40x128xf32, #tpu.memory_space<vmem>>
      tpu.wait_dma2 semaphore(%run_scoped3A_233 : memref<!tpu.dma_semaphore, #tpu.memory_space<semaphore_mem>>) src(%dma_wait3A_251 : memref<40x128xf32, #tpu.memory_space<vmem>>) dst(%dma_wait3A_248 : memref<40x128xf32, #tpu.memory_space<vmem_shared>>)
      tpu.yield
    }) : () -> ()
    %barrier3A = arith.constant 0 : index
    tpu.barrier barrier_id(%barrier3A)
    %mul3A_17 = arith.constant 2 : i32
    %mul3A_18 = arith.muli %mul3A_17, %arg1 : i32
    "tpu.region"() ({
      %run_scoped3A_233 = tpu.sem_alloc : memref<!tpu.dma_semaphore, #tpu.memory_space<semaphore_mem>>
      %dma_start3A = arith.constant 0 : i32
      %dma_start3A_234 = arith.constant 0 : i32
      %dma_start3A_235 = tpu.memref_slice %arg7[%dma_start3A, %dma_start3A_234] : memref<44x128xi32, #tpu.memory_space<vmem>> -> memref<22x128xi32, #tpu.memory_space<vmem>>
      %dma_start3A_236 = arith.constant 0 : i32
      %dma_start3A_237 = arith.constant 0 : i32
      %dma_start3A_238 = tpu.memref_slice %arg3[%mul3A_18, %add3A_12, %dma_start3A_236, %dma_start3A_237] : memref<32x4x22x128xi32, #tpu.memory_space<hbm>> -> memref<1x1x22x128xi32, #tpu.memory_space<hbm>>
      %dma_start3A_239 = tpu.memref_squeeze %dma_start3A_238 : memref<1x1x22x128xi32, #tpu.memory_space<hbm>> -> memref<22x128xi32, #tpu.memory_space<hbm>>
      %dma_start3A_240 = arith.constant 0 : i32
      %dma_start3A_241 = arith.constant 0 : i32
      %dma_start3A_242 = tpu.memref_slice %arg7[%dma_start3A_240, %dma_start3A_241] : memref<44x128xi32, #tpu.memory_space<vmem>> -> memref<22x128xi32, #tpu.memory_space<vmem>>
      %dma_start3A_243 = arith.constant 0 : i32
      %dma_start3A_244 = arith.constant 0 : i32
      %dma_start3A_245 = tpu.memref_slice %arg3[%mul3A_18, %add3A_12, %dma_start3A_243, %dma_start3A_244] : memref<32x4x22x128xi32, #tpu.memory_space<hbm>> -> memref<1x1x22x128xi32, #tpu.memory_space<hbm>>
      %dma_start3A_246 = tpu.memref_squeeze %dma_start3A_245 : memref<1x1x22x128xi32, #tpu.memory_space<hbm>> -> memref<22x128xi32, #tpu.memory_space<hbm>>
      tpu.enqueue_dma source(%dma_start3A_246 : memref<22x128xi32, #tpu.memory_space<hbm>>) target(%dma_start3A_242 : memref<22x128xi32, #tpu.memory_space<vmem>>) target_semaphore(%run_scoped3A_233 : memref<!tpu.dma_semaphore, #tpu.memory_space<semaphore_mem>>)
      %dma_wait3A = arith.constant 0 : i32
      %dma_wait3A_247 = arith.constant 0 : i32
      %dma_wait3A_248 = tpu.memref_slice %arg7[%dma_wait3A, %dma_wait3A_247] : memref<44x128xi32, #tpu.memory_space<vmem>> -> memref<22x128xi32, #tpu.memory_space<vmem>>
      %dma_wait3A_249 = arith.constant 0 : i32
      %dma_wait3A_250 = arith.constant 0 : i32
      %dma_wait3A_251 = tpu.memref_slice %arg3[%mul3A_18, %add3A_12, %dma_wait3A_249, %dma_wait3A_250] : memref<32x4x22x128xi32, #tpu.memory_space<hbm>> -> memref<1x1x22x128xi32, #tpu.memory_space<hbm>>
      %dma_wait3A_252 = tpu.memref_squeeze %dma_wait3A_251 : memref<1x1x22x128xi32, #tpu.memory_space<hbm>> -> memref<22x128xi32, #tpu.memory_space<hbm>>
      %dma_wait3A_253 = arith.constant 0 : i32
      %dma_wait3A_254 = arith.constant 0 : i32
      %dma_wait3A_255 = tpu.memref_slice %arg7[%dma_wait3A_253, %dma_wait3A_254] : memref<44x128xi32, #tpu.memory_space<vmem>> -> memref<22x128xi32, #tpu.memory_space<vmem>>
      %dma_wait3A_256 = arith.constant 0 : i32
      %dma_wait3A_257 = arith.constant 0 : i32
      %dma_wait3A_258 = tpu.memref_slice %arg3[%mul3A_18, %add3A_12, %dma_wait3A_256, %dma_wait3A_257] : memref<32x4x22x128xi32, #tpu.memory_space<hbm>> -> memref<1x1x22x128xi32, #tpu.memory_space<hbm>>
      %dma_wait3A_259 = tpu.memref_squeeze %dma_wait3A_258 : memref<1x1x22x128xi32, #tpu.memory_space<hbm>> -> memref<22x128xi32, #tpu.memory_space<hbm>>
      tpu.wait_dma2 semaphore(%run_scoped3A_233 : memref<!tpu.dma_semaphore, #tpu.memory_space<semaphore_mem>>) src(%dma_wait3A_259 : memref<22x128xi32, #tpu.memory_space<hbm>>) dst(%dma_wait3A_255 : memref<22x128xi32, #tpu.memory_space<vmem>>)
      tpu.yield
    }) : () -> ()
    %mul3A_19 = arith.constant 2 : i32
    %mul3A_20 = arith.muli %mul3A_19, %arg1 : i32
    %add3A_21 = arith.constant 1 : i32
    %add3A_22 = arith.addi %mul3A_20, %add3A_21 : i32
    "tpu.region"() ({
      %run_scoped3A_233 = tpu.sem_alloc : memref<!tpu.dma_semaphore, #tpu.memory_space<semaphore_mem>>
      %dma_start3A = arith.constant 22 : i32
      %dma_start3A_234 = arith.constant 0 : i32
      %dma_start3A_235 = tpu.memref_slice %arg7[%dma_start3A, %dma_start3A_234] : memref<44x128xi32, #tpu.memory_space<vmem>> -> memref<22x128xi32, #tpu.memory_space<vmem>>
      %dma_start3A_236 = arith.constant 0 : i32
      %dma_start3A_237 = arith.constant 0 : i32
      %dma_start3A_238 = tpu.memref_slice %arg3[%add3A_22, %add3A_12, %dma_start3A_236, %dma_start3A_237] : memref<32x4x22x128xi32, #tpu.memory_space<hbm>> -> memref<1x1x22x128xi32, #tpu.memory_space<hbm>>
      %dma_start3A_239 = tpu.memref_squeeze %dma_start3A_238 : memref<1x1x22x128xi32, #tpu.memory_space<hbm>> -> memref<22x128xi32, #tpu.memory_space<hbm>>
      %dma_start3A_240 = arith.constant 22 : i32
      %dma_start3A_241 = arith.constant 0 : i32
      %dma_start3A_242 = tpu.memref_slice %arg7[%dma_start3A_240, %dma_start3A_241] : memref<44x128xi32, #tpu.memory_space<vmem>> -> memref<22x128xi32, #tpu.memory_space<vmem>>
      %dma_start3A_243 = arith.constant 0 : i32
      %dma_start3A_244 = arith.constant 0 : i32
      %dma_start3A_245 = tpu.memref_slice %arg3[%add3A_22, %add3A_12, %dma_start3A_243, %dma_start3A_244] : memref<32x4x22x128xi32, #tpu.memory_space<hbm>> -> memref<1x1x22x128xi32, #tpu.memory_space<hbm>>
      %dma_start3A_246 = tpu.memref_squeeze %dma_start3A_245 : memref<1x1x22x128xi32, #tpu.memory_space<hbm>> -> memref<22x128xi32, #tpu.memory_space<hbm>>
      tpu.enqueue_dma source(%dma_start3A_246 : memref<22x128xi32, #tpu.memory_space<hbm>>) target(%dma_start3A_242 : memref<22x128xi32, #tpu.memory_space<vmem>>) target_semaphore(%run_scoped3A_233 : memref<!tpu.dma_semaphore, #tpu.memory_space<semaphore_mem>>)
      %dma_wait3A = arith.constant 22 : i32
      %dma_wait3A_247 = arith.constant 0 : i32
      %dma_wait3A_248 = tpu.memref_slice %arg7[%dma_wait3A, %dma_wait3A_247] : memref<44x128xi32, #tpu.memory_space<vmem>> -> memref<22x128xi32, #tpu.memory_space<vmem>>
      %dma_wait3A_249 = arith.constant 0 : i32
      %dma_wait3A_250 = arith.constant 0 : i32
      %dma_wait3A_251 = tpu.memref_slice %arg3[%add3A_22, %add3A_12, %dma_wait3A_249, %dma_wait3A_250] : memref<32x4x22x128xi32, #tpu.memory_space<hbm>> -> memref<1x1x22x128xi32, #tpu.memory_space<hbm>>
      %dma_wait3A_252 = tpu.memref_squeeze %dma_wait3A_251 : memref<1x1x22x128xi32, #tpu.memory_space<hbm>> -> memref<22x128xi32, #tpu.memory_space<hbm>>
      %dma_wait3A_253 = arith.constant 22 : i32
      %dma_wait3A_254 = arith.constant 0 : i32
      %dma_wait3A_255 = tpu.memref_slice %arg7[%dma_wait3A_253, %dma_wait3A_254] : memref<44x128xi32, #tpu.memory_space<vmem>> -> memref<22x128xi32, #tpu.memory_space<vmem>>
      %dma_wait3A_256 = arith.constant 0 : i32
      %dma_wait3A_257 = arith.constant 0 : i32
      %dma_wait3A_258 = tpu.memref_slice %arg3[%add3A_22, %add3A_12, %dma_wait3A_256, %dma_wait3A_257] : memref<32x4x22x128xi32, #tpu.memory_space<hbm>> -> memref<1x1x22x128xi32, #tpu.memory_space<hbm>>
      %dma_wait3A_259 = tpu.memref_squeeze %dma_wait3A_258 : memref<1x1x22x128xi32, #tpu.memory_space<hbm>> -> memref<22x128xi32, #tpu.memory_space<hbm>>
      tpu.wait_dma2 semaphore(%run_scoped3A_233 : memref<!tpu.dma_semaphore, #tpu.memory_space<semaphore_mem>>) src(%dma_wait3A_259 : memref<22x128xi32, #tpu.memory_space<hbm>>) dst(%dma_wait3A_255 : memref<22x128xi32, #tpu.memory_space<vmem>>)
      tpu.yield
    }) : () -> ()
    %mul3A_23 = arith.constant 2 : i32
    %mul3A_24 = arith.muli %mul3A_23, %arg1 : i32
    "tpu.region"() ({
      %run_scoped3A_233 = tpu.sem_alloc : memref<!tpu.dma_semaphore, #tpu.memory_space<semaphore_mem>>
      %dma_start3A = arith.constant 0 : i32
      %dma_start3A_234 = arith.constant 0 : i32
      %dma_start3A_235 = tpu.memref_slice %arg8[%dma_start3A, %dma_start3A_234] : memref<44x128xi32, #tpu.memory_space<vmem>> -> memref<22x128xi32, #tpu.memory_space<vmem>>
      %dma_start3A_236 = arith.constant 0 : i32
      %dma_start3A_237 = arith.constant 0 : i32
      %dma_start3A_238 = tpu.memref_slice %arg4[%mul3A_24, %add3A_12, %dma_start3A_236, %dma_start3A_237] : memref<32x4x22x128xi32, #tpu.memory_space<hbm>> -> memref<1x1x22x128xi32, #tpu.memory_space<hbm>>
      %dma_start3A_239 = tpu.memref_squeeze %dma_start3A_238 : memref<1x1x22x128xi32, #tpu.memory_space<hbm>> -> memref<22x128xi32, #tpu.memory_space<hbm>>
      %dma_start3A_240 = arith.constant 0 : i32
      %dma_start3A_241 = arith.constant 0 : i32
      %dma_start3A_242 = tpu.memref_slice %arg8[%dma_start3A_240, %dma_start3A_241] : memref<44x128xi32, #tpu.memory_space<vmem>> -> memref<22x128xi32, #tpu.memory_space<vmem>>
      %dma_start3A_243 = arith.constant 0 : i32
      %dma_start3A_244 = arith.constant 0 : i32
      %dma_start3A_245 = tpu.memref_slice %arg4[%mul3A_24, %add3A_12, %dma_start3A_243, %dma_start3A_244] : memref<32x4x22x128xi32, #tpu.memory_space<hbm>> -> memref<1x1x22x128xi32, #tpu.memory_space<hbm>>
      %dma_start3A_246 = tpu.memref_squeeze %dma_start3A_245 : memref<1x1x22x128xi32, #tpu.memory_space<hbm>> -> memref<22x128xi32, #tpu.memory_space<hbm>>
      tpu.enqueue_dma source(%dma_start3A_246 : memref<22x128xi32, #tpu.memory_space<hbm>>) target(%dma_start3A_242 : memref<22x128xi32, #tpu.memory_space<vmem>>) target_semaphore(%run_scoped3A_233 : memref<!tpu.dma_semaphore, #tpu.memory_space<semaphore_mem>>)
      %dma_wait3A = arith.constant 0 : i32
      %dma_wait3A_247 = arith.constant 0 : i32
      %dma_wait3A_248 = tpu.memref_slice %arg8[%dma_wait3A, %dma_wait3A_247] : memref<44x128xi32, #tpu.memory_space<vmem>> -> memref<22x128xi32, #tpu.memory_space<vmem>>
      %dma_wait3A_249 = arith.constant 0 : i32
      %dma_wait3A_250 = arith.constant 0 : i32
      %dma_wait3A_251 = tpu.memref_slice %arg4[%mul3A_24, %add3A_12, %dma_wait3A_249, %dma_wait3A_250] : memref<32x4x22x128xi32, #tpu.memory_space<hbm>> -> memref<1x1x22x128xi32, #tpu.memory_space<hbm>>
      %dma_wait3A_252 = tpu.memref_squeeze %dma_wait3A_251 : memref<1x1x22x128xi32, #tpu.memory_space<hbm>> -> memref<22x128xi32, #tpu.memory_space<hbm>>
      %dma_wait3A_253 = arith.constant 0 : i32
      %dma_wait3A_254 = arith.constant 0 : i32
      %dma_wait3A_255 = tpu.memref_slice %arg8[%dma_wait3A_253, %dma_wait3A_254] : memref<44x128xi32, #tpu.memory_space<vmem>> -> memref<22x128xi32, #tpu.memory_space<vmem>>
      %dma_wait3A_256 = arith.constant 0 : i32
      %dma_wait3A_257 = arith.constant 0 : i32
      %dma_wait3A_258 = tpu.memref_slice %arg4[%mul3A_24, %add3A_12, %dma_wait3A_256, %dma_wait3A_257] : memref<32x4x22x128xi32, #tpu.memory_space<hbm>> -> memref<1x1x22x128xi32, #tpu.memory_space<hbm>>
      %dma_wait3A_259 = tpu.memref_squeeze %dma_wait3A_258 : memref<1x1x22x128xi32, #tpu.memory_space<hbm>> -> memref<22x128xi32, #tpu.memory_space<hbm>>
      tpu.wait_dma2 semaphore(%run_scoped3A_233 : memref<!tpu.dma_semaphore, #tpu.memory_space<semaphore_mem>>) src(%dma_wait3A_259 : memref<22x128xi32, #tpu.memory_space<hbm>>) dst(%dma_wait3A_255 : memref<22x128xi32, #tpu.memory_space<vmem>>)
      tpu.yield
    }) : () -> ()
    %mul3A_25 = arith.constant 2 : i32
    %mul3A_26 = arith.muli %mul3A_25, %arg1 : i32
    %add3A_27 = arith.constant 1 : i32
    %add3A_28 = arith.addi %mul3A_26, %add3A_27 : i32
    "tpu.region"() ({
      %run_scoped3A_233 = tpu.sem_alloc : memref<!tpu.dma_semaphore, #tpu.memory_space<semaphore_mem>>
      %dma_start3A = arith.constant 22 : i32
      %dma_start3A_234 = arith.constant 0 : i32
      %dma_start3A_235 = tpu.memref_slice %arg8[%dma_start3A, %dma_start3A_234] : memref<44x128xi32, #tpu.memory_space<vmem>> -> memref<22x128xi32, #tpu.memory_space<vmem>>
      %dma_start3A_236 = arith.constant 0 : i32
      %dma_start3A_237 = arith.constant 0 : i32
      %dma_start3A_238 = tpu.memref_slice %arg4[%add3A_28, %add3A_12, %dma_start3A_236, %dma_start3A_237] : memref<32x4x22x128xi32, #tpu.memory_space<hbm>> -> memref<1x1x22x128xi32, #tpu.memory_space<hbm>>
      %dma_start3A_239 = tpu.memref_squeeze %dma_start3A_238 : memref<1x1x22x128xi32, #tpu.memory_space<hbm>> -> memref<22x128xi32, #tpu.memory_space<hbm>>
      %dma_start3A_240 = arith.constant 22 : i32
      %dma_start3A_241 = arith.constant 0 : i32
      %dma_start3A_242 = tpu.memref_slice %arg8[%dma_start3A_240, %dma_start3A_241] : memref<44x128xi32, #tpu.memory_space<vmem>> -> memref<22x128xi32, #tpu.memory_space<vmem>>
      %dma_start3A_243 = arith.constant 0 : i32
      %dma_start3A_244 = arith.constant 0 : i32
      %dma_start3A_245 = tpu.memref_slice %arg4[%add3A_28, %add3A_12, %dma_start3A_243, %dma_start3A_244] : memref<32x4x22x128xi32, #tpu.memory_space<hbm>> -> memref<1x1x22x128xi32, #tpu.memory_space<hbm>>
      %dma_start3A_246 = tpu.memref_squeeze %dma_start3A_245 : memref<1x1x22x128xi32, #tpu.memory_space<hbm>> -> memref<22x128xi32, #tpu.memory_space<hbm>>
      tpu.enqueue_dma source(%dma_start3A_246 : memref<22x128xi32, #tpu.memory_space<hbm>>) target(%dma_start3A_242 : memref<22x128xi32, #tpu.memory_space<vmem>>) target_semaphore(%run_scoped3A_233 : memref<!tpu.dma_semaphore, #tpu.memory_space<semaphore_mem>>)
      %dma_wait3A = arith.constant 22 : i32
      %dma_wait3A_247 = arith.constant 0 : i32
      %dma_wait3A_248 = tpu.memref_slice %arg8[%dma_wait3A, %dma_wait3A_247] : memref<44x128xi32, #tpu.memory_space<vmem>> -> memref<22x128xi32, #tpu.memory_space<vmem>>
      %dma_wait3A_249 = arith.constant 0 : i32
      %dma_wait3A_250 = arith.constant 0 : i32
      %dma_wait3A_251 = tpu.memref_slice %arg4[%add3A_28, %add3A_12, %dma_wait3A_249, %dma_wait3A_250] : memref<32x4x22x128xi32, #tpu.memory_space<hbm>> -> memref<1x1x22x128xi32, #tpu.memory_space<hbm>>
      %dma_wait3A_252 = tpu.memref_squeeze %dma_wait3A_251 : memref<1x1x22x128xi32, #tpu.memory_space<hbm>> -> memref<22x128xi32, #tpu.memory_space<hbm>>
      %dma_wait3A_253 = arith.constant 22 : i32
      %dma_wait3A_254 = arith.constant 0 : i32
      %dma_wait3A_255 = tpu.memref_slice %arg8[%dma_wait3A_253, %dma_wait3A_254] : memref<44x128xi32, #tpu.memory_space<vmem>> -> memref<22x128xi32, #tpu.memory_space<vmem>>
      %dma_wait3A_256 = arith.constant 0 : i32
      %dma_wait3A_257 = arith.constant 0 : i32
      %dma_wait3A_258 = tpu.memref_slice %arg4[%add3A_28, %add3A_12, %dma_wait3A_256, %dma_wait3A_257] : memref<32x4x22x128xi32, #tpu.memory_space<hbm>> -> memref<1x1x22x128xi32, #tpu.memory_space<hbm>>
      %dma_wait3A_259 = tpu.memref_squeeze %dma_wait3A_258 : memref<1x1x22x128xi32, #tpu.memory_space<hbm>> -> memref<22x128xi32, #tpu.memory_space<hbm>>
      tpu.wait_dma2 semaphore(%run_scoped3A_233 : memref<!tpu.dma_semaphore, #tpu.memory_space<semaphore_mem>>) src(%dma_wait3A_259 : memref<22x128xi32, #tpu.memory_space<hbm>>) dst(%dma_wait3A_255 : memref<22x128xi32, #tpu.memory_space<vmem>>)
      tpu.yield
    }) : () -> ()
    %mul3A_29 = arith.constant 16 : i32
    %mul3A_30 = arith.muli %add3A_12, %mul3A_29 : i32
    %get3A = arith.constant 0 : i32
    %get3A_31 = arith.index_cast %get3A : i32 to index
    %get3A_32 = arith.index_cast %mul3A_30 : i32 to index
    %get3A_33 = tpu.vector_load %arg11[%get3A_31, %get3A_32] {strides = array<i32>} : memref<2x64xi32, #tpu.memory_space<vmem>>, vector<16xi32>,
    %reduce_max3A = arith.constant true
    %reduce_max3A_34 = vector.broadcast %reduce_max3A : i1 to vector<16xi1>
    %reduce_max3A_35 = arith.constant -2147483648 : i32
    %reduce_max3A_36 = vector.broadcast %reduce_max3A_35 : i32 to vector<16xi32>
    %reduce_max3A_37 = arith.xori %get3A_33, %reduce_max3A_36 : vector<16xi32>
    %reduce_max3A_38 = tpu.scan <max>, %reduce_max3A_37 masked %reduce_max3A_34 : vector<16xi32>, vector<16xi1> -> vector<16xi32>
    %reduce_max3A_39 = arith.xori %reduce_max3A_38, %reduce_max3A_36 : vector<16xi32>
    %reduce_max3A_40 = vector.extract %reduce_max3A_39[15] : i32 from vector<16xi32>
    %add3A_41 = arith.constant 128 : i32
    %add3A_42 = arith.addi %reduce_max3A_40, %add3A_41 : i32
    %sub3A = arith.constant 1 : i32
    %sub3A_43 = arith.subi %add3A_42, %sub3A : i32
    %shift_right_logical3A = arith.constant 7 : i32
    %shift_right_logical3A_44 = arith.shrui %sub3A_43, %shift_right_logical3A : i32
    %mul3A_45 = arith.constant 16 : i32
    %mul3A_46 = arith.muli %add3A_12, %mul3A_45 : i32
    %get3A_47 = arith.constant 1 : i32
    %get3A_48 = arith.index_cast %get3A_47 : i32 to index
    %get3A_49 = arith.index_cast %mul3A_46 : i32 to index
    %get3A_50 = tpu.vector_load %arg11[%get3A_48, %get3A_49] {strides = array<i32>} : memref<2x64xi32, #tpu.memory_space<vmem>>, vector<16xi32>,
    %reduce_max3A_51 = arith.constant true
    %reduce_max3A_52 = vector.broadcast %reduce_max3A_51 : i1 to vector<16xi1>
    %reduce_max3A_53 = arith.constant -2147483648 : i32
    %reduce_max3A_54 = vector.broadcast %reduce_max3A_53 : i32 to vector<16xi32>
    %reduce_max3A_55 = arith.xori %get3A_50, %reduce_max3A_54 : vector<16xi32>
    %reduce_max3A_56 = tpu.scan <max>, %reduce_max3A_55 masked %reduce_max3A_52 : vector<16xi32>, vector<16xi1> -> vector<16xi32>
    %reduce_max3A_57 = arith.xori %reduce_max3A_56, %reduce_max3A_54 : vector<16xi32>
    %reduce_max3A_58 = vector.extract %reduce_max3A_57[15] : i32 from vector<16xi32>
    %add3A_59 = arith.constant 128 : i32
    %add3A_60 = arith.addi %reduce_max3A_58, %add3A_59 : i32
    %sub3A_61 = arith.constant 1 : i32
    %sub3A_62 = arith.subi %add3A_60, %sub3A_61 : i32
    %shift_right_logical3A_63 = arith.constant 7 : i32
    %shift_right_logical3A_64 = arith.shrui %sub3A_62, %shift_right_logical3A_63 : i32
    %add3A_65 = arith.addi %shift_right_logical3A_44, %shift_right_logical3A_64 : i32
    %gt3A = arith.constant 0 : i32
    %gt3A_66 = arith.cmpi sgt, %add3A_65, %gt3A : i32
    %convert_element_type3A = arith.extui %gt3A_66 : i1 to i32
    %cond3A = arith.constant 0 : i32
    %cond3A_67 = arith.cmpi ne, %convert_element_type3A, %cond3A : i32
    scf.if %cond3A_67 {
      %gt3A_233 = arith.constant 0 : i32
      %gt3A_234 = arith.cmpi sgt, %shift_right_logical3A_44, %gt3A_233 : i32
      %sub3A_235 = arith.constant 0 : i32
      %sub3A_236 = arith.subi %sub3A_235, %shift_right_logical3A_44 : i32
      %add3A_237 = arith.constant 22 : i32
      %add3A_238 = arith.addi %sub3A_236, %add3A_237 : i32
      %jit3A_239 = arith.constant 0 : i32
      %select_n3A_240 = arith.select %gt3A_234, %jit3A_239, %add3A_238 : i32
      %dma_start3A = arith.constant 0 : i32
      %dma_start3A_241 = tpu.memref_slice %arg7[%select_n3A_240, %dma_start3A] : memref<44x128xi32, #tpu.memory_space<vmem>> -> memref<1x128xi32, #tpu.memory_space<vmem>>
      %dma_start3A_242 = tpu.memref_squeeze %dma_start3A_241 : memref<1x128xi32, #tpu.memory_space<vmem>> -> memref<128xi32, #tpu.memory_space<vmem>>
      %dma_start3A_243 = arith.constant 0 : i32
      %dma_start3A_244 = arith.constant 0 : i32
      %dma_start3A_245 = tpu.memref_slice %arg2[%dma_start3A_243, %dma_start3A_244] : memref<10000x128xf32, #tpu.memory_space<hbm>> -> memref<10000x128xf32, #tpu.memory_space<hbm>>
      tpu.enqueue_indirect_dma source(%dma_start3A_245 : memref<10000x128xf32, #tpu.memory_space<hbm>>) target(%arg9 : memref<128x128xf32, #tpu.memory_space<vmem>>) offsets(%dma_start3A_242 : memref<128xi32, #tpu.memory_space<vmem>>) semaphore(%arg14 : memref<!tpu.dma_semaphore, #tpu.memory_space<semaphore_mem>>)
    } else {
    }
    %add3A_68 = arith.constant 1 : i32
    %add3A_69 = arith.addi %add3A_65, %add3A_68 : i32
    %jit3A = arith.constant 2 : i32
    %div3A = arith.divsi %add3A_69, %jit3A : i32
    %sign3A = arith.constant 0 : i32
    %sign3A_70 = arith.cmpi sgt, %add3A_69, %sign3A : i32
    %sign3A_71 = arith.extui %sign3A_70 : i1 to i32
    %sign3A_72 = arith.constant 0 : i32
    %sign3A_73 = arith.cmpi slt, %add3A_69, %sign3A_72 : i32
    %sign3A_74 = arith.extui %sign3A_73 : i1 to i32
    %sign3A_75 = arith.subi %sign3A_71, %sign3A_74 : i32
    %sign3A_76 = arith.constant 0 : i32
    %sign3A_77 = arith.cmpi sgt, %jit3A, %sign3A_76 : i32
    %sign3A_78 = arith.extui %sign3A_77 : i1 to i32
    %sign3A_79 = arith.constant 0 : i32
    %sign3A_80 = arith.cmpi slt, %jit3A, %sign3A_79 : i32
    %sign3A_81 = arith.extui %sign3A_80 : i1 to i32
    %sign3A_82 = arith.subi %sign3A_78, %sign3A_81 : i32
    %ne3A = arith.cmpi ne, %sign3A_75, %sign3A_82 : i32
    %rem3A = arith.remsi %add3A_69, %jit3A : i32
    %ne3A_83 = arith.constant 0 : i32
    %ne3A_84 = arith.cmpi ne, %rem3A, %ne3A_83 : i32
    %and3A = arith.andi %ne3A, %ne3A_84 : i1
    %sub3A_85 = arith.constant 1 : i32
    %sub3A_86 = arith.subi %div3A, %sub3A_85 : i32
    %select_n3A = arith.select %and3A, %sub3A_86, %div3A : i32
    %while3A = arith.constant 0 : i32
    %while3A_87 = arith.constant 0 : i32
    %while3A_88 = arith.subi %select_n3A, %while3A : i32
    %while3A_89 = arith.addi %while3A, %while3A_88 : i32
    %while3A_90 = arith.constant 1 : i32
    %while3A_91 = arith.divsi %while3A_88, %while3A_90 : i32
    %while3A_92 = arith.muli %while3A_91, %while3A_90 : i32
    %while3A_93 = arith.addi %while3A, %while3A_92 : i32
    %while3A_94 = arith.constant 1 : i32
    %while3A_95 = scf.for %while3A_233 = %while3A to %while3A_93 step %while3A_94 iter_args(%while3A_234 = %while3A_87) -> (i32)  : i32 {
      %mul3A_235 = arith.constant 2 : i32
      %mul3A_236 = arith.muli %mul3A_235, %while3A_233 : i32
      %add3A_237 = arith.constant 1 : i32
      %add3A_238 = arith.addi %mul3A_236, %add3A_237 : i32
      %lt3A_239 = arith.cmpi slt, %add3A_238, %add3A_65 : i32
      %convert_element_type3A_240 = arith.extui %lt3A_239 : i1 to i32
      %cond3A_241 = arith.constant 0 : i32
      %cond3A_242 = arith.cmpi ne, %convert_element_type3A_240, %cond3A_241 : i32
      scf.if %cond3A_242 {
        %lt3A_269 = arith.cmpi slt, %add3A_238, %shift_right_logical3A_44 : i32
        %sub3A_270 = arith.subi %add3A_238, %shift_right_logical3A_44 : i32
        %add3A_271 = arith.constant 22 : i32
        %add3A_272 = arith.addi %sub3A_270, %add3A_271 : i32
        %select_n3A_273 = arith.select %lt3A_269, %add3A_238, %add3A_272 : i32
        %dma_start3A = arith.constant 0 : i32
        %dma_start3A_274 = tpu.memref_slice %arg7[%select_n3A_273, %dma_start3A] : memref<44x128xi32, #tpu.memory_space<vmem>> -> memref<1x128xi32, #tpu.memory_space<vmem>>
        %dma_start3A_275 = tpu.memref_squeeze %dma_start3A_274 : memref<1x128xi32, #tpu.memory_space<vmem>> -> memref<128xi32, #tpu.memory_space<vmem>>
        %dma_start3A_276 = arith.constant 0 : i32
        %dma_start3A_277 = arith.constant 0 : i32
        %dma_start3A_278 = tpu.memref_slice %arg2[%dma_start3A_276, %dma_start3A_277] : memref<10000x128xf32, #tpu.memory_space<hbm>> -> memref<10000x128xf32, #tpu.memory_space<hbm>>
        tpu.enqueue_indirect_dma source(%dma_start3A_278 : memref<10000x128xf32, #tpu.memory_space<hbm>>) target(%arg10 : memref<128x128xf32, #tpu.memory_space<vmem>>) offsets(%dma_start3A_275 : memref<128xi32, #tpu.memory_space<vmem>>) semaphore(%arg15 : memref<!tpu.dma_semaphore, #tpu.memory_space<semaphore_mem>>)
      } else {
      }
      %lt3A_243 = arith.cmpi slt, %mul3A_236, %shift_right_logical3A_44 : i32
      %sub3A_244 = arith.subi %mul3A_236, %shift_right_logical3A_44 : i32
      %add3A_245 = arith.constant 22 : i32
      %add3A_246 = arith.addi %sub3A_244, %add3A_245 : i32
      %select_n3A_247 = arith.select %lt3A_243, %mul3A_236, %add3A_246 : i32
      %dma_wait3A = arith.constant 0 : i32
      %dma_wait3A_248 = tpu.memref_slice %arg7[%select_n3A_247, %dma_wait3A] : memref<44x128xi32, #tpu.memory_space<vmem>> -> memref<1x128xi32, #tpu.memory_space<vmem>>
      %dma_wait3A_249 = tpu.memref_squeeze %dma_wait3A_248 : memref<1x128xi32, #tpu.memory_space<vmem>> -> memref<128xi32, #tpu.memory_space<vmem>>
      %dma_wait3A_250 = arith.constant 0 : i32
      %dma_wait3A_251 = arith.constant 0 : i32
      %dma_wait3A_252 = tpu.memref_slice %arg2[%dma_wait3A_250, %dma_wait3A_251] : memref<10000x128xf32, #tpu.memory_space<hbm>> -> memref<10000x128xf32, #tpu.memory_space<hbm>>
      tpu.wait_indirect_dma semaphore(%arg14 : memref<!tpu.dma_semaphore, #tpu.memory_space<semaphore_mem>>) src(%dma_wait3A_252 : memref<10000x128xf32, #tpu.memory_space<hbm>>) dst(%arg9 : memref<128x128xf32, #tpu.memory_space<vmem>>)
      %lt3A_253 = arith.cmpi slt, %mul3A_236, %shift_right_logical3A_44 : i32
      %sub3A_254 = arith.subi %mul3A_236, %shift_right_logical3A_44 : i32
      %add3A_255 = arith.constant 22 : i32
      %add3A_256 = arith.addi %sub3A_254, %add3A_255 : i32
      %select_n3A_257 = arith.select %lt3A_253, %mul3A_236, %add3A_256 : i32
      "tpu.region"() ({
        %run_scoped3A_269 = tpu.sem_alloc : memref<!tpu.dma_semaphore, #tpu.memory_space<semaphore_mem>>
        %dma_start3A = arith.constant 0 : i32
        %dma_start3A_270 = tpu.memref_slice %arg8[%select_n3A_257, %dma_start3A] : memref<44x128xi32, #tpu.memory_space<vmem>> -> memref<1x128xi32, #tpu.memory_space<vmem>>
        %dma_start3A_271 = tpu.memref_squeeze %dma_start3A_270 : memref<1x128xi32, #tpu.memory_space<vmem>> -> memref<128xi32, #tpu.memory_space<vmem>>
        %dma_start3A_272 = arith.constant 0 : i32
        %dma_start3A_273 = arith.constant 0 : i32
        %dma_start3A_274 = tpu.memref_slice %arg13[%dma_start3A_272, %dma_start3A_273] : memref<2688x128xf32, #tpu.memory_space<vmem_shared>> -> memref<2688x128xf32, #tpu.memory_space<vmem_shared>>
        tpu.enqueue_indirect_dma source(%arg9 : memref<128x128xf32, #tpu.memory_space<vmem>>) target(%dma_start3A_274 : memref<2688x128xf32, #tpu.memory_space<vmem_shared>>) offsets(%dma_start3A_271 : memref<128xi32, #tpu.memory_space<vmem>>) semaphore(%run_scoped3A_269 : memref<!tpu.dma_semaphore, #tpu.memory_space<semaphore_mem>>) {add = true}
        %dma_wait3A_275 = arith.constant 0 : i32
        %dma_wait3A_276 = tpu.memref_slice %arg8[%select_n3A_257, %dma_wait3A_275] : memref<44x128xi32, #tpu.memory_space<vmem>> -> memref<1x128xi32, #tpu.memory_space<vmem>>
        %dma_wait3A_277 = tpu.memref_squeeze %dma_wait3A_276 : memref<1x128xi32, #tpu.memory_space<vmem>> -> memref<128xi32, #tpu.memory_space<vmem>>
        %dma_wait3A_278 = arith.constant 0 : i32
        %dma_wait3A_279 = arith.constant 0 : i32
        %dma_wait3A_280 = tpu.memref_slice %arg13[%dma_wait3A_278, %dma_wait3A_279] : memref<2688x128xf32, #tpu.memory_space<vmem_shared>> -> memref<2688x128xf32, #tpu.memory_space<vmem_shared>>
        tpu.wait_indirect_dma semaphore(%run_scoped3A_269 : memref<!tpu.dma_semaphore, #tpu.memory_space<semaphore_mem>>) src(%arg9 : memref<128x128xf32, #tpu.memory_space<vmem>>) dst(%dma_wait3A_280 : memref<2688x128xf32, #tpu.memory_space<vmem_shared>>)
        tpu.yield
      }) : () -> ()
      %add3A_258 = arith.constant 2 : i32
      %add3A_259 = arith.addi %mul3A_236, %add3A_258 : i32
      %lt3A_260 = arith.cmpi slt, %add3A_259, %add3A_65 : i32
      %convert_element_type3A_261 = arith.extui %lt3A_260 : i1 to i32
      %cond3A_262 = arith.constant 0 : i32
      %cond3A_263 = arith.cmpi ne, %convert_element_type3A_261, %cond3A_262 : i32
      scf.if %cond3A_263 {
        %add3A_269 = arith.constant 2 : i32
        %add3A_270 = arith.addi %mul3A_236, %add3A_269 : i32
        %lt3A_271 = arith.cmpi slt, %add3A_270, %shift_right_logical3A_44 : i32
        %sub3A_272 = arith.subi %add3A_270, %shift_right_logical3A_44 : i32
        %add3A_273 = arith.constant 22 : i32
        %add3A_274 = arith.addi %sub3A_272, %add3A_273 : i32
        %select_n3A_275 = arith.select %lt3A_271, %add3A_270, %add3A_274 : i32
        %dma_start3A = arith.constant 0 : i32
        %dma_start3A_276 = tpu.memref_slice %arg7[%select_n3A_275, %dma_start3A] : memref<44x128xi32, #tpu.memory_space<vmem>> -> memref<1x128xi32, #tpu.memory_space<vmem>>
        %dma_start3A_277 = tpu.memref_squeeze %dma_start3A_276 : memref<1x128xi32, #tpu.memory_space<vmem>> -> memref<128xi32, #tpu.memory_space<vmem>>
        %dma_start3A_278 = arith.constant 0 : i32
        %dma_start3A_279 = arith.constant 0 : i32
        %dma_start3A_280 = tpu.memref_slice %arg2[%dma_start3A_278, %dma_start3A_279] : memref<10000x128xf32, #tpu.memory_space<hbm>> -> memref<10000x128xf32, #tpu.memory_space<hbm>>
        tpu.enqueue_indirect_dma source(%dma_start3A_280 : memref<10000x128xf32, #tpu.memory_space<hbm>>) target(%arg9 : memref<128x128xf32, #tpu.memory_space<vmem>>) offsets(%dma_start3A_277 : memref<128xi32, #tpu.memory_space<vmem>>) semaphore(%arg14 : memref<!tpu.dma_semaphore, #tpu.memory_space<semaphore_mem>>)
      } else {
      }
      %lt3A_264 = arith.cmpi slt, %add3A_238, %add3A_65 : i32
      %convert_element_type3A_265 = arith.extui %lt3A_264 : i1 to i32
      %cond3A_266 = arith.constant 0 : i32
      %cond3A_267 = arith.cmpi ne, %convert_element_type3A_265, %cond3A_266 : i32
      scf.if %cond3A_267 {
        %lt3A_269 = arith.cmpi slt, %add3A_238, %shift_right_logical3A_44 : i32
        %sub3A_270 = arith.subi %add3A_238, %shift_right_logical3A_44 : i32
        %add3A_271 = arith.constant 22 : i32
        %add3A_272 = arith.addi %sub3A_270, %add3A_271 : i32
        %select_n3A_273 = arith.select %lt3A_269, %add3A_238, %add3A_272 : i32
        %dma_wait3A_274 = arith.constant 0 : i32
        %dma_wait3A_275 = tpu.memref_slice %arg7[%select_n3A_273, %dma_wait3A_274] : memref<44x128xi32, #tpu.memory_space<vmem>> -> memref<1x128xi32, #tpu.memory_space<vmem>>
        %dma_wait3A_276 = tpu.memref_squeeze %dma_wait3A_275 : memref<1x128xi32, #tpu.memory_space<vmem>> -> memref<128xi32, #tpu.memory_space<vmem>>
        %dma_wait3A_277 = arith.constant 0 : i32
        %dma_wait3A_278 = arith.constant 0 : i32
        %dma_wait3A_279 = tpu.memref_slice %arg2[%dma_wait3A_277, %dma_wait3A_278] : memref<10000x128xf32, #tpu.memory_space<hbm>> -> memref<10000x128xf32, #tpu.memory_space<hbm>>
        tpu.wait_indirect_dma semaphore(%arg15 : memref<!tpu.dma_semaphore, #tpu.memory_space<semaphore_mem>>) src(%dma_wait3A_279 : memref<10000x128xf32, #tpu.memory_space<hbm>>) dst(%arg10 : memref<128x128xf32, #tpu.memory_space<vmem>>)
        %lt3A_280 = arith.cmpi slt, %add3A_238, %shift_right_logical3A_44 : i32
        %sub3A_281 = arith.subi %add3A_238, %shift_right_logical3A_44 : i32
        %add3A_282 = arith.constant 22 : i32
        %add3A_283 = arith.addi %sub3A_281, %add3A_282 : i32
        %select_n3A_284 = arith.select %lt3A_280, %add3A_238, %add3A_283 : i32
        "tpu.region"() ({
          %run_scoped3A_285 = tpu.sem_alloc : memref<!tpu.dma_semaphore, #tpu.memory_space<semaphore_mem>>
          %dma_start3A = arith.constant 0 : i32
          %dma_start3A_286 = tpu.memref_slice %arg8[%select_n3A_284, %dma_start3A] : memref<44x128xi32, #tpu.memory_space<vmem>> -> memref<1x128xi32, #tpu.memory_space<vmem>>
          %dma_start3A_287 = tpu.memref_squeeze %dma_start3A_286 : memref<1x128xi32, #tpu.memory_space<vmem>> -> memref<128xi32, #tpu.memory_space<vmem>>
          %dma_start3A_288 = arith.constant 0 : i32
          %dma_start3A_289 = arith.constant 0 : i32
          %dma_start3A_290 = tpu.memref_slice %arg13[%dma_start3A_288, %dma_start3A_289] : memref<2688x128xf32, #tpu.memory_space<vmem_shared>> -> memref<2688x128xf32, #tpu.memory_space<vmem_shared>>
          tpu.enqueue_indirect_dma source(%arg10 : memref<128x128xf32, #tpu.memory_space<vmem>>) target(%dma_start3A_290 : memref<2688x128xf32, #tpu.memory_space<vmem_shared>>) offsets(%dma_start3A_287 : memref<128xi32, #tpu.memory_space<vmem>>) semaphore(%run_scoped3A_285 : memref<!tpu.dma_semaphore, #tpu.memory_space<semaphore_mem>>) {add = true}
          %dma_wait3A_291 = arith.constant 0 : i32
          %dma_wait3A_292 = tpu.memref_slice %arg8[%select_n3A_284, %dma_wait3A_291] : memref<44x128xi32, #tpu.memory_space<vmem>> -> memref<1x128xi32, #tpu.memory_space<vmem>>
          %dma_wait3A_293 = tpu.memref_squeeze %dma_wait3A_292 : memref<1x128xi32, #tpu.memory_space<vmem>> -> memref<128xi32, #tpu.memory_space<vmem>>
          %dma_wait3A_294 = arith.constant 0 : i32
          %dma_wait3A_295 = arith.constant 0 : i32
          %dma_wait3A_296 = tpu.memref_slice %arg13[%dma_wait3A_294, %dma_wait3A_295] : memref<2688x128xf32, #tpu.memory_space<vmem_shared>> -> memref<2688x128xf32, #tpu.memory_space<vmem_shared>>
          tpu.wait_indirect_dma semaphore(%run_scoped3A_285 : memref<!tpu.dma_semaphore, #tpu.memory_space<semaphore_mem>>) src(%arg10 : memref<128x128xf32, #tpu.memory_space<vmem>>) dst(%dma_wait3A_296 : memref<2688x128xf32, #tpu.memory_space<vmem_shared>>)
          tpu.yield
        }) : () -> ()
      } else {
      }
      %while3A_268 = arith.constant 0 : i32
      scf.yield %while3A_268 : i32
    }
    %while3A_96 = arith.constant 1 : i32
    %while3A_97 = scf.for %while3A_233 = %while3A_93 to %while3A_89 step %while3A_96 iter_args(%while3A_234 = %while3A_95) -> (i32)  : i32 {
      %mul3A_235 = arith.constant 2 : i32
      %mul3A_236 = arith.muli %mul3A_235, %while3A_233 : i32
      %add3A_237 = arith.constant 1 : i32
      %add3A_238 = arith.addi %mul3A_236, %add3A_237 : i32
      %lt3A_239 = arith.cmpi slt, %add3A_238, %add3A_65 : i32
      %convert_element_type3A_240 = arith.extui %lt3A_239 : i1 to i32
      %cond3A_241 = arith.constant 0 : i32
      %cond3A_242 = arith.cmpi ne, %convert_element_type3A_240, %cond3A_241 : i32
      scf.if %cond3A_242 {
        %lt3A_269 = arith.cmpi slt, %add3A_238, %shift_right_logical3A_44 : i32
        %sub3A_270 = arith.subi %add3A_238, %shift_right_logical3A_44 : i32
        %add3A_271 = arith.constant 22 : i32
        %add3A_272 = arith.addi %sub3A_270, %add3A_271 : i32
        %select_n3A_273 = arith.select %lt3A_269, %add3A_238, %add3A_272 : i32
        %dma_start3A = arith.constant 0 : i32
        %dma_start3A_274 = tpu.memref_slice %arg7[%select_n3A_273, %dma_start3A] : memref<44x128xi32, #tpu.memory_space<vmem>> -> memref<1x128xi32, #tpu.memory_space<vmem>>
        %dma_start3A_275 = tpu.memref_squeeze %dma_start3A_274 : memref<1x128xi32, #tpu.memory_space<vmem>> -> memref<128xi32, #tpu.memory_space<vmem>>
        %dma_start3A_276 = arith.constant 0 : i32
        %dma_start3A_277 = arith.constant 0 : i32
        %dma_start3A_278 = tpu.memref_slice %arg2[%dma_start3A_276, %dma_start3A_277] : memref<10000x128xf32, #tpu.memory_space<hbm>> -> memref<10000x128xf32, #tpu.memory_space<hbm>>
        tpu.enqueue_indirect_dma source(%dma_start3A_278 : memref<10000x128xf32, #tpu.memory_space<hbm>>) target(%arg10 : memref<128x128xf32, #tpu.memory_space<vmem>>) offsets(%dma_start3A_275 : memref<128xi32, #tpu.memory_space<vmem>>) semaphore(%arg15 : memref<!tpu.dma_semaphore, #tpu.memory_space<semaphore_mem>>)
      } else {
      }
      %lt3A_243 = arith.cmpi slt, %mul3A_236, %shift_right_logical3A_44 : i32
      %sub3A_244 = arith.subi %mul3A_236, %shift_right_logical3A_44 : i32
      %add3A_245 = arith.constant 22 : i32
      %add3A_246 = arith.addi %sub3A_244, %add3A_245 : i32
      %select_n3A_247 = arith.select %lt3A_243, %mul3A_236, %add3A_246 : i32
      %dma_wait3A = arith.constant 0 : i32
      %dma_wait3A_248 = tpu.memref_slice %arg7[%select_n3A_247, %dma_wait3A] : memref<44x128xi32, #tpu.memory_space<vmem>> -> memref<1x128xi32, #tpu.memory_space<vmem>>
      %dma_wait3A_249 = tpu.memref_squeeze %dma_wait3A_248 : memref<1x128xi32, #tpu.memory_space<vmem>> -> memref<128xi32, #tpu.memory_space<vmem>>
      %dma_wait3A_250 = arith.constant 0 : i32
      %dma_wait3A_251 = arith.constant 0 : i32
      %dma_wait3A_252 = tpu.memref_slice %arg2[%dma_wait3A_250, %dma_wait3A_251] : memref<10000x128xf32, #tpu.memory_space<hbm>> -> memref<10000x128xf32, #tpu.memory_space<hbm>>
      tpu.wait_indirect_dma semaphore(%arg14 : memref<!tpu.dma_semaphore, #tpu.memory_space<semaphore_mem>>) src(%dma_wait3A_252 : memref<10000x128xf32, #tpu.memory_space<hbm>>) dst(%arg9 : memref<128x128xf32, #tpu.memory_space<vmem>>)
      %lt3A_253 = arith.cmpi slt, %mul3A_236, %shift_right_logical3A_44 : i32
      %sub3A_254 = arith.subi %mul3A_236, %shift_right_logical3A_44 : i32
      %add3A_255 = arith.constant 22 : i32
      %add3A_256 = arith.addi %sub3A_254, %add3A_255 : i32
      %select_n3A_257 = arith.select %lt3A_253, %mul3A_236, %add3A_256 : i32
      "tpu.region"() ({
        %run_scoped3A_269 = tpu.sem_alloc : memref<!tpu.dma_semaphore, #tpu.memory_space<semaphore_mem>>
        %dma_start3A = arith.constant 0 : i32
        %dma_start3A_270 = tpu.memref_slice %arg8[%select_n3A_257, %dma_start3A] : memref<44x128xi32, #tpu.memory_space<vmem>> -> memref<1x128xi32, #tpu.memory_space<vmem>>
        %dma_start3A_271 = tpu.memref_squeeze %dma_start3A_270 : memref<1x128xi32, #tpu.memory_space<vmem>> -> memref<128xi32, #tpu.memory_space<vmem>>
        %dma_start3A_272 = arith.constant 0 : i32
        %dma_start3A_273 = arith.constant 0 : i32
        %dma_start3A_274 = tpu.memref_slice %arg13[%dma_start3A_272, %dma_start3A_273] : memref<2688x128xf32, #tpu.memory_space<vmem_shared>> -> memref<2688x128xf32, #tpu.memory_space<vmem_shared>>
        tpu.enqueue_indirect_dma source(%arg9 : memref<128x128xf32, #tpu.memory_space<vmem>>) target(%dma_start3A_274 : memref<2688x128xf32, #tpu.memory_space<vmem_shared>>) offsets(%dma_start3A_271 : memref<128xi32, #tpu.memory_space<vmem>>) semaphore(%run_scoped3A_269 : memref<!tpu.dma_semaphore, #tpu.memory_space<semaphore_mem>>) {add = true}
        %dma_wait3A_275 = arith.constant 0 : i32
        %dma_wait3A_276 = tpu.memref_slice %arg8[%select_n3A_257, %dma_wait3A_275] : memref<44x128xi32, #tpu.memory_space<vmem>> -> memref<1x128xi32, #tpu.memory_space<vmem>>
        %dma_wait3A_277 = tpu.memref_squeeze %dma_wait3A_276 : memref<1x128xi32, #tpu.memory_space<vmem>> -> memref<128xi32, #tpu.memory_space<vmem>>
        %dma_wait3A_278 = arith.constant 0 : i32
        %dma_wait3A_279 = arith.constant 0 : i32
        %dma_wait3A_280 = tpu.memref_slice %arg13[%dma_wait3A_278, %dma_wait3A_279] : memref<2688x128xf32, #tpu.memory_space<vmem_shared>> -> memref<2688x128xf32, #tpu.memory_space<vmem_shared>>
        tpu.wait_indirect_dma semaphore(%run_scoped3A_269 : memref<!tpu.dma_semaphore, #tpu.memory_space<semaphore_mem>>) src(%arg9 : memref<128x128xf32, #tpu.memory_space<vmem>>) dst(%dma_wait3A_280 : memref<2688x128xf32, #tpu.memory_space<vmem_shared>>)
        tpu.yield
      }) : () -> ()
      %add3A_258 = arith.constant 2 : i32
      %add3A_259 = arith.addi %mul3A_236, %add3A_258 : i32
      %lt3A_260 = arith.cmpi slt, %add3A_259, %add3A_65 : i32
      %convert_element_type3A_261 = arith.extui %lt3A_260 : i1 to i32
      %cond3A_262 = arith.constant 0 : i32
      %cond3A_263 = arith.cmpi ne, %convert_element_type3A_261, %cond3A_262 : i32
      scf.if %cond3A_263 {
        %add3A_269 = arith.constant 2 : i32
        %add3A_270 = arith.addi %mul3A_236, %add3A_269 : i32
        %lt3A_271 = arith.cmpi slt, %add3A_270, %shift_right_logical3A_44 : i32
        %sub3A_272 = arith.subi %add3A_270, %shift_right_logical3A_44 : i32
        %add3A_273 = arith.constant 22 : i32
        %add3A_274 = arith.addi %sub3A_272, %add3A_273 : i32
        %select_n3A_275 = arith.select %lt3A_271, %add3A_270, %add3A_274 : i32
        %dma_start3A = arith.constant 0 : i32
        %dma_start3A_276 = tpu.memref_slice %arg7[%select_n3A_275, %dma_start3A] : memref<44x128xi32, #tpu.memory_space<vmem>> -> memref<1x128xi32, #tpu.memory_space<vmem>>
        %dma_start3A_277 = tpu.memref_squeeze %dma_start3A_276 : memref<1x128xi32, #tpu.memory_space<vmem>> -> memref<128xi32, #tpu.memory_space<vmem>>
        %dma_start3A_278 = arith.constant 0 : i32
        %dma_start3A_279 = arith.constant 0 : i32
        %dma_start3A_280 = tpu.memref_slice %arg2[%dma_start3A_278, %dma_start3A_279] : memref<10000x128xf32, #tpu.memory_space<hbm>> -> memref<10000x128xf32, #tpu.memory_space<hbm>>
        tpu.enqueue_indirect_dma source(%dma_start3A_280 : memref<10000x128xf32, #tpu.memory_space<hbm>>) target(%arg9 : memref<128x128xf32, #tpu.memory_space<vmem>>) offsets(%dma_start3A_277 : memref<128xi32, #tpu.memory_space<vmem>>) semaphore(%arg14 : memref<!tpu.dma_semaphore, #tpu.memory_space<semaphore_mem>>)
      } else {
      }
      %lt3A_264 = arith.cmpi slt, %add3A_238, %add3A_65 : i32
      %convert_element_type3A_265 = arith.extui %lt3A_264 : i1 to i32
      %cond3A_266 = arith.constant 0 : i32
      %cond3A_267 = arith.cmpi ne, %convert_element_type3A_265, %cond3A_266 : i32
      scf.if %cond3A_267 {
        %lt3A_269 = arith.cmpi slt, %add3A_238, %shift_right_logical3A_44 : i32
        %sub3A_270 = arith.subi %add3A_238, %shift_right_logical3A_44 : i32
        %add3A_271 = arith.constant 22 : i32
        %add3A_272 = arith.addi %sub3A_270, %add3A_271 : i32
        %select_n3A_273 = arith.select %lt3A_269, %add3A_238, %add3A_272 : i32
        %dma_wait3A_274 = arith.constant 0 : i32
        %dma_wait3A_275 = tpu.memref_slice %arg7[%select_n3A_273, %dma_wait3A_274] : memref<44x128xi32, #tpu.memory_space<vmem>> -> memref<1x128xi32, #tpu.memory_space<vmem>>
        %dma_wait3A_276 = tpu.memref_squeeze %dma_wait3A_275 : memref<1x128xi32, #tpu.memory_space<vmem>> -> memref<128xi32, #tpu.memory_space<vmem>>
        %dma_wait3A_277 = arith.constant 0 : i32
        %dma_wait3A_278 = arith.constant 0 : i32
        %dma_wait3A_279 = tpu.memref_slice %arg2[%dma_wait3A_277, %dma_wait3A_278] : memref<10000x128xf32, #tpu.memory_space<hbm>> -> memref<10000x128xf32, #tpu.memory_space<hbm>>
        tpu.wait_indirect_dma semaphore(%arg15 : memref<!tpu.dma_semaphore, #tpu.memory_space<semaphore_mem>>) src(%dma_wait3A_279 : memref<10000x128xf32, #tpu.memory_space<hbm>>) dst(%arg10 : memref<128x128xf32, #tpu.memory_space<vmem>>)
        %lt3A_280 = arith.cmpi slt, %add3A_238, %shift_right_logical3A_44 : i32
        %sub3A_281 = arith.subi %add3A_238, %shift_right_logical3A_44 : i32
        %add3A_282 = arith.constant 22 : i32
        %add3A_283 = arith.addi %sub3A_281, %add3A_282 : i32
        %select_n3A_284 = arith.select %lt3A_280, %add3A_238, %add3A_283 : i32
        "tpu.region"() ({
          %run_scoped3A_285 = tpu.sem_alloc : memref<!tpu.dma_semaphore, #tpu.memory_space<semaphore_mem>>
          %dma_start3A = arith.constant 0 : i32
          %dma_start3A_286 = tpu.memref_slice %arg8[%select_n3A_284, %dma_start3A] : memref<44x128xi32, #tpu.memory_space<vmem>> -> memref<1x128xi32, #tpu.memory_space<vmem>>
          %dma_start3A_287 = tpu.memref_squeeze %dma_start3A_286 : memref<1x128xi32, #tpu.memory_space<vmem>> -> memref<128xi32, #tpu.memory_space<vmem>>
          %dma_start3A_288 = arith.constant 0 : i32
          %dma_start3A_289 = arith.constant 0 : i32
          %dma_start3A_290 = tpu.memref_slice %arg13[%dma_start3A_288, %dma_start3A_289] : memref<2688x128xf32, #tpu.memory_space<vmem_shared>> -> memref<2688x128xf32, #tpu.memory_space<vmem_shared>>
          tpu.enqueue_indirect_dma source(%arg10 : memref<128x128xf32, #tpu.memory_space<vmem>>) target(%dma_start3A_290 : memref<2688x128xf32, #tpu.memory_space<vmem_shared>>) offsets(%dma_start3A_287 : memref<128xi32, #tpu.memory_space<vmem>>) semaphore(%run_scoped3A_285 : memref<!tpu.dma_semaphore, #tpu.memory_space<semaphore_mem>>) {add = true}
          %dma_wait3A_291 = arith.constant 0 : i32
          %dma_wait3A_292 = tpu.memref_slice %arg8[%select_n3A_284, %dma_wait3A_291] : memref<44x128xi32, #tpu.memory_space<vmem>> -> memref<1x128xi32, #tpu.memory_space<vmem>>
          %dma_wait3A_293 = tpu.memref_squeeze %dma_wait3A_292 : memref<1x128xi32, #tpu.memory_space<vmem>> -> memref<128xi32, #tpu.memory_space<vmem>>
          %dma_wait3A_294 = arith.constant 0 : i32
          %dma_wait3A_295 = arith.constant 0 : i32
          %dma_wait3A_296 = tpu.memref_slice %arg13[%dma_wait3A_294, %dma_wait3A_295] : memref<2688x128xf32, #tpu.memory_space<vmem_shared>> -> memref<2688x128xf32, #tpu.memory_space<vmem_shared>>
          tpu.wait_indirect_dma semaphore(%run_scoped3A_285 : memref<!tpu.dma_semaphore, #tpu.memory_space<semaphore_mem>>) src(%arg10 : memref<128x128xf32, #tpu.memory_space<vmem>>) dst(%dma_wait3A_296 : memref<2688x128xf32, #tpu.memory_space<vmem_shared>>)
          tpu.yield
        }) : () -> ()
      } else {
      }
      %while3A_268 = arith.constant 0 : i32
      scf.yield %while3A_268 : i32
    }
    %barrier3A_98 = arith.constant 0 : index
    tpu.barrier barrier_id(%barrier3A_98)
    %mul3A_99 = arith.constant 2528 : i32
    %mul3A_100 = arith.muli %add3A_12, %mul3A_99 : i32
    %mul3A_101 = arith.constant 160 : i32
    %mul3A_102 = arith.muli %mul3A_101, %arg1 : i32
    %add3A_103 = arith.addi %mul3A_100, %mul3A_102 : i32
    %lt3A = arith.constant 15 : i32
    %lt3A_104 = arith.cmpi slt, %arg1, %lt3A : i32
    %convert_element_type3A_105 = arith.extui %lt3A_104 : i1 to i32
    %cond3A_106 = arith.constant 0 : i32
    %cond3A_107 = arith.cmpi ne, %convert_element_type3A_105, %cond3A_106 : i32
    scf.if %cond3A_107 {
      %mul3A_233 = arith.constant 160 : i32
      %mul3A_234 = arith.muli %mul3A_233, %arg1 : i32
      "tpu.region"() ({
        %run_scoped3A_235 = tpu.sem_alloc : memref<!tpu.dma_semaphore, #tpu.memory_space<semaphore_mem>>
        %dma_start3A = arith.constant 0 : i32
        %dma_start3A_236 = tpu.memref_slice %arg6[%add3A_103, %dma_start3A] : memref<10112x128xf32, #tpu.memory_space<hbm>> -> memref<160x128xf32, #tpu.memory_space<hbm>>
        %dma_start3A_237 = arith.constant 0 : i32
        %dma_start3A_238 = tpu.memref_slice %arg13[%mul3A_234, %dma_start3A_237] : memref<2688x128xf32, #tpu.memory_space<vmem_shared>> -> memref<160x128xf32, #tpu.memory_space<vmem_shared>>
        tpu.enqueue_dma source(%dma_start3A_238 : memref<160x128xf32, #tpu.memory_space<vmem_shared>>) target(%dma_start3A_236 : memref<160x128xf32, #tpu.memory_space<hbm>>) target_semaphore(%run_scoped3A_235 : memref<!tpu.dma_semaphore, #tpu.memory_space<semaphore_mem>>)
        %dma_wait3A = arith.constant 0 : i32
        %dma_wait3A_239 = tpu.memref_slice %arg6[%add3A_103, %dma_wait3A] : memref<10112x128xf32, #tpu.memory_space<hbm>> -> memref<160x128xf32, #tpu.memory_space<hbm>>
        %dma_wait3A_240 = arith.constant 0 : i32
        %dma_wait3A_241 = tpu.memref_slice %arg13[%mul3A_234, %dma_wait3A_240] : memref<2688x128xf32, #tpu.memory_space<vmem_shared>> -> memref<160x128xf32, #tpu.memory_space<vmem_shared>>
        tpu.wait_dma2 semaphore(%run_scoped3A_235 : memref<!tpu.dma_semaphore, #tpu.memory_space<semaphore_mem>>) src(%dma_wait3A_241 : memref<160x128xf32, #tpu.memory_space<vmem_shared>>) dst(%dma_wait3A_239 : memref<160x128xf32, #tpu.memory_space<hbm>>)
        tpu.yield
      }) : () -> ()
    } else {
    }
    %eq3A = arith.constant 15 : i32
    %eq3A_108 = arith.cmpi eq, %arg1, %eq3A : i32
    %convert_element_type3A_109 = arith.extui %eq3A_108 : i1 to i32
    %cond3A_110 = arith.constant 0 : i32
    %cond3A_111 = arith.cmpi ne, %convert_element_type3A_109, %cond3A_110 : i32
    scf.if %cond3A_111 {
      %mul3A_233 = arith.constant 160 : i32
      %mul3A_234 = arith.muli %mul3A_233, %arg1 : i32
      "tpu.region"() ({
        %run_scoped3A_235 = tpu.sem_alloc : memref<!tpu.dma_semaphore, #tpu.memory_space<semaphore_mem>>
        %dma_start3A = arith.constant 0 : i32
        %dma_start3A_236 = tpu.memref_slice %arg6[%add3A_103, %dma_start3A] : memref<10112x128xf32, #tpu.memory_space<hbm>> -> memref<128x128xf32, #tpu.memory_space<hbm>>
        %dma_start3A_237 = arith.constant 0 : i32
        %dma_start3A_238 = tpu.memref_slice %arg13[%mul3A_234, %dma_start3A_237] : memref<2688x128xf32, #tpu.memory_space<vmem_shared>> -> memref<128x128xf32, #tpu.memory_space<vmem_shared>>
        tpu.enqueue_dma source(%dma_start3A_238 : memref<128x128xf32, #tpu.memory_space<vmem_shared>>) target(%dma_start3A_236 : memref<128x128xf32, #tpu.memory_space<hbm>>) target_semaphore(%run_scoped3A_235 : memref<!tpu.dma_semaphore, #tpu.memory_space<semaphore_mem>>)
        %dma_wait3A = arith.constant 0 : i32
        %dma_wait3A_239 = tpu.memref_slice %arg6[%add3A_103, %dma_wait3A] : memref<10112x128xf32, #tpu.memory_space<hbm>> -> memref<128x128xf32, #tpu.memory_space<hbm>>
        %dma_wait3A_240 = arith.constant 0 : i32
        %dma_wait3A_241 = tpu.memref_slice %arg13[%mul3A_234, %dma_wait3A_240] : memref<2688x128xf32, #tpu.memory_space<vmem_shared>> -> memref<128x128xf32, #tpu.memory_space<vmem_shared>>
        tpu.wait_dma2 semaphore(%run_scoped3A_235 : memref<!tpu.dma_semaphore, #tpu.memory_space<semaphore_mem>>) src(%dma_wait3A_241 : memref<128x128xf32, #tpu.memory_space<vmem_shared>>) dst(%dma_wait3A_239 : memref<128x128xf32, #tpu.memory_space<hbm>>)
        tpu.yield
      }) : () -> ()
    } else {
    }
    %barrier3A_112 = arith.constant 0 : index
    tpu.barrier barrier_id(%barrier3A_112)
    %add3A_113 = arith.constant 2 : i32
    %add3A_114 = arith.addi %add3A_113, %arg0 : i32
    %mul3A_115 = arith.constant 168 : i32
    %mul3A_116 = arith.muli %arg1, %mul3A_115 : i32
    "tpu.region"() ({
      %run_scoped3A_233 = tpu.sem_alloc : memref<!tpu.dma_semaphore, #tpu.memory_space<semaphore_mem>>
      %dma_start3A = arith.constant 0 : i32
      %dma_start3A_234 = tpu.memref_slice %arg13[%mul3A_116, %dma_start3A] : memref<2688x128xf32, #tpu.memory_space<vmem_shared>> -> memref<128x128xf32, #tpu.memory_space<vmem_shared>>
      %dma_start3A_235 = arith.constant 0 : i32
      %dma_start3A_236 = tpu.memref_slice %arg13[%mul3A_116, %dma_start3A_235] : memref<2688x128xf32, #tpu.memory_space<vmem_shared>> -> memref<128x128xf32, #tpu.memory_space<vmem_shared>>
      tpu.enqueue_dma source(%arg12 : memref<128x128xf32, #tpu.memory_space<vmem>>) target(%dma_start3A_236 : memref<128x128xf32, #tpu.memory_space<vmem_shared>>) target_semaphore(%run_scoped3A_233 : memref<!tpu.dma_semaphore, #tpu.memory_space<semaphore_mem>>)
      %dma_wait3A = arith.constant 0 : i32
      %dma_wait3A_237 = tpu.memref_slice %arg13[%mul3A_116, %dma_wait3A] : memref<2688x128xf32, #tpu.memory_space<vmem_shared>> -> memref<128x128xf32, #tpu.memory_space<vmem_shared>>
      %dma_wait3A_238 = arith.constant 0 : i32
      %dma_wait3A_239 = tpu.memref_slice %arg13[%mul3A_116, %dma_wait3A_238] : memref<2688x128xf32, #tpu.memory_space<vmem_shared>> -> memref<128x128xf32, #tpu.memory_space<vmem_shared>>
      tpu.wait_dma2 semaphore(%run_scoped3A_233 : memref<!tpu.dma_semaphore, #tpu.memory_space<semaphore_mem>>) src(%arg12 : memref<128x128xf32, #tpu.memory_space<vmem>>) dst(%dma_wait3A_239 : memref<128x128xf32, #tpu.memory_space<vmem_shared>>)
      tpu.yield
    }) : () -> ()
    %add3A_117 = arith.constant 128 : i32
    %add3A_118 = arith.addi %mul3A_116, %add3A_117 : i32
    "tpu.region"() ({
      %run_scoped3A_233 = tpu.sem_alloc : memref<!tpu.dma_semaphore, #tpu.memory_space<semaphore_mem>>
      %dma_start3A = arith.constant 0 : i32
      %dma_start3A_234 = arith.constant 0 : i32
      %dma_start3A_235 = tpu.memref_slice %arg12[%dma_start3A, %dma_start3A_234] : memref<128x128xf32, #tpu.memory_space<vmem>> -> memref<40x128xf32, #tpu.memory_space<vmem>>
      %dma_start3A_236 = arith.constant 0 : i32
      %dma_start3A_237 = tpu.memref_slice %arg13[%add3A_118, %dma_start3A_236] : memref<2688x128xf32, #tpu.memory_space<vmem_shared>> -> memref<40x128xf32, #tpu.memory_space<vmem_shared>>
      %dma_start3A_238 = arith.constant 0 : i32
      %dma_start3A_239 = tpu.memref_slice %arg13[%add3A_118, %dma_start3A_238] : memref<2688x128xf32, #tpu.memory_space<vmem_shared>> -> memref<40x128xf32, #tpu.memory_space<vmem_shared>>
      %dma_start3A_240 = arith.constant 0 : i32
      %dma_start3A_241 = arith.constant 0 : i32
      %dma_start3A_242 = tpu.memref_slice %arg12[%dma_start3A_240, %dma_start3A_241] : memref<128x128xf32, #tpu.memory_space<vmem>> -> memref<40x128xf32, #tpu.memory_space<vmem>>
      tpu.enqueue_dma source(%dma_start3A_242 : memref<40x128xf32, #tpu.memory_space<vmem>>) target(%dma_start3A_239 : memref<40x128xf32, #tpu.memory_space<vmem_shared>>) target_semaphore(%run_scoped3A_233 : memref<!tpu.dma_semaphore, #tpu.memory_space<semaphore_mem>>)
      %dma_wait3A = arith.constant 0 : i32
      %dma_wait3A_243 = arith.constant 0 : i32
      %dma_wait3A_244 = tpu.memref_slice %arg12[%dma_wait3A, %dma_wait3A_243] : memref<128x128xf32, #tpu.memory_space<vmem>> -> memref<40x128xf32, #tpu.memory_space<vmem>>
      %dma_wait3A_245 = arith.constant 0 : i32
      %dma_wait3A_246 = tpu.memref_slice %arg13[%add3A_118, %dma_wait3A_245] : memref<2688x128xf32, #tpu.memory_space<vmem_shared>> -> memref<40x128xf32, #tpu.memory_space<vmem_shared>>
      %dma_wait3A_247 = arith.constant 0 : i32
      %dma_wait3A_248 = tpu.memref_slice %arg13[%add3A_118, %dma_wait3A_247] : memref<2688x128xf32, #tpu.memory_space<vmem_shared>> -> memref<40x128xf32, #tpu.memory_space<vmem_shared>>
      %dma_wait3A_249 = arith.constant 0 : i32
      %dma_wait3A_250 = arith.constant 0 : i32
      %dma_wait3A_251 = tpu.memref_slice %arg12[%dma_wait3A_249, %dma_wait3A_250] : memref<128x128xf32, #tpu.memory_space<vmem>> -> memref<40x128xf32, #tpu.memory_space<vmem>>
      tpu.wait_dma2 semaphore(%run_scoped3A_233 : memref<!tpu.dma_semaphore, #tpu.memory_space<semaphore_mem>>) src(%dma_wait3A_251 : memref<40x128xf32, #tpu.memory_space<vmem>>) dst(%dma_wait3A_248 : memref<40x128xf32, #tpu.memory_space<vmem_shared>>)
      tpu.yield
    }) : () -> ()
    %barrier3A_119 = arith.constant 0 : index
    tpu.barrier barrier_id(%barrier3A_119)
    %mul3A_120 = arith.constant 2 : i32
    %mul3A_121 = arith.muli %mul3A_120, %arg1 : i32
    "tpu.region"() ({
      %run_scoped3A_233 = tpu.sem_alloc : memref<!tpu.dma_semaphore, #tpu.memory_space<semaphore_mem>>
      %dma_start3A = arith.constant 0 : i32
      %dma_start3A_234 = arith.constant 0 : i32
      %dma_start3A_235 = tpu.memref_slice %arg7[%dma_start3A, %dma_start3A_234] : memref<44x128xi32, #tpu.memory_space<vmem>> -> memref<22x128xi32, #tpu.memory_space<vmem>>
      %dma_start3A_236 = arith.constant 0 : i32
      %dma_start3A_237 = arith.constant 0 : i32
      %dma_start3A_238 = tpu.memref_slice %arg3[%mul3A_121, %add3A_114, %dma_start3A_236, %dma_start3A_237] : memref<32x4x22x128xi32, #tpu.memory_space<hbm>> -> memref<1x1x22x128xi32, #tpu.memory_space<hbm>>
      %dma_start3A_239 = tpu.memref_squeeze %dma_start3A_238 : memref<1x1x22x128xi32, #tpu.memory_space<hbm>> -> memref<22x128xi32, #tpu.memory_space<hbm>>
      %dma_start3A_240 = arith.constant 0 : i32
      %dma_start3A_241 = arith.constant 0 : i32
      %dma_start3A_242 = tpu.memref_slice %arg7[%dma_start3A_240, %dma_start3A_241] : memref<44x128xi32, #tpu.memory_space<vmem>> -> memref<22x128xi32, #tpu.memory_space<vmem>>
      %dma_start3A_243 = arith.constant 0 : i32
      %dma_start3A_244 = arith.constant 0 : i32
      %dma_start3A_245 = tpu.memref_slice %arg3[%mul3A_121, %add3A_114, %dma_start3A_243, %dma_start3A_244] : memref<32x4x22x128xi32, #tpu.memory_space<hbm>> -> memref<1x1x22x128xi32, #tpu.memory_space<hbm>>
      %dma_start3A_246 = tpu.memref_squeeze %dma_start3A_245 : memref<1x1x22x128xi32, #tpu.memory_space<hbm>> -> memref<22x128xi32, #tpu.memory_space<hbm>>
      tpu.enqueue_dma source(%dma_start3A_246 : memref<22x128xi32, #tpu.memory_space<hbm>>) target(%dma_start3A_242 : memref<22x128xi32, #tpu.memory_space<vmem>>) target_semaphore(%run_scoped3A_233 : memref<!tpu.dma_semaphore, #tpu.memory_space<semaphore_mem>>)
      %dma_wait3A = arith.constant 0 : i32
      %dma_wait3A_247 = arith.constant 0 : i32
      %dma_wait3A_248 = tpu.memref_slice %arg7[%dma_wait3A, %dma_wait3A_247] : memref<44x128xi32, #tpu.memory_space<vmem>> -> memref<22x128xi32, #tpu.memory_space<vmem>>
      %dma_wait3A_249 = arith.constant 0 : i32
      %dma_wait3A_250 = arith.constant 0 : i32
      %dma_wait3A_251 = tpu.memref_slice %arg3[%mul3A_121, %add3A_114, %dma_wait3A_249, %dma_wait3A_250] : memref<32x4x22x128xi32, #tpu.memory_space<hbm>> -> memref<1x1x22x128xi32, #tpu.memory_space<hbm>>
      %dma_wait3A_252 = tpu.memref_squeeze %dma_wait3A_251 : memref<1x1x22x128xi32, #tpu.memory_space<hbm>> -> memref<22x128xi32, #tpu.memory_space<hbm>>
      %dma_wait3A_253 = arith.constant 0 : i32
      %dma_wait3A_254 = arith.constant 0 : i32
      %dma_wait3A_255 = tpu.memref_slice %arg7[%dma_wait3A_253, %dma_wait3A_254] : memref<44x128xi32, #tpu.memory_space<vmem>> -> memref<22x128xi32, #tpu.memory_space<vmem>>
      %dma_wait3A_256 = arith.constant 0 : i32
      %dma_wait3A_257 = arith.constant 0 : i32
      %dma_wait3A_258 = tpu.memref_slice %arg3[%mul3A_121, %add3A_114, %dma_wait3A_256, %dma_wait3A_257] : memref<32x4x22x128xi32, #tpu.memory_space<hbm>> -> memref<1x1x22x128xi32, #tpu.memory_space<hbm>>
      %dma_wait3A_259 = tpu.memref_squeeze %dma_wait3A_258 : memref<1x1x22x128xi32, #tpu.memory_space<hbm>> -> memref<22x128xi32, #tpu.memory_space<hbm>>
      tpu.wait_dma2 semaphore(%run_scoped3A_233 : memref<!tpu.dma_semaphore, #tpu.memory_space<semaphore_mem>>) src(%dma_wait3A_259 : memref<22x128xi32, #tpu.memory_space<hbm>>) dst(%dma_wait3A_255 : memref<22x128xi32, #tpu.memory_space<vmem>>)
      tpu.yield
    }) : () -> ()
    %mul3A_122 = arith.constant 2 : i32
    %mul3A_123 = arith.muli %mul3A_122, %arg1 : i32
    %add3A_124 = arith.constant 1 : i32
    %add3A_125 = arith.addi %mul3A_123, %add3A_124 : i32
    "tpu.region"() ({
      %run_scoped3A_233 = tpu.sem_alloc : memref<!tpu.dma_semaphore, #tpu.memory_space<semaphore_mem>>
      %dma_start3A = arith.constant 22 : i32
      %dma_start3A_234 = arith.constant 0 : i32
      %dma_start3A_235 = tpu.memref_slice %arg7[%dma_start3A, %dma_start3A_234] : memref<44x128xi32, #tpu.memory_space<vmem>> -> memref<22x128xi32, #tpu.memory_space<vmem>>
      %dma_start3A_236 = arith.constant 0 : i32
      %dma_start3A_237 = arith.constant 0 : i32
      %dma_start3A_238 = tpu.memref_slice %arg3[%add3A_125, %add3A_114, %dma_start3A_236, %dma_start3A_237] : memref<32x4x22x128xi32, #tpu.memory_space<hbm>> -> memref<1x1x22x128xi32, #tpu.memory_space<hbm>>
      %dma_start3A_239 = tpu.memref_squeeze %dma_start3A_238 : memref<1x1x22x128xi32, #tpu.memory_space<hbm>> -> memref<22x128xi32, #tpu.memory_space<hbm>>
      %dma_start3A_240 = arith.constant 22 : i32
      %dma_start3A_241 = arith.constant 0 : i32
      %dma_start3A_242 = tpu.memref_slice %arg7[%dma_start3A_240, %dma_start3A_241] : memref<44x128xi32, #tpu.memory_space<vmem>> -> memref<22x128xi32, #tpu.memory_space<vmem>>
      %dma_start3A_243 = arith.constant 0 : i32
      %dma_start3A_244 = arith.constant 0 : i32
      %dma_start3A_245 = tpu.memref_slice %arg3[%add3A_125, %add3A_114, %dma_start3A_243, %dma_start3A_244] : memref<32x4x22x128xi32, #tpu.memory_space<hbm>> -> memref<1x1x22x128xi32, #tpu.memory_space<hbm>>
      %dma_start3A_246 = tpu.memref_squeeze %dma_start3A_245 : memref<1x1x22x128xi32, #tpu.memory_space<hbm>> -> memref<22x128xi32, #tpu.memory_space<hbm>>
      tpu.enqueue_dma source(%dma_start3A_246 : memref<22x128xi32, #tpu.memory_space<hbm>>) target(%dma_start3A_242 : memref<22x128xi32, #tpu.memory_space<vmem>>) target_semaphore(%run_scoped3A_233 : memref<!tpu.dma_semaphore, #tpu.memory_space<semaphore_mem>>)
      %dma_wait3A = arith.constant 22 : i32
      %dma_wait3A_247 = arith.constant 0 : i32
      %dma_wait3A_248 = tpu.memref_slice %arg7[%dma_wait3A, %dma_wait3A_247] : memref<44x128xi32, #tpu.memory_space<vmem>> -> memref<22x128xi32, #tpu.memory_space<vmem>>
      %dma_wait3A_249 = arith.constant 0 : i32
      %dma_wait3A_250 = arith.constant 0 : i32
      %dma_wait3A_251 = tpu.memref_slice %arg3[%add3A_125, %add3A_114, %dma_wait3A_249, %dma_wait3A_250] : memref<32x4x22x128xi32, #tpu.memory_space<hbm>> -> memref<1x1x22x128xi32, #tpu.memory_space<hbm>>
      %dma_wait3A_252 = tpu.memref_squeeze %dma_wait3A_251 : memref<1x1x22x128xi32, #tpu.memory_space<hbm>> -> memref<22x128xi32, #tpu.memory_space<hbm>>
      %dma_wait3A_253 = arith.constant 22 : i32
      %dma_wait3A_254 = arith.constant 0 : i32
      %dma_wait3A_255 = tpu.memref_slice %arg7[%dma_wait3A_253, %dma_wait3A_254] : memref<44x128xi32, #tpu.memory_space<vmem>> -> memref<22x128xi32, #tpu.memory_space<vmem>>
      %dma_wait3A_256 = arith.constant 0 : i32
      %dma_wait3A_257 = arith.constant 0 : i32
      %dma_wait3A_258 = tpu.memref_slice %arg3[%add3A_125, %add3A_114, %dma_wait3A_256, %dma_wait3A_257] : memref<32x4x22x128xi32, #tpu.memory_space<hbm>> -> memref<1x1x22x128xi32, #tpu.memory_space<hbm>>
      %dma_wait3A_259 = tpu.memref_squeeze %dma_wait3A_258 : memref<1x1x22x128xi32, #tpu.memory_space<hbm>> -> memref<22x128xi32, #tpu.memory_space<hbm>>
      tpu.wait_dma2 semaphore(%run_scoped3A_233 : memref<!tpu.dma_semaphore, #tpu.memory_space<semaphore_mem>>) src(%dma_wait3A_259 : memref<22x128xi32, #tpu.memory_space<hbm>>) dst(%dma_wait3A_255 : memref<22x128xi32, #tpu.memory_space<vmem>>)
      tpu.yield
    }) : () -> ()
    %mul3A_126 = arith.constant 2 : i32
    %mul3A_127 = arith.muli %mul3A_126, %arg1 : i32
    "tpu.region"() ({
      %run_scoped3A_233 = tpu.sem_alloc : memref<!tpu.dma_semaphore, #tpu.memory_space<semaphore_mem>>
      %dma_start3A = arith.constant 0 : i32
      %dma_start3A_234 = arith.constant 0 : i32
      %dma_start3A_235 = tpu.memref_slice %arg8[%dma_start3A, %dma_start3A_234] : memref<44x128xi32, #tpu.memory_space<vmem>> -> memref<22x128xi32, #tpu.memory_space<vmem>>
      %dma_start3A_236 = arith.constant 0 : i32
      %dma_start3A_237 = arith.constant 0 : i32
      %dma_start3A_238 = tpu.memref_slice %arg4[%mul3A_127, %add3A_114, %dma_start3A_236, %dma_start3A_237] : memref<32x4x22x128xi32, #tpu.memory_space<hbm>> -> memref<1x1x22x128xi32, #tpu.memory_space<hbm>>
      %dma_start3A_239 = tpu.memref_squeeze %dma_start3A_238 : memref<1x1x22x128xi32, #tpu.memory_space<hbm>> -> memref<22x128xi32, #tpu.memory_space<hbm>>
      %dma_start3A_240 = arith.constant 0 : i32
      %dma_start3A_241 = arith.constant 0 : i32
      %dma_start3A_242 = tpu.memref_slice %arg8[%dma_start3A_240, %dma_start3A_241] : memref<44x128xi32, #tpu.memory_space<vmem>> -> memref<22x128xi32, #tpu.memory_space<vmem>>
      %dma_start3A_243 = arith.constant 0 : i32
      %dma_start3A_244 = arith.constant 0 : i32
      %dma_start3A_245 = tpu.memref_slice %arg4[%mul3A_127, %add3A_114, %dma_start3A_243, %dma_start3A_244] : memref<32x4x22x128xi32, #tpu.memory_space<hbm>> -> memref<1x1x22x128xi32, #tpu.memory_space<hbm>>
      %dma_start3A_246 = tpu.memref_squeeze %dma_start3A_245 : memref<1x1x22x128xi32, #tpu.memory_space<hbm>> -> memref<22x128xi32, #tpu.memory_space<hbm>>
      tpu.enqueue_dma source(%dma_start3A_246 : memref<22x128xi32, #tpu.memory_space<hbm>>) target(%dma_start3A_242 : memref<22x128xi32, #tpu.memory_space<vmem>>) target_semaphore(%run_scoped3A_233 : memref<!tpu.dma_semaphore, #tpu.memory_space<semaphore_mem>>)
      %dma_wait3A = arith.constant 0 : i32
      %dma_wait3A_247 = arith.constant 0 : i32
      %dma_wait3A_248 = tpu.memref_slice %arg8[%dma_wait3A, %dma_wait3A_247] : memref<44x128xi32, #tpu.memory_space<vmem>> -> memref<22x128xi32, #tpu.memory_space<vmem>>
      %dma_wait3A_249 = arith.constant 0 : i32
      %dma_wait3A_250 = arith.constant 0 : i32
      %dma_wait3A_251 = tpu.memref_slice %arg4[%mul3A_127, %add3A_114, %dma_wait3A_249, %dma_wait3A_250] : memref<32x4x22x128xi32, #tpu.memory_space<hbm>> -> memref<1x1x22x128xi32, #tpu.memory_space<hbm>>
      %dma_wait3A_252 = tpu.memref_squeeze %dma_wait3A_251 : memref<1x1x22x128xi32, #tpu.memory_space<hbm>> -> memref<22x128xi32, #tpu.memory_space<hbm>>
      %dma_wait3A_253 = arith.constant 0 : i32
      %dma_wait3A_254 = arith.constant 0 : i32
      %dma_wait3A_255 = tpu.memref_slice %arg8[%dma_wait3A_253, %dma_wait3A_254] : memref<44x128xi32, #tpu.memory_space<vmem>> -> memref<22x128xi32, #tpu.memory_space<vmem>>
      %dma_wait3A_256 = arith.constant 0 : i32
      %dma_wait3A_257 = arith.constant 0 : i32
      %dma_wait3A_258 = tpu.memref_slice %arg4[%mul3A_127, %add3A_114, %dma_wait3A_256, %dma_wait3A_257] : memref<32x4x22x128xi32, #tpu.memory_space<hbm>> -> memref<1x1x22x128xi32, #tpu.memory_space<hbm>>
      %dma_wait3A_259 = tpu.memref_squeeze %dma_wait3A_258 : memref<1x1x22x128xi32, #tpu.memory_space<hbm>> -> memref<22x128xi32, #tpu.memory_space<hbm>>
      tpu.wait_dma2 semaphore(%run_scoped3A_233 : memref<!tpu.dma_semaphore, #tpu.memory_space<semaphore_mem>>) src(%dma_wait3A_259 : memref<22x128xi32, #tpu.memory_space<hbm>>) dst(%dma_wait3A_255 : memref<22x128xi32, #tpu.memory_space<vmem>>)
      tpu.yield
    }) : () -> ()
    %mul3A_128 = arith.constant 2 : i32
    %mul3A_129 = arith.muli %mul3A_128, %arg1 : i32
    %add3A_130 = arith.constant 1 : i32
    %add3A_131 = arith.addi %mul3A_129, %add3A_130 : i32
    "tpu.region"() ({
      %run_scoped3A_233 = tpu.sem_alloc : memref<!tpu.dma_semaphore, #tpu.memory_space<semaphore_mem>>
      %dma_start3A = arith.constant 22 : i32
      %dma_start3A_234 = arith.constant 0 : i32
      %dma_start3A_235 = tpu.memref_slice %arg8[%dma_start3A, %dma_start3A_234] : memref<44x128xi32, #tpu.memory_space<vmem>> -> memref<22x128xi32, #tpu.memory_space<vmem>>
      %dma_start3A_236 = arith.constant 0 : i32
      %dma_start3A_237 = arith.constant 0 : i32
      %dma_start3A_238 = tpu.memref_slice %arg4[%add3A_131, %add3A_114, %dma_start3A_236, %dma_start3A_237] : memref<32x4x22x128xi32, #tpu.memory_space<hbm>> -> memref<1x1x22x128xi32, #tpu.memory_space<hbm>>
      %dma_start3A_239 = tpu.memref_squeeze %dma_start3A_238 : memref<1x1x22x128xi32, #tpu.memory_space<hbm>> -> memref<22x128xi32, #tpu.memory_space<hbm>>
      %dma_start3A_240 = arith.constant 22 : i32
      %dma_start3A_241 = arith.constant 0 : i32
      %dma_start3A_242 = tpu.memref_slice %arg8[%dma_start3A_240, %dma_start3A_241] : memref<44x128xi32, #tpu.memory_space<vmem>> -> memref<22x128xi32, #tpu.memory_space<vmem>>
      %dma_start3A_243 = arith.constant 0 : i32
      %dma_start3A_244 = arith.constant 0 : i32
      %dma_start3A_245 = tpu.memref_slice %arg4[%add3A_131, %add3A_114, %dma_start3A_243, %dma_start3A_244] : memref<32x4x22x128xi32, #tpu.memory_space<hbm>> -> memref<1x1x22x128xi32, #tpu.memory_space<hbm>>
      %dma_start3A_246 = tpu.memref_squeeze %dma_start3A_245 : memref<1x1x22x128xi32, #tpu.memory_space<hbm>> -> memref<22x128xi32, #tpu.memory_space<hbm>>
      tpu.enqueue_dma source(%dma_start3A_246 : memref<22x128xi32, #tpu.memory_space<hbm>>) target(%dma_start3A_242 : memref<22x128xi32, #tpu.memory_space<vmem>>) target_semaphore(%run_scoped3A_233 : memref<!tpu.dma_semaphore, #tpu.memory_space<semaphore_mem>>)
      %dma_wait3A = arith.constant 22 : i32
      %dma_wait3A_247 = arith.constant 0 : i32
      %dma_wait3A_248 = tpu.memref_slice %arg8[%dma_wait3A, %dma_wait3A_247] : memref<44x128xi32, #tpu.memory_space<vmem>> -> memref<22x128xi32, #tpu.memory_space<vmem>>
      %dma_wait3A_249 = arith.constant 0 : i32
      %dma_wait3A_250 = arith.constant 0 : i32
      %dma_wait3A_251 = tpu.memref_slice %arg4[%add3A_131, %add3A_114, %dma_wait3A_249, %dma_wait3A_250] : memref<32x4x22x128xi32, #tpu.memory_space<hbm>> -> memref<1x1x22x128xi32, #tpu.memory_space<hbm>>
      %dma_wait3A_252 = tpu.memref_squeeze %dma_wait3A_251 : memref<1x1x22x128xi32, #tpu.memory_space<hbm>> -> memref<22x128xi32, #tpu.memory_space<hbm>>
      %dma_wait3A_253 = arith.constant 22 : i32
      %dma_wait3A_254 = arith.constant 0 : i32
      %dma_wait3A_255 = tpu.memref_slice %arg8[%dma_wait3A_253, %dma_wait3A_254] : memref<44x128xi32, #tpu.memory_space<vmem>> -> memref<22x128xi32, #tpu.memory_space<vmem>>
      %dma_wait3A_256 = arith.constant 0 : i32
      %dma_wait3A_257 = arith.constant 0 : i32
      %dma_wait3A_258 = tpu.memref_slice %arg4[%add3A_131, %add3A_114, %dma_wait3A_256, %dma_wait3A_257] : memref<32x4x22x128xi32, #tpu.memory_space<hbm>> -> memref<1x1x22x128xi32, #tpu.memory_space<hbm>>
      %dma_wait3A_259 = tpu.memref_squeeze %dma_wait3A_258 : memref<1x1x22x128xi32, #tpu.memory_space<hbm>> -> memref<22x128xi32, #tpu.memory_space<hbm>>
      tpu.wait_dma2 semaphore(%run_scoped3A_233 : memref<!tpu.dma_semaphore, #tpu.memory_space<semaphore_mem>>) src(%dma_wait3A_259 : memref<22x128xi32, #tpu.memory_space<hbm>>) dst(%dma_wait3A_255 : memref<22x128xi32, #tpu.memory_space<vmem>>)
      tpu.yield
    }) : () -> ()
    %mul3A_132 = arith.constant 16 : i32
    %mul3A_133 = arith.muli %add3A_114, %mul3A_132 : i32
    %get3A_134 = arith.constant 0 : i32
    %get3A_135 = arith.index_cast %get3A_134 : i32 to index
    %get3A_136 = arith.index_cast %mul3A_133 : i32 to index
    %get3A_137 = tpu.vector_load %arg11[%get3A_135, %get3A_136] {strides = array<i32>} : memref<2x64xi32, #tpu.memory_space<vmem>>, vector<16xi32>,
    %reduce_max3A_138 = arith.constant true
    %reduce_max3A_139 = vector.broadcast %reduce_max3A_138 : i1 to vector<16xi1>
    %reduce_max3A_140 = arith.constant -2147483648 : i32
    %reduce_max3A_141 = vector.broadcast %reduce_max3A_140 : i32 to vector<16xi32>
    %reduce_max3A_142 = arith.xori %get3A_137, %reduce_max3A_141 : vector<16xi32>
    %reduce_max3A_143 = tpu.scan <max>, %reduce_max3A_142 masked %reduce_max3A_139 : vector<16xi32>, vector<16xi1> -> vector<16xi32>
    %reduce_max3A_144 = arith.xori %reduce_max3A_143, %reduce_max3A_141 : vector<16xi32>
    %reduce_max3A_145 = vector.extract %reduce_max3A_144[15] : i32 from vector<16xi32>
    %add3A_146 = arith.constant 128 : i32
    %add3A_147 = arith.addi %reduce_max3A_145, %add3A_146 : i32
    %sub3A_148 = arith.constant 1 : i32
    %sub3A_149 = arith.subi %add3A_147, %sub3A_148 : i32
    %shift_right_logical3A_150 = arith.constant 7 : i32
    %shift_right_logical3A_151 = arith.shrui %sub3A_149, %shift_right_logical3A_150 : i32
    %mul3A_152 = arith.constant 16 : i32
    %mul3A_153 = arith.muli %add3A_114, %mul3A_152 : i32
    %get3A_154 = arith.constant 1 : i32
    %get3A_155 = arith.index_cast %get3A_154 : i32 to index
    %get3A_156 = arith.index_cast %mul3A_153 : i32 to index
    %get3A_157 = tpu.vector_load %arg11[%get3A_155, %get3A_156] {strides = array<i32>} : memref<2x64xi32, #tpu.memory_space<vmem>>, vector<16xi32>,
    %reduce_max3A_158 = arith.constant true
    %reduce_max3A_159 = vector.broadcast %reduce_max3A_158 : i1 to vector<16xi1>
    %reduce_max3A_160 = arith.constant -2147483648 : i32
    %reduce_max3A_161 = vector.broadcast %reduce_max3A_160 : i32 to vector<16xi32>
    %reduce_max3A_162 = arith.xori %get3A_157, %reduce_max3A_161 : vector<16xi32>
    %reduce_max3A_163 = tpu.scan <max>, %reduce_max3A_162 masked %reduce_max3A_159 : vector<16xi32>, vector<16xi1> -> vector<16xi32>
    %reduce_max3A_164 = arith.xori %reduce_max3A_163, %reduce_max3A_161 : vector<16xi32>
    %reduce_max3A_165 = vector.extract %reduce_max3A_164[15] : i32 from vector<16xi32>
    %add3A_166 = arith.constant 128 : i32
    %add3A_167 = arith.addi %reduce_max3A_165, %add3A_166 : i32
    %sub3A_168 = arith.constant 1 : i32
    %sub3A_169 = arith.subi %add3A_167, %sub3A_168 : i32
    %shift_right_logical3A_170 = arith.constant 7 : i32
    %shift_right_logical3A_171 = arith.shrui %sub3A_169, %shift_right_logical3A_170 : i32
    %add3A_172 = arith.addi %shift_right_logical3A_151, %shift_right_logical3A_171 : i32
    %gt3A_173 = arith.constant 0 : i32
    %gt3A_174 = arith.cmpi sgt, %add3A_172, %gt3A_173 : i32
    %convert_element_type3A_175 = arith.extui %gt3A_174 : i1 to i32
    %cond3A_176 = arith.constant 0 : i32
    %cond3A_177 = arith.cmpi ne, %convert_element_type3A_175, %cond3A_176 : i32
    scf.if %cond3A_177 {
      %gt3A_233 = arith.constant 0 : i32
      %gt3A_234 = arith.cmpi sgt, %shift_right_logical3A_151, %gt3A_233 : i32
      %sub3A_235 = arith.constant 0 : i32
      %sub3A_236 = arith.subi %sub3A_235, %shift_right_logical3A_151 : i32
      %add3A_237 = arith.constant 22 : i32
      %add3A_238 = arith.addi %sub3A_236, %add3A_237 : i32
      %jit3A_239 = arith.constant 0 : i32
      %select_n3A_240 = arith.select %gt3A_234, %jit3A_239, %add3A_238 : i32
      %dma_start3A = arith.constant 0 : i32
      %dma_start3A_241 = tpu.memref_slice %arg7[%select_n3A_240, %dma_start3A] : memref<44x128xi32, #tpu.memory_space<vmem>> -> memref<1x128xi32, #tpu.memory_space<vmem>>
      %dma_start3A_242 = tpu.memref_squeeze %dma_start3A_241 : memref<1x128xi32, #tpu.memory_space<vmem>> -> memref<128xi32, #tpu.memory_space<vmem>>
      %dma_start3A_243 = arith.constant 0 : i32
      %dma_start3A_244 = arith.constant 0 : i32
      %dma_start3A_245 = tpu.memref_slice %arg2[%dma_start3A_243, %dma_start3A_244] : memref<10000x128xf32, #tpu.memory_space<hbm>> -> memref<10000x128xf32, #tpu.memory_space<hbm>>
      tpu.enqueue_indirect_dma source(%dma_start3A_245 : memref<10000x128xf32, #tpu.memory_space<hbm>>) target(%arg9 : memref<128x128xf32, #tpu.memory_space<vmem>>) offsets(%dma_start3A_242 : memref<128xi32, #tpu.memory_space<vmem>>) semaphore(%arg14 : memref<!tpu.dma_semaphore, #tpu.memory_space<semaphore_mem>>)
    } else {
    }
    %add3A_178 = arith.constant 1 : i32
    %add3A_179 = arith.addi %add3A_172, %add3A_178 : i32
    %jit3A_180 = arith.constant 2 : i32
    %div3A_181 = arith.divsi %add3A_179, %jit3A_180 : i32
    %sign3A_182 = arith.constant 0 : i32
    %sign3A_183 = arith.cmpi sgt, %add3A_179, %sign3A_182 : i32
    %sign3A_184 = arith.extui %sign3A_183 : i1 to i32
    %sign3A_185 = arith.constant 0 : i32
    %sign3A_186 = arith.cmpi slt, %add3A_179, %sign3A_185 : i32
    %sign3A_187 = arith.extui %sign3A_186 : i1 to i32
    %sign3A_188 = arith.subi %sign3A_184, %sign3A_187 : i32
    %sign3A_189 = arith.constant 0 : i32
    %sign3A_190 = arith.cmpi sgt, %jit3A_180, %sign3A_189 : i32
    %sign3A_191 = arith.extui %sign3A_190 : i1 to i32
    %sign3A_192 = arith.constant 0 : i32
    %sign3A_193 = arith.cmpi slt, %jit3A_180, %sign3A_192 : i32
    %sign3A_194 = arith.extui %sign3A_193 : i1 to i32
    %sign3A_195 = arith.subi %sign3A_191, %sign3A_194 : i32
    %ne3A_196 = arith.cmpi ne, %sign3A_188, %sign3A_195 : i32
    %rem3A_197 = arith.remsi %add3A_179, %jit3A_180 : i32
    %ne3A_198 = arith.constant 0 : i32
    %ne3A_199 = arith.cmpi ne, %rem3A_197, %ne3A_198 : i32
    %and3A_200 = arith.andi %ne3A_196, %ne3A_199 : i1
    %sub3A_201 = arith.constant 1 : i32
    %sub3A_202 = arith.subi %div3A_181, %sub3A_201 : i32
    %select_n3A_203 = arith.select %and3A_200, %sub3A_202, %div3A_181 : i32
    %while3A_204 = arith.constant 0 : i32
    %while3A_205 = arith.constant 0 : i32
    %while3A_206 = arith.subi %select_n3A_203, %while3A_204 : i32
    %while3A_207 = arith.addi %while3A_204, %while3A_206 : i32
    %while3A_208 = arith.constant 1 : i32
    %while3A_209 = arith.divsi %while3A_206, %while3A_208 : i32
    %while3A_210 = arith.muli %while3A_209, %while3A_208 : i32
    %while3A_211 = arith.addi %while3A_204, %while3A_210 : i32
    %while3A_212 = arith.constant 1 : i32
    %while3A_213 = scf.for %while3A_233 = %while3A_204 to %while3A_211 step %while3A_212 iter_args(%while3A_234 = %while3A_205) -> (i32)  : i32 {
      %mul3A_235 = arith.constant 2 : i32
      %mul3A_236 = arith.muli %mul3A_235, %while3A_233 : i32
      %add3A_237 = arith.constant 1 : i32
      %add3A_238 = arith.addi %mul3A_236, %add3A_237 : i32
      %lt3A_239 = arith.cmpi slt, %add3A_238, %add3A_172 : i32
      %convert_element_type3A_240 = arith.extui %lt3A_239 : i1 to i32
      %cond3A_241 = arith.constant 0 : i32
      %cond3A_242 = arith.cmpi ne, %convert_element_type3A_240, %cond3A_241 : i32
      scf.if %cond3A_242 {
        %lt3A_269 = arith.cmpi slt, %add3A_238, %shift_right_logical3A_151 : i32
        %sub3A_270 = arith.subi %add3A_238, %shift_right_logical3A_151 : i32
        %add3A_271 = arith.constant 22 : i32
        %add3A_272 = arith.addi %sub3A_270, %add3A_271 : i32
        %select_n3A_273 = arith.select %lt3A_269, %add3A_238, %add3A_272 : i32
        %dma_start3A = arith.constant 0 : i32
        %dma_start3A_274 = tpu.memref_slice %arg7[%select_n3A_273, %dma_start3A] : memref<44x128xi32, #tpu.memory_space<vmem>> -> memref<1x128xi32, #tpu.memory_space<vmem>>
        %dma_start3A_275 = tpu.memref_squeeze %dma_start3A_274 : memref<1x128xi32, #tpu.memory_space<vmem>> -> memref<128xi32, #tpu.memory_space<vmem>>
        %dma_start3A_276 = arith.constant 0 : i32
        %dma_start3A_277 = arith.constant 0 : i32
        %dma_start3A_278 = tpu.memref_slice %arg2[%dma_start3A_276, %dma_start3A_277] : memref<10000x128xf32, #tpu.memory_space<hbm>> -> memref<10000x128xf32, #tpu.memory_space<hbm>>
        tpu.enqueue_indirect_dma source(%dma_start3A_278 : memref<10000x128xf32, #tpu.memory_space<hbm>>) target(%arg10 : memref<128x128xf32, #tpu.memory_space<vmem>>) offsets(%dma_start3A_275 : memref<128xi32, #tpu.memory_space<vmem>>) semaphore(%arg15 : memref<!tpu.dma_semaphore, #tpu.memory_space<semaphore_mem>>)
      } else {
      }
      %lt3A_243 = arith.cmpi slt, %mul3A_236, %shift_right_logical3A_151 : i32
      %sub3A_244 = arith.subi %mul3A_236, %shift_right_logical3A_151 : i32
      %add3A_245 = arith.constant 22 : i32
      %add3A_246 = arith.addi %sub3A_244, %add3A_245 : i32
      %select_n3A_247 = arith.select %lt3A_243, %mul3A_236, %add3A_246 : i32
      %dma_wait3A = arith.constant 0 : i32
      %dma_wait3A_248 = tpu.memref_slice %arg7[%select_n3A_247, %dma_wait3A] : memref<44x128xi32, #tpu.memory_space<vmem>> -> memref<1x128xi32, #tpu.memory_space<vmem>>
      %dma_wait3A_249 = tpu.memref_squeeze %dma_wait3A_248 : memref<1x128xi32, #tpu.memory_space<vmem>> -> memref<128xi32, #tpu.memory_space<vmem>>
      %dma_wait3A_250 = arith.constant 0 : i32
      %dma_wait3A_251 = arith.constant 0 : i32
      %dma_wait3A_252 = tpu.memref_slice %arg2[%dma_wait3A_250, %dma_wait3A_251] : memref<10000x128xf32, #tpu.memory_space<hbm>> -> memref<10000x128xf32, #tpu.memory_space<hbm>>
      tpu.wait_indirect_dma semaphore(%arg14 : memref<!tpu.dma_semaphore, #tpu.memory_space<semaphore_mem>>) src(%dma_wait3A_252 : memref<10000x128xf32, #tpu.memory_space<hbm>>) dst(%arg9 : memref<128x128xf32, #tpu.memory_space<vmem>>)
      %lt3A_253 = arith.cmpi slt, %mul3A_236, %shift_right_logical3A_151 : i32
      %sub3A_254 = arith.subi %mul3A_236, %shift_right_logical3A_151 : i32
      %add3A_255 = arith.constant 22 : i32
      %add3A_256 = arith.addi %sub3A_254, %add3A_255 : i32
      %select_n3A_257 = arith.select %lt3A_253, %mul3A_236, %add3A_256 : i32
      "tpu.region"() ({
        %run_scoped3A_269 = tpu.sem_alloc : memref<!tpu.dma_semaphore, #tpu.memory_space<semaphore_mem>>
        %dma_start3A = arith.constant 0 : i32
        %dma_start3A_270 = tpu.memref_slice %arg8[%select_n3A_257, %dma_start3A] : memref<44x128xi32, #tpu.memory_space<vmem>> -> memref<1x128xi32, #tpu.memory_space<vmem>>
        %dma_start3A_271 = tpu.memref_squeeze %dma_start3A_270 : memref<1x128xi32, #tpu.memory_space<vmem>> -> memref<128xi32, #tpu.memory_space<vmem>>
        %dma_start3A_272 = arith.constant 0 : i32
        %dma_start3A_273 = arith.constant 0 : i32
        %dma_start3A_274 = tpu.memref_slice %arg13[%dma_start3A_272, %dma_start3A_273] : memref<2688x128xf32, #tpu.memory_space<vmem_shared>> -> memref<2688x128xf32, #tpu.memory_space<vmem_shared>>
        tpu.enqueue_indirect_dma source(%arg9 : memref<128x128xf32, #tpu.memory_space<vmem>>) target(%dma_start3A_274 : memref<2688x128xf32, #tpu.memory_space<vmem_shared>>) offsets(%dma_start3A_271 : memref<128xi32, #tpu.memory_space<vmem>>) semaphore(%run_scoped3A_269 : memref<!tpu.dma_semaphore, #tpu.memory_space<semaphore_mem>>) {add = true}
        %dma_wait3A_275 = arith.constant 0 : i32
        %dma_wait3A_276 = tpu.memref_slice %arg8[%select_n3A_257, %dma_wait3A_275] : memref<44x128xi32, #tpu.memory_space<vmem>> -> memref<1x128xi32, #tpu.memory_space<vmem>>
        %dma_wait3A_277 = tpu.memref_squeeze %dma_wait3A_276 : memref<1x128xi32, #tpu.memory_space<vmem>> -> memref<128xi32, #tpu.memory_space<vmem>>
        %dma_wait3A_278 = arith.constant 0 : i32
        %dma_wait3A_279 = arith.constant 0 : i32
        %dma_wait3A_280 = tpu.memref_slice %arg13[%dma_wait3A_278, %dma_wait3A_279] : memref<2688x128xf32, #tpu.memory_space<vmem_shared>> -> memref<2688x128xf32, #tpu.memory_space<vmem_shared>>
        tpu.wait_indirect_dma semaphore(%run_scoped3A_269 : memref<!tpu.dma_semaphore, #tpu.memory_space<semaphore_mem>>) src(%arg9 : memref<128x128xf32, #tpu.memory_space<vmem>>) dst(%dma_wait3A_280 : memref<2688x128xf32, #tpu.memory_space<vmem_shared>>)
        tpu.yield
      }) : () -> ()
      %add3A_258 = arith.constant 2 : i32
      %add3A_259 = arith.addi %mul3A_236, %add3A_258 : i32
      %lt3A_260 = arith.cmpi slt, %add3A_259, %add3A_172 : i32
      %convert_element_type3A_261 = arith.extui %lt3A_260 : i1 to i32
      %cond3A_262 = arith.constant 0 : i32
      %cond3A_263 = arith.cmpi ne, %convert_element_type3A_261, %cond3A_262 : i32
      scf.if %cond3A_263 {
        %add3A_269 = arith.constant 2 : i32
        %add3A_270 = arith.addi %mul3A_236, %add3A_269 : i32
        %lt3A_271 = arith.cmpi slt, %add3A_270, %shift_right_logical3A_151 : i32
        %sub3A_272 = arith.subi %add3A_270, %shift_right_logical3A_151 : i32
        %add3A_273 = arith.constant 22 : i32
        %add3A_274 = arith.addi %sub3A_272, %add3A_273 : i32
        %select_n3A_275 = arith.select %lt3A_271, %add3A_270, %add3A_274 : i32
        %dma_start3A = arith.constant 0 : i32
        %dma_start3A_276 = tpu.memref_slice %arg7[%select_n3A_275, %dma_start3A] : memref<44x128xi32, #tpu.memory_space<vmem>> -> memref<1x128xi32, #tpu.memory_space<vmem>>
        %dma_start3A_277 = tpu.memref_squeeze %dma_start3A_276 : memref<1x128xi32, #tpu.memory_space<vmem>> -> memref<128xi32, #tpu.memory_space<vmem>>
        %dma_start3A_278 = arith.constant 0 : i32
        %dma_start3A_279 = arith.constant 0 : i32
        %dma_start3A_280 = tpu.memref_slice %arg2[%dma_start3A_278, %dma_start3A_279] : memref<10000x128xf32, #tpu.memory_space<hbm>> -> memref<10000x128xf32, #tpu.memory_space<hbm>>
        tpu.enqueue_indirect_dma source(%dma_start3A_280 : memref<10000x128xf32, #tpu.memory_space<hbm>>) target(%arg9 : memref<128x128xf32, #tpu.memory_space<vmem>>) offsets(%dma_start3A_277 : memref<128xi32, #tpu.memory_space<vmem>>) semaphore(%arg14 : memref<!tpu.dma_semaphore, #tpu.memory_space<semaphore_mem>>)
      } else {
      }
      %lt3A_264 = arith.cmpi slt, %add3A_238, %add3A_172 : i32
      %convert_element_type3A_265 = arith.extui %lt3A_264 : i1 to i32
      %cond3A_266 = arith.constant 0 : i32
      %cond3A_267 = arith.cmpi ne, %convert_element_type3A_265, %cond3A_266 : i32
      scf.if %cond3A_267 {
        %lt3A_269 = arith.cmpi slt, %add3A_238, %shift_right_logical3A_151 : i32
        %sub3A_270 = arith.subi %add3A_238, %shift_right_logical3A_151 : i32
        %add3A_271 = arith.constant 22 : i32
        %add3A_272 = arith.addi %sub3A_270, %add3A_271 : i32
        %select_n3A_273 = arith.select %lt3A_269, %add3A_238, %add3A_272 : i32
        %dma_wait3A_274 = arith.constant 0 : i32
        %dma_wait3A_275 = tpu.memref_slice %arg7[%select_n3A_273, %dma_wait3A_274] : memref<44x128xi32, #tpu.memory_space<vmem>> -> memref<1x128xi32, #tpu.memory_space<vmem>>
        %dma_wait3A_276 = tpu.memref_squeeze %dma_wait3A_275 : memref<1x128xi32, #tpu.memory_space<vmem>> -> memref<128xi32, #tpu.memory_space<vmem>>
        %dma_wait3A_277 = arith.constant 0 : i32
        %dma_wait3A_278 = arith.constant 0 : i32
        %dma_wait3A_279 = tpu.memref_slice %arg2[%dma_wait3A_277, %dma_wait3A_278] : memref<10000x128xf32, #tpu.memory_space<hbm>> -> memref<10000x128xf32, #tpu.memory_space<hbm>>
        tpu.wait_indirect_dma semaphore(%arg15 : memref<!tpu.dma_semaphore, #tpu.memory_space<semaphore_mem>>) src(%dma_wait3A_279 : memref<10000x128xf32, #tpu.memory_space<hbm>>) dst(%arg10 : memref<128x128xf32, #tpu.memory_space<vmem>>)
        %lt3A_280 = arith.cmpi slt, %add3A_238, %shift_right_logical3A_151 : i32
        %sub3A_281 = arith.subi %add3A_238, %shift_right_logical3A_151 : i32
        %add3A_282 = arith.constant 22 : i32
        %add3A_283 = arith.addi %sub3A_281, %add3A_282 : i32
        %select_n3A_284 = arith.select %lt3A_280, %add3A_238, %add3A_283 : i32
        "tpu.region"() ({
          %run_scoped3A_285 = tpu.sem_alloc : memref<!tpu.dma_semaphore, #tpu.memory_space<semaphore_mem>>
          %dma_start3A = arith.constant 0 : i32
          %dma_start3A_286 = tpu.memref_slice %arg8[%select_n3A_284, %dma_start3A] : memref<44x128xi32, #tpu.memory_space<vmem>> -> memref<1x128xi32, #tpu.memory_space<vmem>>
          %dma_start3A_287 = tpu.memref_squeeze %dma_start3A_286 : memref<1x128xi32, #tpu.memory_space<vmem>> -> memref<128xi32, #tpu.memory_space<vmem>>
          %dma_start3A_288 = arith.constant 0 : i32
          %dma_start3A_289 = arith.constant 0 : i32
          %dma_start3A_290 = tpu.memref_slice %arg13[%dma_start3A_288, %dma_start3A_289] : memref<2688x128xf32, #tpu.memory_space<vmem_shared>> -> memref<2688x128xf32, #tpu.memory_space<vmem_shared>>
          tpu.enqueue_indirect_dma source(%arg10 : memref<128x128xf32, #tpu.memory_space<vmem>>) target(%dma_start3A_290 : memref<2688x128xf32, #tpu.memory_space<vmem_shared>>) offsets(%dma_start3A_287 : memref<128xi32, #tpu.memory_space<vmem>>) semaphore(%run_scoped3A_285 : memref<!tpu.dma_semaphore, #tpu.memory_space<semaphore_mem>>) {add = true}
          %dma_wait3A_291 = arith.constant 0 : i32
          %dma_wait3A_292 = tpu.memref_slice %arg8[%select_n3A_284, %dma_wait3A_291] : memref<44x128xi32, #tpu.memory_space<vmem>> -> memref<1x128xi32, #tpu.memory_space<vmem>>
          %dma_wait3A_293 = tpu.memref_squeeze %dma_wait3A_292 : memref<1x128xi32, #tpu.memory_space<vmem>> -> memref<128xi32, #tpu.memory_space<vmem>>
          %dma_wait3A_294 = arith.constant 0 : i32
          %dma_wait3A_295 = arith.constant 0 : i32
          %dma_wait3A_296 = tpu.memref_slice %arg13[%dma_wait3A_294, %dma_wait3A_295] : memref<2688x128xf32, #tpu.memory_space<vmem_shared>> -> memref<2688x128xf32, #tpu.memory_space<vmem_shared>>
          tpu.wait_indirect_dma semaphore(%run_scoped3A_285 : memref<!tpu.dma_semaphore, #tpu.memory_space<semaphore_mem>>) src(%arg10 : memref<128x128xf32, #tpu.memory_space<vmem>>) dst(%dma_wait3A_296 : memref<2688x128xf32, #tpu.memory_space<vmem_shared>>)
          tpu.yield
        }) : () -> ()
      } else {
      }
      %while3A_268 = arith.constant 0 : i32
      scf.yield %while3A_268 : i32
    }
    %while3A_214 = arith.constant 1 : i32
    %while3A_215 = scf.for %while3A_233 = %while3A_211 to %while3A_207 step %while3A_214 iter_args(%while3A_234 = %while3A_213) -> (i32)  : i32 {
      %mul3A_235 = arith.constant 2 : i32
      %mul3A_236 = arith.muli %mul3A_235, %while3A_233 : i32
      %add3A_237 = arith.constant 1 : i32
      %add3A_238 = arith.addi %mul3A_236, %add3A_237 : i32
      %lt3A_239 = arith.cmpi slt, %add3A_238, %add3A_172 : i32
      %convert_element_type3A_240 = arith.extui %lt3A_239 : i1 to i32
      %cond3A_241 = arith.constant 0 : i32
      %cond3A_242 = arith.cmpi ne, %convert_element_type3A_240, %cond3A_241 : i32
      scf.if %cond3A_242 {
        %lt3A_269 = arith.cmpi slt, %add3A_238, %shift_right_logical3A_151 : i32
        %sub3A_270 = arith.subi %add3A_238, %shift_right_logical3A_151 : i32
        %add3A_271 = arith.constant 22 : i32
        %add3A_272 = arith.addi %sub3A_270, %add3A_271 : i32
        %select_n3A_273 = arith.select %lt3A_269, %add3A_238, %add3A_272 : i32
        %dma_start3A = arith.constant 0 : i32
        %dma_start3A_274 = tpu.memref_slice %arg7[%select_n3A_273, %dma_start3A] : memref<44x128xi32, #tpu.memory_space<vmem>> -> memref<1x128xi32, #tpu.memory_space<vmem>>
        %dma_start3A_275 = tpu.memref_squeeze %dma_start3A_274 : memref<1x128xi32, #tpu.memory_space<vmem>> -> memref<128xi32, #tpu.memory_space<vmem>>
        %dma_start3A_276 = arith.constant 0 : i32
        %dma_start3A_277 = arith.constant 0 : i32
        %dma_start3A_278 = tpu.memref_slice %arg2[%dma_start3A_276, %dma_start3A_277] : memref<10000x128xf32, #tpu.memory_space<hbm>> -> memref<10000x128xf32, #tpu.memory_space<hbm>>
        tpu.enqueue_indirect_dma source(%dma_start3A_278 : memref<10000x128xf32, #tpu.memory_space<hbm>>) target(%arg10 : memref<128x128xf32, #tpu.memory_space<vmem>>) offsets(%dma_start3A_275 : memref<128xi32, #tpu.memory_space<vmem>>) semaphore(%arg15 : memref<!tpu.dma_semaphore, #tpu.memory_space<semaphore_mem>>)
      } else {
      }
      %lt3A_243 = arith.cmpi slt, %mul3A_236, %shift_right_logical3A_151 : i32
      %sub3A_244 = arith.subi %mul3A_236, %shift_right_logical3A_151 : i32
      %add3A_245 = arith.constant 22 : i32
      %add3A_246 = arith.addi %sub3A_244, %add3A_245 : i32
      %select_n3A_247 = arith.select %lt3A_243, %mul3A_236, %add3A_246 : i32
      %dma_wait3A = arith.constant 0 : i32
      %dma_wait3A_248 = tpu.memref_slice %arg7[%select_n3A_247, %dma_wait3A] : memref<44x128xi32, #tpu.memory_space<vmem>> -> memref<1x128xi32, #tpu.memory_space<vmem>>
      %dma_wait3A_249 = tpu.memref_squeeze %dma_wait3A_248 : memref<1x128xi32, #tpu.memory_space<vmem>> -> memref<128xi32, #tpu.memory_space<vmem>>
      %dma_wait3A_250 = arith.constant 0 : i32
      %dma_wait3A_251 = arith.constant 0 : i32
      %dma_wait3A_252 = tpu.memref_slice %arg2[%dma_wait3A_250, %dma_wait3A_251] : memref<10000x128xf32, #tpu.memory_space<hbm>> -> memref<10000x128xf32, #tpu.memory_space<hbm>>
      tpu.wait_indirect_dma semaphore(%arg14 : memref<!tpu.dma_semaphore, #tpu.memory_space<semaphore_mem>>) src(%dma_wait3A_252 : memref<10000x128xf32, #tpu.memory_space<hbm>>) dst(%arg9 : memref<128x128xf32, #tpu.memory_space<vmem>>)
      %lt3A_253 = arith.cmpi slt, %mul3A_236, %shift_right_logical3A_151 : i32
      %sub3A_254 = arith.subi %mul3A_236, %shift_right_logical3A_151 : i32
      %add3A_255 = arith.constant 22 : i32
      %add3A_256 = arith.addi %sub3A_254, %add3A_255 : i32
      %select_n3A_257 = arith.select %lt3A_253, %mul3A_236, %add3A_256 : i32
      "tpu.region"() ({
        %run_scoped3A_269 = tpu.sem_alloc : memref<!tpu.dma_semaphore, #tpu.memory_space<semaphore_mem>>
        %dma_start3A = arith.constant 0 : i32
        %dma_start3A_270 = tpu.memref_slice %arg8[%select_n3A_257, %dma_start3A] : memref<44x128xi32, #tpu.memory_space<vmem>> -> memref<1x128xi32, #tpu.memory_space<vmem>>
        %dma_start3A_271 = tpu.memref_squeeze %dma_start3A_270 : memref<1x128xi32, #tpu.memory_space<vmem>> -> memref<128xi32, #tpu.memory_space<vmem>>
        %dma_start3A_272 = arith.constant 0 : i32
        %dma_start3A_273 = arith.constant 0 : i32
        %dma_start3A_274 = tpu.memref_slice %arg13[%dma_start3A_272, %dma_start3A_273] : memref<2688x128xf32, #tpu.memory_space<vmem_shared>> -> memref<2688x128xf32, #tpu.memory_space<vmem_shared>>
        tpu.enqueue_indirect_dma source(%arg9 : memref<128x128xf32, #tpu.memory_space<vmem>>) target(%dma_start3A_274 : memref<2688x128xf32, #tpu.memory_space<vmem_shared>>) offsets(%dma_start3A_271 : memref<128xi32, #tpu.memory_space<vmem>>) semaphore(%run_scoped3A_269 : memref<!tpu.dma_semaphore, #tpu.memory_space<semaphore_mem>>) {add = true}
        %dma_wait3A_275 = arith.constant 0 : i32
        %dma_wait3A_276 = tpu.memref_slice %arg8[%select_n3A_257, %dma_wait3A_275] : memref<44x128xi32, #tpu.memory_space<vmem>> -> memref<1x128xi32, #tpu.memory_space<vmem>>
        %dma_wait3A_277 = tpu.memref_squeeze %dma_wait3A_276 : memref<1x128xi32, #tpu.memory_space<vmem>> -> memref<128xi32, #tpu.memory_space<vmem>>
        %dma_wait3A_278 = arith.constant 0 : i32
        %dma_wait3A_279 = arith.constant 0 : i32
        %dma_wait3A_280 = tpu.memref_slice %arg13[%dma_wait3A_278, %dma_wait3A_279] : memref<2688x128xf32, #tpu.memory_space<vmem_shared>> -> memref<2688x128xf32, #tpu.memory_space<vmem_shared>>
        tpu.wait_indirect_dma semaphore(%run_scoped3A_269 : memref<!tpu.dma_semaphore, #tpu.memory_space<semaphore_mem>>) src(%arg9 : memref<128x128xf32, #tpu.memory_space<vmem>>) dst(%dma_wait3A_280 : memref<2688x128xf32, #tpu.memory_space<vmem_shared>>)
        tpu.yield
      }) : () -> ()
      %add3A_258 = arith.constant 2 : i32
      %add3A_259 = arith.addi %mul3A_236, %add3A_258 : i32
      %lt3A_260 = arith.cmpi slt, %add3A_259, %add3A_172 : i32
      %convert_element_type3A_261 = arith.extui %lt3A_260 : i1 to i32
      %cond3A_262 = arith.constant 0 : i32
      %cond3A_263 = arith.cmpi ne, %convert_element_type3A_261, %cond3A_262 : i32
      scf.if %cond3A_263 {
        %add3A_269 = arith.constant 2 : i32
        %add3A_270 = arith.addi %mul3A_236, %add3A_269 : i32
        %lt3A_271 = arith.cmpi slt, %add3A_270, %shift_right_logical3A_151 : i32
        %sub3A_272 = arith.subi %add3A_270, %shift_right_logical3A_151 : i32
        %add3A_273 = arith.constant 22 : i32
        %add3A_274 = arith.addi %sub3A_272, %add3A_273 : i32
        %select_n3A_275 = arith.select %lt3A_271, %add3A_270, %add3A_274 : i32
        %dma_start3A = arith.constant 0 : i32
        %dma_start3A_276 = tpu.memref_slice %arg7[%select_n3A_275, %dma_start3A] : memref<44x128xi32, #tpu.memory_space<vmem>> -> memref<1x128xi32, #tpu.memory_space<vmem>>
        %dma_start3A_277 = tpu.memref_squeeze %dma_start3A_276 : memref<1x128xi32, #tpu.memory_space<vmem>> -> memref<128xi32, #tpu.memory_space<vmem>>
        %dma_start3A_278 = arith.constant 0 : i32
        %dma_start3A_279 = arith.constant 0 : i32
        %dma_start3A_280 = tpu.memref_slice %arg2[%dma_start3A_278, %dma_start3A_279] : memref<10000x128xf32, #tpu.memory_space<hbm>> -> memref<10000x128xf32, #tpu.memory_space<hbm>>
        tpu.enqueue_indirect_dma source(%dma_start3A_280 : memref<10000x128xf32, #tpu.memory_space<hbm>>) target(%arg9 : memref<128x128xf32, #tpu.memory_space<vmem>>) offsets(%dma_start3A_277 : memref<128xi32, #tpu.memory_space<vmem>>) semaphore(%arg14 : memref<!tpu.dma_semaphore, #tpu.memory_space<semaphore_mem>>)
      } else {
      }
      %lt3A_264 = arith.cmpi slt, %add3A_238, %add3A_172 : i32
      %convert_element_type3A_265 = arith.extui %lt3A_264 : i1 to i32
      %cond3A_266 = arith.constant 0 : i32
      %cond3A_267 = arith.cmpi ne, %convert_element_type3A_265, %cond3A_266 : i32
      scf.if %cond3A_267 {
        %lt3A_269 = arith.cmpi slt, %add3A_238, %shift_right_logical3A_151 : i32
        %sub3A_270 = arith.subi %add3A_238, %shift_right_logical3A_151 : i32
        %add3A_271 = arith.constant 22 : i32
        %add3A_272 = arith.addi %sub3A_270, %add3A_271 : i32
        %select_n3A_273 = arith.select %lt3A_269, %add3A_238, %add3A_272 : i32
        %dma_wait3A_274 = arith.constant 0 : i32
        %dma_wait3A_275 = tpu.memref_slice %arg7[%select_n3A_273, %dma_wait3A_274] : memref<44x128xi32, #tpu.memory_space<vmem>> -> memref<1x128xi32, #tpu.memory_space<vmem>>
        %dma_wait3A_276 = tpu.memref_squeeze %dma_wait3A_275 : memref<1x128xi32, #tpu.memory_space<vmem>> -> memref<128xi32, #tpu.memory_space<vmem>>
        %dma_wait3A_277 = arith.constant 0 : i32
        %dma_wait3A_278 = arith.constant 0 : i32
        %dma_wait3A_279 = tpu.memref_slice %arg2[%dma_wait3A_277, %dma_wait3A_278] : memref<10000x128xf32, #tpu.memory_space<hbm>> -> memref<10000x128xf32, #tpu.memory_space<hbm>>
        tpu.wait_indirect_dma semaphore(%arg15 : memref<!tpu.dma_semaphore, #tpu.memory_space<semaphore_mem>>) src(%dma_wait3A_279 : memref<10000x128xf32, #tpu.memory_space<hbm>>) dst(%arg10 : memref<128x128xf32, #tpu.memory_space<vmem>>)
        %lt3A_280 = arith.cmpi slt, %add3A_238, %shift_right_logical3A_151 : i32
        %sub3A_281 = arith.subi %add3A_238, %shift_right_logical3A_151 : i32
        %add3A_282 = arith.constant 22 : i32
        %add3A_283 = arith.addi %sub3A_281, %add3A_282 : i32
        %select_n3A_284 = arith.select %lt3A_280, %add3A_238, %add3A_283 : i32
        "tpu.region"() ({
          %run_scoped3A_285 = tpu.sem_alloc : memref<!tpu.dma_semaphore, #tpu.memory_space<semaphore_mem>>
          %dma_start3A = arith.constant 0 : i32
          %dma_start3A_286 = tpu.memref_slice %arg8[%select_n3A_284, %dma_start3A] : memref<44x128xi32, #tpu.memory_space<vmem>> -> memref<1x128xi32, #tpu.memory_space<vmem>>
          %dma_start3A_287 = tpu.memref_squeeze %dma_start3A_286 : memref<1x128xi32, #tpu.memory_space<vmem>> -> memref<128xi32, #tpu.memory_space<vmem>>
          %dma_start3A_288 = arith.constant 0 : i32
          %dma_start3A_289 = arith.constant 0 : i32
          %dma_start3A_290 = tpu.memref_slice %arg13[%dma_start3A_288, %dma_start3A_289] : memref<2688x128xf32, #tpu.memory_space<vmem_shared>> -> memref<2688x128xf32, #tpu.memory_space<vmem_shared>>
          tpu.enqueue_indirect_dma source(%arg10 : memref<128x128xf32, #tpu.memory_space<vmem>>) target(%dma_start3A_290 : memref<2688x128xf32, #tpu.memory_space<vmem_shared>>) offsets(%dma_start3A_287 : memref<128xi32, #tpu.memory_space<vmem>>) semaphore(%run_scoped3A_285 : memref<!tpu.dma_semaphore, #tpu.memory_space<semaphore_mem>>) {add = true}
          %dma_wait3A_291 = arith.constant 0 : i32
          %dma_wait3A_292 = tpu.memref_slice %arg8[%select_n3A_284, %dma_wait3A_291] : memref<44x128xi32, #tpu.memory_space<vmem>> -> memref<1x128xi32, #tpu.memory_space<vmem>>
          %dma_wait3A_293 = tpu.memref_squeeze %dma_wait3A_292 : memref<1x128xi32, #tpu.memory_space<vmem>> -> memref<128xi32, #tpu.memory_space<vmem>>
          %dma_wait3A_294 = arith.constant 0 : i32
          %dma_wait3A_295 = arith.constant 0 : i32
          %dma_wait3A_296 = tpu.memref_slice %arg13[%dma_wait3A_294, %dma_wait3A_295] : memref<2688x128xf32, #tpu.memory_space<vmem_shared>> -> memref<2688x128xf32, #tpu.memory_space<vmem_shared>>
          tpu.wait_indirect_dma semaphore(%run_scoped3A_285 : memref<!tpu.dma_semaphore, #tpu.memory_space<semaphore_mem>>) src(%arg10 : memref<128x128xf32, #tpu.memory_space<vmem>>) dst(%dma_wait3A_296 : memref<2688x128xf32, #tpu.memory_space<vmem_shared>>)
          tpu.yield
        }) : () -> ()
      } else {
      }
      %while3A_268 = arith.constant 0 : i32
      scf.yield %while3A_268 : i32
    }
    %barrier3A_216 = arith.constant 0 : index
    tpu.barrier barrier_id(%barrier3A_216)
    %mul3A_217 = arith.constant 2528 : i32
    %mul3A_218 = arith.muli %add3A_114, %mul3A_217 : i32
    %mul3A_219 = arith.constant 160 : i32
    %mul3A_220 = arith.muli %mul3A_219, %arg1 : i32
    %add3A_221 = arith.addi %mul3A_218, %mul3A_220 : i32
    %lt3A_222 = arith.constant 15 : i32
    %lt3A_223 = arith.cmpi slt, %arg1, %lt3A_222 : i32
    %convert_element_type3A_224 = arith.extui %lt3A_223 : i1 to i32
    %cond3A_225 = arith.constant 0 : i32
    %cond3A_226 = arith.cmpi ne, %convert_element_type3A_224, %cond3A_225 : i32
    scf.if %cond3A_226 {
      %mul3A_233 = arith.constant 160 : i32
      %mul3A_234 = arith.muli %mul3A_233, %arg1 : i32
      "tpu.region"() ({
        %run_scoped3A_235 = tpu.sem_alloc : memref<!tpu.dma_semaphore, #tpu.memory_space<semaphore_mem>>
        %dma_start3A = arith.constant 0 : i32
        %dma_start3A_236 = tpu.memref_slice %arg6[%add3A_221, %dma_start3A] : memref<10112x128xf32, #tpu.memory_space<hbm>> -> memref<160x128xf32, #tpu.memory_space<hbm>>
        %dma_start3A_237 = arith.constant 0 : i32
        %dma_start3A_238 = tpu.memref_slice %arg13[%mul3A_234, %dma_start3A_237] : memref<2688x128xf32, #tpu.memory_space<vmem_shared>> -> memref<160x128xf32, #tpu.memory_space<vmem_shared>>
        tpu.enqueue_dma source(%dma_start3A_238 : memref<160x128xf32, #tpu.memory_space<vmem_shared>>) target(%dma_start3A_236 : memref<160x128xf32, #tpu.memory_space<hbm>>) target_semaphore(%run_scoped3A_235 : memref<!tpu.dma_semaphore, #tpu.memory_space<semaphore_mem>>)
        %dma_wait3A = arith.constant 0 : i32
        %dma_wait3A_239 = tpu.memref_slice %arg6[%add3A_221, %dma_wait3A] : memref<10112x128xf32, #tpu.memory_space<hbm>> -> memref<160x128xf32, #tpu.memory_space<hbm>>
        %dma_wait3A_240 = arith.constant 0 : i32
        %dma_wait3A_241 = tpu.memref_slice %arg13[%mul3A_234, %dma_wait3A_240] : memref<2688x128xf32, #tpu.memory_space<vmem_shared>> -> memref<160x128xf32, #tpu.memory_space<vmem_shared>>
        tpu.wait_dma2 semaphore(%run_scoped3A_235 : memref<!tpu.dma_semaphore, #tpu.memory_space<semaphore_mem>>) src(%dma_wait3A_241 : memref<160x128xf32, #tpu.memory_space<vmem_shared>>) dst(%dma_wait3A_239 : memref<160x128xf32, #tpu.memory_space<hbm>>)
        tpu.yield
      }) : () -> ()
    } else {
    }
    %eq3A_227 = arith.constant 15 : i32
    %eq3A_228 = arith.cmpi eq, %arg1, %eq3A_227 : i32
    %convert_element_type3A_229 = arith.extui %eq3A_228 : i1 to i32
    %cond3A_230 = arith.constant 0 : i32
    %cond3A_231 = arith.cmpi ne, %convert_element_type3A_229, %cond3A_230 : i32
    scf.if %cond3A_231 {
      %mul3A_233 = arith.constant 160 : i32
      %mul3A_234 = arith.muli %mul3A_233, %arg1 : i32
      "tpu.region"() ({
        %run_scoped3A_235 = tpu.sem_alloc : memref<!tpu.dma_semaphore, #tpu.memory_space<semaphore_mem>>
        %dma_start3A = arith.constant 0 : i32
        %dma_start3A_236 = tpu.memref_slice %arg6[%add3A_221, %dma_start3A] : memref<10112x128xf32, #tpu.memory_space<hbm>> -> memref<128x128xf32, #tpu.memory_space<hbm>>
        %dma_start3A_237 = arith.constant 0 : i32
        %dma_start3A_238 = tpu.memref_slice %arg13[%mul3A_234, %dma_start3A_237] : memref<2688x128xf32, #tpu.memory_space<vmem_shared>> -> memref<128x128xf32, #tpu.memory_space<vmem_shared>>
        tpu.enqueue_dma source(%dma_start3A_238 : memref<128x128xf32, #tpu.memory_space<vmem_shared>>) target(%dma_start3A_236 : memref<128x128xf32, #tpu.memory_space<hbm>>) target_semaphore(%run_scoped3A_235 : memref<!tpu.dma_semaphore, #tpu.memory_space<semaphore_mem>>)
        %dma_wait3A = arith.constant 0 : i32
        %dma_wait3A_239 = tpu.memref_slice %arg6[%add3A_221, %dma_wait3A] : memref<10112x128xf32, #tpu.memory_space<hbm>> -> memref<128x128xf32, #tpu.memory_space<hbm>>
        %dma_wait3A_240 = arith.constant 0 : i32
        %dma_wait3A_241 = tpu.memref_slice %arg13[%mul3A_234, %dma_wait3A_240] : memref<2688x128xf32, #tpu.memory_space<vmem_shared>> -> memref<128x128xf32, #tpu.memory_space<vmem_shared>>
        tpu.wait_dma2 semaphore(%run_scoped3A_235 : memref<!tpu.dma_semaphore, #tpu.memory_space<semaphore_mem>>) src(%dma_wait3A_241 : memref<128x128xf32, #tpu.memory_space<vmem_shared>>) dst(%dma_wait3A_239 : memref<128x128xf32, #tpu.memory_space<hbm>>)
        tpu.yield
      }) : () -> ()
    } else {
    }
    %barrier3A_232 = arith.constant 0 : index
    tpu.barrier barrier_id(%barrier3A_232)
    return
  }
}

#map = affine_map<(d0, d1) -> (0, 0)>
#map1 = affine_map<(d0, d1) -> (0, 0, 0, 0)>
module attributes {stable_mosaic.version = 14 : i64} {
  func.func @_agg_body(%arg0: i32, %arg1: i32, %arg2: memref<10000x128xf32, #tpu.memory_space<hbm>>, %arg3: memref<32x4x22x128xi32, #tpu.memory_space<hbm>>, %arg4: memref<32x4x22x128xi32, #tpu.memory_space<hbm>>, %arg5: memref<32x64xi32, #tpu.memory_space<hbm>>, %arg6: memref<10112x128xf32, #tpu.memory_space<hbm>>, %arg7: memref<44x128xi32, #tpu.memory_space<vmem>>, %arg8: memref<44x128xi32, #tpu.memory_space<vmem>>, %arg9: memref<128x128xf32, #tpu.memory_space<vmem>>, %arg10: memref<128x128xf32, #tpu.memory_space<vmem>>, %arg11: memref<2x64xi32, #tpu.memory_space<vmem>>, %arg12: memref<128x128xf32, #tpu.memory_space<vmem>>, %arg13: memref<2688x128xf32, #tpu.memory_space<vmem_shared>>, %arg14: memref<!tpu.dma_semaphore, #tpu.memory_space<semaphore_mem>>, %arg15: memref<!tpu.dma_semaphore, #tpu.memory_space<semaphore_mem>>) attributes {dimension_semantics = [#tpu.dimension_semantics<core_parallel>, #tpu.dimension_semantics<subcore_parallel>], iteration_bounds = array<i64: 2, 16>, scalar_prefetch = 0 : i64, scratch_operands = 9 : i64, tpu.core_type = #tpu.core_type<sc_vector_subcore>, window_params = [{transform_indices = #map}, {transform_indices = #map1}, {transform_indices = #map1}, {transform_indices = #map}, {transform_indices = #map}]} {
    %scan3A = arith.constant 0 : i32
    %scan3A_0 = arith.constant 0 : i32
    %scan3A_1 = arith.constant 128 : i32
    %scan3A_2 = arith.addi %scan3A_0, %scan3A_1 : i32
    %scan3A_3 = arith.constant 1 : i32
    %scan3A_4 = scf.for %scan3A_233 = %scan3A_0 to %scan3A_2 step %scan3A_3 iter_args(%scan3A_234 = %scan3A) -> (i32)  : i32 {
      %broadcast_in_dim3A = arith.constant 0.000000e+00 : f32
      %broadcast_in_dim3A_235 = vector.broadcast %broadcast_in_dim3A : f32 to vector<16xf32>
      %swap3A = arith.index_cast %scan3A_233 : i32 to index
      %swap3A_236 = arith.constant 0 : index
      %swap3A_237 = tpu.vector_load %arg12[%swap3A, %swap3A_236] {strides = array<i32>} : memref<128x128xf32, #tpu.memory_space<vmem>>, vector<16xf32>,
      tpu.vector_store %arg12[%swap3A, %swap3A_236], %broadcast_in_dim3A_235 {strides = array<i32>} : memref<128x128xf32, #tpu.memory_space<vmem>>, vector<16xf32>,
      %broadcast_in_dim3A_238 = arith.constant 0.000000e+00 : f32
      %broadcast_in_dim3A_239 = vector.broadcast %broadcast_in_dim3A_238 : f32 to vector<16xf32>
      %swap3A_240 = arith.index_cast %scan3A_233 : i32 to index
      %swap3A_241 = arith.constant 16 : index
      %swap3A_242 = tpu.vector_load %arg12[%swap3A_240, %swap3A_241] {strides = array<i32>} : memref<128x128xf32, #tpu.memory_space<vmem>>, vector<16xf32>,
      tpu.vector_store %arg12[%swap3A_240, %swap3A_241], %broadcast_in_dim3A_239 {strides = array<i32>} : memref<128x128xf32, #tpu.memory_space<vmem>>, vector<16xf32>,
      %broadcast_in_dim3A_243 = arith.constant 0.000000e+00 : f32
      %broadcast_in_dim3A_244 = vector.broadcast %broadcast_in_dim3A_243 : f32 to vector<16xf32>
      %swap3A_245 = arith.index_cast %scan3A_233 : i32 to index
      %swap3A_246 = arith.constant 32 : index
      %swap3A_247 = tpu.vector_load %arg12[%swap3A_245, %swap3A_246] {strides = array<i32>} : memref<128x128xf32, #tpu.memory_space<vmem>>, vector<16xf32>,
      tpu.vector_store %arg12[%swap3A_245, %swap3A_246], %broadcast_in_dim3A_244 {strides = array<i32>} : memref<128x128xf32, #tpu.memory_space<vmem>>, vector<16xf32>,
      %broadcast_in_dim3A_248 = arith.constant 0.000000e+00 : f32
      %broadcast_in_dim3A_249 = vector.broadcast %broadcast_in_dim3A_248 : f32 to vector<16xf32>
      %swap3A_250 = arith.index_cast %scan3A_233 : i32 to index
      %swap3A_251 = arith.constant 48 : index
      %swap3A_252 = tpu.vector_load %arg12[%swap3A_250, %swap3A_251] {strides = array<i32>} : memref<128x128xf32, #tpu.memory_space<vmem>>, vector<16xf32>,
      tpu.vector_store %arg12[%swap3A_250, %swap3A_251], %broadcast_in_dim3A_249 {strides = array<i32>} : memref<128x128xf32, #tpu.memory_space<vmem>>, vector<16xf32>,
      %broadcast_in_dim3A_253 = arith.constant 0.000000e+00 : f32
      %broadcast_in_dim3A_254 = vector.broadcast %broadcast_in_dim3A_253 : f32 to vector<16xf32>
      %swap3A_255 = arith.index_cast %scan3A_233 : i32 to index
      %swap3A_256 = arith.constant 64 : index
      %swap3A_257 = tpu.vector_load %arg12[%swap3A_255, %swap3A_256] {strides = array<i32>} : memref<128x128xf32, #tpu.memory_space<vmem>>, vector<16xf32>,
      tpu.vector_store %arg12[%swap3A_255, %swap3A_256], %broadcast_in_dim3A_254 {strides = array<i32>} : memref<128x128xf32, #tpu.memory_space<vmem>>, vector<16xf32>,
      %broadcast_in_dim3A_258 = arith.constant 0.000000e+00 : f32
      %broadcast_in_dim3A_259 = vector.broadcast %broadcast_in_dim3A_258 : f32 to vector<16xf32>
      %swap3A_260 = arith.index_cast %scan3A_233 : i32 to index
      %swap3A_261 = arith.constant 80 : index
      %swap3A_262 = tpu.vector_load %arg12[%swap3A_260, %swap3A_261] {strides = array<i32>} : memref<128x128xf32, #tpu.memory_space<vmem>>, vector<16xf32>,
      tpu.vector_store %arg12[%swap3A_260, %swap3A_261], %broadcast_in_dim3A_259 {strides = array<i32>} : memref<128x128xf32, #tpu.memory_space<vmem>>, vector<16xf32>,
      %broadcast_in_dim3A_263 = arith.constant 0.000000e+00 : f32
      %broadcast_in_dim3A_264 = vector.broadcast %broadcast_in_dim3A_263 : f32 to vector<16xf32>
      %swap3A_265 = arith.index_cast %scan3A_233 : i32 to index
      %swap3A_266 = arith.constant 96 : index
      %swap3A_267 = tpu.vector_load %arg12[%swap3A_265, %swap3A_266] {strides = array<i32>} : memref<128x128xf32, #tpu.memory_space<vmem>>, vector<16xf32>,
      tpu.vector_store %arg12[%swap3A_265, %swap3A_266], %broadcast_in_dim3A_264 {strides = array<i32>} : memref<128x128xf32, #tpu.memory_space<vmem>>, vector<16xf32>,
      %broadcast_in_dim3A_268 = arith.constant 0.000000e+00 : f32
      %broadcast_in_dim3A_269 = vector.broadcast %broadcast_in_dim3A_268 : f32 to vector<16xf32>
      %swap3A_270 = arith.index_cast %scan3A_233 : i32 to index
      %swap3A_271 = arith.constant 112 : index
      %swap3A_272 = tpu.vector_load %arg12[%swap3A_270, %swap3A_271] {strides = array<i32>} : memref<128x128xf32, #tpu.memory_space<vmem>>, vector<16xf32>,
      tpu.vector_store %arg12[%swap3A_270, %swap3A_271], %broadcast_in_dim3A_269 {strides = array<i32>} : memref<128x128xf32, #tpu.memory_space<vmem>>, vector<16xf32>,
      %scan3A_273 = arith.constant 0 : i32
      scf.yield %scan3A_273 : i32
    }
    %scan3A_5 = arith.constant 128 : i32
    %mul3A = arith.constant 2 : i32
    %mul3A_6 = arith.muli %mul3A, %arg1 : i32
    %run_scoped3A = arith.constant 0 : i32
    "tpu.region"() ({
      %run_scoped3A_233 = tpu.sem_alloc : memref<!tpu.dma_semaphore, #tpu.memory_space<semaphore_mem>>
      %dma_start3A = arith.constant 0 : i32
      %dma_start3A_234 = tpu.memref_slice %arg11[%run_scoped3A, %dma_start3A] : memref<2x64xi32, #tpu.memory_space<vmem>> -> memref<1x64xi32, #tpu.memory_space<vmem>>
      %dma_start3A_235 = tpu.memref_squeeze %dma_start3A_234 : memref<1x64xi32, #tpu.memory_space<vmem>> -> memref<64xi32, #tpu.memory_space<vmem>>
      %dma_start3A_236 = arith.constant 0 : i32
      %dma_start3A_237 = tpu.memref_slice %arg5[%mul3A_6, %dma_start3A_236] : memref<32x64xi32, #tpu.memory_space<hbm>> -> memref<1x64xi32, #tpu.memory_space<hbm>>
      %dma_start3A_238 = tpu.memref_squeeze %dma_start3A_237 : memref<1x64xi32, #tpu.memory_space<hbm>> -> memref<64xi32, #tpu.memory_space<hbm>>
      %dma_start3A_239 = arith.constant 0 : i32
      %dma_start3A_240 = tpu.memref_slice %arg11[%run_scoped3A, %dma_start3A_239] : memref<2x64xi32, #tpu.memory_space<vmem>> -> memref<1x64xi32, #tpu.memory_space<vmem>>
      %dma_start3A_241 = tpu.memref_squeeze %dma_start3A_240 : memref<1x64xi32, #tpu.memory_space<vmem>> -> memref<64xi32, #tpu.memory_space<vmem>>
      %dma_start3A_242 = arith.constant 0 : i32
      %dma_start3A_243 = tpu.memref_slice %arg5[%mul3A_6, %dma_start3A_242] : memref<32x64xi32, #tpu.memory_space<hbm>> -> memref<1x64xi32, #tpu.memory_space<hbm>>
      %dma_start3A_244 = tpu.memref_squeeze %dma_start3A_243 : memref<1x64xi32, #tpu.memory_space<hbm>> -> memref<64xi32, #tpu.memory_space<hbm>>
      tpu.enqueue_dma source(%dma_start3A_244 : memref<64xi32, #tpu.memory_space<hbm>>) target(%dma_start3A_241 : memref<64xi32, #tpu.memory_space<vmem>>) target_semaphore(%run_scoped3A_233 : memref<!tpu.dma_semaphore, #tpu.memory_space<semaphore_mem>>)
      %dma_wait3A = arith.constant 0 : i32
      %dma_wait3A_245 = tpu.memref_slice %arg11[%run_scoped3A, %dma_wait3A] : memref<2x64xi32, #tpu.memory_space<vmem>> -> memref<1x64xi32, #tpu.memory_space<vmem>>
      %dma_wait3A_246 = tpu.memref_squeeze %dma_wait3A_245 : memref<1x64xi32, #tpu.memory_space<vmem>> -> memref<64xi32, #tpu.memory_space<vmem>>
      %dma_wait3A_247 = arith.constant 0 : i32
      %dma_wait3A_248 = tpu.memref_slice %arg5[%mul3A_6, %dma_wait3A_247] : memref<32x64xi32, #tpu.memory_space<hbm>> -> memref<1x64xi32, #tpu.memory_space<hbm>>
      %dma_wait3A_249 = tpu.memref_squeeze %dma_wait3A_248 : memref<1x64xi32, #tpu.memory_space<hbm>> -> memref<64xi32, #tpu.memory_space<hbm>>
      %dma_wait3A_250 = arith.constant 0 : i32
      %dma_wait3A_251 = tpu.memref_slice %arg11[%run_scoped3A, %dma_wait3A_250] : memref<2x64xi32, #tpu.memory_space<vmem>> -> memref<1x64xi32, #tpu.memory_space<vmem>>
      %dma_wait3A_252 = tpu.memref_squeeze %dma_wait3A_251 : memref<1x64xi32, #tpu.memory_space<vmem>> -> memref<64xi32, #tpu.memory_space<vmem>>
      %dma_wait3A_253 = arith.constant 0 : i32
      %dma_wait3A_254 = tpu.memref_slice %arg5[%mul3A_6, %dma_wait3A_253] : memref<32x64xi32, #tpu.memory_space<hbm>> -> memref<1x64xi32, #tpu.memory_space<hbm>>
      %dma_wait3A_255 = tpu.memref_squeeze %dma_wait3A_254 : memref<1x64xi32, #tpu.memory_space<hbm>> -> memref<64xi32, #tpu.memory_space<hbm>>
      tpu.wait_dma2 semaphore(%run_scoped3A_233 : memref<!tpu.dma_semaphore, #tpu.memory_space<semaphore_mem>>) src(%dma_wait3A_255 : memref<64xi32, #tpu.memory_space<hbm>>) dst(%dma_wait3A_252 : memref<64xi32, #tpu.memory_space<vmem>>)
      tpu.yield
    }) : () -> ()
    %mul3A_7 = arith.constant 2 : i32
    %mul3A_8 = arith.muli %mul3A_7, %arg1 : i32
    %add3A = arith.constant 1 : i32
    %add3A_9 = arith.addi %mul3A_8, %add3A : i32
    %run_scoped3A_10 = arith.constant 1 : i32
    "tpu.region"() ({
      %run_scoped3A_233 = tpu.sem_alloc : memref<!tpu.dma_semaphore, #tpu.memory_space<semaphore_mem>>
      %dma_start3A = arith.constant 0 : i32
      %dma_start3A_234 = tpu.memref_slice %arg11[%run_scoped3A_10, %dma_start3A] : memref<2x64xi32, #tpu.memory_space<vmem>> -> memref<1x64xi32, #tpu.memory_space<vmem>>
      %dma_start3A_235 = tpu.memref_squeeze %dma_start3A_234 : memref<1x64xi32, #tpu.memory_space<vmem>> -> memref<64xi32, #tpu.memory_space<vmem>>
      %dma_start3A_236 = arith.constant 0 : i32
      %dma_start3A_237 = tpu.memref_slice %arg5[%add3A_9, %dma_start3A_236] : memref<32x64xi32, #tpu.memory_space<hbm>> -> memref<1x64xi32, #tpu.memory_space<hbm>>
      %dma_start3A_238 = tpu.memref_squeeze %dma_start3A_237 : memref<1x64xi32, #tpu.memory_space<hbm>> -> memref<64xi32, #tpu.memory_space<hbm>>
      %dma_start3A_239 = arith.constant 0 : i32
      %dma_start3A_240 = tpu.memref_slice %arg11[%run_scoped3A_10, %dma_start3A_239] : memref<2x64xi32, #tpu.memory_space<vmem>> -> memref<1x64xi32, #tpu.memory_space<vmem>>
      %dma_start3A_241 = tpu.memref_squeeze %dma_start3A_240 : memref<1x64xi32, #tpu.memory_space<vmem>> -> memref<64xi32, #tpu.memory_space<vmem>>
      %dma_start3A_242 = arith.constant 0 : i32
      %dma_start3A_243 = tpu.memref_slice %arg5[%add3A_9, %dma_start3A_242] : memref<32x64xi32, #tpu.memory_space<hbm>> -> memref<1x64xi32, #tpu.memory_space<hbm>>
      %dma_start3A_244 = tpu.memref_squeeze %dma_start3A_243 : memref<1x64xi32, #tpu.memory_space<hbm>> -> memref<64xi32, #tpu.memory_space<hbm>>
      tpu.enqueue_dma source(%dma_start3A_244 : memref<64xi32, #tpu.memory_space<hbm>>) target(%dma_start3A_241 : memref<64xi32, #tpu.memory_space<vmem>>) target_semaphore(%run_scoped3A_233 : memref<!tpu.dma_semaphore, #tpu.memory_space<semaphore_mem>>)
      %dma_wait3A = arith.constant 0 : i32
      %dma_wait3A_245 = tpu.memref_slice %arg11[%run_scoped3A_10, %dma_wait3A] : memref<2x64xi32, #tpu.memory_space<vmem>> -> memref<1x64xi32, #tpu.memory_space<vmem>>
      %dma_wait3A_246 = tpu.memref_squeeze %dma_wait3A_245 : memref<1x64xi32, #tpu.memory_space<vmem>> -> memref<64xi32, #tpu.memory_space<vmem>>
      %dma_wait3A_247 = arith.constant 0 : i32
      %dma_wait3A_248 = tpu.memref_slice %arg5[%add3A_9, %dma_wait3A_247] : memref<32x64xi32, #tpu.memory_space<hbm>> -> memref<1x64xi32, #tpu.memory_space<hbm>>
      %dma_wait3A_249 = tpu.memref_squeeze %dma_wait3A_248 : memref<1x64xi32, #tpu.memory_space<hbm>> -> memref<64xi32, #tpu.memory_space<hbm>>
      %dma_wait3A_250 = arith.constant 0 : i32
      %dma_wait3A_251 = tpu.memref_slice %arg11[%run_scoped3A_10, %dma_wait3A_250] : memref<2x64xi32, #tpu.memory_space<vmem>> -> memref<1x64xi32, #tpu.memory_space<vmem>>
      %dma_wait3A_252 = tpu.memref_squeeze %dma_wait3A_251 : memref<1x64xi32, #tpu.memory_space<vmem>> -> memref<64xi32, #tpu.memory_space<vmem>>
      %dma_wait3A_253 = arith.constant 0 : i32
      %dma_wait3A_254 = tpu.memref_slice %arg5[%add3A_9, %dma_wait3A_253] : memref<32x64xi32, #tpu.memory_space<hbm>> -> memref<1x64xi32, #tpu.memory_space<hbm>>
      %dma_wait3A_255 = tpu.memref_squeeze %dma_wait3A_254 : memref<1x64xi32, #tpu.memory_space<hbm>> -> memref<64xi32, #tpu.memory_space<hbm>>
      tpu.wait_dma2 semaphore(%run_scoped3A_233 : memref<!tpu.dma_semaphore, #tpu.memory_space<semaphore_mem>>) src(%dma_wait3A_255 : memref<64xi32, #tpu.memory_space<hbm>>) dst(%dma_wait3A_252 : memref<64xi32, #tpu.memory_space<vmem>>)
      tpu.yield
    }) : () -> ()
    %add3A_11 = arith.constant 0 : i32
    %add3A_12 = arith.addi %add3A_11, %arg0 : i32
    %mul3A_13 = arith.constant 168 : i32
    %mul3A_14 = arith.muli %arg1, %mul3A_13 : i32
    "tpu.region"() ({
      %run_scoped3A_233 = tpu.sem_alloc : memref<!tpu.dma_semaphore, #tpu.memory_space<semaphore_mem>>
      %dma_start3A = arith.constant 0 : i32
      %dma_start3A_234 = tpu.memref_slice %arg13[%mul3A_14, %dma_start3A] : memref<2688x128xf32, #tpu.memory_space<vmem_shared>> -> memref<128x128xf32, #tpu.memory_space<vmem_shared>>
      %dma_start3A_235 = arith.constant 0 : i32
      %dma_start3A_236 = tpu.memref_slice %arg13[%mul3A_14, %dma_start3A_235] : memref<2688x128xf32, #tpu.memory_space<vmem_shared>> -> memref<128x128xf32, #tpu.memory_space<vmem_shared>>
      tpu.enqueue_dma source(%arg12 : memref<128x128xf32, #tpu.memory_space<vmem>>) target(%dma_start3A_236 : memref<128x128xf32, #tpu.memory_space<vmem_shared>>) target_semaphore(%run_scoped3A_233 : memref<!tpu.dma_semaphore, #tpu.memory_space<semaphore_mem>>)
      %dma_wait3A = arith.constant 0 : i32
      %dma_wait3A_237 = tpu.memref_slice %arg13[%mul3A_14, %dma_wait3A] : memref<2688x128xf32, #tpu.memory_space<vmem_shared>> -> memref<128x128xf32, #tpu.memory_space<vmem_shared>>
      %dma_wait3A_238 = arith.constant 0 : i32
      %dma_wait3A_239 = tpu.memref_slice %arg13[%mul3A_14, %dma_wait3A_238] : memref<2688x128xf32, #tpu.memory_space<vmem_shared>> -> memref<128x128xf32, #tpu.memory_space<vmem_shared>>
      tpu.wait_dma2 semaphore(%run_scoped3A_233 : memref<!tpu.dma_semaphore, #tpu.memory_space<semaphore_mem>>) src(%arg12 : memref<128x128xf32, #tpu.memory_space<vmem>>) dst(%dma_wait3A_239 : memref<128x128xf32, #tpu.memory_space<vmem_shared>>)
      tpu.yield
    }) : () -> ()
    %add3A_15 = arith.constant 128 : i32
    %add3A_16 = arith.addi %mul3A_14, %add3A_15 : i32
    "tpu.region"() ({
      %run_scoped3A_233 = tpu.sem_alloc : memref<!tpu.dma_semaphore, #tpu.memory_space<semaphore_mem>>
      %dma_start3A = arith.constant 0 : i32
      %dma_start3A_234 = arith.constant 0 : i32
      %dma_start3A_235 = tpu.memref_slice %arg12[%dma_start3A, %dma_start3A_234] : memref<128x128xf32, #tpu.memory_space<vmem>> -> memref<40x128xf32, #tpu.memory_space<vmem>>
      %dma_start3A_236 = arith.constant 0 : i32
      %dma_start3A_237 = tpu.memref_slice %arg13[%add3A_16, %dma_start3A_236] : memref<2688x128xf32, #tpu.memory_space<vmem_shared>> -> memref<40x128xf32, #tpu.memory_space<vmem_shared>>
      %dma_start3A_238 = arith.constant 0 : i32
      %dma_start3A_239 = tpu.memref_slice %arg13[%add3A_16, %dma_start3A_238] : memref<2688x128xf32, #tpu.memory_space<vmem_shared>> -> memref<40x128xf32, #tpu.memory_space<vmem_shared>>
      %dma_start3A_240 = arith.constant 0 : i32
      %dma_start3A_241 = arith.constant 0 : i32
      %dma_start3A_242 = tpu.memref_slice %arg12[%dma_start3A_240, %dma_start3A_241] : memref<128x128xf32, #tpu.memory_space<vmem>> -> memref<40x128xf32, #tpu.memory_space<vmem>>
      tpu.enqueue_dma source(%dma_start3A_242 : memref<40x128xf32, #tpu.memory_space<vmem>>) target(%dma_start3A_239 : memref<40x128xf32, #tpu.memory_space<vmem_shared>>) target_semaphore(%run_scoped3A_233 : memref<!tpu.dma_semaphore, #tpu.memory_space<semaphore_mem>>)
      %dma_wait3A = arith.constant 0 : i32
      %dma_wait3A_243 = arith.constant 0 : i32
      %dma_wait3A_244 = tpu.memref_slice %arg12[%dma_wait3A, %dma_wait3A_243] : memref<128x128xf32, #tpu.memory_space<vmem>> -> memref<40x128xf32, #tpu.memory_space<vmem>>
      %dma_wait3A_245 = arith.constant 0 : i32
      %dma_wait3A_246 = tpu.memref_slice %arg13[%add3A_16, %dma_wait3A_245] : memref<2688x128xf32, #tpu.memory_space<vmem_shared>> -> memref<40x128xf32, #tpu.memory_space<vmem_shared>>
      %dma_wait3A_247 = arith.constant 0 : i32
      %dma_wait3A_248 = tpu.memref_slice %arg13[%add3A_16, %dma_wait3A_247] : memref<2688x128xf32, #tpu.memory_space<vmem_shared>> -> memref<40x128xf32, #tpu.memory_space<vmem_shared>>
      %dma_wait3A_249 = arith.constant 0 : i32
      %dma_wait3A_250 = arith.constant 0 : i32
      %dma_wait3A_251 = tpu.memref_slice %arg12[%dma_wait3A_249, %dma_wait3A_250] : memref<128x128xf32, #tpu.memory_space<vmem>> -> memref<40x128xf32, #tpu.memory_space<vmem>>
      tpu.wait_dma2 semaphore(%run_scoped3A_233 : memref<!tpu.dma_semaphore, #tpu.memory_space<semaphore_mem>>) src(%dma_wait3A_251 : memref<40x128xf32, #tpu.memory_space<vmem>>) dst(%dma_wait3A_248 : memref<40x128xf32, #tpu.memory_space<vmem_shared>>)
      tpu.yield
    }) : () -> ()
    %barrier3A = arith.constant 0 : index
    tpu.barrier barrier_id(%barrier3A)
    %mul3A_17 = arith.constant 2 : i32
    %mul3A_18 = arith.muli %mul3A_17, %arg1 : i32
    "tpu.region"() ({
      %run_scoped3A_233 = tpu.sem_alloc : memref<!tpu.dma_semaphore, #tpu.memory_space<semaphore_mem>>
      %dma_start3A = arith.constant 0 : i32
      %dma_start3A_234 = arith.constant 0 : i32
      %dma_start3A_235 = tpu.memref_slice %arg7[%dma_start3A, %dma_start3A_234] : memref<44x128xi32, #tpu.memory_space<vmem>> -> memref<22x128xi32, #tpu.memory_space<vmem>>
      %dma_start3A_236 = arith.constant 0 : i32
      %dma_start3A_237 = arith.constant 0 : i32
      %dma_start3A_238 = tpu.memref_slice %arg3[%mul3A_18, %add3A_12, %dma_start3A_236, %dma_start3A_237] : memref<32x4x22x128xi32, #tpu.memory_space<hbm>> -> memref<1x1x22x128xi32, #tpu.memory_space<hbm>>
      %dma_start3A_239 = tpu.memref_squeeze %dma_start3A_238 : memref<1x1x22x128xi32, #tpu.memory_space<hbm>> -> memref<22x128xi32, #tpu.memory_space<hbm>>
      %dma_start3A_240 = arith.constant 0 : i32
      %dma_start3A_241 = arith.constant 0 : i32
      %dma_start3A_242 = tpu.memref_slice %arg7[%dma_start3A_240, %dma_start3A_241] : memref<44x128xi32, #tpu.memory_space<vmem>> -> memref<22x128xi32, #tpu.memory_space<vmem>>
      %dma_start3A_243 = arith.constant 0 : i32
      %dma_start3A_244 = arith.constant 0 : i32
      %dma_start3A_245 = tpu.memref_slice %arg3[%mul3A_18, %add3A_12, %dma_start3A_243, %dma_start3A_244] : memref<32x4x22x128xi32, #tpu.memory_space<hbm>> -> memref<1x1x22x128xi32, #tpu.memory_space<hbm>>
      %dma_start3A_246 = tpu.memref_squeeze %dma_start3A_245 : memref<1x1x22x128xi32, #tpu.memory_space<hbm>> -> memref<22x128xi32, #tpu.memory_space<hbm>>
      tpu.enqueue_dma source(%dma_start3A_246 : memref<22x128xi32, #tpu.memory_space<hbm>>) target(%dma_start3A_242 : memref<22x128xi32, #tpu.memory_space<vmem>>) target_semaphore(%run_scoped3A_233 : memref<!tpu.dma_semaphore, #tpu.memory_space<semaphore_mem>>)
      %dma_wait3A = arith.constant 0 : i32
      %dma_wait3A_247 = arith.constant 0 : i32
      %dma_wait3A_248 = tpu.memref_slice %arg7[%dma_wait3A, %dma_wait3A_247] : memref<44x128xi32, #tpu.memory_space<vmem>> -> memref<22x128xi32, #tpu.memory_space<vmem>>
      %dma_wait3A_249 = arith.constant 0 : i32
      %dma_wait3A_250 = arith.constant 0 : i32
      %dma_wait3A_251 = tpu.memref_slice %arg3[%mul3A_18, %add3A_12, %dma_wait3A_249, %dma_wait3A_250] : memref<32x4x22x128xi32, #tpu.memory_space<hbm>> -> memref<1x1x22x128xi32, #tpu.memory_space<hbm>>
      %dma_wait3A_252 = tpu.memref_squeeze %dma_wait3A_251 : memref<1x1x22x128xi32, #tpu.memory_space<hbm>> -> memref<22x128xi32, #tpu.memory_space<hbm>>
      %dma_wait3A_253 = arith.constant 0 : i32
      %dma_wait3A_254 = arith.constant 0 : i32
      %dma_wait3A_255 = tpu.memref_slice %arg7[%dma_wait3A_253, %dma_wait3A_254] : memref<44x128xi32, #tpu.memory_space<vmem>> -> memref<22x128xi32, #tpu.memory_space<vmem>>
      %dma_wait3A_256 = arith.constant 0 : i32
      %dma_wait3A_257 = arith.constant 0 : i32
      %dma_wait3A_258 = tpu.memref_slice %arg3[%mul3A_18, %add3A_12, %dma_wait3A_256, %dma_wait3A_257] : memref<32x4x22x128xi32, #tpu.memory_space<hbm>> -> memref<1x1x22x128xi32, #tpu.memory_space<hbm>>
      %dma_wait3A_259 = tpu.memref_squeeze %dma_wait3A_258 : memref<1x1x22x128xi32, #tpu.memory_space<hbm>> -> memref<22x128xi32, #tpu.memory_space<hbm>>
      tpu.wait_dma2 semaphore(%run_scoped3A_233 : memref<!tpu.dma_semaphore, #tpu.memory_space<semaphore_mem>>) src(%dma_wait3A_259 : memref<22x128xi32, #tpu.memory_space<hbm>>) dst(%dma_wait3A_255 : memref<22x128xi32, #tpu.memory_space<vmem>>)
      tpu.yield
    }) : () -> ()
    %mul3A_19 = arith.constant 2 : i32
    %mul3A_20 = arith.muli %mul3A_19, %arg1 : i32
    %add3A_21 = arith.constant 1 : i32
    %add3A_22 = arith.addi %mul3A_20, %add3A_21 : i32
    "tpu.region"() ({
      %run_scoped3A_233 = tpu.sem_alloc : memref<!tpu.dma_semaphore, #tpu.memory_space<semaphore_mem>>
      %dma_start3A = arith.constant 22 : i32
      %dma_start3A_234 = arith.constant 0 : i32
      %dma_start3A_235 = tpu.memref_slice %arg7[%dma_start3A, %dma_start3A_234] : memref<44x128xi32, #tpu.memory_space<vmem>> -> memref<22x128xi32, #tpu.memory_space<vmem>>
      %dma_start3A_236 = arith.constant 0 : i32
      %dma_start3A_237 = arith.constant 0 : i32
      %dma_start3A_238 = tpu.memref_slice %arg3[%add3A_22, %add3A_12, %dma_start3A_236, %dma_start3A_237] : memref<32x4x22x128xi32, #tpu.memory_space<hbm>> -> memref<1x1x22x128xi32, #tpu.memory_space<hbm>>
      %dma_start3A_239 = tpu.memref_squeeze %dma_start3A_238 : memref<1x1x22x128xi32, #tpu.memory_space<hbm>> -> memref<22x128xi32, #tpu.memory_space<hbm>>
      %dma_start3A_240 = arith.constant 22 : i32
      %dma_start3A_241 = arith.constant 0 : i32
      %dma_start3A_242 = tpu.memref_slice %arg7[%dma_start3A_240, %dma_start3A_241] : memref<44x128xi32, #tpu.memory_space<vmem>> -> memref<22x128xi32, #tpu.memory_space<vmem>>
      %dma_start3A_243 = arith.constant 0 : i32
      %dma_start3A_244 = arith.constant 0 : i32
      %dma_start3A_245 = tpu.memref_slice %arg3[%add3A_22, %add3A_12, %dma_start3A_243, %dma_start3A_244] : memref<32x4x22x128xi32, #tpu.memory_space<hbm>> -> memref<1x1x22x128xi32, #tpu.memory_space<hbm>>
      %dma_start3A_246 = tpu.memref_squeeze %dma_start3A_245 : memref<1x1x22x128xi32, #tpu.memory_space<hbm>> -> memref<22x128xi32, #tpu.memory_space<hbm>>
      tpu.enqueue_dma source(%dma_start3A_246 : memref<22x128xi32, #tpu.memory_space<hbm>>) target(%dma_start3A_242 : memref<22x128xi32, #tpu.memory_space<vmem>>) target_semaphore(%run_scoped3A_233 : memref<!tpu.dma_semaphore, #tpu.memory_space<semaphore_mem>>)
      %dma_wait3A = arith.constant 22 : i32
      %dma_wait3A_247 = arith.constant 0 : i32
      %dma_wait3A_248 = tpu.memref_slice %arg7[%dma_wait3A, %dma_wait3A_247] : memref<44x128xi32, #tpu.memory_space<vmem>> -> memref<22x128xi32, #tpu.memory_space<vmem>>
      %dma_wait3A_249 = arith.constant 0 : i32
      %dma_wait3A_250 = arith.constant 0 : i32
      %dma_wait3A_251 = tpu.memref_slice %arg3[%add3A_22, %add3A_12, %dma_wait3A_249, %dma_wait3A_250] : memref<32x4x22x128xi32, #tpu.memory_space<hbm>> -> memref<1x1x22x128xi32, #tpu.memory_space<hbm>>
      %dma_wait3A_252 = tpu.memref_squeeze %dma_wait3A_251 : memref<1x1x22x128xi32, #tpu.memory_space<hbm>> -> memref<22x128xi32, #tpu.memory_space<hbm>>
      %dma_wait3A_253 = arith.constant 22 : i32
      %dma_wait3A_254 = arith.constant 0 : i32
      %dma_wait3A_255 = tpu.memref_slice %arg7[%dma_wait3A_253, %dma_wait3A_254] : memref<44x128xi32, #tpu.memory_space<vmem>> -> memref<22x128xi32, #tpu.memory_space<vmem>>
      %dma_wait3A_256 = arith.constant 0 : i32
      %dma_wait3A_257 = arith.constant 0 : i32
      %dma_wait3A_258 = tpu.memref_slice %arg3[%add3A_22, %add3A_12, %dma_wait3A_256, %dma_wait3A_257] : memref<32x4x22x128xi32, #tpu.memory_space<hbm>> -> memref<1x1x22x128xi32, #tpu.memory_space<hbm>>
      %dma_wait3A_259 = tpu.memref_squeeze %dma_wait3A_258 : memref<1x1x22x128xi32, #tpu.memory_space<hbm>> -> memref<22x128xi32, #tpu.memory_space<hbm>>
      tpu.wait_dma2 semaphore(%run_scoped3A_233 : memref<!tpu.dma_semaphore, #tpu.memory_space<semaphore_mem>>) src(%dma_wait3A_259 : memref<22x128xi32, #tpu.memory_space<hbm>>) dst(%dma_wait3A_255 : memref<22x128xi32, #tpu.memory_space<vmem>>)
      tpu.yield
    }) : () -> ()
    %mul3A_23 = arith.constant 2 : i32
    %mul3A_24 = arith.muli %mul3A_23, %arg1 : i32
    "tpu.region"() ({
      %run_scoped3A_233 = tpu.sem_alloc : memref<!tpu.dma_semaphore, #tpu.memory_space<semaphore_mem>>
      %dma_start3A = arith.constant 0 : i32
      %dma_start3A_234 = arith.constant 0 : i32
      %dma_start3A_235 = tpu.memref_slice %arg8[%dma_start3A, %dma_start3A_234] : memref<44x128xi32, #tpu.memory_space<vmem>> -> memref<22x128xi32, #tpu.memory_space<vmem>>
      %dma_start3A_236 = arith.constant 0 : i32
      %dma_start3A_237 = arith.constant 0 : i32
      %dma_start3A_238 = tpu.memref_slice %arg4[%mul3A_24, %add3A_12, %dma_start3A_236, %dma_start3A_237] : memref<32x4x22x128xi32, #tpu.memory_space<hbm>> -> memref<1x1x22x128xi32, #tpu.memory_space<hbm>>
      %dma_start3A_239 = tpu.memref_squeeze %dma_start3A_238 : memref<1x1x22x128xi32, #tpu.memory_space<hbm>> -> memref<22x128xi32, #tpu.memory_space<hbm>>
      %dma_start3A_240 = arith.constant 0 : i32
      %dma_start3A_241 = arith.constant 0 : i32
      %dma_start3A_242 = tpu.memref_slice %arg8[%dma_start3A_240, %dma_start3A_241] : memref<44x128xi32, #tpu.memory_space<vmem>> -> memref<22x128xi32, #tpu.memory_space<vmem>>
      %dma_start3A_243 = arith.constant 0 : i32
      %dma_start3A_244 = arith.constant 0 : i32
      %dma_start3A_245 = tpu.memref_slice %arg4[%mul3A_24, %add3A_12, %dma_start3A_243, %dma_start3A_244] : memref<32x4x22x128xi32, #tpu.memory_space<hbm>> -> memref<1x1x22x128xi32, #tpu.memory_space<hbm>>
      %dma_start3A_246 = tpu.memref_squeeze %dma_start3A_245 : memref<1x1x22x128xi32, #tpu.memory_space<hbm>> -> memref<22x128xi32, #tpu.memory_space<hbm>>
      tpu.enqueue_dma source(%dma_start3A_246 : memref<22x128xi32, #tpu.memory_space<hbm>>) target(%dma_start3A_242 : memref<22x128xi32, #tpu.memory_space<vmem>>) target_semaphore(%run_scoped3A_233 : memref<!tpu.dma_semaphore, #tpu.memory_space<semaphore_mem>>)
      %dma_wait3A = arith.constant 0 : i32
      %dma_wait3A_247 = arith.constant 0 : i32
      %dma_wait3A_248 = tpu.memref_slice %arg8[%dma_wait3A, %dma_wait3A_247] : memref<44x128xi32, #tpu.memory_space<vmem>> -> memref<22x128xi32, #tpu.memory_space<vmem>>
      %dma_wait3A_249 = arith.constant 0 : i32
      %dma_wait3A_250 = arith.constant 0 : i32
      %dma_wait3A_251 = tpu.memref_slice %arg4[%mul3A_24, %add3A_12, %dma_wait3A_249, %dma_wait3A_250] : memref<32x4x22x128xi32, #tpu.memory_space<hbm>> -> memref<1x1x22x128xi32, #tpu.memory_space<hbm>>
      %dma_wait3A_252 = tpu.memref_squeeze %dma_wait3A_251 : memref<1x1x22x128xi32, #tpu.memory_space<hbm>> -> memref<22x128xi32, #tpu.memory_space<hbm>>
      %dma_wait3A_253 = arith.constant 0 : i32
      %dma_wait3A_254 = arith.constant 0 : i32
      %dma_wait3A_255 = tpu.memref_slice %arg8[%dma_wait3A_253, %dma_wait3A_254] : memref<44x128xi32, #tpu.memory_space<vmem>> -> memref<22x128xi32, #tpu.memory_space<vmem>>
      %dma_wait3A_256 = arith.constant 0 : i32
      %dma_wait3A_257 = arith.constant 0 : i32
      %dma_wait3A_258 = tpu.memref_slice %arg4[%mul3A_24, %add3A_12, %dma_wait3A_256, %dma_wait3A_257] : memref<32x4x22x128xi32, #tpu.memory_space<hbm>> -> memref<1x1x22x128xi32, #tpu.memory_space<hbm>>
      %dma_wait3A_259 = tpu.memref_squeeze %dma_wait3A_258 : memref<1x1x22x128xi32, #tpu.memory_space<hbm>> -> memref<22x128xi32, #tpu.memory_space<hbm>>
      tpu.wait_dma2 semaphore(%run_scoped3A_233 : memref<!tpu.dma_semaphore, #tpu.memory_space<semaphore_mem>>) src(%dma_wait3A_259 : memref<22x128xi32, #tpu.memory_space<hbm>>) dst(%dma_wait3A_255 : memref<22x128xi32, #tpu.memory_space<vmem>>)
      tpu.yield
    }) : () -> ()
    %mul3A_25 = arith.constant 2 : i32
    %mul3A_26 = arith.muli %mul3A_25, %arg1 : i32
    %add3A_27 = arith.constant 1 : i32
    %add3A_28 = arith.addi %mul3A_26, %add3A_27 : i32
    "tpu.region"() ({
      %run_scoped3A_233 = tpu.sem_alloc : memref<!tpu.dma_semaphore, #tpu.memory_space<semaphore_mem>>
      %dma_start3A = arith.constant 22 : i32
      %dma_start3A_234 = arith.constant 0 : i32
      %dma_start3A_235 = tpu.memref_slice %arg8[%dma_start3A, %dma_start3A_234] : memref<44x128xi32, #tpu.memory_space<vmem>> -> memref<22x128xi32, #tpu.memory_space<vmem>>
      %dma_start3A_236 = arith.constant 0 : i32
      %dma_start3A_237 = arith.constant 0 : i32
      %dma_start3A_238 = tpu.memref_slice %arg4[%add3A_28, %add3A_12, %dma_start3A_236, %dma_start3A_237] : memref<32x4x22x128xi32, #tpu.memory_space<hbm>> -> memref<1x1x22x128xi32, #tpu.memory_space<hbm>>
      %dma_start3A_239 = tpu.memref_squeeze %dma_start3A_238 : memref<1x1x22x128xi32, #tpu.memory_space<hbm>> -> memref<22x128xi32, #tpu.memory_space<hbm>>
      %dma_start3A_240 = arith.constant 22 : i32
      %dma_start3A_241 = arith.constant 0 : i32
      %dma_start3A_242 = tpu.memref_slice %arg8[%dma_start3A_240, %dma_start3A_241] : memref<44x128xi32, #tpu.memory_space<vmem>> -> memref<22x128xi32, #tpu.memory_space<vmem>>
      %dma_start3A_243 = arith.constant 0 : i32
      %dma_start3A_244 = arith.constant 0 : i32
      %dma_start3A_245 = tpu.memref_slice %arg4[%add3A_28, %add3A_12, %dma_start3A_243, %dma_start3A_244] : memref<32x4x22x128xi32, #tpu.memory_space<hbm>> -> memref<1x1x22x128xi32, #tpu.memory_space<hbm>>
      %dma_start3A_246 = tpu.memref_squeeze %dma_start3A_245 : memref<1x1x22x128xi32, #tpu.memory_space<hbm>> -> memref<22x128xi32, #tpu.memory_space<hbm>>
      tpu.enqueue_dma source(%dma_start3A_246 : memref<22x128xi32, #tpu.memory_space<hbm>>) target(%dma_start3A_242 : memref<22x128xi32, #tpu.memory_space<vmem>>) target_semaphore(%run_scoped3A_233 : memref<!tpu.dma_semaphore, #tpu.memory_space<semaphore_mem>>)
      %dma_wait3A = arith.constant 22 : i32
      %dma_wait3A_247 = arith.constant 0 : i32
      %dma_wait3A_248 = tpu.memref_slice %arg8[%dma_wait3A, %dma_wait3A_247] : memref<44x128xi32, #tpu.memory_space<vmem>> -> memref<22x128xi32, #tpu.memory_space<vmem>>
      %dma_wait3A_249 = arith.constant 0 : i32
      %dma_wait3A_250 = arith.constant 0 : i32
      %dma_wait3A_251 = tpu.memref_slice %arg4[%add3A_28, %add3A_12, %dma_wait3A_249, %dma_wait3A_250] : memref<32x4x22x128xi32, #tpu.memory_space<hbm>> -> memref<1x1x22x128xi32, #tpu.memory_space<hbm>>
      %dma_wait3A_252 = tpu.memref_squeeze %dma_wait3A_251 : memref<1x1x22x128xi32, #tpu.memory_space<hbm>> -> memref<22x128xi32, #tpu.memory_space<hbm>>
      %dma_wait3A_253 = arith.constant 22 : i32
      %dma_wait3A_254 = arith.constant 0 : i32
      %dma_wait3A_255 = tpu.memref_slice %arg8[%dma_wait3A_253, %dma_wait3A_254] : memref<44x128xi32, #tpu.memory_space<vmem>> -> memref<22x128xi32, #tpu.memory_space<vmem>>
      %dma_wait3A_256 = arith.constant 0 : i32
      %dma_wait3A_257 = arith.constant 0 : i32
      %dma_wait3A_258 = tpu.memref_slice %arg4[%add3A_28, %add3A_12, %dma_wait3A_256, %dma_wait3A_257] : memref<32x4x22x128xi32, #tpu.memory_space<hbm>> -> memref<1x1x22x128xi32, #tpu.memory_space<hbm>>
      %dma_wait3A_259 = tpu.memref_squeeze %dma_wait3A_258 : memref<1x1x22x128xi32, #tpu.memory_space<hbm>> -> memref<22x128xi32, #tpu.memory_space<hbm>>
      tpu.wait_dma2 semaphore(%run_scoped3A_233 : memref<!tpu.dma_semaphore, #tpu.memory_space<semaphore_mem>>) src(%dma_wait3A_259 : memref<22x128xi32, #tpu.memory_space<hbm>>) dst(%dma_wait3A_255 : memref<22x128xi32, #tpu.memory_space<vmem>>)
      tpu.yield
    }) : () -> ()
    %mul3A_29 = arith.constant 16 : i32
    %mul3A_30 = arith.muli %add3A_12, %mul3A_29 : i32
    %get3A = arith.constant 0 : i32
    %get3A_31 = arith.index_cast %get3A : i32 to index
    %get3A_32 = arith.index_cast %mul3A_30 : i32 to index
    %get3A_33 = tpu.vector_load %arg11[%get3A_31, %get3A_32] {strides = array<i32>} : memref<2x64xi32, #tpu.memory_space<vmem>>, vector<16xi32>,
    %reduce_max3A = arith.constant true
    %reduce_max3A_34 = vector.broadcast %reduce_max3A : i1 to vector<16xi1>
    %reduce_max3A_35 = arith.constant -2147483648 : i32
    %reduce_max3A_36 = vector.broadcast %reduce_max3A_35 : i32 to vector<16xi32>
    %reduce_max3A_37 = arith.xori %get3A_33, %reduce_max3A_36 : vector<16xi32>
    %reduce_max3A_38 = tpu.scan <max>, %reduce_max3A_37 masked %reduce_max3A_34 : vector<16xi32>, vector<16xi1> -> vector<16xi32>
    %reduce_max3A_39 = arith.xori %reduce_max3A_38, %reduce_max3A_36 : vector<16xi32>
    %reduce_max3A_40 = vector.extract %reduce_max3A_39[15] : i32 from vector<16xi32>
    %add3A_41 = arith.constant 128 : i32
    %add3A_42 = arith.addi %reduce_max3A_40, %add3A_41 : i32
    %sub3A = arith.constant 1 : i32
    %sub3A_43 = arith.subi %add3A_42, %sub3A : i32
    %shift_right_logical3A = arith.constant 7 : i32
    %shift_right_logical3A_44 = arith.shrui %sub3A_43, %shift_right_logical3A : i32
    %mul3A_45 = arith.constant 16 : i32
    %mul3A_46 = arith.muli %add3A_12, %mul3A_45 : i32
    %get3A_47 = arith.constant 1 : i32
    %get3A_48 = arith.index_cast %get3A_47 : i32 to index
    %get3A_49 = arith.index_cast %mul3A_46 : i32 to index
    %get3A_50 = tpu.vector_load %arg11[%get3A_48, %get3A_49] {strides = array<i32>} : memref<2x64xi32, #tpu.memory_space<vmem>>, vector<16xi32>,
    %reduce_max3A_51 = arith.constant true
    %reduce_max3A_52 = vector.broadcast %reduce_max3A_51 : i1 to vector<16xi1>
    %reduce_max3A_53 = arith.constant -2147483648 : i32
    %reduce_max3A_54 = vector.broadcast %reduce_max3A_53 : i32 to vector<16xi32>
    %reduce_max3A_55 = arith.xori %get3A_50, %reduce_max3A_54 : vector<16xi32>
    %reduce_max3A_56 = tpu.scan <max>, %reduce_max3A_55 masked %reduce_max3A_52 : vector<16xi32>, vector<16xi1> -> vector<16xi32>
    %reduce_max3A_57 = arith.xori %reduce_max3A_56, %reduce_max3A_54 : vector<16xi32>
    %reduce_max3A_58 = vector.extract %reduce_max3A_57[15] : i32 from vector<16xi32>
    %add3A_59 = arith.constant 128 : i32
    %add3A_60 = arith.addi %reduce_max3A_58, %add3A_59 : i32
    %sub3A_61 = arith.constant 1 : i32
    %sub3A_62 = arith.subi %add3A_60, %sub3A_61 : i32
    %shift_right_logical3A_63 = arith.constant 7 : i32
    %shift_right_logical3A_64 = arith.shrui %sub3A_62, %shift_right_logical3A_63 : i32
    %add3A_65 = arith.addi %shift_right_logical3A_44, %shift_right_logical3A_64 : i32
    %gt3A = arith.constant 0 : i32
    %gt3A_66 = arith.cmpi sgt, %add3A_65, %gt3A : i32
    %convert_element_type3A = arith.extui %gt3A_66 : i1 to i32
    %cond3A = arith.constant 0 : i32
    %cond3A_67 = arith.cmpi ne, %convert_element_type3A, %cond3A : i32
    scf.if %cond3A_67 {
      %gt3A_233 = arith.constant 0 : i32
      %gt3A_234 = arith.cmpi sgt, %shift_right_logical3A_44, %gt3A_233 : i32
      %sub3A_235 = arith.constant 0 : i32
      %sub3A_236 = arith.subi %sub3A_235, %shift_right_logical3A_44 : i32
      %add3A_237 = arith.constant 22 : i32
      %add3A_238 = arith.addi %sub3A_236, %add3A_237 : i32
      %jit3A_239 = arith.constant 0 : i32
      %select_n3A_240 = arith.select %gt3A_234, %jit3A_239, %add3A_238 : i32
      %dma_start3A = arith.constant 0 : i32
      %dma_start3A_241 = tpu.memref_slice %arg7[%select_n3A_240, %dma_start3A] : memref<44x128xi32, #tpu.memory_space<vmem>> -> memref<1x128xi32, #tpu.memory_space<vmem>>
      %dma_start3A_242 = tpu.memref_squeeze %dma_start3A_241 : memref<1x128xi32, #tpu.memory_space<vmem>> -> memref<128xi32, #tpu.memory_space<vmem>>
      %dma_start3A_243 = arith.constant 0 : i32
      %dma_start3A_244 = arith.constant 0 : i32
      %dma_start3A_245 = tpu.memref_slice %arg2[%dma_start3A_243, %dma_start3A_244] : memref<10000x128xf32, #tpu.memory_space<hbm>> -> memref<10000x128xf32, #tpu.memory_space<hbm>>
      tpu.enqueue_indirect_dma source(%dma_start3A_245 : memref<10000x128xf32, #tpu.memory_space<hbm>>) target(%arg9 : memref<128x128xf32, #tpu.memory_space<vmem>>) offsets(%dma_start3A_242 : memref<128xi32, #tpu.memory_space<vmem>>) semaphore(%arg14 : memref<!tpu.dma_semaphore, #tpu.memory_space<semaphore_mem>>)
    } else {
    }
    %add3A_68 = arith.constant 1 : i32
    %add3A_69 = arith.addi %add3A_65, %add3A_68 : i32
    %jit3A = arith.constant 2 : i32
    %div3A = arith.divsi %add3A_69, %jit3A : i32
    %sign3A = arith.constant 0 : i32
    %sign3A_70 = arith.cmpi sgt, %add3A_69, %sign3A : i32
    %sign3A_71 = arith.extui %sign3A_70 : i1 to i32
    %sign3A_72 = arith.constant 0 : i32
    %sign3A_73 = arith.cmpi slt, %add3A_69, %sign3A_72 : i32
    %sign3A_74 = arith.extui %sign3A_73 : i1 to i32
    %sign3A_75 = arith.subi %sign3A_71, %sign3A_74 : i32
    %sign3A_76 = arith.constant 0 : i32
    %sign3A_77 = arith.cmpi sgt, %jit3A, %sign3A_76 : i32
    %sign3A_78 = arith.extui %sign3A_77 : i1 to i32
    %sign3A_79 = arith.constant 0 : i32
    %sign3A_80 = arith.cmpi slt, %jit3A, %sign3A_79 : i32
    %sign3A_81 = arith.extui %sign3A_80 : i1 to i32
    %sign3A_82 = arith.subi %sign3A_78, %sign3A_81 : i32
    %ne3A = arith.cmpi ne, %sign3A_75, %sign3A_82 : i32
    %rem3A = arith.remsi %add3A_69, %jit3A : i32
    %ne3A_83 = arith.constant 0 : i32
    %ne3A_84 = arith.cmpi ne, %rem3A, %ne3A_83 : i32
    %and3A = arith.andi %ne3A, %ne3A_84 : i1
    %sub3A_85 = arith.constant 1 : i32
    %sub3A_86 = arith.subi %div3A, %sub3A_85 : i32
    %select_n3A = arith.select %and3A, %sub3A_86, %div3A : i32
    %while3A = arith.constant 0 : i32
    %while3A_87 = arith.constant 0 : i32
    %while3A_88 = arith.subi %select_n3A, %while3A : i32
    %while3A_89 = arith.addi %while3A, %while3A_88 : i32
    %while3A_90 = arith.constant 1 : i32
    %while3A_91 = arith.divsi %while3A_88, %while3A_90 : i32
    %while3A_92 = arith.muli %while3A_91, %while3A_90 : i32
    %while3A_93 = arith.addi %while3A, %while3A_92 : i32
    %while3A_94 = arith.constant 1 : i32
    %while3A_95 = scf.for %while3A_233 = %while3A to %while3A_93 step %while3A_94 iter_args(%while3A_234 = %while3A_87) -> (i32)  : i32 {
      %mul3A_235 = arith.constant 2 : i32
      %mul3A_236 = arith.muli %mul3A_235, %while3A_233 : i32
      %add3A_237 = arith.constant 1 : i32
      %add3A_238 = arith.addi %mul3A_236, %add3A_237 : i32
      %lt3A_239 = arith.cmpi slt, %add3A_238, %add3A_65 : i32
      %convert_element_type3A_240 = arith.extui %lt3A_239 : i1 to i32
      %cond3A_241 = arith.constant 0 : i32
      %cond3A_242 = arith.cmpi ne, %convert_element_type3A_240, %cond3A_241 : i32
      scf.if %cond3A_242 {
        %lt3A_269 = arith.cmpi slt, %add3A_238, %shift_right_logical3A_44 : i32
        %sub3A_270 = arith.subi %add3A_238, %shift_right_logical3A_44 : i32
        %add3A_271 = arith.constant 22 : i32
        %add3A_272 = arith.addi %sub3A_270, %add3A_271 : i32
        %select_n3A_273 = arith.select %lt3A_269, %add3A_238, %add3A_272 : i32
        %dma_start3A = arith.constant 0 : i32
        %dma_start3A_274 = tpu.memref_slice %arg7[%select_n3A_273, %dma_start3A] : memref<44x128xi32, #tpu.memory_space<vmem>> -> memref<1x128xi32, #tpu.memory_space<vmem>>
        %dma_start3A_275 = tpu.memref_squeeze %dma_start3A_274 : memref<1x128xi32, #tpu.memory_space<vmem>> -> memref<128xi32, #tpu.memory_space<vmem>>
        %dma_start3A_276 = arith.constant 0 : i32
        %dma_start3A_277 = arith.constant 0 : i32
        %dma_start3A_278 = tpu.memref_slice %arg2[%dma_start3A_276, %dma_start3A_277] : memref<10000x128xf32, #tpu.memory_space<hbm>> -> memref<10000x128xf32, #tpu.memory_space<hbm>>
        tpu.enqueue_indirect_dma source(%dma_start3A_278 : memref<10000x128xf32, #tpu.memory_space<hbm>>) target(%arg10 : memref<128x128xf32, #tpu.memory_space<vmem>>) offsets(%dma_start3A_275 : memref<128xi32, #tpu.memory_space<vmem>>) semaphore(%arg15 : memref<!tpu.dma_semaphore, #tpu.memory_space<semaphore_mem>>)
      } else {
      }
      %lt3A_243 = arith.cmpi slt, %mul3A_236, %shift_right_logical3A_44 : i32
      %sub3A_244 = arith.subi %mul3A_236, %shift_right_logical3A_44 : i32
      %add3A_245 = arith.constant 22 : i32
      %add3A_246 = arith.addi %sub3A_244, %add3A_245 : i32
      %select_n3A_247 = arith.select %lt3A_243, %mul3A_236, %add3A_246 : i32
      %dma_wait3A = arith.constant 0 : i32
      %dma_wait3A_248 = tpu.memref_slice %arg7[%select_n3A_247, %dma_wait3A] : memref<44x128xi32, #tpu.memory_space<vmem>> -> memref<1x128xi32, #tpu.memory_space<vmem>>
      %dma_wait3A_249 = tpu.memref_squeeze %dma_wait3A_248 : memref<1x128xi32, #tpu.memory_space<vmem>> -> memref<128xi32, #tpu.memory_space<vmem>>
      %dma_wait3A_250 = arith.constant 0 : i32
      %dma_wait3A_251 = arith.constant 0 : i32
      %dma_wait3A_252 = tpu.memref_slice %arg2[%dma_wait3A_250, %dma_wait3A_251] : memref<10000x128xf32, #tpu.memory_space<hbm>> -> memref<10000x128xf32, #tpu.memory_space<hbm>>
      tpu.wait_indirect_dma semaphore(%arg14 : memref<!tpu.dma_semaphore, #tpu.memory_space<semaphore_mem>>) src(%dma_wait3A_252 : memref<10000x128xf32, #tpu.memory_space<hbm>>) dst(%arg9 : memref<128x128xf32, #tpu.memory_space<vmem>>)
      %lt3A_253 = arith.cmpi slt, %mul3A_236, %shift_right_logical3A_44 : i32
      %sub3A_254 = arith.subi %mul3A_236, %shift_right_logical3A_44 : i32
      %add3A_255 = arith.constant 22 : i32
      %add3A_256 = arith.addi %sub3A_254, %add3A_255 : i32
      %select_n3A_257 = arith.select %lt3A_253, %mul3A_236, %add3A_256 : i32
      "tpu.region"() ({
        %run_scoped3A_269 = tpu.sem_alloc : memref<!tpu.dma_semaphore, #tpu.memory_space<semaphore_mem>>
        %dma_start3A = arith.constant 0 : i32
        %dma_start3A_270 = tpu.memref_slice %arg8[%select_n3A_257, %dma_start3A] : memref<44x128xi32, #tpu.memory_space<vmem>> -> memref<1x128xi32, #tpu.memory_space<vmem>>
        %dma_start3A_271 = tpu.memref_squeeze %dma_start3A_270 : memref<1x128xi32, #tpu.memory_space<vmem>> -> memref<128xi32, #tpu.memory_space<vmem>>
        %dma_start3A_272 = arith.constant 0 : i32
        %dma_start3A_273 = arith.constant 0 : i32
        %dma_start3A_274 = tpu.memref_slice %arg13[%dma_start3A_272, %dma_start3A_273] : memref<2688x128xf32, #tpu.memory_space<vmem_shared>> -> memref<2688x128xf32, #tpu.memory_space<vmem_shared>>
        tpu.enqueue_indirect_dma source(%arg9 : memref<128x128xf32, #tpu.memory_space<vmem>>) target(%dma_start3A_274 : memref<2688x128xf32, #tpu.memory_space<vmem_shared>>) offsets(%dma_start3A_271 : memref<128xi32, #tpu.memory_space<vmem>>) semaphore(%run_scoped3A_269 : memref<!tpu.dma_semaphore, #tpu.memory_space<semaphore_mem>>) {add = true}
        %dma_wait3A_275 = arith.constant 0 : i32
        %dma_wait3A_276 = tpu.memref_slice %arg8[%select_n3A_257, %dma_wait3A_275] : memref<44x128xi32, #tpu.memory_space<vmem>> -> memref<1x128xi32, #tpu.memory_space<vmem>>
        %dma_wait3A_277 = tpu.memref_squeeze %dma_wait3A_276 : memref<1x128xi32, #tpu.memory_space<vmem>> -> memref<128xi32, #tpu.memory_space<vmem>>
        %dma_wait3A_278 = arith.constant 0 : i32
        %dma_wait3A_279 = arith.constant 0 : i32
        %dma_wait3A_280 = tpu.memref_slice %arg13[%dma_wait3A_278, %dma_wait3A_279] : memref<2688x128xf32, #tpu.memory_space<vmem_shared>> -> memref<2688x128xf32, #tpu.memory_space<vmem_shared>>
        tpu.wait_indirect_dma semaphore(%run_scoped3A_269 : memref<!tpu.dma_semaphore, #tpu.memory_space<semaphore_mem>>) src(%arg9 : memref<128x128xf32, #tpu.memory_space<vmem>>) dst(%dma_wait3A_280 : memref<2688x128xf32, #tpu.memory_space<vmem_shared>>)
        tpu.yield
      }) : () -> ()
      %add3A_258 = arith.constant 2 : i32
      %add3A_259 = arith.addi %mul3A_236, %add3A_258 : i32
      %lt3A_260 = arith.cmpi slt, %add3A_259, %add3A_65 : i32
      %convert_element_type3A_261 = arith.extui %lt3A_260 : i1 to i32
      %cond3A_262 = arith.constant 0 : i32
      %cond3A_263 = arith.cmpi ne, %convert_element_type3A_261, %cond3A_262 : i32
      scf.if %cond3A_263 {
        %add3A_269 = arith.constant 2 : i32
        %add3A_270 = arith.addi %mul3A_236, %add3A_269 : i32
        %lt3A_271 = arith.cmpi slt, %add3A_270, %shift_right_logical3A_44 : i32
        %sub3A_272 = arith.subi %add3A_270, %shift_right_logical3A_44 : i32
        %add3A_273 = arith.constant 22 : i32
        %add3A_274 = arith.addi %sub3A_272, %add3A_273 : i32
        %select_n3A_275 = arith.select %lt3A_271, %add3A_270, %add3A_274 : i32
        %dma_start3A = arith.constant 0 : i32
        %dma_start3A_276 = tpu.memref_slice %arg7[%select_n3A_275, %dma_start3A] : memref<44x128xi32, #tpu.memory_space<vmem>> -> memref<1x128xi32, #tpu.memory_space<vmem>>
        %dma_start3A_277 = tpu.memref_squeeze %dma_start3A_276 : memref<1x128xi32, #tpu.memory_space<vmem>> -> memref<128xi32, #tpu.memory_space<vmem>>
        %dma_start3A_278 = arith.constant 0 : i32
        %dma_start3A_279 = arith.constant 0 : i32
        %dma_start3A_280 = tpu.memref_slice %arg2[%dma_start3A_278, %dma_start3A_279] : memref<10000x128xf32, #tpu.memory_space<hbm>> -> memref<10000x128xf32, #tpu.memory_space<hbm>>
        tpu.enqueue_indirect_dma source(%dma_start3A_280 : memref<10000x128xf32, #tpu.memory_space<hbm>>) target(%arg9 : memref<128x128xf32, #tpu.memory_space<vmem>>) offsets(%dma_start3A_277 : memref<128xi32, #tpu.memory_space<vmem>>) semaphore(%arg14 : memref<!tpu.dma_semaphore, #tpu.memory_space<semaphore_mem>>)
      } else {
      }
      %lt3A_264 = arith.cmpi slt, %add3A_238, %add3A_65 : i32
      %convert_element_type3A_265 = arith.extui %lt3A_264 : i1 to i32
      %cond3A_266 = arith.constant 0 : i32
      %cond3A_267 = arith.cmpi ne, %convert_element_type3A_265, %cond3A_266 : i32
      scf.if %cond3A_267 {
        %lt3A_269 = arith.cmpi slt, %add3A_238, %shift_right_logical3A_44 : i32
        %sub3A_270 = arith.subi %add3A_238, %shift_right_logical3A_44 : i32
        %add3A_271 = arith.constant 22 : i32
        %add3A_272 = arith.addi %sub3A_270, %add3A_271 : i32
        %select_n3A_273 = arith.select %lt3A_269, %add3A_238, %add3A_272 : i32
        %dma_wait3A_274 = arith.constant 0 : i32
        %dma_wait3A_275 = tpu.memref_slice %arg7[%select_n3A_273, %dma_wait3A_274] : memref<44x128xi32, #tpu.memory_space<vmem>> -> memref<1x128xi32, #tpu.memory_space<vmem>>
        %dma_wait3A_276 = tpu.memref_squeeze %dma_wait3A_275 : memref<1x128xi32, #tpu.memory_space<vmem>> -> memref<128xi32, #tpu.memory_space<vmem>>
        %dma_wait3A_277 = arith.constant 0 : i32
        %dma_wait3A_278 = arith.constant 0 : i32
        %dma_wait3A_279 = tpu.memref_slice %arg2[%dma_wait3A_277, %dma_wait3A_278] : memref<10000x128xf32, #tpu.memory_space<hbm>> -> memref<10000x128xf32, #tpu.memory_space<hbm>>
        tpu.wait_indirect_dma semaphore(%arg15 : memref<!tpu.dma_semaphore, #tpu.memory_space<semaphore_mem>>) src(%dma_wait3A_279 : memref<10000x128xf32, #tpu.memory_space<hbm>>) dst(%arg10 : memref<128x128xf32, #tpu.memory_space<vmem>>)
        %lt3A_280 = arith.cmpi slt, %add3A_238, %shift_right_logical3A_44 : i32
        %sub3A_281 = arith.subi %add3A_238, %shift_right_logical3A_44 : i32
        %add3A_282 = arith.constant 22 : i32
        %add3A_283 = arith.addi %sub3A_281, %add3A_282 : i32
        %select_n3A_284 = arith.select %lt3A_280, %add3A_238, %add3A_283 : i32
        "tpu.region"() ({
          %run_scoped3A_285 = tpu.sem_alloc : memref<!tpu.dma_semaphore, #tpu.memory_space<semaphore_mem>>
          %dma_start3A = arith.constant 0 : i32
          %dma_start3A_286 = tpu.memref_slice %arg8[%select_n3A_284, %dma_start3A] : memref<44x128xi32, #tpu.memory_space<vmem>> -> memref<1x128xi32, #tpu.memory_space<vmem>>
          %dma_start3A_287 = tpu.memref_squeeze %dma_start3A_286 : memref<1x128xi32, #tpu.memory_space<vmem>> -> memref<128xi32, #tpu.memory_space<vmem>>
          %dma_start3A_288 = arith.constant 0 : i32
          %dma_start3A_289 = arith.constant 0 : i32
          %dma_start3A_290 = tpu.memref_slice %arg13[%dma_start3A_288, %dma_start3A_289] : memref<2688x128xf32, #tpu.memory_space<vmem_shared>> -> memref<2688x128xf32, #tpu.memory_space<vmem_shared>>
          tpu.enqueue_indirect_dma source(%arg10 : memref<128x128xf32, #tpu.memory_space<vmem>>) target(%dma_start3A_290 : memref<2688x128xf32, #tpu.memory_space<vmem_shared>>) offsets(%dma_start3A_287 : memref<128xi32, #tpu.memory_space<vmem>>) semaphore(%run_scoped3A_285 : memref<!tpu.dma_semaphore, #tpu.memory_space<semaphore_mem>>) {add = true}
          %dma_wait3A_291 = arith.constant 0 : i32
          %dma_wait3A_292 = tpu.memref_slice %arg8[%select_n3A_284, %dma_wait3A_291] : memref<44x128xi32, #tpu.memory_space<vmem>> -> memref<1x128xi32, #tpu.memory_space<vmem>>
          %dma_wait3A_293 = tpu.memref_squeeze %dma_wait3A_292 : memref<1x128xi32, #tpu.memory_space<vmem>> -> memref<128xi32, #tpu.memory_space<vmem>>
          %dma_wait3A_294 = arith.constant 0 : i32
          %dma_wait3A_295 = arith.constant 0 : i32
          %dma_wait3A_296 = tpu.memref_slice %arg13[%dma_wait3A_294, %dma_wait3A_295] : memref<2688x128xf32, #tpu.memory_space<vmem_shared>> -> memref<2688x128xf32, #tpu.memory_space<vmem_shared>>
          tpu.wait_indirect_dma semaphore(%run_scoped3A_285 : memref<!tpu.dma_semaphore, #tpu.memory_space<semaphore_mem>>) src(%arg10 : memref<128x128xf32, #tpu.memory_space<vmem>>) dst(%dma_wait3A_296 : memref<2688x128xf32, #tpu.memory_space<vmem_shared>>)
          tpu.yield
        }) : () -> ()
      } else {
      }
      %while3A_268 = arith.constant 0 : i32
      scf.yield %while3A_268 : i32
    }
    %while3A_96 = arith.constant 1 : i32
    %while3A_97 = scf.for %while3A_233 = %while3A_93 to %while3A_89 step %while3A_96 iter_args(%while3A_234 = %while3A_95) -> (i32)  : i32 {
      %mul3A_235 = arith.constant 2 : i32
      %mul3A_236 = arith.muli %mul3A_235, %while3A_233 : i32
      %add3A_237 = arith.constant 1 : i32
      %add3A_238 = arith.addi %mul3A_236, %add3A_237 : i32
      %lt3A_239 = arith.cmpi slt, %add3A_238, %add3A_65 : i32
      %convert_element_type3A_240 = arith.extui %lt3A_239 : i1 to i32
      %cond3A_241 = arith.constant 0 : i32
      %cond3A_242 = arith.cmpi ne, %convert_element_type3A_240, %cond3A_241 : i32
      scf.if %cond3A_242 {
        %lt3A_269 = arith.cmpi slt, %add3A_238, %shift_right_logical3A_44 : i32
        %sub3A_270 = arith.subi %add3A_238, %shift_right_logical3A_44 : i32
        %add3A_271 = arith.constant 22 : i32
        %add3A_272 = arith.addi %sub3A_270, %add3A_271 : i32
        %select_n3A_273 = arith.select %lt3A_269, %add3A_238, %add3A_272 : i32
        %dma_start3A = arith.constant 0 : i32
        %dma_start3A_274 = tpu.memref_slice %arg7[%select_n3A_273, %dma_start3A] : memref<44x128xi32, #tpu.memory_space<vmem>> -> memref<1x128xi32, #tpu.memory_space<vmem>>
        %dma_start3A_275 = tpu.memref_squeeze %dma_start3A_274 : memref<1x128xi32, #tpu.memory_space<vmem>> -> memref<128xi32, #tpu.memory_space<vmem>>
        %dma_start3A_276 = arith.constant 0 : i32
        %dma_start3A_277 = arith.constant 0 : i32
        %dma_start3A_278 = tpu.memref_slice %arg2[%dma_start3A_276, %dma_start3A_277] : memref<10000x128xf32, #tpu.memory_space<hbm>> -> memref<10000x128xf32, #tpu.memory_space<hbm>>
        tpu.enqueue_indirect_dma source(%dma_start3A_278 : memref<10000x128xf32, #tpu.memory_space<hbm>>) target(%arg10 : memref<128x128xf32, #tpu.memory_space<vmem>>) offsets(%dma_start3A_275 : memref<128xi32, #tpu.memory_space<vmem>>) semaphore(%arg15 : memref<!tpu.dma_semaphore, #tpu.memory_space<semaphore_mem>>)
      } else {
      }
      %lt3A_243 = arith.cmpi slt, %mul3A_236, %shift_right_logical3A_44 : i32
      %sub3A_244 = arith.subi %mul3A_236, %shift_right_logical3A_44 : i32
      %add3A_245 = arith.constant 22 : i32
      %add3A_246 = arith.addi %sub3A_244, %add3A_245 : i32
      %select_n3A_247 = arith.select %lt3A_243, %mul3A_236, %add3A_246 : i32
      %dma_wait3A = arith.constant 0 : i32
      %dma_wait3A_248 = tpu.memref_slice %arg7[%select_n3A_247, %dma_wait3A] : memref<44x128xi32, #tpu.memory_space<vmem>> -> memref<1x128xi32, #tpu.memory_space<vmem>>
      %dma_wait3A_249 = tpu.memref_squeeze %dma_wait3A_248 : memref<1x128xi32, #tpu.memory_space<vmem>> -> memref<128xi32, #tpu.memory_space<vmem>>
      %dma_wait3A_250 = arith.constant 0 : i32
      %dma_wait3A_251 = arith.constant 0 : i32
      %dma_wait3A_252 = tpu.memref_slice %arg2[%dma_wait3A_250, %dma_wait3A_251] : memref<10000x128xf32, #tpu.memory_space<hbm>> -> memref<10000x128xf32, #tpu.memory_space<hbm>>
      tpu.wait_indirect_dma semaphore(%arg14 : memref<!tpu.dma_semaphore, #tpu.memory_space<semaphore_mem>>) src(%dma_wait3A_252 : memref<10000x128xf32, #tpu.memory_space<hbm>>) dst(%arg9 : memref<128x128xf32, #tpu.memory_space<vmem>>)
      %lt3A_253 = arith.cmpi slt, %mul3A_236, %shift_right_logical3A_44 : i32
      %sub3A_254 = arith.subi %mul3A_236, %shift_right_logical3A_44 : i32
      %add3A_255 = arith.constant 22 : i32
      %add3A_256 = arith.addi %sub3A_254, %add3A_255 : i32
      %select_n3A_257 = arith.select %lt3A_253, %mul3A_236, %add3A_256 : i32
      "tpu.region"() ({
        %run_scoped3A_269 = tpu.sem_alloc : memref<!tpu.dma_semaphore, #tpu.memory_space<semaphore_mem>>
        %dma_start3A = arith.constant 0 : i32
        %dma_start3A_270 = tpu.memref_slice %arg8[%select_n3A_257, %dma_start3A] : memref<44x128xi32, #tpu.memory_space<vmem>> -> memref<1x128xi32, #tpu.memory_space<vmem>>
        %dma_start3A_271 = tpu.memref_squeeze %dma_start3A_270 : memref<1x128xi32, #tpu.memory_space<vmem>> -> memref<128xi32, #tpu.memory_space<vmem>>
        %dma_start3A_272 = arith.constant 0 : i32
        %dma_start3A_273 = arith.constant 0 : i32
        %dma_start3A_274 = tpu.memref_slice %arg13[%dma_start3A_272, %dma_start3A_273] : memref<2688x128xf32, #tpu.memory_space<vmem_shared>> -> memref<2688x128xf32, #tpu.memory_space<vmem_shared>>
        tpu.enqueue_indirect_dma source(%arg9 : memref<128x128xf32, #tpu.memory_space<vmem>>) target(%dma_start3A_274 : memref<2688x128xf32, #tpu.memory_space<vmem_shared>>) offsets(%dma_start3A_271 : memref<128xi32, #tpu.memory_space<vmem>>) semaphore(%run_scoped3A_269 : memref<!tpu.dma_semaphore, #tpu.memory_space<semaphore_mem>>) {add = true}
        %dma_wait3A_275 = arith.constant 0 : i32
        %dma_wait3A_276 = tpu.memref_slice %arg8[%select_n3A_257, %dma_wait3A_275] : memref<44x128xi32, #tpu.memory_space<vmem>> -> memref<1x128xi32, #tpu.memory_space<vmem>>
        %dma_wait3A_277 = tpu.memref_squeeze %dma_wait3A_276 : memref<1x128xi32, #tpu.memory_space<vmem>> -> memref<128xi32, #tpu.memory_space<vmem>>
        %dma_wait3A_278 = arith.constant 0 : i32
        %dma_wait3A_279 = arith.constant 0 : i32
        %dma_wait3A_280 = tpu.memref_slice %arg13[%dma_wait3A_278, %dma_wait3A_279] : memref<2688x128xf32, #tpu.memory_space<vmem_shared>> -> memref<2688x128xf32, #tpu.memory_space<vmem_shared>>
        tpu.wait_indirect_dma semaphore(%run_scoped3A_269 : memref<!tpu.dma_semaphore, #tpu.memory_space<semaphore_mem>>) src(%arg9 : memref<128x128xf32, #tpu.memory_space<vmem>>) dst(%dma_wait3A_280 : memref<2688x128xf32, #tpu.memory_space<vmem_shared>>)
        tpu.yield
      }) : () -> ()
      %add3A_258 = arith.constant 2 : i32
      %add3A_259 = arith.addi %mul3A_236, %add3A_258 : i32
      %lt3A_260 = arith.cmpi slt, %add3A_259, %add3A_65 : i32
      %convert_element_type3A_261 = arith.extui %lt3A_260 : i1 to i32
      %cond3A_262 = arith.constant 0 : i32
      %cond3A_263 = arith.cmpi ne, %convert_element_type3A_261, %cond3A_262 : i32
      scf.if %cond3A_263 {
        %add3A_269 = arith.constant 2 : i32
        %add3A_270 = arith.addi %mul3A_236, %add3A_269 : i32
        %lt3A_271 = arith.cmpi slt, %add3A_270, %shift_right_logical3A_44 : i32
        %sub3A_272 = arith.subi %add3A_270, %shift_right_logical3A_44 : i32
        %add3A_273 = arith.constant 22 : i32
        %add3A_274 = arith.addi %sub3A_272, %add3A_273 : i32
        %select_n3A_275 = arith.select %lt3A_271, %add3A_270, %add3A_274 : i32
        %dma_start3A = arith.constant 0 : i32
        %dma_start3A_276 = tpu.memref_slice %arg7[%select_n3A_275, %dma_start3A] : memref<44x128xi32, #tpu.memory_space<vmem>> -> memref<1x128xi32, #tpu.memory_space<vmem>>
        %dma_start3A_277 = tpu.memref_squeeze %dma_start3A_276 : memref<1x128xi32, #tpu.memory_space<vmem>> -> memref<128xi32, #tpu.memory_space<vmem>>
        %dma_start3A_278 = arith.constant 0 : i32
        %dma_start3A_279 = arith.constant 0 : i32
        %dma_start3A_280 = tpu.memref_slice %arg2[%dma_start3A_278, %dma_start3A_279] : memref<10000x128xf32, #tpu.memory_space<hbm>> -> memref<10000x128xf32, #tpu.memory_space<hbm>>
        tpu.enqueue_indirect_dma source(%dma_start3A_280 : memref<10000x128xf32, #tpu.memory_space<hbm>>) target(%arg9 : memref<128x128xf32, #tpu.memory_space<vmem>>) offsets(%dma_start3A_277 : memref<128xi32, #tpu.memory_space<vmem>>) semaphore(%arg14 : memref<!tpu.dma_semaphore, #tpu.memory_space<semaphore_mem>>)
      } else {
      }
      %lt3A_264 = arith.cmpi slt, %add3A_238, %add3A_65 : i32
      %convert_element_type3A_265 = arith.extui %lt3A_264 : i1 to i32
      %cond3A_266 = arith.constant 0 : i32
      %cond3A_267 = arith.cmpi ne, %convert_element_type3A_265, %cond3A_266 : i32
      scf.if %cond3A_267 {
        %lt3A_269 = arith.cmpi slt, %add3A_238, %shift_right_logical3A_44 : i32
        %sub3A_270 = arith.subi %add3A_238, %shift_right_logical3A_44 : i32
        %add3A_271 = arith.constant 22 : i32
        %add3A_272 = arith.addi %sub3A_270, %add3A_271 : i32
        %select_n3A_273 = arith.select %lt3A_269, %add3A_238, %add3A_272 : i32
        %dma_wait3A_274 = arith.constant 0 : i32
        %dma_wait3A_275 = tpu.memref_slice %arg7[%select_n3A_273, %dma_wait3A_274] : memref<44x128xi32, #tpu.memory_space<vmem>> -> memref<1x128xi32, #tpu.memory_space<vmem>>
        %dma_wait3A_276 = tpu.memref_squeeze %dma_wait3A_275 : memref<1x128xi32, #tpu.memory_space<vmem>> -> memref<128xi32, #tpu.memory_space<vmem>>
        %dma_wait3A_277 = arith.constant 0 : i32
        %dma_wait3A_278 = arith.constant 0 : i32
        %dma_wait3A_279 = tpu.memref_slice %arg2[%dma_wait3A_277, %dma_wait3A_278] : memref<10000x128xf32, #tpu.memory_space<hbm>> -> memref<10000x128xf32, #tpu.memory_space<hbm>>
        tpu.wait_indirect_dma semaphore(%arg15 : memref<!tpu.dma_semaphore, #tpu.memory_space<semaphore_mem>>) src(%dma_wait3A_279 : memref<10000x128xf32, #tpu.memory_space<hbm>>) dst(%arg10 : memref<128x128xf32, #tpu.memory_space<vmem>>)
        %lt3A_280 = arith.cmpi slt, %add3A_238, %shift_right_logical3A_44 : i32
        %sub3A_281 = arith.subi %add3A_238, %shift_right_logical3A_44 : i32
        %add3A_282 = arith.constant 22 : i32
        %add3A_283 = arith.addi %sub3A_281, %add3A_282 : i32
        %select_n3A_284 = arith.select %lt3A_280, %add3A_238, %add3A_283 : i32
        "tpu.region"() ({
          %run_scoped3A_285 = tpu.sem_alloc : memref<!tpu.dma_semaphore, #tpu.memory_space<semaphore_mem>>
          %dma_start3A = arith.constant 0 : i32
          %dma_start3A_286 = tpu.memref_slice %arg8[%select_n3A_284, %dma_start3A] : memref<44x128xi32, #tpu.memory_space<vmem>> -> memref<1x128xi32, #tpu.memory_space<vmem>>
          %dma_start3A_287 = tpu.memref_squeeze %dma_start3A_286 : memref<1x128xi32, #tpu.memory_space<vmem>> -> memref<128xi32, #tpu.memory_space<vmem>>
          %dma_start3A_288 = arith.constant 0 : i32
          %dma_start3A_289 = arith.constant 0 : i32
          %dma_start3A_290 = tpu.memref_slice %arg13[%dma_start3A_288, %dma_start3A_289] : memref<2688x128xf32, #tpu.memory_space<vmem_shared>> -> memref<2688x128xf32, #tpu.memory_space<vmem_shared>>
          tpu.enqueue_indirect_dma source(%arg10 : memref<128x128xf32, #tpu.memory_space<vmem>>) target(%dma_start3A_290 : memref<2688x128xf32, #tpu.memory_space<vmem_shared>>) offsets(%dma_start3A_287 : memref<128xi32, #tpu.memory_space<vmem>>) semaphore(%run_scoped3A_285 : memref<!tpu.dma_semaphore, #tpu.memory_space<semaphore_mem>>) {add = true}
          %dma_wait3A_291 = arith.constant 0 : i32
          %dma_wait3A_292 = tpu.memref_slice %arg8[%select_n3A_284, %dma_wait3A_291] : memref<44x128xi32, #tpu.memory_space<vmem>> -> memref<1x128xi32, #tpu.memory_space<vmem>>
          %dma_wait3A_293 = tpu.memref_squeeze %dma_wait3A_292 : memref<1x128xi32, #tpu.memory_space<vmem>> -> memref<128xi32, #tpu.memory_space<vmem>>
          %dma_wait3A_294 = arith.constant 0 : i32
          %dma_wait3A_295 = arith.constant 0 : i32
          %dma_wait3A_296 = tpu.memref_slice %arg13[%dma_wait3A_294, %dma_wait3A_295] : memref<2688x128xf32, #tpu.memory_space<vmem_shared>> -> memref<2688x128xf32, #tpu.memory_space<vmem_shared>>
          tpu.wait_indirect_dma semaphore(%run_scoped3A_285 : memref<!tpu.dma_semaphore, #tpu.memory_space<semaphore_mem>>) src(%arg10 : memref<128x128xf32, #tpu.memory_space<vmem>>) dst(%dma_wait3A_296 : memref<2688x128xf32, #tpu.memory_space<vmem_shared>>)
          tpu.yield
        }) : () -> ()
      } else {
      }
      %while3A_268 = arith.constant 0 : i32
      scf.yield %while3A_268 : i32
    }
    %barrier3A_98 = arith.constant 0 : index
    tpu.barrier barrier_id(%barrier3A_98)
    %mul3A_99 = arith.constant 2528 : i32
    %mul3A_100 = arith.muli %add3A_12, %mul3A_99 : i32
    %mul3A_101 = arith.constant 160 : i32
    %mul3A_102 = arith.muli %mul3A_101, %arg1 : i32
    %add3A_103 = arith.addi %mul3A_100, %mul3A_102 : i32
    %lt3A = arith.constant 15 : i32
    %lt3A_104 = arith.cmpi slt, %arg1, %lt3A : i32
    %convert_element_type3A_105 = arith.extui %lt3A_104 : i1 to i32
    %cond3A_106 = arith.constant 0 : i32
    %cond3A_107 = arith.cmpi ne, %convert_element_type3A_105, %cond3A_106 : i32
    scf.if %cond3A_107 {
      %mul3A_233 = arith.constant 160 : i32
      %mul3A_234 = arith.muli %mul3A_233, %arg1 : i32
      "tpu.region"() ({
        %run_scoped3A_235 = tpu.sem_alloc : memref<!tpu.dma_semaphore, #tpu.memory_space<semaphore_mem>>
        %dma_start3A = arith.constant 0 : i32
        %dma_start3A_236 = tpu.memref_slice %arg6[%add3A_103, %dma_start3A] : memref<10112x128xf32, #tpu.memory_space<hbm>> -> memref<160x128xf32, #tpu.memory_space<hbm>>
        %dma_start3A_237 = arith.constant 0 : i32
        %dma_start3A_238 = tpu.memref_slice %arg13[%mul3A_234, %dma_start3A_237] : memref<2688x128xf32, #tpu.memory_space<vmem_shared>> -> memref<160x128xf32, #tpu.memory_space<vmem_shared>>
        tpu.enqueue_dma source(%dma_start3A_238 : memref<160x128xf32, #tpu.memory_space<vmem_shared>>) target(%dma_start3A_236 : memref<160x128xf32, #tpu.memory_space<hbm>>) target_semaphore(%run_scoped3A_235 : memref<!tpu.dma_semaphore, #tpu.memory_space<semaphore_mem>>)
        %dma_wait3A = arith.constant 0 : i32
        %dma_wait3A_239 = tpu.memref_slice %arg6[%add3A_103, %dma_wait3A] : memref<10112x128xf32, #tpu.memory_space<hbm>> -> memref<160x128xf32, #tpu.memory_space<hbm>>
        %dma_wait3A_240 = arith.constant 0 : i32
        %dma_wait3A_241 = tpu.memref_slice %arg13[%mul3A_234, %dma_wait3A_240] : memref<2688x128xf32, #tpu.memory_space<vmem_shared>> -> memref<160x128xf32, #tpu.memory_space<vmem_shared>>
        tpu.wait_dma2 semaphore(%run_scoped3A_235 : memref<!tpu.dma_semaphore, #tpu.memory_space<semaphore_mem>>) src(%dma_wait3A_241 : memref<160x128xf32, #tpu.memory_space<vmem_shared>>) dst(%dma_wait3A_239 : memref<160x128xf32, #tpu.memory_space<hbm>>)
        tpu.yield
      }) : () -> ()
    } else {
    }
    %eq3A = arith.constant 15 : i32
    %eq3A_108 = arith.cmpi eq, %arg1, %eq3A : i32
    %convert_element_type3A_109 = arith.extui %eq3A_108 : i1 to i32
    %cond3A_110 = arith.constant 0 : i32
    %cond3A_111 = arith.cmpi ne, %convert_element_type3A_109, %cond3A_110 : i32
    scf.if %cond3A_111 {
      %mul3A_233 = arith.constant 160 : i32
      %mul3A_234 = arith.muli %mul3A_233, %arg1 : i32
      "tpu.region"() ({
        %run_scoped3A_235 = tpu.sem_alloc : memref<!tpu.dma_semaphore, #tpu.memory_space<semaphore_mem>>
        %dma_start3A = arith.constant 0 : i32
        %dma_start3A_236 = tpu.memref_slice %arg6[%add3A_103, %dma_start3A] : memref<10112x128xf32, #tpu.memory_space<hbm>> -> memref<128x128xf32, #tpu.memory_space<hbm>>
        %dma_start3A_237 = arith.constant 0 : i32
        %dma_start3A_238 = tpu.memref_slice %arg13[%mul3A_234, %dma_start3A_237] : memref<2688x128xf32, #tpu.memory_space<vmem_shared>> -> memref<128x128xf32, #tpu.memory_space<vmem_shared>>
        tpu.enqueue_dma source(%dma_start3A_238 : memref<128x128xf32, #tpu.memory_space<vmem_shared>>) target(%dma_start3A_236 : memref<128x128xf32, #tpu.memory_space<hbm>>) target_semaphore(%run_scoped3A_235 : memref<!tpu.dma_semaphore, #tpu.memory_space<semaphore_mem>>)
        %dma_wait3A = arith.constant 0 : i32
        %dma_wait3A_239 = tpu.memref_slice %arg6[%add3A_103, %dma_wait3A] : memref<10112x128xf32, #tpu.memory_space<hbm>> -> memref<128x128xf32, #tpu.memory_space<hbm>>
        %dma_wait3A_240 = arith.constant 0 : i32
        %dma_wait3A_241 = tpu.memref_slice %arg13[%mul3A_234, %dma_wait3A_240] : memref<2688x128xf32, #tpu.memory_space<vmem_shared>> -> memref<128x128xf32, #tpu.memory_space<vmem_shared>>
        tpu.wait_dma2 semaphore(%run_scoped3A_235 : memref<!tpu.dma_semaphore, #tpu.memory_space<semaphore_mem>>) src(%dma_wait3A_241 : memref<128x128xf32, #tpu.memory_space<vmem_shared>>) dst(%dma_wait3A_239 : memref<128x128xf32, #tpu.memory_space<hbm>>)
        tpu.yield
      }) : () -> ()
    } else {
    }
    %barrier3A_112 = arith.constant 0 : index
    tpu.barrier barrier_id(%barrier3A_112)
    %add3A_113 = arith.constant 2 : i32
    %add3A_114 = arith.addi %add3A_113, %arg0 : i32
    %mul3A_115 = arith.constant 168 : i32
    %mul3A_116 = arith.muli %arg1, %mul3A_115 : i32
    "tpu.region"() ({
      %run_scoped3A_233 = tpu.sem_alloc : memref<!tpu.dma_semaphore, #tpu.memory_space<semaphore_mem>>
      %dma_start3A = arith.constant 0 : i32
      %dma_start3A_234 = tpu.memref_slice %arg13[%mul3A_116, %dma_start3A] : memref<2688x128xf32, #tpu.memory_space<vmem_shared>> -> memref<128x128xf32, #tpu.memory_space<vmem_shared>>
      %dma_start3A_235 = arith.constant 0 : i32
      %dma_start3A_236 = tpu.memref_slice %arg13[%mul3A_116, %dma_start3A_235] : memref<2688x128xf32, #tpu.memory_space<vmem_shared>> -> memref<128x128xf32, #tpu.memory_space<vmem_shared>>
      tpu.enqueue_dma source(%arg12 : memref<128x128xf32, #tpu.memory_space<vmem>>) target(%dma_start3A_236 : memref<128x128xf32, #tpu.memory_space<vmem_shared>>) target_semaphore(%run_scoped3A_233 : memref<!tpu.dma_semaphore, #tpu.memory_space<semaphore_mem>>)
      %dma_wait3A = arith.constant 0 : i32
      %dma_wait3A_237 = tpu.memref_slice %arg13[%mul3A_116, %dma_wait3A] : memref<2688x128xf32, #tpu.memory_space<vmem_shared>> -> memref<128x128xf32, #tpu.memory_space<vmem_shared>>
      %dma_wait3A_238 = arith.constant 0 : i32
      %dma_wait3A_239 = tpu.memref_slice %arg13[%mul3A_116, %dma_wait3A_238] : memref<2688x128xf32, #tpu.memory_space<vmem_shared>> -> memref<128x128xf32, #tpu.memory_space<vmem_shared>>
      tpu.wait_dma2 semaphore(%run_scoped3A_233 : memref<!tpu.dma_semaphore, #tpu.memory_space<semaphore_mem>>) src(%arg12 : memref<128x128xf32, #tpu.memory_space<vmem>>) dst(%dma_wait3A_239 : memref<128x128xf32, #tpu.memory_space<vmem_shared>>)
      tpu.yield
    }) : () -> ()
    %add3A_117 = arith.constant 128 : i32
    %add3A_118 = arith.addi %mul3A_116, %add3A_117 : i32
    "tpu.region"() ({
      %run_scoped3A_233 = tpu.sem_alloc : memref<!tpu.dma_semaphore, #tpu.memory_space<semaphore_mem>>
      %dma_start3A = arith.constant 0 : i32
      %dma_start3A_234 = arith.constant 0 : i32
      %dma_start3A_235 = tpu.memref_slice %arg12[%dma_start3A, %dma_start3A_234] : memref<128x128xf32, #tpu.memory_space<vmem>> -> memref<40x128xf32, #tpu.memory_space<vmem>>
      %dma_start3A_236 = arith.constant 0 : i32
      %dma_start3A_237 = tpu.memref_slice %arg13[%add3A_118, %dma_start3A_236] : memref<2688x128xf32, #tpu.memory_space<vmem_shared>> -> memref<40x128xf32, #tpu.memory_space<vmem_shared>>
      %dma_start3A_238 = arith.constant 0 : i32
      %dma_start3A_239 = tpu.memref_slice %arg13[%add3A_118, %dma_start3A_238] : memref<2688x128xf32, #tpu.memory_space<vmem_shared>> -> memref<40x128xf32, #tpu.memory_space<vmem_shared>>
      %dma_start3A_240 = arith.constant 0 : i32
      %dma_start3A_241 = arith.constant 0 : i32
      %dma_start3A_242 = tpu.memref_slice %arg12[%dma_start3A_240, %dma_start3A_241] : memref<128x128xf32, #tpu.memory_space<vmem>> -> memref<40x128xf32, #tpu.memory_space<vmem>>
      tpu.enqueue_dma source(%dma_start3A_242 : memref<40x128xf32, #tpu.memory_space<vmem>>) target(%dma_start3A_239 : memref<40x128xf32, #tpu.memory_space<vmem_shared>>) target_semaphore(%run_scoped3A_233 : memref<!tpu.dma_semaphore, #tpu.memory_space<semaphore_mem>>)
      %dma_wait3A = arith.constant 0 : i32
      %dma_wait3A_243 = arith.constant 0 : i32
      %dma_wait3A_244 = tpu.memref_slice %arg12[%dma_wait3A, %dma_wait3A_243] : memref<128x128xf32, #tpu.memory_space<vmem>> -> memref<40x128xf32, #tpu.memory_space<vmem>>
      %dma_wait3A_245 = arith.constant 0 : i32
      %dma_wait3A_246 = tpu.memref_slice %arg13[%add3A_118, %dma_wait3A_245] : memref<2688x128xf32, #tpu.memory_space<vmem_shared>> -> memref<40x128xf32, #tpu.memory_space<vmem_shared>>
      %dma_wait3A_247 = arith.constant 0 : i32
      %dma_wait3A_248 = tpu.memref_slice %arg13[%add3A_118, %dma_wait3A_247] : memref<2688x128xf32, #tpu.memory_space<vmem_shared>> -> memref<40x128xf32, #tpu.memory_space<vmem_shared>>
      %dma_wait3A_249 = arith.constant 0 : i32
      %dma_wait3A_250 = arith.constant 0 : i32
      %dma_wait3A_251 = tpu.memref_slice %arg12[%dma_wait3A_249, %dma_wait3A_250] : memref<128x128xf32, #tpu.memory_space<vmem>> -> memref<40x128xf32, #tpu.memory_space<vmem>>
      tpu.wait_dma2 semaphore(%run_scoped3A_233 : memref<!tpu.dma_semaphore, #tpu.memory_space<semaphore_mem>>) src(%dma_wait3A_251 : memref<40x128xf32, #tpu.memory_space<vmem>>) dst(%dma_wait3A_248 : memref<40x128xf32, #tpu.memory_space<vmem_shared>>)
      tpu.yield
    }) : () -> ()
    %barrier3A_119 = arith.constant 0 : index
    tpu.barrier barrier_id(%barrier3A_119)
    %mul3A_120 = arith.constant 2 : i32
    %mul3A_121 = arith.muli %mul3A_120, %arg1 : i32
    "tpu.region"() ({
      %run_scoped3A_233 = tpu.sem_alloc : memref<!tpu.dma_semaphore, #tpu.memory_space<semaphore_mem>>
      %dma_start3A = arith.constant 0 : i32
      %dma_start3A_234 = arith.constant 0 : i32
      %dma_start3A_235 = tpu.memref_slice %arg7[%dma_start3A, %dma_start3A_234] : memref<44x128xi32, #tpu.memory_space<vmem>> -> memref<22x128xi32, #tpu.memory_space<vmem>>
      %dma_start3A_236 = arith.constant 0 : i32
      %dma_start3A_237 = arith.constant 0 : i32
      %dma_start3A_238 = tpu.memref_slice %arg3[%mul3A_121, %add3A_114, %dma_start3A_236, %dma_start3A_237] : memref<32x4x22x128xi32, #tpu.memory_space<hbm>> -> memref<1x1x22x128xi32, #tpu.memory_space<hbm>>
      %dma_start3A_239 = tpu.memref_squeeze %dma_start3A_238 : memref<1x1x22x128xi32, #tpu.memory_space<hbm>> -> memref<22x128xi32, #tpu.memory_space<hbm>>
      %dma_start3A_240 = arith.constant 0 : i32
      %dma_start3A_241 = arith.constant 0 : i32
      %dma_start3A_242 = tpu.memref_slice %arg7[%dma_start3A_240, %dma_start3A_241] : memref<44x128xi32, #tpu.memory_space<vmem>> -> memref<22x128xi32, #tpu.memory_space<vmem>>
      %dma_start3A_243 = arith.constant 0 : i32
      %dma_start3A_244 = arith.constant 0 : i32
      %dma_start3A_245 = tpu.memref_slice %arg3[%mul3A_121, %add3A_114, %dma_start3A_243, %dma_start3A_244] : memref<32x4x22x128xi32, #tpu.memory_space<hbm>> -> memref<1x1x22x128xi32, #tpu.memory_space<hbm>>
      %dma_start3A_246 = tpu.memref_squeeze %dma_start3A_245 : memref<1x1x22x128xi32, #tpu.memory_space<hbm>> -> memref<22x128xi32, #tpu.memory_space<hbm>>
      tpu.enqueue_dma source(%dma_start3A_246 : memref<22x128xi32, #tpu.memory_space<hbm>>) target(%dma_start3A_242 : memref<22x128xi32, #tpu.memory_space<vmem>>) target_semaphore(%run_scoped3A_233 : memref<!tpu.dma_semaphore, #tpu.memory_space<semaphore_mem>>)
      %dma_wait3A = arith.constant 0 : i32
      %dma_wait3A_247 = arith.constant 0 : i32
      %dma_wait3A_248 = tpu.memref_slice %arg7[%dma_wait3A, %dma_wait3A_247] : memref<44x128xi32, #tpu.memory_space<vmem>> -> memref<22x128xi32, #tpu.memory_space<vmem>>
      %dma_wait3A_249 = arith.constant 0 : i32
      %dma_wait3A_250 = arith.constant 0 : i32
      %dma_wait3A_251 = tpu.memref_slice %arg3[%mul3A_121, %add3A_114, %dma_wait3A_249, %dma_wait3A_250] : memref<32x4x22x128xi32, #tpu.memory_space<hbm>> -> memref<1x1x22x128xi32, #tpu.memory_space<hbm>>
      %dma_wait3A_252 = tpu.memref_squeeze %dma_wait3A_251 : memref<1x1x22x128xi32, #tpu.memory_space<hbm>> -> memref<22x128xi32, #tpu.memory_space<hbm>>
      %dma_wait3A_253 = arith.constant 0 : i32
      %dma_wait3A_254 = arith.constant 0 : i32
      %dma_wait3A_255 = tpu.memref_slice %arg7[%dma_wait3A_253, %dma_wait3A_254] : memref<44x128xi32, #tpu.memory_space<vmem>> -> memref<22x128xi32, #tpu.memory_space<vmem>>
      %dma_wait3A_256 = arith.constant 0 : i32
      %dma_wait3A_257 = arith.constant 0 : i32
      %dma_wait3A_258 = tpu.memref_slice %arg3[%mul3A_121, %add3A_114, %dma_wait3A_256, %dma_wait3A_257] : memref<32x4x22x128xi32, #tpu.memory_space<hbm>> -> memref<1x1x22x128xi32, #tpu.memory_space<hbm>>
      %dma_wait3A_259 = tpu.memref_squeeze %dma_wait3A_258 : memref<1x1x22x128xi32, #tpu.memory_space<hbm>> -> memref<22x128xi32, #tpu.memory_space<hbm>>
      tpu.wait_dma2 semaphore(%run_scoped3A_233 : memref<!tpu.dma_semaphore, #tpu.memory_space<semaphore_mem>>) src(%dma_wait3A_259 : memref<22x128xi32, #tpu.memory_space<hbm>>) dst(%dma_wait3A_255 : memref<22x128xi32, #tpu.memory_space<vmem>>)
      tpu.yield
    }) : () -> ()
    %mul3A_122 = arith.constant 2 : i32
    %mul3A_123 = arith.muli %mul3A_122, %arg1 : i32
    %add3A_124 = arith.constant 1 : i32
    %add3A_125 = arith.addi %mul3A_123, %add3A_124 : i32
    "tpu.region"() ({
      %run_scoped3A_233 = tpu.sem_alloc : memref<!tpu.dma_semaphore, #tpu.memory_space<semaphore_mem>>
      %dma_start3A = arith.constant 22 : i32
      %dma_start3A_234 = arith.constant 0 : i32
      %dma_start3A_235 = tpu.memref_slice %arg7[%dma_start3A, %dma_start3A_234] : memref<44x128xi32, #tpu.memory_space<vmem>> -> memref<22x128xi32, #tpu.memory_space<vmem>>
      %dma_start3A_236 = arith.constant 0 : i32
      %dma_start3A_237 = arith.constant 0 : i32
      %dma_start3A_238 = tpu.memref_slice %arg3[%add3A_125, %add3A_114, %dma_start3A_236, %dma_start3A_237] : memref<32x4x22x128xi32, #tpu.memory_space<hbm>> -> memref<1x1x22x128xi32, #tpu.memory_space<hbm>>
      %dma_start3A_239 = tpu.memref_squeeze %dma_start3A_238 : memref<1x1x22x128xi32, #tpu.memory_space<hbm>> -> memref<22x128xi32, #tpu.memory_space<hbm>>
      %dma_start3A_240 = arith.constant 22 : i32
      %dma_start3A_241 = arith.constant 0 : i32
      %dma_start3A_242 = tpu.memref_slice %arg7[%dma_start3A_240, %dma_start3A_241] : memref<44x128xi32, #tpu.memory_space<vmem>> -> memref<22x128xi32, #tpu.memory_space<vmem>>
      %dma_start3A_243 = arith.constant 0 : i32
      %dma_start3A_244 = arith.constant 0 : i32
      %dma_start3A_245 = tpu.memref_slice %arg3[%add3A_125, %add3A_114, %dma_start3A_243, %dma_start3A_244] : memref<32x4x22x128xi32, #tpu.memory_space<hbm>> -> memref<1x1x22x128xi32, #tpu.memory_space<hbm>>
      %dma_start3A_246 = tpu.memref_squeeze %dma_start3A_245 : memref<1x1x22x128xi32, #tpu.memory_space<hbm>> -> memref<22x128xi32, #tpu.memory_space<hbm>>
      tpu.enqueue_dma source(%dma_start3A_246 : memref<22x128xi32, #tpu.memory_space<hbm>>) target(%dma_start3A_242 : memref<22x128xi32, #tpu.memory_space<vmem>>) target_semaphore(%run_scoped3A_233 : memref<!tpu.dma_semaphore, #tpu.memory_space<semaphore_mem>>)
      %dma_wait3A = arith.constant 22 : i32
      %dma_wait3A_247 = arith.constant 0 : i32
      %dma_wait3A_248 = tpu.memref_slice %arg7[%dma_wait3A, %dma_wait3A_247] : memref<44x128xi32, #tpu.memory_space<vmem>> -> memref<22x128xi32, #tpu.memory_space<vmem>>
      %dma_wait3A_249 = arith.constant 0 : i32
      %dma_wait3A_250 = arith.constant 0 : i32
      %dma_wait3A_251 = tpu.memref_slice %arg3[%add3A_125, %add3A_114, %dma_wait3A_249, %dma_wait3A_250] : memref<32x4x22x128xi32, #tpu.memory_space<hbm>> -> memref<1x1x22x128xi32, #tpu.memory_space<hbm>>
      %dma_wait3A_252 = tpu.memref_squeeze %dma_wait3A_251 : memref<1x1x22x128xi32, #tpu.memory_space<hbm>> -> memref<22x128xi32, #tpu.memory_space<hbm>>
      %dma_wait3A_253 = arith.constant 22 : i32
      %dma_wait3A_254 = arith.constant 0 : i32
      %dma_wait3A_255 = tpu.memref_slice %arg7[%dma_wait3A_253, %dma_wait3A_254] : memref<44x128xi32, #tpu.memory_space<vmem>> -> memref<22x128xi32, #tpu.memory_space<vmem>>
      %dma_wait3A_256 = arith.constant 0 : i32
      %dma_wait3A_257 = arith.constant 0 : i32
      %dma_wait3A_258 = tpu.memref_slice %arg3[%add3A_125, %add3A_114, %dma_wait3A_256, %dma_wait3A_257] : memref<32x4x22x128xi32, #tpu.memory_space<hbm>> -> memref<1x1x22x128xi32, #tpu.memory_space<hbm>>
      %dma_wait3A_259 = tpu.memref_squeeze %dma_wait3A_258 : memref<1x1x22x128xi32, #tpu.memory_space<hbm>> -> memref<22x128xi32, #tpu.memory_space<hbm>>
      tpu.wait_dma2 semaphore(%run_scoped3A_233 : memref<!tpu.dma_semaphore, #tpu.memory_space<semaphore_mem>>) src(%dma_wait3A_259 : memref<22x128xi32, #tpu.memory_space<hbm>>) dst(%dma_wait3A_255 : memref<22x128xi32, #tpu.memory_space<vmem>>)
      tpu.yield
    }) : () -> ()
    %mul3A_126 = arith.constant 2 : i32
    %mul3A_127 = arith.muli %mul3A_126, %arg1 : i32
    "tpu.region"() ({
      %run_scoped3A_233 = tpu.sem_alloc : memref<!tpu.dma_semaphore, #tpu.memory_space<semaphore_mem>>
      %dma_start3A = arith.constant 0 : i32
      %dma_start3A_234 = arith.constant 0 : i32
      %dma_start3A_235 = tpu.memref_slice %arg8[%dma_start3A, %dma_start3A_234] : memref<44x128xi32, #tpu.memory_space<vmem>> -> memref<22x128xi32, #tpu.memory_space<vmem>>
      %dma_start3A_236 = arith.constant 0 : i32
      %dma_start3A_237 = arith.constant 0 : i32
      %dma_start3A_238 = tpu.memref_slice %arg4[%mul3A_127, %add3A_114, %dma_start3A_236, %dma_start3A_237] : memref<32x4x22x128xi32, #tpu.memory_space<hbm>> -> memref<1x1x22x128xi32, #tpu.memory_space<hbm>>
      %dma_start3A_239 = tpu.memref_squeeze %dma_start3A_238 : memref<1x1x22x128xi32, #tpu.memory_space<hbm>> -> memref<22x128xi32, #tpu.memory_space<hbm>>
      %dma_start3A_240 = arith.constant 0 : i32
      %dma_start3A_241 = arith.constant 0 : i32
      %dma_start3A_242 = tpu.memref_slice %arg8[%dma_start3A_240, %dma_start3A_241] : memref<44x128xi32, #tpu.memory_space<vmem>> -> memref<22x128xi32, #tpu.memory_space<vmem>>
      %dma_start3A_243 = arith.constant 0 : i32
      %dma_start3A_244 = arith.constant 0 : i32
      %dma_start3A_245 = tpu.memref_slice %arg4[%mul3A_127, %add3A_114, %dma_start3A_243, %dma_start3A_244] : memref<32x4x22x128xi32, #tpu.memory_space<hbm>> -> memref<1x1x22x128xi32, #tpu.memory_space<hbm>>
      %dma_start3A_246 = tpu.memref_squeeze %dma_start3A_245 : memref<1x1x22x128xi32, #tpu.memory_space<hbm>> -> memref<22x128xi32, #tpu.memory_space<hbm>>
      tpu.enqueue_dma source(%dma_start3A_246 : memref<22x128xi32, #tpu.memory_space<hbm>>) target(%dma_start3A_242 : memref<22x128xi32, #tpu.memory_space<vmem>>) target_semaphore(%run_scoped3A_233 : memref<!tpu.dma_semaphore, #tpu.memory_space<semaphore_mem>>)
      %dma_wait3A = arith.constant 0 : i32
      %dma_wait3A_247 = arith.constant 0 : i32
      %dma_wait3A_248 = tpu.memref_slice %arg8[%dma_wait3A, %dma_wait3A_247] : memref<44x128xi32, #tpu.memory_space<vmem>> -> memref<22x128xi32, #tpu.memory_space<vmem>>
      %dma_wait3A_249 = arith.constant 0 : i32
      %dma_wait3A_250 = arith.constant 0 : i32
      %dma_wait3A_251 = tpu.memref_slice %arg4[%mul3A_127, %add3A_114, %dma_wait3A_249, %dma_wait3A_250] : memref<32x4x22x128xi32, #tpu.memory_space<hbm>> -> memref<1x1x22x128xi32, #tpu.memory_space<hbm>>
      %dma_wait3A_252 = tpu.memref_squeeze %dma_wait3A_251 : memref<1x1x22x128xi32, #tpu.memory_space<hbm>> -> memref<22x128xi32, #tpu.memory_space<hbm>>
      %dma_wait3A_253 = arith.constant 0 : i32
      %dma_wait3A_254 = arith.constant 0 : i32
      %dma_wait3A_255 = tpu.memref_slice %arg8[%dma_wait3A_253, %dma_wait3A_254] : memref<44x128xi32, #tpu.memory_space<vmem>> -> memref<22x128xi32, #tpu.memory_space<vmem>>
      %dma_wait3A_256 = arith.constant 0 : i32
      %dma_wait3A_257 = arith.constant 0 : i32
      %dma_wait3A_258 = tpu.memref_slice %arg4[%mul3A_127, %add3A_114, %dma_wait3A_256, %dma_wait3A_257] : memref<32x4x22x128xi32, #tpu.memory_space<hbm>> -> memref<1x1x22x128xi32, #tpu.memory_space<hbm>>
      %dma_wait3A_259 = tpu.memref_squeeze %dma_wait3A_258 : memref<1x1x22x128xi32, #tpu.memory_space<hbm>> -> memref<22x128xi32, #tpu.memory_space<hbm>>
      tpu.wait_dma2 semaphore(%run_scoped3A_233 : memref<!tpu.dma_semaphore, #tpu.memory_space<semaphore_mem>>) src(%dma_wait3A_259 : memref<22x128xi32, #tpu.memory_space<hbm>>) dst(%dma_wait3A_255 : memref<22x128xi32, #tpu.memory_space<vmem>>)
      tpu.yield
    }) : () -> ()
    %mul3A_128 = arith.constant 2 : i32
    %mul3A_129 = arith.muli %mul3A_128, %arg1 : i32
    %add3A_130 = arith.constant 1 : i32
    %add3A_131 = arith.addi %mul3A_129, %add3A_130 : i32
    "tpu.region"() ({
      %run_scoped3A_233 = tpu.sem_alloc : memref<!tpu.dma_semaphore, #tpu.memory_space<semaphore_mem>>
      %dma_start3A = arith.constant 22 : i32
      %dma_start3A_234 = arith.constant 0 : i32
      %dma_start3A_235 = tpu.memref_slice %arg8[%dma_start3A, %dma_start3A_234] : memref<44x128xi32, #tpu.memory_space<vmem>> -> memref<22x128xi32, #tpu.memory_space<vmem>>
      %dma_start3A_236 = arith.constant 0 : i32
      %dma_start3A_237 = arith.constant 0 : i32
      %dma_start3A_238 = tpu.memref_slice %arg4[%add3A_131, %add3A_114, %dma_start3A_236, %dma_start3A_237] : memref<32x4x22x128xi32, #tpu.memory_space<hbm>> -> memref<1x1x22x128xi32, #tpu.memory_space<hbm>>
      %dma_start3A_239 = tpu.memref_squeeze %dma_start3A_238 : memref<1x1x22x128xi32, #tpu.memory_space<hbm>> -> memref<22x128xi32, #tpu.memory_space<hbm>>
      %dma_start3A_240 = arith.constant 22 : i32
      %dma_start3A_241 = arith.constant 0 : i32
      %dma_start3A_242 = tpu.memref_slice %arg8[%dma_start3A_240, %dma_start3A_241] : memref<44x128xi32, #tpu.memory_space<vmem>> -> memref<22x128xi32, #tpu.memory_space<vmem>>
      %dma_start3A_243 = arith.constant 0 : i32
      %dma_start3A_244 = arith.constant 0 : i32
      %dma_start3A_245 = tpu.memref_slice %arg4[%add3A_131, %add3A_114, %dma_start3A_243, %dma_start3A_244] : memref<32x4x22x128xi32, #tpu.memory_space<hbm>> -> memref<1x1x22x128xi32, #tpu.memory_space<hbm>>
      %dma_start3A_246 = tpu.memref_squeeze %dma_start3A_245 : memref<1x1x22x128xi32, #tpu.memory_space<hbm>> -> memref<22x128xi32, #tpu.memory_space<hbm>>
      tpu.enqueue_dma source(%dma_start3A_246 : memref<22x128xi32, #tpu.memory_space<hbm>>) target(%dma_start3A_242 : memref<22x128xi32, #tpu.memory_space<vmem>>) target_semaphore(%run_scoped3A_233 : memref<!tpu.dma_semaphore, #tpu.memory_space<semaphore_mem>>)
      %dma_wait3A = arith.constant 22 : i32
      %dma_wait3A_247 = arith.constant 0 : i32
      %dma_wait3A_248 = tpu.memref_slice %arg8[%dma_wait3A, %dma_wait3A_247] : memref<44x128xi32, #tpu.memory_space<vmem>> -> memref<22x128xi32, #tpu.memory_space<vmem>>
      %dma_wait3A_249 = arith.constant 0 : i32
      %dma_wait3A_250 = arith.constant 0 : i32
      %dma_wait3A_251 = tpu.memref_slice %arg4[%add3A_131, %add3A_114, %dma_wait3A_249, %dma_wait3A_250] : memref<32x4x22x128xi32, #tpu.memory_space<hbm>> -> memref<1x1x22x128xi32, #tpu.memory_space<hbm>>
      %dma_wait3A_252 = tpu.memref_squeeze %dma_wait3A_251 : memref<1x1x22x128xi32, #tpu.memory_space<hbm>> -> memref<22x128xi32, #tpu.memory_space<hbm>>
      %dma_wait3A_253 = arith.constant 22 : i32
      %dma_wait3A_254 = arith.constant 0 : i32
      %dma_wait3A_255 = tpu.memref_slice %arg8[%dma_wait3A_253, %dma_wait3A_254] : memref<44x128xi32, #tpu.memory_space<vmem>> -> memref<22x128xi32, #tpu.memory_space<vmem>>
      %dma_wait3A_256 = arith.constant 0 : i32
      %dma_wait3A_257 = arith.constant 0 : i32
      %dma_wait3A_258 = tpu.memref_slice %arg4[%add3A_131, %add3A_114, %dma_wait3A_256, %dma_wait3A_257] : memref<32x4x22x128xi32, #tpu.memory_space<hbm>> -> memref<1x1x22x128xi32, #tpu.memory_space<hbm>>
      %dma_wait3A_259 = tpu.memref_squeeze %dma_wait3A_258 : memref<1x1x22x128xi32, #tpu.memory_space<hbm>> -> memref<22x128xi32, #tpu.memory_space<hbm>>
      tpu.wait_dma2 semaphore(%run_scoped3A_233 : memref<!tpu.dma_semaphore, #tpu.memory_space<semaphore_mem>>) src(%dma_wait3A_259 : memref<22x128xi32, #tpu.memory_space<hbm>>) dst(%dma_wait3A_255 : memref<22x128xi32, #tpu.memory_space<vmem>>)
      tpu.yield
    }) : () -> ()
    %mul3A_132 = arith.constant 16 : i32
    %mul3A_133 = arith.muli %add3A_114, %mul3A_132 : i32
    %get3A_134 = arith.constant 0 : i32
    %get3A_135 = arith.index_cast %get3A_134 : i32 to index
    %get3A_136 = arith.index_cast %mul3A_133 : i32 to index
    %get3A_137 = tpu.vector_load %arg11[%get3A_135, %get3A_136] {strides = array<i32>} : memref<2x64xi32, #tpu.memory_space<vmem>>, vector<16xi32>,
    %reduce_max3A_138 = arith.constant true
    %reduce_max3A_139 = vector.broadcast %reduce_max3A_138 : i1 to vector<16xi1>
    %reduce_max3A_140 = arith.constant -2147483648 : i32
    %reduce_max3A_141 = vector.broadcast %reduce_max3A_140 : i32 to vector<16xi32>
    %reduce_max3A_142 = arith.xori %get3A_137, %reduce_max3A_141 : vector<16xi32>
    %reduce_max3A_143 = tpu.scan <max>, %reduce_max3A_142 masked %reduce_max3A_139 : vector<16xi32>, vector<16xi1> -> vector<16xi32>
    %reduce_max3A_144 = arith.xori %reduce_max3A_143, %reduce_max3A_141 : vector<16xi32>
    %reduce_max3A_145 = vector.extract %reduce_max3A_144[15] : i32 from vector<16xi32>
    %add3A_146 = arith.constant 128 : i32
    %add3A_147 = arith.addi %reduce_max3A_145, %add3A_146 : i32
    %sub3A_148 = arith.constant 1 : i32
    %sub3A_149 = arith.subi %add3A_147, %sub3A_148 : i32
    %shift_right_logical3A_150 = arith.constant 7 : i32
    %shift_right_logical3A_151 = arith.shrui %sub3A_149, %shift_right_logical3A_150 : i32
    %mul3A_152 = arith.constant 16 : i32
    %mul3A_153 = arith.muli %add3A_114, %mul3A_152 : i32
    %get3A_154 = arith.constant 1 : i32
    %get3A_155 = arith.index_cast %get3A_154 : i32 to index
    %get3A_156 = arith.index_cast %mul3A_153 : i32 to index
    %get3A_157 = tpu.vector_load %arg11[%get3A_155, %get3A_156] {strides = array<i32>} : memref<2x64xi32, #tpu.memory_space<vmem>>, vector<16xi32>,
    %reduce_max3A_158 = arith.constant true
    %reduce_max3A_159 = vector.broadcast %reduce_max3A_158 : i1 to vector<16xi1>
    %reduce_max3A_160 = arith.constant -2147483648 : i32
    %reduce_max3A_161 = vector.broadcast %reduce_max3A_160 : i32 to vector<16xi32>
    %reduce_max3A_162 = arith.xori %get3A_157, %reduce_max3A_161 : vector<16xi32>
    %reduce_max3A_163 = tpu.scan <max>, %reduce_max3A_162 masked %reduce_max3A_159 : vector<16xi32>, vector<16xi1> -> vector<16xi32>
    %reduce_max3A_164 = arith.xori %reduce_max3A_163, %reduce_max3A_161 : vector<16xi32>
    %reduce_max3A_165 = vector.extract %reduce_max3A_164[15] : i32 from vector<16xi32>
    %add3A_166 = arith.constant 128 : i32
    %add3A_167 = arith.addi %reduce_max3A_165, %add3A_166 : i32
    %sub3A_168 = arith.constant 1 : i32
    %sub3A_169 = arith.subi %add3A_167, %sub3A_168 : i32
    %shift_right_logical3A_170 = arith.constant 7 : i32
    %shift_right_logical3A_171 = arith.shrui %sub3A_169, %shift_right_logical3A_170 : i32
    %add3A_172 = arith.addi %shift_right_logical3A_151, %shift_right_logical3A_171 : i32
    %gt3A_173 = arith.constant 0 : i32
    %gt3A_174 = arith.cmpi sgt, %add3A_172, %gt3A_173 : i32
    %convert_element_type3A_175 = arith.extui %gt3A_174 : i1 to i32
    %cond3A_176 = arith.constant 0 : i32
    %cond3A_177 = arith.cmpi ne, %convert_element_type3A_175, %cond3A_176 : i32
    scf.if %cond3A_177 {
      %gt3A_233 = arith.constant 0 : i32
      %gt3A_234 = arith.cmpi sgt, %shift_right_logical3A_151, %gt3A_233 : i32
      %sub3A_235 = arith.constant 0 : i32
      %sub3A_236 = arith.subi %sub3A_235, %shift_right_logical3A_151 : i32
      %add3A_237 = arith.constant 22 : i32
      %add3A_238 = arith.addi %sub3A_236, %add3A_237 : i32
      %jit3A_239 = arith.constant 0 : i32
      %select_n3A_240 = arith.select %gt3A_234, %jit3A_239, %add3A_238 : i32
      %dma_start3A = arith.constant 0 : i32
      %dma_start3A_241 = tpu.memref_slice %arg7[%select_n3A_240, %dma_start3A] : memref<44x128xi32, #tpu.memory_space<vmem>> -> memref<1x128xi32, #tpu.memory_space<vmem>>
      %dma_start3A_242 = tpu.memref_squeeze %dma_start3A_241 : memref<1x128xi32, #tpu.memory_space<vmem>> -> memref<128xi32, #tpu.memory_space<vmem>>
      %dma_start3A_243 = arith.constant 0 : i32
      %dma_start3A_244 = arith.constant 0 : i32
      %dma_start3A_245 = tpu.memref_slice %arg2[%dma_start3A_243, %dma_start3A_244] : memref<10000x128xf32, #tpu.memory_space<hbm>> -> memref<10000x128xf32, #tpu.memory_space<hbm>>
      tpu.enqueue_indirect_dma source(%dma_start3A_245 : memref<10000x128xf32, #tpu.memory_space<hbm>>) target(%arg9 : memref<128x128xf32, #tpu.memory_space<vmem>>) offsets(%dma_start3A_242 : memref<128xi32, #tpu.memory_space<vmem>>) semaphore(%arg14 : memref<!tpu.dma_semaphore, #tpu.memory_space<semaphore_mem>>)
    } else {
    }
    %add3A_178 = arith.constant 1 : i32
    %add3A_179 = arith.addi %add3A_172, %add3A_178 : i32
    %jit3A_180 = arith.constant 2 : i32
    %div3A_181 = arith.divsi %add3A_179, %jit3A_180 : i32
    %sign3A_182 = arith.constant 0 : i32
    %sign3A_183 = arith.cmpi sgt, %add3A_179, %sign3A_182 : i32
    %sign3A_184 = arith.extui %sign3A_183 : i1 to i32
    %sign3A_185 = arith.constant 0 : i32
    %sign3A_186 = arith.cmpi slt, %add3A_179, %sign3A_185 : i32
    %sign3A_187 = arith.extui %sign3A_186 : i1 to i32
    %sign3A_188 = arith.subi %sign3A_184, %sign3A_187 : i32
    %sign3A_189 = arith.constant 0 : i32
    %sign3A_190 = arith.cmpi sgt, %jit3A_180, %sign3A_189 : i32
    %sign3A_191 = arith.extui %sign3A_190 : i1 to i32
    %sign3A_192 = arith.constant 0 : i32
    %sign3A_193 = arith.cmpi slt, %jit3A_180, %sign3A_192 : i32
    %sign3A_194 = arith.extui %sign3A_193 : i1 to i32
    %sign3A_195 = arith.subi %sign3A_191, %sign3A_194 : i32
    %ne3A_196 = arith.cmpi ne, %sign3A_188, %sign3A_195 : i32
    %rem3A_197 = arith.remsi %add3A_179, %jit3A_180 : i32
    %ne3A_198 = arith.constant 0 : i32
    %ne3A_199 = arith.cmpi ne, %rem3A_197, %ne3A_198 : i32
    %and3A_200 = arith.andi %ne3A_196, %ne3A_199 : i1
    %sub3A_201 = arith.constant 1 : i32
    %sub3A_202 = arith.subi %div3A_181, %sub3A_201 : i32
    %select_n3A_203 = arith.select %and3A_200, %sub3A_202, %div3A_181 : i32
    %while3A_204 = arith.constant 0 : i32
    %while3A_205 = arith.constant 0 : i32
    %while3A_206 = arith.subi %select_n3A_203, %while3A_204 : i32
    %while3A_207 = arith.addi %while3A_204, %while3A_206 : i32
    %while3A_208 = arith.constant 1 : i32
    %while3A_209 = arith.divsi %while3A_206, %while3A_208 : i32
    %while3A_210 = arith.muli %while3A_209, %while3A_208 : i32
    %while3A_211 = arith.addi %while3A_204, %while3A_210 : i32
    %while3A_212 = arith.constant 1 : i32
    %while3A_213 = scf.for %while3A_233 = %while3A_204 to %while3A_211 step %while3A_212 iter_args(%while3A_234 = %while3A_205) -> (i32)  : i32 {
      %mul3A_235 = arith.constant 2 : i32
      %mul3A_236 = arith.muli %mul3A_235, %while3A_233 : i32
      %add3A_237 = arith.constant 1 : i32
      %add3A_238 = arith.addi %mul3A_236, %add3A_237 : i32
      %lt3A_239 = arith.cmpi slt, %add3A_238, %add3A_172 : i32
      %convert_element_type3A_240 = arith.extui %lt3A_239 : i1 to i32
      %cond3A_241 = arith.constant 0 : i32
      %cond3A_242 = arith.cmpi ne, %convert_element_type3A_240, %cond3A_241 : i32
      scf.if %cond3A_242 {
        %lt3A_269 = arith.cmpi slt, %add3A_238, %shift_right_logical3A_151 : i32
        %sub3A_270 = arith.subi %add3A_238, %shift_right_logical3A_151 : i32
        %add3A_271 = arith.constant 22 : i32
        %add3A_272 = arith.addi %sub3A_270, %add3A_271 : i32
        %select_n3A_273 = arith.select %lt3A_269, %add3A_238, %add3A_272 : i32
        %dma_start3A = arith.constant 0 : i32
        %dma_start3A_274 = tpu.memref_slice %arg7[%select_n3A_273, %dma_start3A] : memref<44x128xi32, #tpu.memory_space<vmem>> -> memref<1x128xi32, #tpu.memory_space<vmem>>
        %dma_start3A_275 = tpu.memref_squeeze %dma_start3A_274 : memref<1x128xi32, #tpu.memory_space<vmem>> -> memref<128xi32, #tpu.memory_space<vmem>>
        %dma_start3A_276 = arith.constant 0 : i32
        %dma_start3A_277 = arith.constant 0 : i32
        %dma_start3A_278 = tpu.memref_slice %arg2[%dma_start3A_276, %dma_start3A_277] : memref<10000x128xf32, #tpu.memory_space<hbm>> -> memref<10000x128xf32, #tpu.memory_space<hbm>>
        tpu.enqueue_indirect_dma source(%dma_start3A_278 : memref<10000x128xf32, #tpu.memory_space<hbm>>) target(%arg10 : memref<128x128xf32, #tpu.memory_space<vmem>>) offsets(%dma_start3A_275 : memref<128xi32, #tpu.memory_space<vmem>>) semaphore(%arg15 : memref<!tpu.dma_semaphore, #tpu.memory_space<semaphore_mem>>)
      } else {
      }
      %lt3A_243 = arith.cmpi slt, %mul3A_236, %shift_right_logical3A_151 : i32
      %sub3A_244 = arith.subi %mul3A_236, %shift_right_logical3A_151 : i32
      %add3A_245 = arith.constant 22 : i32
      %add3A_246 = arith.addi %sub3A_244, %add3A_245 : i32
      %select_n3A_247 = arith.select %lt3A_243, %mul3A_236, %add3A_246 : i32
      %dma_wait3A = arith.constant 0 : i32
      %dma_wait3A_248 = tpu.memref_slice %arg7[%select_n3A_247, %dma_wait3A] : memref<44x128xi32, #tpu.memory_space<vmem>> -> memref<1x128xi32, #tpu.memory_space<vmem>>
      %dma_wait3A_249 = tpu.memref_squeeze %dma_wait3A_248 : memref<1x128xi32, #tpu.memory_space<vmem>> -> memref<128xi32, #tpu.memory_space<vmem>>
      %dma_wait3A_250 = arith.constant 0 : i32
      %dma_wait3A_251 = arith.constant 0 : i32
      %dma_wait3A_252 = tpu.memref_slice %arg2[%dma_wait3A_250, %dma_wait3A_251] : memref<10000x128xf32, #tpu.memory_space<hbm>> -> memref<10000x128xf32, #tpu.memory_space<hbm>>
      tpu.wait_indirect_dma semaphore(%arg14 : memref<!tpu.dma_semaphore, #tpu.memory_space<semaphore_mem>>) src(%dma_wait3A_252 : memref<10000x128xf32, #tpu.memory_space<hbm>>) dst(%arg9 : memref<128x128xf32, #tpu.memory_space<vmem>>)
      %lt3A_253 = arith.cmpi slt, %mul3A_236, %shift_right_logical3A_151 : i32
      %sub3A_254 = arith.subi %mul3A_236, %shift_right_logical3A_151 : i32
      %add3A_255 = arith.constant 22 : i32
      %add3A_256 = arith.addi %sub3A_254, %add3A_255 : i32
      %select_n3A_257 = arith.select %lt3A_253, %mul3A_236, %add3A_256 : i32
      "tpu.region"() ({
        %run_scoped3A_269 = tpu.sem_alloc : memref<!tpu.dma_semaphore, #tpu.memory_space<semaphore_mem>>
        %dma_start3A = arith.constant 0 : i32
        %dma_start3A_270 = tpu.memref_slice %arg8[%select_n3A_257, %dma_start3A] : memref<44x128xi32, #tpu.memory_space<vmem>> -> memref<1x128xi32, #tpu.memory_space<vmem>>
        %dma_start3A_271 = tpu.memref_squeeze %dma_start3A_270 : memref<1x128xi32, #tpu.memory_space<vmem>> -> memref<128xi32, #tpu.memory_space<vmem>>
        %dma_start3A_272 = arith.constant 0 : i32
        %dma_start3A_273 = arith.constant 0 : i32
        %dma_start3A_274 = tpu.memref_slice %arg13[%dma_start3A_272, %dma_start3A_273] : memref<2688x128xf32, #tpu.memory_space<vmem_shared>> -> memref<2688x128xf32, #tpu.memory_space<vmem_shared>>
        tpu.enqueue_indirect_dma source(%arg9 : memref<128x128xf32, #tpu.memory_space<vmem>>) target(%dma_start3A_274 : memref<2688x128xf32, #tpu.memory_space<vmem_shared>>) offsets(%dma_start3A_271 : memref<128xi32, #tpu.memory_space<vmem>>) semaphore(%run_scoped3A_269 : memref<!tpu.dma_semaphore, #tpu.memory_space<semaphore_mem>>) {add = true}
        %dma_wait3A_275 = arith.constant 0 : i32
        %dma_wait3A_276 = tpu.memref_slice %arg8[%select_n3A_257, %dma_wait3A_275] : memref<44x128xi32, #tpu.memory_space<vmem>> -> memref<1x128xi32, #tpu.memory_space<vmem>>
        %dma_wait3A_277 = tpu.memref_squeeze %dma_wait3A_276 : memref<1x128xi32, #tpu.memory_space<vmem>> -> memref<128xi32, #tpu.memory_space<vmem>>
        %dma_wait3A_278 = arith.constant 0 : i32
        %dma_wait3A_279 = arith.constant 0 : i32
        %dma_wait3A_280 = tpu.memref_slice %arg13[%dma_wait3A_278, %dma_wait3A_279] : memref<2688x128xf32, #tpu.memory_space<vmem_shared>> -> memref<2688x128xf32, #tpu.memory_space<vmem_shared>>
        tpu.wait_indirect_dma semaphore(%run_scoped3A_269 : memref<!tpu.dma_semaphore, #tpu.memory_space<semaphore_mem>>) src(%arg9 : memref<128x128xf32, #tpu.memory_space<vmem>>) dst(%dma_wait3A_280 : memref<2688x128xf32, #tpu.memory_space<vmem_shared>>)
        tpu.yield
      }) : () -> ()
      %add3A_258 = arith.constant 2 : i32
      %add3A_259 = arith.addi %mul3A_236, %add3A_258 : i32
      %lt3A_260 = arith.cmpi slt, %add3A_259, %add3A_172 : i32
      %convert_element_type3A_261 = arith.extui %lt3A_260 : i1 to i32
      %cond3A_262 = arith.constant 0 : i32
      %cond3A_263 = arith.cmpi ne, %convert_element_type3A_261, %cond3A_262 : i32
      scf.if %cond3A_263 {
        %add3A_269 = arith.constant 2 : i32
        %add3A_270 = arith.addi %mul3A_236, %add3A_269 : i32
        %lt3A_271 = arith.cmpi slt, %add3A_270, %shift_right_logical3A_151 : i32
        %sub3A_272 = arith.subi %add3A_270, %shift_right_logical3A_151 : i32
        %add3A_273 = arith.constant 22 : i32
        %add3A_274 = arith.addi %sub3A_272, %add3A_273 : i32
        %select_n3A_275 = arith.select %lt3A_271, %add3A_270, %add3A_274 : i32
        %dma_start3A = arith.constant 0 : i32
        %dma_start3A_276 = tpu.memref_slice %arg7[%select_n3A_275, %dma_start3A] : memref<44x128xi32, #tpu.memory_space<vmem>> -> memref<1x128xi32, #tpu.memory_space<vmem>>
        %dma_start3A_277 = tpu.memref_squeeze %dma_start3A_276 : memref<1x128xi32, #tpu.memory_space<vmem>> -> memref<128xi32, #tpu.memory_space<vmem>>
        %dma_start3A_278 = arith.constant 0 : i32
        %dma_start3A_279 = arith.constant 0 : i32
        %dma_start3A_280 = tpu.memref_slice %arg2[%dma_start3A_278, %dma_start3A_279] : memref<10000x128xf32, #tpu.memory_space<hbm>> -> memref<10000x128xf32, #tpu.memory_space<hbm>>
        tpu.enqueue_indirect_dma source(%dma_start3A_280 : memref<10000x128xf32, #tpu.memory_space<hbm>>) target(%arg9 : memref<128x128xf32, #tpu.memory_space<vmem>>) offsets(%dma_start3A_277 : memref<128xi32, #tpu.memory_space<vmem>>) semaphore(%arg14 : memref<!tpu.dma_semaphore, #tpu.memory_space<semaphore_mem>>)
      } else {
      }
      %lt3A_264 = arith.cmpi slt, %add3A_238, %add3A_172 : i32
      %convert_element_type3A_265 = arith.extui %lt3A_264 : i1 to i32
      %cond3A_266 = arith.constant 0 : i32
      %cond3A_267 = arith.cmpi ne, %convert_element_type3A_265, %cond3A_266 : i32
      scf.if %cond3A_267 {
        %lt3A_269 = arith.cmpi slt, %add3A_238, %shift_right_logical3A_151 : i32
        %sub3A_270 = arith.subi %add3A_238, %shift_right_logical3A_151 : i32
        %add3A_271 = arith.constant 22 : i32
        %add3A_272 = arith.addi %sub3A_270, %add3A_271 : i32
        %select_n3A_273 = arith.select %lt3A_269, %add3A_238, %add3A_272 : i32
        %dma_wait3A_274 = arith.constant 0 : i32
        %dma_wait3A_275 = tpu.memref_slice %arg7[%select_n3A_273, %dma_wait3A_274] : memref<44x128xi32, #tpu.memory_space<vmem>> -> memref<1x128xi32, #tpu.memory_space<vmem>>
        %dma_wait3A_276 = tpu.memref_squeeze %dma_wait3A_275 : memref<1x128xi32, #tpu.memory_space<vmem>> -> memref<128xi32, #tpu.memory_space<vmem>>
        %dma_wait3A_277 = arith.constant 0 : i32
        %dma_wait3A_278 = arith.constant 0 : i32
        %dma_wait3A_279 = tpu.memref_slice %arg2[%dma_wait3A_277, %dma_wait3A_278] : memref<10000x128xf32, #tpu.memory_space<hbm>> -> memref<10000x128xf32, #tpu.memory_space<hbm>>
        tpu.wait_indirect_dma semaphore(%arg15 : memref<!tpu.dma_semaphore, #tpu.memory_space<semaphore_mem>>) src(%dma_wait3A_279 : memref<10000x128xf32, #tpu.memory_space<hbm>>) dst(%arg10 : memref<128x128xf32, #tpu.memory_space<vmem>>)
        %lt3A_280 = arith.cmpi slt, %add3A_238, %shift_right_logical3A_151 : i32
        %sub3A_281 = arith.subi %add3A_238, %shift_right_logical3A_151 : i32
        %add3A_282 = arith.constant 22 : i32
        %add3A_283 = arith.addi %sub3A_281, %add3A_282 : i32
        %select_n3A_284 = arith.select %lt3A_280, %add3A_238, %add3A_283 : i32
        "tpu.region"() ({
          %run_scoped3A_285 = tpu.sem_alloc : memref<!tpu.dma_semaphore, #tpu.memory_space<semaphore_mem>>
          %dma_start3A = arith.constant 0 : i32
          %dma_start3A_286 = tpu.memref_slice %arg8[%select_n3A_284, %dma_start3A] : memref<44x128xi32, #tpu.memory_space<vmem>> -> memref<1x128xi32, #tpu.memory_space<vmem>>
          %dma_start3A_287 = tpu.memref_squeeze %dma_start3A_286 : memref<1x128xi32, #tpu.memory_space<vmem>> -> memref<128xi32, #tpu.memory_space<vmem>>
          %dma_start3A_288 = arith.constant 0 : i32
          %dma_start3A_289 = arith.constant 0 : i32
          %dma_start3A_290 = tpu.memref_slice %arg13[%dma_start3A_288, %dma_start3A_289] : memref<2688x128xf32, #tpu.memory_space<vmem_shared>> -> memref<2688x128xf32, #tpu.memory_space<vmem_shared>>
          tpu.enqueue_indirect_dma source(%arg10 : memref<128x128xf32, #tpu.memory_space<vmem>>) target(%dma_start3A_290 : memref<2688x128xf32, #tpu.memory_space<vmem_shared>>) offsets(%dma_start3A_287 : memref<128xi32, #tpu.memory_space<vmem>>) semaphore(%run_scoped3A_285 : memref<!tpu.dma_semaphore, #tpu.memory_space<semaphore_mem>>) {add = true}
          %dma_wait3A_291 = arith.constant 0 : i32
          %dma_wait3A_292 = tpu.memref_slice %arg8[%select_n3A_284, %dma_wait3A_291] : memref<44x128xi32, #tpu.memory_space<vmem>> -> memref<1x128xi32, #tpu.memory_space<vmem>>
          %dma_wait3A_293 = tpu.memref_squeeze %dma_wait3A_292 : memref<1x128xi32, #tpu.memory_space<vmem>> -> memref<128xi32, #tpu.memory_space<vmem>>
          %dma_wait3A_294 = arith.constant 0 : i32
          %dma_wait3A_295 = arith.constant 0 : i32
          %dma_wait3A_296 = tpu.memref_slice %arg13[%dma_wait3A_294, %dma_wait3A_295] : memref<2688x128xf32, #tpu.memory_space<vmem_shared>> -> memref<2688x128xf32, #tpu.memory_space<vmem_shared>>
          tpu.wait_indirect_dma semaphore(%run_scoped3A_285 : memref<!tpu.dma_semaphore, #tpu.memory_space<semaphore_mem>>) src(%arg10 : memref<128x128xf32, #tpu.memory_space<vmem>>) dst(%dma_wait3A_296 : memref<2688x128xf32, #tpu.memory_space<vmem_shared>>)
          tpu.yield
        }) : () -> ()
      } else {
      }
      %while3A_268 = arith.constant 0 : i32
      scf.yield %while3A_268 : i32
    }
    %while3A_214 = arith.constant 1 : i32
    %while3A_215 = scf.for %while3A_233 = %while3A_211 to %while3A_207 step %while3A_214 iter_args(%while3A_234 = %while3A_213) -> (i32)  : i32 {
      %mul3A_235 = arith.constant 2 : i32
      %mul3A_236 = arith.muli %mul3A_235, %while3A_233 : i32
      %add3A_237 = arith.constant 1 : i32
      %add3A_238 = arith.addi %mul3A_236, %add3A_237 : i32
      %lt3A_239 = arith.cmpi slt, %add3A_238, %add3A_172 : i32
      %convert_element_type3A_240 = arith.extui %lt3A_239 : i1 to i32
      %cond3A_241 = arith.constant 0 : i32
      %cond3A_242 = arith.cmpi ne, %convert_element_type3A_240, %cond3A_241 : i32
      scf.if %cond3A_242 {
        %lt3A_269 = arith.cmpi slt, %add3A_238, %shift_right_logical3A_151 : i32
        %sub3A_270 = arith.subi %add3A_238, %shift_right_logical3A_151 : i32
        %add3A_271 = arith.constant 22 : i32
        %add3A_272 = arith.addi %sub3A_270, %add3A_271 : i32
        %select_n3A_273 = arith.select %lt3A_269, %add3A_238, %add3A_272 : i32
        %dma_start3A = arith.constant 0 : i32
        %dma_start3A_274 = tpu.memref_slice %arg7[%select_n3A_273, %dma_start3A] : memref<44x128xi32, #tpu.memory_space<vmem>> -> memref<1x128xi32, #tpu.memory_space<vmem>>
        %dma_start3A_275 = tpu.memref_squeeze %dma_start3A_274 : memref<1x128xi32, #tpu.memory_space<vmem>> -> memref<128xi32, #tpu.memory_space<vmem>>
        %dma_start3A_276 = arith.constant 0 : i32
        %dma_start3A_277 = arith.constant 0 : i32
        %dma_start3A_278 = tpu.memref_slice %arg2[%dma_start3A_276, %dma_start3A_277] : memref<10000x128xf32, #tpu.memory_space<hbm>> -> memref<10000x128xf32, #tpu.memory_space<hbm>>
        tpu.enqueue_indirect_dma source(%dma_start3A_278 : memref<10000x128xf32, #tpu.memory_space<hbm>>) target(%arg10 : memref<128x128xf32, #tpu.memory_space<vmem>>) offsets(%dma_start3A_275 : memref<128xi32, #tpu.memory_space<vmem>>) semaphore(%arg15 : memref<!tpu.dma_semaphore, #tpu.memory_space<semaphore_mem>>)
      } else {
      }
      %lt3A_243 = arith.cmpi slt, %mul3A_236, %shift_right_logical3A_151 : i32
      %sub3A_244 = arith.subi %mul3A_236, %shift_right_logical3A_151 : i32
      %add3A_245 = arith.constant 22 : i32
      %add3A_246 = arith.addi %sub3A_244, %add3A_245 : i32
      %select_n3A_247 = arith.select %lt3A_243, %mul3A_236, %add3A_246 : i32
      %dma_wait3A = arith.constant 0 : i32
      %dma_wait3A_248 = tpu.memref_slice %arg7[%select_n3A_247, %dma_wait3A] : memref<44x128xi32, #tpu.memory_space<vmem>> -> memref<1x128xi32, #tpu.memory_space<vmem>>
      %dma_wait3A_249 = tpu.memref_squeeze %dma_wait3A_248 : memref<1x128xi32, #tpu.memory_space<vmem>> -> memref<128xi32, #tpu.memory_space<vmem>>
      %dma_wait3A_250 = arith.constant 0 : i32
      %dma_wait3A_251 = arith.constant 0 : i32
      %dma_wait3A_252 = tpu.memref_slice %arg2[%dma_wait3A_250, %dma_wait3A_251] : memref<10000x128xf32, #tpu.memory_space<hbm>> -> memref<10000x128xf32, #tpu.memory_space<hbm>>
      tpu.wait_indirect_dma semaphore(%arg14 : memref<!tpu.dma_semaphore, #tpu.memory_space<semaphore_mem>>) src(%dma_wait3A_252 : memref<10000x128xf32, #tpu.memory_space<hbm>>) dst(%arg9 : memref<128x128xf32, #tpu.memory_space<vmem>>)
      %lt3A_253 = arith.cmpi slt, %mul3A_236, %shift_right_logical3A_151 : i32
      %sub3A_254 = arith.subi %mul3A_236, %shift_right_logical3A_151 : i32
      %add3A_255 = arith.constant 22 : i32
      %add3A_256 = arith.addi %sub3A_254, %add3A_255 : i32
      %select_n3A_257 = arith.select %lt3A_253, %mul3A_236, %add3A_256 : i32
      "tpu.region"() ({
        %run_scoped3A_269 = tpu.sem_alloc : memref<!tpu.dma_semaphore, #tpu.memory_space<semaphore_mem>>
        %dma_start3A = arith.constant 0 : i32
        %dma_start3A_270 = tpu.memref_slice %arg8[%select_n3A_257, %dma_start3A] : memref<44x128xi32, #tpu.memory_space<vmem>> -> memref<1x128xi32, #tpu.memory_space<vmem>>
        %dma_start3A_271 = tpu.memref_squeeze %dma_start3A_270 : memref<1x128xi32, #tpu.memory_space<vmem>> -> memref<128xi32, #tpu.memory_space<vmem>>
        %dma_start3A_272 = arith.constant 0 : i32
        %dma_start3A_273 = arith.constant 0 : i32
        %dma_start3A_274 = tpu.memref_slice %arg13[%dma_start3A_272, %dma_start3A_273] : memref<2688x128xf32, #tpu.memory_space<vmem_shared>> -> memref<2688x128xf32, #tpu.memory_space<vmem_shared>>
        tpu.enqueue_indirect_dma source(%arg9 : memref<128x128xf32, #tpu.memory_space<vmem>>) target(%dma_start3A_274 : memref<2688x128xf32, #tpu.memory_space<vmem_shared>>) offsets(%dma_start3A_271 : memref<128xi32, #tpu.memory_space<vmem>>) semaphore(%run_scoped3A_269 : memref<!tpu.dma_semaphore, #tpu.memory_space<semaphore_mem>>) {add = true}
        %dma_wait3A_275 = arith.constant 0 : i32
        %dma_wait3A_276 = tpu.memref_slice %arg8[%select_n3A_257, %dma_wait3A_275] : memref<44x128xi32, #tpu.memory_space<vmem>> -> memref<1x128xi32, #tpu.memory_space<vmem>>
        %dma_wait3A_277 = tpu.memref_squeeze %dma_wait3A_276 : memref<1x128xi32, #tpu.memory_space<vmem>> -> memref<128xi32, #tpu.memory_space<vmem>>
        %dma_wait3A_278 = arith.constant 0 : i32
        %dma_wait3A_279 = arith.constant 0 : i32
        %dma_wait3A_280 = tpu.memref_slice %arg13[%dma_wait3A_278, %dma_wait3A_279] : memref<2688x128xf32, #tpu.memory_space<vmem_shared>> -> memref<2688x128xf32, #tpu.memory_space<vmem_shared>>
        tpu.wait_indirect_dma semaphore(%run_scoped3A_269 : memref<!tpu.dma_semaphore, #tpu.memory_space<semaphore_mem>>) src(%arg9 : memref<128x128xf32, #tpu.memory_space<vmem>>) dst(%dma_wait3A_280 : memref<2688x128xf32, #tpu.memory_space<vmem_shared>>)
        tpu.yield
      }) : () -> ()
      %add3A_258 = arith.constant 2 : i32
      %add3A_259 = arith.addi %mul3A_236, %add3A_258 : i32
      %lt3A_260 = arith.cmpi slt, %add3A_259, %add3A_172 : i32
      %convert_element_type3A_261 = arith.extui %lt3A_260 : i1 to i32
      %cond3A_262 = arith.constant 0 : i32
      %cond3A_263 = arith.cmpi ne, %convert_element_type3A_261, %cond3A_262 : i32
      scf.if %cond3A_263 {
        %add3A_269 = arith.constant 2 : i32
        %add3A_270 = arith.addi %mul3A_236, %add3A_269 : i32
        %lt3A_271 = arith.cmpi slt, %add3A_270, %shift_right_logical3A_151 : i32
        %sub3A_272 = arith.subi %add3A_270, %shift_right_logical3A_151 : i32
        %add3A_273 = arith.constant 22 : i32
        %add3A_274 = arith.addi %sub3A_272, %add3A_273 : i32
        %select_n3A_275 = arith.select %lt3A_271, %add3A_270, %add3A_274 : i32
        %dma_start3A = arith.constant 0 : i32
        %dma_start3A_276 = tpu.memref_slice %arg7[%select_n3A_275, %dma_start3A] : memref<44x128xi32, #tpu.memory_space<vmem>> -> memref<1x128xi32, #tpu.memory_space<vmem>>
        %dma_start3A_277 = tpu.memref_squeeze %dma_start3A_276 : memref<1x128xi32, #tpu.memory_space<vmem>> -> memref<128xi32, #tpu.memory_space<vmem>>
        %dma_start3A_278 = arith.constant 0 : i32
        %dma_start3A_279 = arith.constant 0 : i32
        %dma_start3A_280 = tpu.memref_slice %arg2[%dma_start3A_278, %dma_start3A_279] : memref<10000x128xf32, #tpu.memory_space<hbm>> -> memref<10000x128xf32, #tpu.memory_space<hbm>>
        tpu.enqueue_indirect_dma source(%dma_start3A_280 : memref<10000x128xf32, #tpu.memory_space<hbm>>) target(%arg9 : memref<128x128xf32, #tpu.memory_space<vmem>>) offsets(%dma_start3A_277 : memref<128xi32, #tpu.memory_space<vmem>>) semaphore(%arg14 : memref<!tpu.dma_semaphore, #tpu.memory_space<semaphore_mem>>)
      } else {
      }
      %lt3A_264 = arith.cmpi slt, %add3A_238, %add3A_172 : i32
      %convert_element_type3A_265 = arith.extui %lt3A_264 : i1 to i32
      %cond3A_266 = arith.constant 0 : i32
      %cond3A_267 = arith.cmpi ne, %convert_element_type3A_265, %cond3A_266 : i32
      scf.if %cond3A_267 {
        %lt3A_269 = arith.cmpi slt, %add3A_238, %shift_right_logical3A_151 : i32
        %sub3A_270 = arith.subi %add3A_238, %shift_right_logical3A_151 : i32
        %add3A_271 = arith.constant 22 : i32
        %add3A_272 = arith.addi %sub3A_270, %add3A_271 : i32
        %select_n3A_273 = arith.select %lt3A_269, %add3A_238, %add3A_272 : i32
        %dma_wait3A_274 = arith.constant 0 : i32
        %dma_wait3A_275 = tpu.memref_slice %arg7[%select_n3A_273, %dma_wait3A_274] : memref<44x128xi32, #tpu.memory_space<vmem>> -> memref<1x128xi32, #tpu.memory_space<vmem>>
        %dma_wait3A_276 = tpu.memref_squeeze %dma_wait3A_275 : memref<1x128xi32, #tpu.memory_space<vmem>> -> memref<128xi32, #tpu.memory_space<vmem>>
        %dma_wait3A_277 = arith.constant 0 : i32
        %dma_wait3A_278 = arith.constant 0 : i32
        %dma_wait3A_279 = tpu.memref_slice %arg2[%dma_wait3A_277, %dma_wait3A_278] : memref<10000x128xf32, #tpu.memory_space<hbm>> -> memref<10000x128xf32, #tpu.memory_space<hbm>>
        tpu.wait_indirect_dma semaphore(%arg15 : memref<!tpu.dma_semaphore, #tpu.memory_space<semaphore_mem>>) src(%dma_wait3A_279 : memref<10000x128xf32, #tpu.memory_space<hbm>>) dst(%arg10 : memref<128x128xf32, #tpu.memory_space<vmem>>)
        %lt3A_280 = arith.cmpi slt, %add3A_238, %shift_right_logical3A_151 : i32
        %sub3A_281 = arith.subi %add3A_238, %shift_right_logical3A_151 : i32
        %add3A_282 = arith.constant 22 : i32
        %add3A_283 = arith.addi %sub3A_281, %add3A_282 : i32
        %select_n3A_284 = arith.select %lt3A_280, %add3A_238, %add3A_283 : i32
        "tpu.region"() ({
          %run_scoped3A_285 = tpu.sem_alloc : memref<!tpu.dma_semaphore, #tpu.memory_space<semaphore_mem>>
          %dma_start3A = arith.constant 0 : i32
          %dma_start3A_286 = tpu.memref_slice %arg8[%select_n3A_284, %dma_start3A] : memref<44x128xi32, #tpu.memory_space<vmem>> -> memref<1x128xi32, #tpu.memory_space<vmem>>
          %dma_start3A_287 = tpu.memref_squeeze %dma_start3A_286 : memref<1x128xi32, #tpu.memory_space<vmem>> -> memref<128xi32, #tpu.memory_space<vmem>>
          %dma_start3A_288 = arith.constant 0 : i32
          %dma_start3A_289 = arith.constant 0 : i32
          %dma_start3A_290 = tpu.memref_slice %arg13[%dma_start3A_288, %dma_start3A_289] : memref<2688x128xf32, #tpu.memory_space<vmem_shared>> -> memref<2688x128xf32, #tpu.memory_space<vmem_shared>>
          tpu.enqueue_indirect_dma source(%arg10 : memref<128x128xf32, #tpu.memory_space<vmem>>) target(%dma_start3A_290 : memref<2688x128xf32, #tpu.memory_space<vmem_shared>>) offsets(%dma_start3A_287 : memref<128xi32, #tpu.memory_space<vmem>>) semaphore(%run_scoped3A_285 : memref<!tpu.dma_semaphore, #tpu.memory_space<semaphore_mem>>) {add = true}
          %dma_wait3A_291 = arith.constant 0 : i32
          %dma_wait3A_292 = tpu.memref_slice %arg8[%select_n3A_284, %dma_wait3A_291] : memref<44x128xi32, #tpu.memory_space<vmem>> -> memref<1x128xi32, #tpu.memory_space<vmem>>
          %dma_wait3A_293 = tpu.memref_squeeze %dma_wait3A_292 : memref<1x128xi32, #tpu.memory_space<vmem>> -> memref<128xi32, #tpu.memory_space<vmem>>
          %dma_wait3A_294 = arith.constant 0 : i32
          %dma_wait3A_295 = arith.constant 0 : i32
          %dma_wait3A_296 = tpu.memref_slice %arg13[%dma_wait3A_294, %dma_wait3A_295] : memref<2688x128xf32, #tpu.memory_space<vmem_shared>> -> memref<2688x128xf32, #tpu.memory_space<vmem_shared>>
          tpu.wait_indirect_dma semaphore(%run_scoped3A_285 : memref<!tpu.dma_semaphore, #tpu.memory_space<semaphore_mem>>) src(%arg10 : memref<128x128xf32, #tpu.memory_space<vmem>>) dst(%dma_wait3A_296 : memref<2688x128xf32, #tpu.memory_space<vmem_shared>>)
          tpu.yield
        }) : () -> ()
      } else {
      }
      %while3A_268 = arith.constant 0 : i32
      scf.yield %while3A_268 : i32
    }
    %barrier3A_216 = arith.constant 0 : index
    tpu.barrier barrier_id(%barrier3A_216)
    %mul3A_217 = arith.constant 2528 : i32
    %mul3A_218 = arith.muli %add3A_114, %mul3A_217 : i32
    %mul3A_219 = arith.constant 160 : i32
    %mul3A_220 = arith.muli %mul3A_219, %arg1 : i32
    %add3A_221 = arith.addi %mul3A_218, %mul3A_220 : i32
    %lt3A_222 = arith.constant 15 : i32
    %lt3A_223 = arith.cmpi slt, %arg1, %lt3A_222 : i32
    %convert_element_type3A_224 = arith.extui %lt3A_223 : i1 to i32
    %cond3A_225 = arith.constant 0 : i32
    %cond3A_226 = arith.cmpi ne, %convert_element_type3A_224, %cond3A_225 : i32
    scf.if %cond3A_226 {
      %mul3A_233 = arith.constant 160 : i32
      %mul3A_234 = arith.muli %mul3A_233, %arg1 : i32
      "tpu.region"() ({
        %run_scoped3A_235 = tpu.sem_alloc : memref<!tpu.dma_semaphore, #tpu.memory_space<semaphore_mem>>
        %dma_start3A = arith.constant 0 : i32
        %dma_start3A_236 = tpu.memref_slice %arg6[%add3A_221, %dma_start3A] : memref<10112x128xf32, #tpu.memory_space<hbm>> -> memref<160x128xf32, #tpu.memory_space<hbm>>
        %dma_start3A_237 = arith.constant 0 : i32
        %dma_start3A_238 = tpu.memref_slice %arg13[%mul3A_234, %dma_start3A_237] : memref<2688x128xf32, #tpu.memory_space<vmem_shared>> -> memref<160x128xf32, #tpu.memory_space<vmem_shared>>
        tpu.enqueue_dma source(%dma_start3A_238 : memref<160x128xf32, #tpu.memory_space<vmem_shared>>) target(%dma_start3A_236 : memref<160x128xf32, #tpu.memory_space<hbm>>) target_semaphore(%run_scoped3A_235 : memref<!tpu.dma_semaphore, #tpu.memory_space<semaphore_mem>>)
        %dma_wait3A = arith.constant 0 : i32
        %dma_wait3A_239 = tpu.memref_slice %arg6[%add3A_221, %dma_wait3A] : memref<10112x128xf32, #tpu.memory_space<hbm>> -> memref<160x128xf32, #tpu.memory_space<hbm>>
        %dma_wait3A_240 = arith.constant 0 : i32
        %dma_wait3A_241 = tpu.memref_slice %arg13[%mul3A_234, %dma_wait3A_240] : memref<2688x128xf32, #tpu.memory_space<vmem_shared>> -> memref<160x128xf32, #tpu.memory_space<vmem_shared>>
        tpu.wait_dma2 semaphore(%run_scoped3A_235 : memref<!tpu.dma_semaphore, #tpu.memory_space<semaphore_mem>>) src(%dma_wait3A_241 : memref<160x128xf32, #tpu.memory_space<vmem_shared>>) dst(%dma_wait3A_239 : memref<160x128xf32, #tpu.memory_space<hbm>>)
        tpu.yield
      }) : () -> ()
    } else {
    }
    %eq3A_227 = arith.constant 15 : i32
    %eq3A_228 = arith.cmpi eq, %arg1, %eq3A_227 : i32
    %convert_element_type3A_229 = arith.extui %eq3A_228 : i1 to i32
    %cond3A_230 = arith.constant 0 : i32
    %cond3A_231 = arith.cmpi ne, %convert_element_type3A_229, %cond3A_230 : i32
    scf.if %cond3A_231 {
      %mul3A_233 = arith.constant 160 : i32
      %mul3A_234 = arith.muli %mul3A_233, %arg1 : i32
      "tpu.region"() ({
        %run_scoped3A_235 = tpu.sem_alloc : memref<!tpu.dma_semaphore, #tpu.memory_space<semaphore_mem>>
        %dma_start3A = arith.constant 0 : i32
        %dma_start3A_236 = tpu.memref_slice %arg6[%add3A_221, %dma_start3A] : memref<10112x128xf32, #tpu.memory_space<hbm>> -> memref<128x128xf32, #tpu.memory_space<hbm>>
        %dma_start3A_237 = arith.constant 0 : i32
        %dma_start3A_238 = tpu.memref_slice %arg13[%mul3A_234, %dma_start3A_237] : memref<2688x128xf32, #tpu.memory_space<vmem_shared>> -> memref<128x128xf32, #tpu.memory_space<vmem_shared>>
        tpu.enqueue_dma source(%dma_start3A_238 : memref<128x128xf32, #tpu.memory_space<vmem_shared>>) target(%dma_start3A_236 : memref<128x128xf32, #tpu.memory_space<hbm>>) target_semaphore(%run_scoped3A_235 : memref<!tpu.dma_semaphore, #tpu.memory_space<semaphore_mem>>)
        %dma_wait3A = arith.constant 0 : i32
        %dma_wait3A_239 = tpu.memref_slice %arg6[%add3A_221, %dma_wait3A] : memref<10112x128xf32, #tpu.memory_space<hbm>> -> memref<128x128xf32, #tpu.memory_space<hbm>>
        %dma_wait3A_240 = arith.constant 0 : i32
        %dma_wait3A_241 = tpu.memref_slice %arg13[%mul3A_234, %dma_wait3A_240] : memref<2688x128xf32, #tpu.memory_space<vmem_shared>> -> memref<128x128xf32, #tpu.memory_space<vmem_shared>>
        tpu.wait_dma2 semaphore(%run_scoped3A_235 : memref<!tpu.dma_semaphore, #tpu.memory_space<semaphore_mem>>) src(%dma_wait3A_241 : memref<128x128xf32, #tpu.memory_space<vmem_shared>>) dst(%dma_wait3A_239 : memref<128x128xf32, #tpu.memory_space<hbm>>)
        tpu.yield
      }) : () -> ()
    } else {
    }
    %barrier3A_232 = arith.constant 0 : index
    tpu.barrier barrier_id(%barrier3A_232)
    return
  }
}

#map = affine_map<(d0, d1) -> (0, 0)>
#map1 = affine_map<(d0, d1) -> (0, 0, 0, 0)>
module attributes {stable_mosaic.version = 14 : i64} {
  func.func @_part_body(%arg0: i32, %arg1: i32, %arg2: memref<2x320000xi32, #tpu.memory_space<hbm>>, %arg3: memref<32x4x22x128xi32, #tpu.memory_space<hbm>>, %arg4: memref<32x4x22x128xi32, #tpu.memory_space<hbm>>, %arg5: memref<32x64xi32, #tpu.memory_space<hbm>>, %arg6: memref<32x10112xf32, #tpu.memory_space<hbm>>, %arg7: memref<10112xi32, #tpu.memory_space<vmem>>, %arg8: memref<10112xi32, #tpu.memory_space<vmem>>, %arg9: memref<22x128xi32, #tpu.memory_space<vmem>>, %arg10: memref<22x128xi32, #tpu.memory_space<vmem>>, %arg11: memref<22x128xi32, #tpu.memory_space<vmem>>, %arg12: memref<22x128xi32, #tpu.memory_space<vmem>>, %arg13: memref<22x128xi32, #tpu.memory_space<vmem>>, %arg14: memref<22x128xi32, #tpu.memory_space<vmem>>, %arg15: memref<22x128xi32, #tpu.memory_space<vmem>>, %arg16: memref<22x128xi32, #tpu.memory_space<vmem>>, %arg17: memref<64xi32, #tpu.memory_space<vmem>>, %arg18: memref<10112xf32, #tpu.memory_space<vmem>>, %arg19: memref<!tpu.dma_semaphore, #tpu.memory_space<semaphore_mem>>) attributes {dimension_semantics = [#tpu.dimension_semantics<core_parallel>, #tpu.dimension_semantics<subcore_parallel>], iteration_bounds = array<i64: 2, 16>, scalar_prefetch = 0 : i64, scratch_operands = 13 : i64, tpu.core_type = #tpu.core_type<sc_vector_subcore>, window_params = [{transform_indices = #map}, {transform_indices = #map1}, {transform_indices = #map1}, {transform_indices = #map}, {transform_indices = #map}]} {
    %mul3A = arith.constant 2 : i32
    %mul3A_0 = arith.muli %arg1, %mul3A : i32
    %add3A = arith.addi %mul3A_0, %arg0 : i32
    %iota3A = tpu.iota {dimensions = array<i32: 0>} : vector<16xi32>
    %scan3A = arith.constant 0 : i32
    %scan3A_1 = arith.constant 0 : i32
    %scan3A_2 = arith.constant 22 : i32
    %scan3A_3 = arith.addi %scan3A_1, %scan3A_2 : i32
    %scan3A_4 = arith.constant 1 : i32
    %scan3A_5 = scf.for %scan3A_56 = %scan3A_1 to %scan3A_3 step %scan3A_4 iter_args(%scan3A_57 = %scan3A) -> (i32)  : i32 {
      %mul3A_58 = arith.constant 128 : i32
      %mul3A_59 = arith.muli %scan3A_56, %mul3A_58 : i32
      %add3A_60 = arith.constant 0 : i32
      %add3A_61 = arith.addi %mul3A_59, %add3A_60 : i32
      %add3A_62 = vector.broadcast %add3A_61 : i32 to vector<16xi32>
      %add3A_63 = arith.addi %add3A_62, %iota3A : vector<16xi32>
      %swap3A_64 = arith.index_cast %scan3A_56 : i32 to index
      %swap3A_65 = arith.constant 0 : index
      %swap3A_66 = tpu.vector_load %arg9[%swap3A_64, %swap3A_65] {strides = array<i32>} : memref<22x128xi32, #tpu.memory_space<vmem>>, vector<16xi32>,
      tpu.vector_store %arg9[%swap3A_64, %swap3A_65], %add3A_63 {strides = array<i32>} : memref<22x128xi32, #tpu.memory_space<vmem>>, vector<16xi32>,
      %jit3A_67 = arith.constant 160 : i32
      %eq3A = arith.constant 0 : i32
      %eq3A_68 = arith.cmpi eq, %jit3A_67, %eq3A : i32
      %jit3A_69 = arith.constant 1 : i32
      %select_n3A_70 = arith.select %eq3A_68, %jit3A_69, %jit3A_67 : i32
      %rem3A = vector.broadcast %select_n3A_70 : i32 to vector<16xi32>
      %rem3A_71 = arith.remsi %add3A_63, %rem3A : vector<16xi32>
      %ne3A = arith.constant 0 : i32
      %ne3A_72 = vector.broadcast %ne3A : i32 to vector<16xi32>
      %ne3A_73 = arith.cmpi ne, %rem3A_71, %ne3A_72 : vector<16xi32>
      %lt3A_74 = arith.constant 0 : i32
      %lt3A_75 = vector.broadcast %lt3A_74 : i32 to vector<16xi32>
      %lt3A_76 = arith.cmpi slt, %rem3A_71, %lt3A_75 : vector<16xi32>
      %lt3A_77 = arith.constant 0 : i32
      %lt3A_78 = arith.cmpi slt, %select_n3A_70, %lt3A_77 : i32
      %ne3A_79 = vector.broadcast %lt3A_78 : i1 to vector<16xi1>
      %ne3A_80 = vector.broadcast %ne3A_79 : vector<16xi1> to vector<16xi1>
      %ne3A_81 = arith.xori %lt3A_76, %ne3A_80 : vector<16xi1>
      %and3A = arith.andi %ne3A_81, %ne3A_73 : vector<16xi1>
      %add3A_82 = vector.broadcast %select_n3A_70 : i32 to vector<16xi32>
      %add3A_83 = arith.addi %rem3A_71, %add3A_82 : vector<16xi32>
      %select_n3A_84 = arith.select %and3A, %add3A_83, %rem3A_71 : vector<16xi1>, vector<16xi32>
      %add3A_85 = arith.constant 2528 : i32
      %add3A_86 = vector.broadcast %add3A_85 : i32 to vector<16xi32>
      %add3A_87 = arith.addi %add3A_86, %select_n3A_84 : vector<16xi32>
      %swap3A_88 = arith.index_cast %scan3A_56 : i32 to index
      %swap3A_89 = arith.constant 0 : index
      %swap3A_90 = tpu.vector_load %arg13[%swap3A_88, %swap3A_89] {strides = array<i32>} : memref<22x128xi32, #tpu.memory_space<vmem>>, vector<16xi32>,
      tpu.vector_store %arg13[%swap3A_88, %swap3A_89], %add3A_87 {strides = array<i32>} : memref<22x128xi32, #tpu.memory_space<vmem>>, vector<16xi32>,
      %swap3A_91 = arith.index_cast %scan3A_56 : i32 to index
      %swap3A_92 = arith.constant 0 : index
      %swap3A_93 = tpu.vector_load %arg10[%swap3A_91, %swap3A_92] {strides = array<i32>} : memref<22x128xi32, #tpu.memory_space<vmem>>, vector<16xi32>,
      tpu.vector_store %arg10[%swap3A_91, %swap3A_92], %add3A_63 {strides = array<i32>} : memref<22x128xi32, #tpu.memory_space<vmem>>, vector<16xi32>,
      %jit3A_94 = arith.constant 160 : i32
      %eq3A_95 = arith.constant 0 : i32
      %eq3A_96 = arith.cmpi eq, %jit3A_94, %eq3A_95 : i32
      %jit3A_97 = arith.constant 1 : i32
      %select_n3A_98 = arith.select %eq3A_96, %jit3A_97, %jit3A_94 : i32
      %rem3A_99 = vector.broadcast %select_n3A_98 : i32 to vector<16xi32>
      %rem3A_100 = arith.remsi %add3A_63, %rem3A_99 : vector<16xi32>
      %ne3A_101 = arith.constant 0 : i32
      %ne3A_102 = vector.broadcast %ne3A_101 : i32 to vector<16xi32>
      %ne3A_103 = arith.cmpi ne, %rem3A_100, %ne3A_102 : vector<16xi32>
      %lt3A_104 = arith.constant 0 : i32
      %lt3A_105 = vector.broadcast %lt3A_104 : i32 to vector<16xi32>
      %lt3A_106 = arith.cmpi slt, %rem3A_100, %lt3A_105 : vector<16xi32>
      %lt3A_107 = arith.constant 0 : i32
      %lt3A_108 = arith.cmpi slt, %select_n3A_98, %lt3A_107 : i32
      %ne3A_109 = vector.broadcast %lt3A_108 : i1 to vector<16xi1>
      %ne3A_110 = vector.broadcast %ne3A_109 : vector<16xi1> to vector<16xi1>
      %ne3A_111 = arith.xori %lt3A_106, %ne3A_110 : vector<16xi1>
      %and3A_112 = arith.andi %ne3A_111, %ne3A_103 : vector<16xi1>
      %add3A_113 = vector.broadcast %select_n3A_98 : i32 to vector<16xi32>
      %add3A_114 = arith.addi %rem3A_100, %add3A_113 : vector<16xi32>
      %select_n3A_115 = arith.select %and3A_112, %add3A_114, %rem3A_100 : vector<16xi1>, vector<16xi32>
      %add3A_116 = arith.constant 2528 : i32
      %add3A_117 = vector.broadcast %add3A_116 : i32 to vector<16xi32>
      %add3A_118 = arith.addi %add3A_117, %select_n3A_115 : vector<16xi32>
      %swap3A_119 = arith.index_cast %scan3A_56 : i32 to index
      %swap3A_120 = arith.constant 0 : index
      %swap3A_121 = tpu.vector_load %arg14[%swap3A_119, %swap3A_120] {strides = array<i32>} : memref<22x128xi32, #tpu.memory_space<vmem>>, vector<16xi32>,
      tpu.vector_store %arg14[%swap3A_119, %swap3A_120], %add3A_118 {strides = array<i32>} : memref<22x128xi32, #tpu.memory_space<vmem>>, vector<16xi32>,
      %swap3A_122 = arith.index_cast %scan3A_56 : i32 to index
      %swap3A_123 = arith.constant 0 : index
      %swap3A_124 = tpu.vector_load %arg11[%swap3A_122, %swap3A_123] {strides = array<i32>} : memref<22x128xi32, #tpu.memory_space<vmem>>, vector<16xi32>,
      tpu.vector_store %arg11[%swap3A_122, %swap3A_123], %add3A_63 {strides = array<i32>} : memref<22x128xi32, #tpu.memory_space<vmem>>, vector<16xi32>,
      %jit3A_125 = arith.constant 160 : i32
      %eq3A_126 = arith.constant 0 : i32
      %eq3A_127 = arith.cmpi eq, %jit3A_125, %eq3A_126 : i32
      %jit3A_128 = arith.constant 1 : i32
      %select_n3A_129 = arith.select %eq3A_127, %jit3A_128, %jit3A_125 : i32
      %rem3A_130 = vector.broadcast %select_n3A_129 : i32 to vector<16xi32>
      %rem3A_131 = arith.remsi %add3A_63, %rem3A_130 : vector<16xi32>
      %ne3A_132 = arith.constant 0 : i32
      %ne3A_133 = vector.broadcast %ne3A_132 : i32 to vector<16xi32>
      %ne3A_134 = arith.cmpi ne, %rem3A_131, %ne3A_133 : vector<16xi32>
      %lt3A_135 = arith.constant 0 : i32
      %lt3A_136 = vector.broadcast %lt3A_135 : i32 to vector<16xi32>
      %lt3A_137 = arith.cmpi slt, %rem3A_131, %lt3A_136 : vector<16xi32>
      %lt3A_138 = arith.constant 0 : i32
      %lt3A_139 = arith.cmpi slt, %select_n3A_129, %lt3A_138 : i32
      %ne3A_140 = vector.broadcast %lt3A_139 : i1 to vector<16xi1>
      %ne3A_141 = vector.broadcast %ne3A_140 : vector<16xi1> to vector<16xi1>
      %ne3A_142 = arith.xori %lt3A_137, %ne3A_141 : vector<16xi1>
      %and3A_143 = arith.andi %ne3A_142, %ne3A_134 : vector<16xi1>
      %add3A_144 = vector.broadcast %select_n3A_129 : i32 to vector<16xi32>
      %add3A_145 = arith.addi %rem3A_131, %add3A_144 : vector<16xi32>
      %select_n3A_146 = arith.select %and3A_143, %add3A_145, %rem3A_131 : vector<16xi1>, vector<16xi32>
      %add3A_147 = arith.constant 2528 : i32
      %add3A_148 = vector.broadcast %add3A_147 : i32 to vector<16xi32>
      %add3A_149 = arith.addi %add3A_148, %select_n3A_146 : vector<16xi32>
      %swap3A_150 = arith.index_cast %scan3A_56 : i32 to index
      %swap3A_151 = arith.constant 0 : index
      %swap3A_152 = tpu.vector_load %arg15[%swap3A_150, %swap3A_151] {strides = array<i32>} : memref<22x128xi32, #tpu.memory_space<vmem>>, vector<16xi32>,
      tpu.vector_store %arg15[%swap3A_150, %swap3A_151], %add3A_149 {strides = array<i32>} : memref<22x128xi32, #tpu.memory_space<vmem>>, vector<16xi32>,
      %swap3A_153 = arith.index_cast %scan3A_56 : i32 to index
      %swap3A_154 = arith.constant 0 : index
      %swap3A_155 = tpu.vector_load %arg12[%swap3A_153, %swap3A_154] {strides = array<i32>} : memref<22x128xi32, #tpu.memory_space<vmem>>, vector<16xi32>,
      tpu.vector_store %arg12[%swap3A_153, %swap3A_154], %add3A_63 {strides = array<i32>} : memref<22x128xi32, #tpu.memory_space<vmem>>, vector<16xi32>,
      %jit3A_156 = arith.constant 160 : i32
      %eq3A_157 = arith.constant 0 : i32
      %eq3A_158 = arith.cmpi eq, %jit3A_156, %eq3A_157 : i32
      %jit3A_159 = arith.constant 1 : i32
      %select_n3A_160 = arith.select %eq3A_158, %jit3A_159, %jit3A_156 : i32
      %rem3A_161 = vector.broadcast %select_n3A_160 : i32 to vector<16xi32>
      %rem3A_162 = arith.remsi %add3A_63, %rem3A_161 : vector<16xi32>
      %ne3A_163 = arith.constant 0 : i32
      %ne3A_164 = vector.broadcast %ne3A_163 : i32 to vector<16xi32>
      %ne3A_165 = arith.cmpi ne, %rem3A_162, %ne3A_164 : vector<16xi32>
      %lt3A_166 = arith.constant 0 : i32
      %lt3A_167 = vector.broadcast %lt3A_166 : i32 to vector<16xi32>
      %lt3A_168 = arith.cmpi slt, %rem3A_162, %lt3A_167 : vector<16xi32>
      %lt3A_169 = arith.constant 0 : i32
      %lt3A_170 = arith.cmpi slt, %select_n3A_160, %lt3A_169 : i32
      %ne3A_171 = vector.broadcast %lt3A_170 : i1 to vector<16xi1>
      %ne3A_172 = vector.broadcast %ne3A_171 : vector<16xi1> to vector<16xi1>
      %ne3A_173 = arith.xori %lt3A_168, %ne3A_172 : vector<16xi1>
      %and3A_174 = arith.andi %ne3A_173, %ne3A_165 : vector<16xi1>
      %add3A_175 = vector.broadcast %select_n3A_160 : i32 to vector<16xi32>
      %add3A_176 = arith.addi %rem3A_162, %add3A_175 : vector<16xi32>
      %select_n3A_177 = arith.select %and3A_174, %add3A_176, %rem3A_162 : vector<16xi1>, vector<16xi32>
      %add3A_178 = arith.constant 2528 : i32
      %add3A_179 = vector.broadcast %add3A_178 : i32 to vector<16xi32>
      %add3A_180 = arith.addi %add3A_179, %select_n3A_177 : vector<16xi32>
      %swap3A_181 = arith.index_cast %scan3A_56 : i32 to index
      %swap3A_182 = arith.constant 0 : index
      %swap3A_183 = tpu.vector_load %arg16[%swap3A_181, %swap3A_182] {strides = array<i32>} : memref<22x128xi32, #tpu.memory_space<vmem>>, vector<16xi32>,
      tpu.vector_store %arg16[%swap3A_181, %swap3A_182], %add3A_180 {strides = array<i32>} : memref<22x128xi32, #tpu.memory_space<vmem>>, vector<16xi32>,
      %mul3A_184 = arith.constant 128 : i32
      %mul3A_185 = arith.muli %scan3A_56, %mul3A_184 : i32
      %add3A_186 = arith.constant 16 : i32
      %add3A_187 = arith.addi %mul3A_185, %add3A_186 : i32
      %add3A_188 = vector.broadcast %add3A_187 : i32 to vector<16xi32>
      %add3A_189 = arith.addi %add3A_188, %iota3A : vector<16xi32>
      %swap3A_190 = arith.index_cast %scan3A_56 : i32 to index
      %swap3A_191 = arith.constant 16 : index
      %swap3A_192 = tpu.vector_load %arg9[%swap3A_190, %swap3A_191] {strides = array<i32>} : memref<22x128xi32, #tpu.memory_space<vmem>>, vector<16xi32>,
      tpu.vector_store %arg9[%swap3A_190, %swap3A_191], %add3A_189 {strides = array<i32>} : memref<22x128xi32, #tpu.memory_space<vmem>>, vector<16xi32>,
      %jit3A_193 = arith.constant 160 : i32
      %eq3A_194 = arith.constant 0 : i32
      %eq3A_195 = arith.cmpi eq, %jit3A_193, %eq3A_194 : i32
      %jit3A_196 = arith.constant 1 : i32
      %select_n3A_197 = arith.select %eq3A_195, %jit3A_196, %jit3A_193 : i32
      %rem3A_198 = vector.broadcast %select_n3A_197 : i32 to vector<16xi32>
      %rem3A_199 = arith.remsi %add3A_189, %rem3A_198 : vector<16xi32>
      %ne3A_200 = arith.constant 0 : i32
      %ne3A_201 = vector.broadcast %ne3A_200 : i32 to vector<16xi32>
      %ne3A_202 = arith.cmpi ne, %rem3A_199, %ne3A_201 : vector<16xi32>
      %lt3A_203 = arith.constant 0 : i32
      %lt3A_204 = vector.broadcast %lt3A_203 : i32 to vector<16xi32>
      %lt3A_205 = arith.cmpi slt, %rem3A_199, %lt3A_204 : vector<16xi32>
      %lt3A_206 = arith.constant 0 : i32
      %lt3A_207 = arith.cmpi slt, %select_n3A_197, %lt3A_206 : i32
      %ne3A_208 = vector.broadcast %lt3A_207 : i1 to vector<16xi1>
      %ne3A_209 = vector.broadcast %ne3A_208 : vector<16xi1> to vector<16xi1>
      %ne3A_210 = arith.xori %lt3A_205, %ne3A_209 : vector<16xi1>
      %and3A_211 = arith.andi %ne3A_210, %ne3A_202 : vector<16xi1>
      %add3A_212 = vector.broadcast %select_n3A_197 : i32 to vector<16xi32>
      %add3A_213 = arith.addi %rem3A_199, %add3A_212 : vector<16xi32>
      %select_n3A_214 = arith.select %and3A_211, %add3A_213, %rem3A_199 : vector<16xi1>, vector<16xi32>
      %add3A_215 = arith.constant 2528 : i32
      %add3A_216 = vector.broadcast %add3A_215 : i32 to vector<16xi32>
      %add3A_217 = arith.addi %add3A_216, %select_n3A_214 : vector<16xi32>
      %swap3A_218 = arith.index_cast %scan3A_56 : i32 to index
      %swap3A_219 = arith.constant 16 : index
      %swap3A_220 = tpu.vector_load %arg13[%swap3A_218, %swap3A_219] {strides = array<i32>} : memref<22x128xi32, #tpu.memory_space<vmem>>, vector<16xi32>,
      tpu.vector_store %arg13[%swap3A_218, %swap3A_219], %add3A_217 {strides = array<i32>} : memref<22x128xi32, #tpu.memory_space<vmem>>, vector<16xi32>,
      %swap3A_221 = arith.index_cast %scan3A_56 : i32 to index
      %swap3A_222 = arith.constant 16 : index
      %swap3A_223 = tpu.vector_load %arg10[%swap3A_221, %swap3A_222] {strides = array<i32>} : memref<22x128xi32, #tpu.memory_space<vmem>>, vector<16xi32>,
      tpu.vector_store %arg10[%swap3A_221, %swap3A_222], %add3A_189 {strides = array<i32>} : memref<22x128xi32, #tpu.memory_space<vmem>>, vector<16xi32>,
      %jit3A_224 = arith.constant 160 : i32
      %eq3A_225 = arith.constant 0 : i32
      %eq3A_226 = arith.cmpi eq, %jit3A_224, %eq3A_225 : i32
      %jit3A_227 = arith.constant 1 : i32
      %select_n3A_228 = arith.select %eq3A_226, %jit3A_227, %jit3A_224 : i32
      %rem3A_229 = vector.broadcast %select_n3A_228 : i32 to vector<16xi32>
      %rem3A_230 = arith.remsi %add3A_189, %rem3A_229 : vector<16xi32>
      %ne3A_231 = arith.constant 0 : i32
      %ne3A_232 = vector.broadcast %ne3A_231 : i32 to vector<16xi32>
      %ne3A_233 = arith.cmpi ne, %rem3A_230, %ne3A_232 : vector<16xi32>
      %lt3A_234 = arith.constant 0 : i32
      %lt3A_235 = vector.broadcast %lt3A_234 : i32 to vector<16xi32>
      %lt3A_236 = arith.cmpi slt, %rem3A_230, %lt3A_235 : vector<16xi32>
      %lt3A_237 = arith.constant 0 : i32
      %lt3A_238 = arith.cmpi slt, %select_n3A_228, %lt3A_237 : i32
      %ne3A_239 = vector.broadcast %lt3A_238 : i1 to vector<16xi1>
      %ne3A_240 = vector.broadcast %ne3A_239 : vector<16xi1> to vector<16xi1>
      %ne3A_241 = arith.xori %lt3A_236, %ne3A_240 : vector<16xi1>
      %and3A_242 = arith.andi %ne3A_241, %ne3A_233 : vector<16xi1>
      %add3A_243 = vector.broadcast %select_n3A_228 : i32 to vector<16xi32>
      %add3A_244 = arith.addi %rem3A_230, %add3A_243 : vector<16xi32>
      %select_n3A_245 = arith.select %and3A_242, %add3A_244, %rem3A_230 : vector<16xi1>, vector<16xi32>
      %add3A_246 = arith.constant 2528 : i32
      %add3A_247 = vector.broadcast %add3A_246 : i32 to vector<16xi32>
      %add3A_248 = arith.addi %add3A_247, %select_n3A_245 : vector<16xi32>
      %swap3A_249 = arith.index_cast %scan3A_56 : i32 to index
      %swap3A_250 = arith.constant 16 : index
      %swap3A_251 = tpu.vector_load %arg14[%swap3A_249, %swap3A_250] {strides = array<i32>} : memref<22x128xi32, #tpu.memory_space<vmem>>, vector<16xi32>,
      tpu.vector_store %arg14[%swap3A_249, %swap3A_250], %add3A_248 {strides = array<i32>} : memref<22x128xi32, #tpu.memory_space<vmem>>, vector<16xi32>,
      %swap3A_252 = arith.index_cast %scan3A_56 : i32 to index
      %swap3A_253 = arith.constant 16 : index
      %swap3A_254 = tpu.vector_load %arg11[%swap3A_252, %swap3A_253] {strides = array<i32>} : memref<22x128xi32, #tpu.memory_space<vmem>>, vector<16xi32>,
      tpu.vector_store %arg11[%swap3A_252, %swap3A_253], %add3A_189 {strides = array<i32>} : memref<22x128xi32, #tpu.memory_space<vmem>>, vector<16xi32>,
      %jit3A_255 = arith.constant 160 : i32
      %eq3A_256 = arith.constant 0 : i32
      %eq3A_257 = arith.cmpi eq, %jit3A_255, %eq3A_256 : i32
      %jit3A_258 = arith.constant 1 : i32
      %select_n3A_259 = arith.select %eq3A_257, %jit3A_258, %jit3A_255 : i32
      %rem3A_260 = vector.broadcast %select_n3A_259 : i32 to vector<16xi32>
      %rem3A_261 = arith.remsi %add3A_189, %rem3A_260 : vector<16xi32>
      %ne3A_262 = arith.constant 0 : i32
      %ne3A_263 = vector.broadcast %ne3A_262 : i32 to vector<16xi32>
      %ne3A_264 = arith.cmpi ne, %rem3A_261, %ne3A_263 : vector<16xi32>
      %lt3A_265 = arith.constant 0 : i32
      %lt3A_266 = vector.broadcast %lt3A_265 : i32 to vector<16xi32>
      %lt3A_267 = arith.cmpi slt, %rem3A_261, %lt3A_266 : vector<16xi32>
      %lt3A_268 = arith.constant 0 : i32
      %lt3A_269 = arith.cmpi slt, %select_n3A_259, %lt3A_268 : i32
      %ne3A_270 = vector.broadcast %lt3A_269 : i1 to vector<16xi1>
      %ne3A_271 = vector.broadcast %ne3A_270 : vector<16xi1> to vector<16xi1>
      %ne3A_272 = arith.xori %lt3A_267, %ne3A_271 : vector<16xi1>
      %and3A_273 = arith.andi %ne3A_272, %ne3A_264 : vector<16xi1>
      %add3A_274 = vector.broadcast %select_n3A_259 : i32 to vector<16xi32>
      %add3A_275 = arith.addi %rem3A_261, %add3A_274 : vector<16xi32>
      %select_n3A_276 = arith.select %and3A_273, %add3A_275, %rem3A_261 : vector<16xi1>, vector<16xi32>
      %add3A_277 = arith.constant 2528 : i32
      %add3A_278 = vector.broadcast %add3A_277 : i32 to vector<16xi32>
      %add3A_279 = arith.addi %add3A_278, %select_n3A_276 : vector<16xi32>
      %swap3A_280 = arith.index_cast %scan3A_56 : i32 to index
      %swap3A_281 = arith.constant 16 : index
      %swap3A_282 = tpu.vector_load %arg15[%swap3A_280, %swap3A_281] {strides = array<i32>} : memref<22x128xi32, #tpu.memory_space<vmem>>, vector<16xi32>,
      tpu.vector_store %arg15[%swap3A_280, %swap3A_281], %add3A_279 {strides = array<i32>} : memref<22x128xi32, #tpu.memory_space<vmem>>, vector<16xi32>,
      %swap3A_283 = arith.index_cast %scan3A_56 : i32 to index
      %swap3A_284 = arith.constant 16 : index
      %swap3A_285 = tpu.vector_load %arg12[%swap3A_283, %swap3A_284] {strides = array<i32>} : memref<22x128xi32, #tpu.memory_space<vmem>>, vector<16xi32>,
      tpu.vector_store %arg12[%swap3A_283, %swap3A_284], %add3A_189 {strides = array<i32>} : memref<22x128xi32, #tpu.memory_space<vmem>>, vector<16xi32>,
      %jit3A_286 = arith.constant 160 : i32
      %eq3A_287 = arith.constant 0 : i32
      %eq3A_288 = arith.cmpi eq, %jit3A_286, %eq3A_287 : i32
      %jit3A_289 = arith.constant 1 : i32
      %select_n3A_290 = arith.select %eq3A_288, %jit3A_289, %jit3A_286 : i32
      %rem3A_291 = vector.broadcast %select_n3A_290 : i32 to vector<16xi32>
      %rem3A_292 = arith.remsi %add3A_189, %rem3A_291 : vector<16xi32>
      %ne3A_293 = arith.constant 0 : i32
      %ne3A_294 = vector.broadcast %ne3A_293 : i32 to vector<16xi32>
      %ne3A_295 = arith.cmpi ne, %rem3A_292, %ne3A_294 : vector<16xi32>
      %lt3A_296 = arith.constant 0 : i32
      %lt3A_297 = vector.broadcast %lt3A_296 : i32 to vector<16xi32>
      %lt3A_298 = arith.cmpi slt, %rem3A_292, %lt3A_297 : vector<16xi32>
      %lt3A_299 = arith.constant 0 : i32
      %lt3A_300 = arith.cmpi slt, %select_n3A_290, %lt3A_299 : i32
      %ne3A_301 = vector.broadcast %lt3A_300 : i1 to vector<16xi1>
      %ne3A_302 = vector.broadcast %ne3A_301 : vector<16xi1> to vector<16xi1>
      %ne3A_303 = arith.xori %lt3A_298, %ne3A_302 : vector<16xi1>
      %and3A_304 = arith.andi %ne3A_303, %ne3A_295 : vector<16xi1>
      %add3A_305 = vector.broadcast %select_n3A_290 : i32 to vector<16xi32>
      %add3A_306 = arith.addi %rem3A_292, %add3A_305 : vector<16xi32>
      %select_n3A_307 = arith.select %and3A_304, %add3A_306, %rem3A_292 : vector<16xi1>, vector<16xi32>
      %add3A_308 = arith.constant 2528 : i32
      %add3A_309 = vector.broadcast %add3A_308 : i32 to vector<16xi32>
      %add3A_310 = arith.addi %add3A_309, %select_n3A_307 : vector<16xi32>
      %swap3A_311 = arith.index_cast %scan3A_56 : i32 to index
      %swap3A_312 = arith.constant 16 : index
      %swap3A_313 = tpu.vector_load %arg16[%swap3A_311, %swap3A_312] {strides = array<i32>} : memref<22x128xi32, #tpu.memory_space<vmem>>, vector<16xi32>,
      tpu.vector_store %arg16[%swap3A_311, %swap3A_312], %add3A_310 {strides = array<i32>} : memref<22x128xi32, #tpu.memory_space<vmem>>, vector<16xi32>,
      %mul3A_314 = arith.constant 128 : i32
      %mul3A_315 = arith.muli %scan3A_56, %mul3A_314 : i32
      %add3A_316 = arith.constant 32 : i32
      %add3A_317 = arith.addi %mul3A_315, %add3A_316 : i32
      %add3A_318 = vector.broadcast %add3A_317 : i32 to vector<16xi32>
      %add3A_319 = arith.addi %add3A_318, %iota3A : vector<16xi32>
      %swap3A_320 = arith.index_cast %scan3A_56 : i32 to index
      %swap3A_321 = arith.constant 32 : index
      %swap3A_322 = tpu.vector_load %arg9[%swap3A_320, %swap3A_321] {strides = array<i32>} : memref<22x128xi32, #tpu.memory_space<vmem>>, vector<16xi32>,
      tpu.vector_store %arg9[%swap3A_320, %swap3A_321], %add3A_319 {strides = array<i32>} : memref<22x128xi32, #tpu.memory_space<vmem>>, vector<16xi32>,
      %jit3A_323 = arith.constant 160 : i32
      %eq3A_324 = arith.constant 0 : i32
      %eq3A_325 = arith.cmpi eq, %jit3A_323, %eq3A_324 : i32
      %jit3A_326 = arith.constant 1 : i32
      %select_n3A_327 = arith.select %eq3A_325, %jit3A_326, %jit3A_323 : i32
      %rem3A_328 = vector.broadcast %select_n3A_327 : i32 to vector<16xi32>
      %rem3A_329 = arith.remsi %add3A_319, %rem3A_328 : vector<16xi32>
      %ne3A_330 = arith.constant 0 : i32
      %ne3A_331 = vector.broadcast %ne3A_330 : i32 to vector<16xi32>
      %ne3A_332 = arith.cmpi ne, %rem3A_329, %ne3A_331 : vector<16xi32>
      %lt3A_333 = arith.constant 0 : i32
      %lt3A_334 = vector.broadcast %lt3A_333 : i32 to vector<16xi32>
      %lt3A_335 = arith.cmpi slt, %rem3A_329, %lt3A_334 : vector<16xi32>
      %lt3A_336 = arith.constant 0 : i32
      %lt3A_337 = arith.cmpi slt, %select_n3A_327, %lt3A_336 : i32
      %ne3A_338 = vector.broadcast %lt3A_337 : i1 to vector<16xi1>
      %ne3A_339 = vector.broadcast %ne3A_338 : vector<16xi1> to vector<16xi1>
      %ne3A_340 = arith.xori %lt3A_335, %ne3A_339 : vector<16xi1>
      %and3A_341 = arith.andi %ne3A_340, %ne3A_332 : vector<16xi1>
      %add3A_342 = vector.broadcast %select_n3A_327 : i32 to vector<16xi32>
      %add3A_343 = arith.addi %rem3A_329, %add3A_342 : vector<16xi32>
      %select_n3A_344 = arith.select %and3A_341, %add3A_343, %rem3A_329 : vector<16xi1>, vector<16xi32>
      %add3A_345 = arith.constant 2528 : i32
      %add3A_346 = vector.broadcast %add3A_345 : i32 to vector<16xi32>
      %add3A_347 = arith.addi %add3A_346, %select_n3A_344 : vector<16xi32>
      %swap3A_348 = arith.index_cast %scan3A_56 : i32 to index
      %swap3A_349 = arith.constant 32 : index
      %swap3A_350 = tpu.vector_load %arg13[%swap3A_348, %swap3A_349] {strides = array<i32>} : memref<22x128xi32, #tpu.memory_space<vmem>>, vector<16xi32>,
      tpu.vector_store %arg13[%swap3A_348, %swap3A_349], %add3A_347 {strides = array<i32>} : memref<22x128xi32, #tpu.memory_space<vmem>>, vector<16xi32>,
      %swap3A_351 = arith.index_cast %scan3A_56 : i32 to index
      %swap3A_352 = arith.constant 32 : index
      %swap3A_353 = tpu.vector_load %arg10[%swap3A_351, %swap3A_352] {strides = array<i32>} : memref<22x128xi32, #tpu.memory_space<vmem>>, vector<16xi32>,
      tpu.vector_store %arg10[%swap3A_351, %swap3A_352], %add3A_319 {strides = array<i32>} : memref<22x128xi32, #tpu.memory_space<vmem>>, vector<16xi32>,
      %jit3A_354 = arith.constant 160 : i32
      %eq3A_355 = arith.constant 0 : i32
      %eq3A_356 = arith.cmpi eq, %jit3A_354, %eq3A_355 : i32
      %jit3A_357 = arith.constant 1 : i32
      %select_n3A_358 = arith.select %eq3A_356, %jit3A_357, %jit3A_354 : i32
      %rem3A_359 = vector.broadcast %select_n3A_358 : i32 to vector<16xi32>
      %rem3A_360 = arith.remsi %add3A_319, %rem3A_359 : vector<16xi32>
      %ne3A_361 = arith.constant 0 : i32
      %ne3A_362 = vector.broadcast %ne3A_361 : i32 to vector<16xi32>
      %ne3A_363 = arith.cmpi ne, %rem3A_360, %ne3A_362 : vector<16xi32>
      %lt3A_364 = arith.constant 0 : i32
      %lt3A_365 = vector.broadcast %lt3A_364 : i32 to vector<16xi32>
      %lt3A_366 = arith.cmpi slt, %rem3A_360, %lt3A_365 : vector<16xi32>
      %lt3A_367 = arith.constant 0 : i32
      %lt3A_368 = arith.cmpi slt, %select_n3A_358, %lt3A_367 : i32
      %ne3A_369 = vector.broadcast %lt3A_368 : i1 to vector<16xi1>
      %ne3A_370 = vector.broadcast %ne3A_369 : vector<16xi1> to vector<16xi1>
      %ne3A_371 = arith.xori %lt3A_366, %ne3A_370 : vector<16xi1>
      %and3A_372 = arith.andi %ne3A_371, %ne3A_363 : vector<16xi1>
      %add3A_373 = vector.broadcast %select_n3A_358 : i32 to vector<16xi32>
      %add3A_374 = arith.addi %rem3A_360, %add3A_373 : vector<16xi32>
      %select_n3A_375 = arith.select %and3A_372, %add3A_374, %rem3A_360 : vector<16xi1>, vector<16xi32>
      %add3A_376 = arith.constant 2528 : i32
      %add3A_377 = vector.broadcast %add3A_376 : i32 to vector<16xi32>
      %add3A_378 = arith.addi %add3A_377, %select_n3A_375 : vector<16xi32>
      %swap3A_379 = arith.index_cast %scan3A_56 : i32 to index
      %swap3A_380 = arith.constant 32 : index
      %swap3A_381 = tpu.vector_load %arg14[%swap3A_379, %swap3A_380] {strides = array<i32>} : memref<22x128xi32, #tpu.memory_space<vmem>>, vector<16xi32>,
      tpu.vector_store %arg14[%swap3A_379, %swap3A_380], %add3A_378 {strides = array<i32>} : memref<22x128xi32, #tpu.memory_space<vmem>>, vector<16xi32>,
      %swap3A_382 = arith.index_cast %scan3A_56 : i32 to index
      %swap3A_383 = arith.constant 32 : index
      %swap3A_384 = tpu.vector_load %arg11[%swap3A_382, %swap3A_383] {strides = array<i32>} : memref<22x128xi32, #tpu.memory_space<vmem>>, vector<16xi32>,
      tpu.vector_store %arg11[%swap3A_382, %swap3A_383], %add3A_319 {strides = array<i32>} : memref<22x128xi32, #tpu.memory_space<vmem>>, vector<16xi32>,
      %jit3A_385 = arith.constant 160 : i32
      %eq3A_386 = arith.constant 0 : i32
      %eq3A_387 = arith.cmpi eq, %jit3A_385, %eq3A_386 : i32
      %jit3A_388 = arith.constant 1 : i32
      %select_n3A_389 = arith.select %eq3A_387, %jit3A_388, %jit3A_385 : i32
      %rem3A_390 = vector.broadcast %select_n3A_389 : i32 to vector<16xi32>
      %rem3A_391 = arith.remsi %add3A_319, %rem3A_390 : vector<16xi32>
      %ne3A_392 = arith.constant 0 : i32
      %ne3A_393 = vector.broadcast %ne3A_392 : i32 to vector<16xi32>
      %ne3A_394 = arith.cmpi ne, %rem3A_391, %ne3A_393 : vector<16xi32>
      %lt3A_395 = arith.constant 0 : i32
      %lt3A_396 = vector.broadcast %lt3A_395 : i32 to vector<16xi32>
      %lt3A_397 = arith.cmpi slt, %rem3A_391, %lt3A_396 : vector<16xi32>
      %lt3A_398 = arith.constant 0 : i32
      %lt3A_399 = arith.cmpi slt, %select_n3A_389, %lt3A_398 : i32
      %ne3A_400 = vector.broadcast %lt3A_399 : i1 to vector<16xi1>
      %ne3A_401 = vector.broadcast %ne3A_400 : vector<16xi1> to vector<16xi1>
      %ne3A_402 = arith.xori %lt3A_397, %ne3A_401 : vector<16xi1>
      %and3A_403 = arith.andi %ne3A_402, %ne3A_394 : vector<16xi1>
      %add3A_404 = vector.broadcast %select_n3A_389 : i32 to vector<16xi32>
      %add3A_405 = arith.addi %rem3A_391, %add3A_404 : vector<16xi32>
      %select_n3A_406 = arith.select %and3A_403, %add3A_405, %rem3A_391 : vector<16xi1>, vector<16xi32>
      %add3A_407 = arith.constant 2528 : i32
      %add3A_408 = vector.broadcast %add3A_407 : i32 to vector<16xi32>
      %add3A_409 = arith.addi %add3A_408, %select_n3A_406 : vector<16xi32>
      %swap3A_410 = arith.index_cast %scan3A_56 : i32 to index
      %swap3A_411 = arith.constant 32 : index
      %swap3A_412 = tpu.vector_load %arg15[%swap3A_410, %swap3A_411] {strides = array<i32>} : memref<22x128xi32, #tpu.memory_space<vmem>>, vector<16xi32>,
      tpu.vector_store %arg15[%swap3A_410, %swap3A_411], %add3A_409 {strides = array<i32>} : memref<22x128xi32, #tpu.memory_space<vmem>>, vector<16xi32>,
      %swap3A_413 = arith.index_cast %scan3A_56 : i32 to index
      %swap3A_414 = arith.constant 32 : index
      %swap3A_415 = tpu.vector_load %arg12[%swap3A_413, %swap3A_414] {strides = array<i32>} : memref<22x128xi32, #tpu.memory_space<vmem>>, vector<16xi32>,
      tpu.vector_store %arg12[%swap3A_413, %swap3A_414], %add3A_319 {strides = array<i32>} : memref<22x128xi32, #tpu.memory_space<vmem>>, vector<16xi32>,
      %jit3A_416 = arith.constant 160 : i32
      %eq3A_417 = arith.constant 0 : i32
      %eq3A_418 = arith.cmpi eq, %jit3A_416, %eq3A_417 : i32
      %jit3A_419 = arith.constant 1 : i32
      %select_n3A_420 = arith.select %eq3A_418, %jit3A_419, %jit3A_416 : i32
      %rem3A_421 = vector.broadcast %select_n3A_420 : i32 to vector<16xi32>
      %rem3A_422 = arith.remsi %add3A_319, %rem3A_421 : vector<16xi32>
      %ne3A_423 = arith.constant 0 : i32
      %ne3A_424 = vector.broadcast %ne3A_423 : i32 to vector<16xi32>
      %ne3A_425 = arith.cmpi ne, %rem3A_422, %ne3A_424 : vector<16xi32>
      %lt3A_426 = arith.constant 0 : i32
      %lt3A_427 = vector.broadcast %lt3A_426 : i32 to vector<16xi32>
      %lt3A_428 = arith.cmpi slt, %rem3A_422, %lt3A_427 : vector<16xi32>
      %lt3A_429 = arith.constant 0 : i32
      %lt3A_430 = arith.cmpi slt, %select_n3A_420, %lt3A_429 : i32
      %ne3A_431 = vector.broadcast %lt3A_430 : i1 to vector<16xi1>
      %ne3A_432 = vector.broadcast %ne3A_431 : vector<16xi1> to vector<16xi1>
      %ne3A_433 = arith.xori %lt3A_428, %ne3A_432 : vector<16xi1>
      %and3A_434 = arith.andi %ne3A_433, %ne3A_425 : vector<16xi1>
      %add3A_435 = vector.broadcast %select_n3A_420 : i32 to vector<16xi32>
      %add3A_436 = arith.addi %rem3A_422, %add3A_435 : vector<16xi32>
      %select_n3A_437 = arith.select %and3A_434, %add3A_436, %rem3A_422 : vector<16xi1>, vector<16xi32>
      %add3A_438 = arith.constant 2528 : i32
      %add3A_439 = vector.broadcast %add3A_438 : i32 to vector<16xi32>
      %add3A_440 = arith.addi %add3A_439, %select_n3A_437 : vector<16xi32>
      %swap3A_441 = arith.index_cast %scan3A_56 : i32 to index
      %swap3A_442 = arith.constant 32 : index
      %swap3A_443 = tpu.vector_load %arg16[%swap3A_441, %swap3A_442] {strides = array<i32>} : memref<22x128xi32, #tpu.memory_space<vmem>>, vector<16xi32>,
      tpu.vector_store %arg16[%swap3A_441, %swap3A_442], %add3A_440 {strides = array<i32>} : memref<22x128xi32, #tpu.memory_space<vmem>>, vector<16xi32>,
      %mul3A_444 = arith.constant 128 : i32
      %mul3A_445 = arith.muli %scan3A_56, %mul3A_444 : i32
      %add3A_446 = arith.constant 48 : i32
      %add3A_447 = arith.addi %mul3A_445, %add3A_446 : i32
      %add3A_448 = vector.broadcast %add3A_447 : i32 to vector<16xi32>
      %add3A_449 = arith.addi %add3A_448, %iota3A : vector<16xi32>
      %swap3A_450 = arith.index_cast %scan3A_56 : i32 to index
      %swap3A_451 = arith.constant 48 : index
      %swap3A_452 = tpu.vector_load %arg9[%swap3A_450, %swap3A_451] {strides = array<i32>} : memref<22x128xi32, #tpu.memory_space<vmem>>, vector<16xi32>,
      tpu.vector_store %arg9[%swap3A_450, %swap3A_451], %add3A_449 {strides = array<i32>} : memref<22x128xi32, #tpu.memory_space<vmem>>, vector<16xi32>,
      %jit3A_453 = arith.constant 160 : i32
      %eq3A_454 = arith.constant 0 : i32
      %eq3A_455 = arith.cmpi eq, %jit3A_453, %eq3A_454 : i32
      %jit3A_456 = arith.constant 1 : i32
      %select_n3A_457 = arith.select %eq3A_455, %jit3A_456, %jit3A_453 : i32
      %rem3A_458 = vector.broadcast %select_n3A_457 : i32 to vector<16xi32>
      %rem3A_459 = arith.remsi %add3A_449, %rem3A_458 : vector<16xi32>
      %ne3A_460 = arith.constant 0 : i32
      %ne3A_461 = vector.broadcast %ne3A_460 : i32 to vector<16xi32>
      %ne3A_462 = arith.cmpi ne, %rem3A_459, %ne3A_461 : vector<16xi32>
      %lt3A_463 = arith.constant 0 : i32
      %lt3A_464 = vector.broadcast %lt3A_463 : i32 to vector<16xi32>
      %lt3A_465 = arith.cmpi slt, %rem3A_459, %lt3A_464 : vector<16xi32>
      %lt3A_466 = arith.constant 0 : i32
      %lt3A_467 = arith.cmpi slt, %select_n3A_457, %lt3A_466 : i32
      %ne3A_468 = vector.broadcast %lt3A_467 : i1 to vector<16xi1>
      %ne3A_469 = vector.broadcast %ne3A_468 : vector<16xi1> to vector<16xi1>
      %ne3A_470 = arith.xori %lt3A_465, %ne3A_469 : vector<16xi1>
      %and3A_471 = arith.andi %ne3A_470, %ne3A_462 : vector<16xi1>
      %add3A_472 = vector.broadcast %select_n3A_457 : i32 to vector<16xi32>
      %add3A_473 = arith.addi %rem3A_459, %add3A_472 : vector<16xi32>
      %select_n3A_474 = arith.select %and3A_471, %add3A_473, %rem3A_459 : vector<16xi1>, vector<16xi32>
      %add3A_475 = arith.constant 2528 : i32
      %add3A_476 = vector.broadcast %add3A_475 : i32 to vector<16xi32>
      %add3A_477 = arith.addi %add3A_476, %select_n3A_474 : vector<16xi32>
      %swap3A_478 = arith.index_cast %scan3A_56 : i32 to index
      %swap3A_479 = arith.constant 48 : index
      %swap3A_480 = tpu.vector_load %arg13[%swap3A_478, %swap3A_479] {strides = array<i32>} : memref<22x128xi32, #tpu.memory_space<vmem>>, vector<16xi32>,
      tpu.vector_store %arg13[%swap3A_478, %swap3A_479], %add3A_477 {strides = array<i32>} : memref<22x128xi32, #tpu.memory_space<vmem>>, vector<16xi32>,
      %swap3A_481 = arith.index_cast %scan3A_56 : i32 to index
      %swap3A_482 = arith.constant 48 : index
      %swap3A_483 = tpu.vector_load %arg10[%swap3A_481, %swap3A_482] {strides = array<i32>} : memref<22x128xi32, #tpu.memory_space<vmem>>, vector<16xi32>,
      tpu.vector_store %arg10[%swap3A_481, %swap3A_482], %add3A_449 {strides = array<i32>} : memref<22x128xi32, #tpu.memory_space<vmem>>, vector<16xi32>,
      %jit3A_484 = arith.constant 160 : i32
      %eq3A_485 = arith.constant 0 : i32
      %eq3A_486 = arith.cmpi eq, %jit3A_484, %eq3A_485 : i32
      %jit3A_487 = arith.constant 1 : i32
      %select_n3A_488 = arith.select %eq3A_486, %jit3A_487, %jit3A_484 : i32
      %rem3A_489 = vector.broadcast %select_n3A_488 : i32 to vector<16xi32>
      %rem3A_490 = arith.remsi %add3A_449, %rem3A_489 : vector<16xi32>
      %ne3A_491 = arith.constant 0 : i32
      %ne3A_492 = vector.broadcast %ne3A_491 : i32 to vector<16xi32>
      %ne3A_493 = arith.cmpi ne, %rem3A_490, %ne3A_492 : vector<16xi32>
      %lt3A_494 = arith.constant 0 : i32
      %lt3A_495 = vector.broadcast %lt3A_494 : i32 to vector<16xi32>
      %lt3A_496 = arith.cmpi slt, %rem3A_490, %lt3A_495 : vector<16xi32>
      %lt3A_497 = arith.constant 0 : i32
      %lt3A_498 = arith.cmpi slt, %select_n3A_488, %lt3A_497 : i32
      %ne3A_499 = vector.broadcast %lt3A_498 : i1 to vector<16xi1>
      %ne3A_500 = vector.broadcast %ne3A_499 : vector<16xi1> to vector<16xi1>
      %ne3A_501 = arith.xori %lt3A_496, %ne3A_500 : vector<16xi1>
      %and3A_502 = arith.andi %ne3A_501, %ne3A_493 : vector<16xi1>
      %add3A_503 = vector.broadcast %select_n3A_488 : i32 to vector<16xi32>
      %add3A_504 = arith.addi %rem3A_490, %add3A_503 : vector<16xi32>
      %select_n3A_505 = arith.select %and3A_502, %add3A_504, %rem3A_490 : vector<16xi1>, vector<16xi32>
      %add3A_506 = arith.constant 2528 : i32
      %add3A_507 = vector.broadcast %add3A_506 : i32 to vector<16xi32>
      %add3A_508 = arith.addi %add3A_507, %select_n3A_505 : vector<16xi32>
      %swap3A_509 = arith.index_cast %scan3A_56 : i32 to index
      %swap3A_510 = arith.constant 48 : index
      %swap3A_511 = tpu.vector_load %arg14[%swap3A_509, %swap3A_510] {strides = array<i32>} : memref<22x128xi32, #tpu.memory_space<vmem>>, vector<16xi32>,
      tpu.vector_store %arg14[%swap3A_509, %swap3A_510], %add3A_508 {strides = array<i32>} : memref<22x128xi32, #tpu.memory_space<vmem>>, vector<16xi32>,
      %swap3A_512 = arith.index_cast %scan3A_56 : i32 to index
      %swap3A_513 = arith.constant 48 : index
      %swap3A_514 = tpu.vector_load %arg11[%swap3A_512, %swap3A_513] {strides = array<i32>} : memref<22x128xi32, #tpu.memory_space<vmem>>, vector<16xi32>,
      tpu.vector_store %arg11[%swap3A_512, %swap3A_513], %add3A_449 {strides = array<i32>} : memref<22x128xi32, #tpu.memory_space<vmem>>, vector<16xi32>,
      %jit3A_515 = arith.constant 160 : i32
      %eq3A_516 = arith.constant 0 : i32
      %eq3A_517 = arith.cmpi eq, %jit3A_515, %eq3A_516 : i32
      %jit3A_518 = arith.constant 1 : i32
      %select_n3A_519 = arith.select %eq3A_517, %jit3A_518, %jit3A_515 : i32
      %rem3A_520 = vector.broadcast %select_n3A_519 : i32 to vector<16xi32>
      %rem3A_521 = arith.remsi %add3A_449, %rem3A_520 : vector<16xi32>
      %ne3A_522 = arith.constant 0 : i32
      %ne3A_523 = vector.broadcast %ne3A_522 : i32 to vector<16xi32>
      %ne3A_524 = arith.cmpi ne, %rem3A_521, %ne3A_523 : vector<16xi32>
      %lt3A_525 = arith.constant 0 : i32
      %lt3A_526 = vector.broadcast %lt3A_525 : i32 to vector<16xi32>
      %lt3A_527 = arith.cmpi slt, %rem3A_521, %lt3A_526 : vector<16xi32>
      %lt3A_528 = arith.constant 0 : i32
      %lt3A_529 = arith.cmpi slt, %select_n3A_519, %lt3A_528 : i32
      %ne3A_530 = vector.broadcast %lt3A_529 : i1 to vector<16xi1>
      %ne3A_531 = vector.broadcast %ne3A_530 : vector<16xi1> to vector<16xi1>
      %ne3A_532 = arith.xori %lt3A_527, %ne3A_531 : vector<16xi1>
      %and3A_533 = arith.andi %ne3A_532, %ne3A_524 : vector<16xi1>
      %add3A_534 = vector.broadcast %select_n3A_519 : i32 to vector<16xi32>
      %add3A_535 = arith.addi %rem3A_521, %add3A_534 : vector<16xi32>
      %select_n3A_536 = arith.select %and3A_533, %add3A_535, %rem3A_521 : vector<16xi1>, vector<16xi32>
      %add3A_537 = arith.constant 2528 : i32
      %add3A_538 = vector.broadcast %add3A_537 : i32 to vector<16xi32>
      %add3A_539 = arith.addi %add3A_538, %select_n3A_536 : vector<16xi32>
      %swap3A_540 = arith.index_cast %scan3A_56 : i32 to index
      %swap3A_541 = arith.constant 48 : index
      %swap3A_542 = tpu.vector_load %arg15[%swap3A_540, %swap3A_541] {strides = array<i32>} : memref<22x128xi32, #tpu.memory_space<vmem>>, vector<16xi32>,
      tpu.vector_store %arg15[%swap3A_540, %swap3A_541], %add3A_539 {strides = array<i32>} : memref<22x128xi32, #tpu.memory_space<vmem>>, vector<16xi32>,
      %swap3A_543 = arith.index_cast %scan3A_56 : i32 to index
      %swap3A_544 = arith.constant 48 : index
      %swap3A_545 = tpu.vector_load %arg12[%swap3A_543, %swap3A_544] {strides = array<i32>} : memref<22x128xi32, #tpu.memory_space<vmem>>, vector<16xi32>,
      tpu.vector_store %arg12[%swap3A_543, %swap3A_544], %add3A_449 {strides = array<i32>} : memref<22x128xi32, #tpu.memory_space<vmem>>, vector<16xi32>,
      %jit3A_546 = arith.constant 160 : i32
      %eq3A_547 = arith.constant 0 : i32
      %eq3A_548 = arith.cmpi eq, %jit3A_546, %eq3A_547 : i32
      %jit3A_549 = arith.constant 1 : i32
      %select_n3A_550 = arith.select %eq3A_548, %jit3A_549, %jit3A_546 : i32
      %rem3A_551 = vector.broadcast %select_n3A_550 : i32 to vector<16xi32>
      %rem3A_552 = arith.remsi %add3A_449, %rem3A_551 : vector<16xi32>
      %ne3A_553 = arith.constant 0 : i32
      %ne3A_554 = vector.broadcast %ne3A_553 : i32 to vector<16xi32>
      %ne3A_555 = arith.cmpi ne, %rem3A_552, %ne3A_554 : vector<16xi32>
      %lt3A_556 = arith.constant 0 : i32
      %lt3A_557 = vector.broadcast %lt3A_556 : i32 to vector<16xi32>
      %lt3A_558 = arith.cmpi slt, %rem3A_552, %lt3A_557 : vector<16xi32>
      %lt3A_559 = arith.constant 0 : i32
      %lt3A_560 = arith.cmpi slt, %select_n3A_550, %lt3A_559 : i32
      %ne3A_561 = vector.broadcast %lt3A_560 : i1 to vector<16xi1>
      %ne3A_562 = vector.broadcast %ne3A_561 : vector<16xi1> to vector<16xi1>
      %ne3A_563 = arith.xori %lt3A_558, %ne3A_562 : vector<16xi1>
      %and3A_564 = arith.andi %ne3A_563, %ne3A_555 : vector<16xi1>
      %add3A_565 = vector.broadcast %select_n3A_550 : i32 to vector<16xi32>
      %add3A_566 = arith.addi %rem3A_552, %add3A_565 : vector<16xi32>
      %select_n3A_567 = arith.select %and3A_564, %add3A_566, %rem3A_552 : vector<16xi1>, vector<16xi32>
      %add3A_568 = arith.constant 2528 : i32
      %add3A_569 = vector.broadcast %add3A_568 : i32 to vector<16xi32>
      %add3A_570 = arith.addi %add3A_569, %select_n3A_567 : vector<16xi32>
      %swap3A_571 = arith.index_cast %scan3A_56 : i32 to index
      %swap3A_572 = arith.constant 48 : index
      %swap3A_573 = tpu.vector_load %arg16[%swap3A_571, %swap3A_572] {strides = array<i32>} : memref<22x128xi32, #tpu.memory_space<vmem>>, vector<16xi32>,
      tpu.vector_store %arg16[%swap3A_571, %swap3A_572], %add3A_570 {strides = array<i32>} : memref<22x128xi32, #tpu.memory_space<vmem>>, vector<16xi32>,
      %mul3A_574 = arith.constant 128 : i32
      %mul3A_575 = arith.muli %scan3A_56, %mul3A_574 : i32
      %add3A_576 = arith.constant 64 : i32
      %add3A_577 = arith.addi %mul3A_575, %add3A_576 : i32
      %add3A_578 = vector.broadcast %add3A_577 : i32 to vector<16xi32>
      %add3A_579 = arith.addi %add3A_578, %iota3A : vector<16xi32>
      %swap3A_580 = arith.index_cast %scan3A_56 : i32 to index
      %swap3A_581 = arith.constant 64 : index
      %swap3A_582 = tpu.vector_load %arg9[%swap3A_580, %swap3A_581] {strides = array<i32>} : memref<22x128xi32, #tpu.memory_space<vmem>>, vector<16xi32>,
      tpu.vector_store %arg9[%swap3A_580, %swap3A_581], %add3A_579 {strides = array<i32>} : memref<22x128xi32, #tpu.memory_space<vmem>>, vector<16xi32>,
      %jit3A_583 = arith.constant 160 : i32
      %eq3A_584 = arith.constant 0 : i32
      %eq3A_585 = arith.cmpi eq, %jit3A_583, %eq3A_584 : i32
      %jit3A_586 = arith.constant 1 : i32
      %select_n3A_587 = arith.select %eq3A_585, %jit3A_586, %jit3A_583 : i32
      %rem3A_588 = vector.broadcast %select_n3A_587 : i32 to vector<16xi32>
      %rem3A_589 = arith.remsi %add3A_579, %rem3A_588 : vector<16xi32>
      %ne3A_590 = arith.constant 0 : i32
      %ne3A_591 = vector.broadcast %ne3A_590 : i32 to vector<16xi32>
      %ne3A_592 = arith.cmpi ne, %rem3A_589, %ne3A_591 : vector<16xi32>
      %lt3A_593 = arith.constant 0 : i32
      %lt3A_594 = vector.broadcast %lt3A_593 : i32 to vector<16xi32>
      %lt3A_595 = arith.cmpi slt, %rem3A_589, %lt3A_594 : vector<16xi32>
      %lt3A_596 = arith.constant 0 : i32
      %lt3A_597 = arith.cmpi slt, %select_n3A_587, %lt3A_596 : i32
      %ne3A_598 = vector.broadcast %lt3A_597 : i1 to vector<16xi1>
      %ne3A_599 = vector.broadcast %ne3A_598 : vector<16xi1> to vector<16xi1>
      %ne3A_600 = arith.xori %lt3A_595, %ne3A_599 : vector<16xi1>
      %and3A_601 = arith.andi %ne3A_600, %ne3A_592 : vector<16xi1>
      %add3A_602 = vector.broadcast %select_n3A_587 : i32 to vector<16xi32>
      %add3A_603 = arith.addi %rem3A_589, %add3A_602 : vector<16xi32>
      %select_n3A_604 = arith.select %and3A_601, %add3A_603, %rem3A_589 : vector<16xi1>, vector<16xi32>
      %add3A_605 = arith.constant 2528 : i32
      %add3A_606 = vector.broadcast %add3A_605 : i32 to vector<16xi32>
      %add3A_607 = arith.addi %add3A_606, %select_n3A_604 : vector<16xi32>
      %swap3A_608 = arith.index_cast %scan3A_56 : i32 to index
      %swap3A_609 = arith.constant 64 : index
      %swap3A_610 = tpu.vector_load %arg13[%swap3A_608, %swap3A_609] {strides = array<i32>} : memref<22x128xi32, #tpu.memory_space<vmem>>, vector<16xi32>,
      tpu.vector_store %arg13[%swap3A_608, %swap3A_609], %add3A_607 {strides = array<i32>} : memref<22x128xi32, #tpu.memory_space<vmem>>, vector<16xi32>,
      %swap3A_611 = arith.index_cast %scan3A_56 : i32 to index
      %swap3A_612 = arith.constant 64 : index
      %swap3A_613 = tpu.vector_load %arg10[%swap3A_611, %swap3A_612] {strides = array<i32>} : memref<22x128xi32, #tpu.memory_space<vmem>>, vector<16xi32>,
      tpu.vector_store %arg10[%swap3A_611, %swap3A_612], %add3A_579 {strides = array<i32>} : memref<22x128xi32, #tpu.memory_space<vmem>>, vector<16xi32>,
      %jit3A_614 = arith.constant 160 : i32
      %eq3A_615 = arith.constant 0 : i32
      %eq3A_616 = arith.cmpi eq, %jit3A_614, %eq3A_615 : i32
      %jit3A_617 = arith.constant 1 : i32
      %select_n3A_618 = arith.select %eq3A_616, %jit3A_617, %jit3A_614 : i32
      %rem3A_619 = vector.broadcast %select_n3A_618 : i32 to vector<16xi32>
      %rem3A_620 = arith.remsi %add3A_579, %rem3A_619 : vector<16xi32>
      %ne3A_621 = arith.constant 0 : i32
      %ne3A_622 = vector.broadcast %ne3A_621 : i32 to vector<16xi32>
      %ne3A_623 = arith.cmpi ne, %rem3A_620, %ne3A_622 : vector<16xi32>
      %lt3A_624 = arith.constant 0 : i32
      %lt3A_625 = vector.broadcast %lt3A_624 : i32 to vector<16xi32>
      %lt3A_626 = arith.cmpi slt, %rem3A_620, %lt3A_625 : vector<16xi32>
      %lt3A_627 = arith.constant 0 : i32
      %lt3A_628 = arith.cmpi slt, %select_n3A_618, %lt3A_627 : i32
      %ne3A_629 = vector.broadcast %lt3A_628 : i1 to vector<16xi1>
      %ne3A_630 = vector.broadcast %ne3A_629 : vector<16xi1> to vector<16xi1>
      %ne3A_631 = arith.xori %lt3A_626, %ne3A_630 : vector<16xi1>
      %and3A_632 = arith.andi %ne3A_631, %ne3A_623 : vector<16xi1>
      %add3A_633 = vector.broadcast %select_n3A_618 : i32 to vector<16xi32>
      %add3A_634 = arith.addi %rem3A_620, %add3A_633 : vector<16xi32>
      %select_n3A_635 = arith.select %and3A_632, %add3A_634, %rem3A_620 : vector<16xi1>, vector<16xi32>
      %add3A_636 = arith.constant 2528 : i32
      %add3A_637 = vector.broadcast %add3A_636 : i32 to vector<16xi32>
      %add3A_638 = arith.addi %add3A_637, %select_n3A_635 : vector<16xi32>
      %swap3A_639 = arith.index_cast %scan3A_56 : i32 to index
      %swap3A_640 = arith.constant 64 : index
      %swap3A_641 = tpu.vector_load %arg14[%swap3A_639, %swap3A_640] {strides = array<i32>} : memref<22x128xi32, #tpu.memory_space<vmem>>, vector<16xi32>,
      tpu.vector_store %arg14[%swap3A_639, %swap3A_640], %add3A_638 {strides = array<i32>} : memref<22x128xi32, #tpu.memory_space<vmem>>, vector<16xi32>,
      %swap3A_642 = arith.index_cast %scan3A_56 : i32 to index
      %swap3A_643 = arith.constant 64 : index
      %swap3A_644 = tpu.vector_load %arg11[%swap3A_642, %swap3A_643] {strides = array<i32>} : memref<22x128xi32, #tpu.memory_space<vmem>>, vector<16xi32>,
      tpu.vector_store %arg11[%swap3A_642, %swap3A_643], %add3A_579 {strides = array<i32>} : memref<22x128xi32, #tpu.memory_space<vmem>>, vector<16xi32>,
      %jit3A_645 = arith.constant 160 : i32
      %eq3A_646 = arith.constant 0 : i32
      %eq3A_647 = arith.cmpi eq, %jit3A_645, %eq3A_646 : i32
      %jit3A_648 = arith.constant 1 : i32
      %select_n3A_649 = arith.select %eq3A_647, %jit3A_648, %jit3A_645 : i32
      %rem3A_650 = vector.broadcast %select_n3A_649 : i32 to vector<16xi32>
      %rem3A_651 = arith.remsi %add3A_579, %rem3A_650 : vector<16xi32>
      %ne3A_652 = arith.constant 0 : i32
      %ne3A_653 = vector.broadcast %ne3A_652 : i32 to vector<16xi32>
      %ne3A_654 = arith.cmpi ne, %rem3A_651, %ne3A_653 : vector<16xi32>
      %lt3A_655 = arith.constant 0 : i32
      %lt3A_656 = vector.broadcast %lt3A_655 : i32 to vector<16xi32>
      %lt3A_657 = arith.cmpi slt, %rem3A_651, %lt3A_656 : vector<16xi32>
      %lt3A_658 = arith.constant 0 : i32
      %lt3A_659 = arith.cmpi slt, %select_n3A_649, %lt3A_658 : i32
      %ne3A_660 = vector.broadcast %lt3A_659 : i1 to vector<16xi1>
      %ne3A_661 = vector.broadcast %ne3A_660 : vector<16xi1> to vector<16xi1>
      %ne3A_662 = arith.xori %lt3A_657, %ne3A_661 : vector<16xi1>
      %and3A_663 = arith.andi %ne3A_662, %ne3A_654 : vector<16xi1>
      %add3A_664 = vector.broadcast %select_n3A_649 : i32 to vector<16xi32>
      %add3A_665 = arith.addi %rem3A_651, %add3A_664 : vector<16xi32>
      %select_n3A_666 = arith.select %and3A_663, %add3A_665, %rem3A_651 : vector<16xi1>, vector<16xi32>
      %add3A_667 = arith.constant 2528 : i32
      %add3A_668 = vector.broadcast %add3A_667 : i32 to vector<16xi32>
      %add3A_669 = arith.addi %add3A_668, %select_n3A_666 : vector<16xi32>
      %swap3A_670 = arith.index_cast %scan3A_56 : i32 to index
      %swap3A_671 = arith.constant 64 : index
      %swap3A_672 = tpu.vector_load %arg15[%swap3A_670, %swap3A_671] {strides = array<i32>} : memref<22x128xi32, #tpu.memory_space<vmem>>, vector<16xi32>,
      tpu.vector_store %arg15[%swap3A_670, %swap3A_671], %add3A_669 {strides = array<i32>} : memref<22x128xi32, #tpu.memory_space<vmem>>, vector<16xi32>,
      %swap3A_673 = arith.index_cast %scan3A_56 : i32 to index
      %swap3A_674 = arith.constant 64 : index
      %swap3A_675 = tpu.vector_load %arg12[%swap3A_673, %swap3A_674] {strides = array<i32>} : memref<22x128xi32, #tpu.memory_space<vmem>>, vector<16xi32>,
      tpu.vector_store %arg12[%swap3A_673, %swap3A_674], %add3A_579 {strides = array<i32>} : memref<22x128xi32, #tpu.memory_space<vmem>>, vector<16xi32>,
      %jit3A_676 = arith.constant 160 : i32
      %eq3A_677 = arith.constant 0 : i32
      %eq3A_678 = arith.cmpi eq, %jit3A_676, %eq3A_677 : i32
      %jit3A_679 = arith.constant 1 : i32
      %select_n3A_680 = arith.select %eq3A_678, %jit3A_679, %jit3A_676 : i32
      %rem3A_681 = vector.broadcast %select_n3A_680 : i32 to vector<16xi32>
      %rem3A_682 = arith.remsi %add3A_579, %rem3A_681 : vector<16xi32>
      %ne3A_683 = arith.constant 0 : i32
      %ne3A_684 = vector.broadcast %ne3A_683 : i32 to vector<16xi32>
      %ne3A_685 = arith.cmpi ne, %rem3A_682, %ne3A_684 : vector<16xi32>
      %lt3A_686 = arith.constant 0 : i32
      %lt3A_687 = vector.broadcast %lt3A_686 : i32 to vector<16xi32>
      %lt3A_688 = arith.cmpi slt, %rem3A_682, %lt3A_687 : vector<16xi32>
      %lt3A_689 = arith.constant 0 : i32
      %lt3A_690 = arith.cmpi slt, %select_n3A_680, %lt3A_689 : i32
      %ne3A_691 = vector.broadcast %lt3A_690 : i1 to vector<16xi1>
      %ne3A_692 = vector.broadcast %ne3A_691 : vector<16xi1> to vector<16xi1>
      %ne3A_693 = arith.xori %lt3A_688, %ne3A_692 : vector<16xi1>
      %and3A_694 = arith.andi %ne3A_693, %ne3A_685 : vector<16xi1>
      %add3A_695 = vector.broadcast %select_n3A_680 : i32 to vector<16xi32>
      %add3A_696 = arith.addi %rem3A_682, %add3A_695 : vector<16xi32>
      %select_n3A_697 = arith.select %and3A_694, %add3A_696, %rem3A_682 : vector<16xi1>, vector<16xi32>
      %add3A_698 = arith.constant 2528 : i32
      %add3A_699 = vector.broadcast %add3A_698 : i32 to vector<16xi32>
      %add3A_700 = arith.addi %add3A_699, %select_n3A_697 : vector<16xi32>
      %swap3A_701 = arith.index_cast %scan3A_56 : i32 to index
      %swap3A_702 = arith.constant 64 : index
      %swap3A_703 = tpu.vector_load %arg16[%swap3A_701, %swap3A_702] {strides = array<i32>} : memref<22x128xi32, #tpu.memory_space<vmem>>, vector<16xi32>,
      tpu.vector_store %arg16[%swap3A_701, %swap3A_702], %add3A_700 {strides = array<i32>} : memref<22x128xi32, #tpu.memory_space<vmem>>, vector<16xi32>,
      %mul3A_704 = arith.constant 128 : i32
      %mul3A_705 = arith.muli %scan3A_56, %mul3A_704 : i32
      %add3A_706 = arith.constant 80 : i32
      %add3A_707 = arith.addi %mul3A_705, %add3A_706 : i32
      %add3A_708 = vector.broadcast %add3A_707 : i32 to vector<16xi32>
      %add3A_709 = arith.addi %add3A_708, %iota3A : vector<16xi32>
      %swap3A_710 = arith.index_cast %scan3A_56 : i32 to index
      %swap3A_711 = arith.constant 80 : index
      %swap3A_712 = tpu.vector_load %arg9[%swap3A_710, %swap3A_711] {strides = array<i32>} : memref<22x128xi32, #tpu.memory_space<vmem>>, vector<16xi32>,
      tpu.vector_store %arg9[%swap3A_710, %swap3A_711], %add3A_709 {strides = array<i32>} : memref<22x128xi32, #tpu.memory_space<vmem>>, vector<16xi32>,
      %jit3A_713 = arith.constant 160 : i32
      %eq3A_714 = arith.constant 0 : i32
      %eq3A_715 = arith.cmpi eq, %jit3A_713, %eq3A_714 : i32
      %jit3A_716 = arith.constant 1 : i32
      %select_n3A_717 = arith.select %eq3A_715, %jit3A_716, %jit3A_713 : i32
      %rem3A_718 = vector.broadcast %select_n3A_717 : i32 to vector<16xi32>
      %rem3A_719 = arith.remsi %add3A_709, %rem3A_718 : vector<16xi32>
      %ne3A_720 = arith.constant 0 : i32
      %ne3A_721 = vector.broadcast %ne3A_720 : i32 to vector<16xi32>
      %ne3A_722 = arith.cmpi ne, %rem3A_719, %ne3A_721 : vector<16xi32>
      %lt3A_723 = arith.constant 0 : i32
      %lt3A_724 = vector.broadcast %lt3A_723 : i32 to vector<16xi32>
      %lt3A_725 = arith.cmpi slt, %rem3A_719, %lt3A_724 : vector<16xi32>
      %lt3A_726 = arith.constant 0 : i32
      %lt3A_727 = arith.cmpi slt, %select_n3A_717, %lt3A_726 : i32
      %ne3A_728 = vector.broadcast %lt3A_727 : i1 to vector<16xi1>
      %ne3A_729 = vector.broadcast %ne3A_728 : vector<16xi1> to vector<16xi1>
      %ne3A_730 = arith.xori %lt3A_725, %ne3A_729 : vector<16xi1>
      %and3A_731 = arith.andi %ne3A_730, %ne3A_722 : vector<16xi1>
      %add3A_732 = vector.broadcast %select_n3A_717 : i32 to vector<16xi32>
      %add3A_733 = arith.addi %rem3A_719, %add3A_732 : vector<16xi32>
      %select_n3A_734 = arith.select %and3A_731, %add3A_733, %rem3A_719 : vector<16xi1>, vector<16xi32>
      %add3A_735 = arith.constant 2528 : i32
      %add3A_736 = vector.broadcast %add3A_735 : i32 to vector<16xi32>
      %add3A_737 = arith.addi %add3A_736, %select_n3A_734 : vector<16xi32>
      %swap3A_738 = arith.index_cast %scan3A_56 : i32 to index
      %swap3A_739 = arith.constant 80 : index
      %swap3A_740 = tpu.vector_load %arg13[%swap3A_738, %swap3A_739] {strides = array<i32>} : memref<22x128xi32, #tpu.memory_space<vmem>>, vector<16xi32>,
      tpu.vector_store %arg13[%swap3A_738, %swap3A_739], %add3A_737 {strides = array<i32>} : memref<22x128xi32, #tpu.memory_space<vmem>>, vector<16xi32>,
      %swap3A_741 = arith.index_cast %scan3A_56 : i32 to index
      %swap3A_742 = arith.constant 80 : index
      %swap3A_743 = tpu.vector_load %arg10[%swap3A_741, %swap3A_742] {strides = array<i32>} : memref<22x128xi32, #tpu.memory_space<vmem>>, vector<16xi32>,
      tpu.vector_store %arg10[%swap3A_741, %swap3A_742], %add3A_709 {strides = array<i32>} : memref<22x128xi32, #tpu.memory_space<vmem>>, vector<16xi32>,
      %jit3A_744 = arith.constant 160 : i32
      %eq3A_745 = arith.constant 0 : i32
      %eq3A_746 = arith.cmpi eq, %jit3A_744, %eq3A_745 : i32
      %jit3A_747 = arith.constant 1 : i32
      %select_n3A_748 = arith.select %eq3A_746, %jit3A_747, %jit3A_744 : i32
      %rem3A_749 = vector.broadcast %select_n3A_748 : i32 to vector<16xi32>
      %rem3A_750 = arith.remsi %add3A_709, %rem3A_749 : vector<16xi32>
      %ne3A_751 = arith.constant 0 : i32
      %ne3A_752 = vector.broadcast %ne3A_751 : i32 to vector<16xi32>
      %ne3A_753 = arith.cmpi ne, %rem3A_750, %ne3A_752 : vector<16xi32>
      %lt3A_754 = arith.constant 0 : i32
      %lt3A_755 = vector.broadcast %lt3A_754 : i32 to vector<16xi32>
      %lt3A_756 = arith.cmpi slt, %rem3A_750, %lt3A_755 : vector<16xi32>
      %lt3A_757 = arith.constant 0 : i32
      %lt3A_758 = arith.cmpi slt, %select_n3A_748, %lt3A_757 : i32
      %ne3A_759 = vector.broadcast %lt3A_758 : i1 to vector<16xi1>
      %ne3A_760 = vector.broadcast %ne3A_759 : vector<16xi1> to vector<16xi1>
      %ne3A_761 = arith.xori %lt3A_756, %ne3A_760 : vector<16xi1>
      %and3A_762 = arith.andi %ne3A_761, %ne3A_753 : vector<16xi1>
      %add3A_763 = vector.broadcast %select_n3A_748 : i32 to vector<16xi32>
      %add3A_764 = arith.addi %rem3A_750, %add3A_763 : vector<16xi32>
      %select_n3A_765 = arith.select %and3A_762, %add3A_764, %rem3A_750 : vector<16xi1>, vector<16xi32>
      %add3A_766 = arith.constant 2528 : i32
      %add3A_767 = vector.broadcast %add3A_766 : i32 to vector<16xi32>
      %add3A_768 = arith.addi %add3A_767, %select_n3A_765 : vector<16xi32>
      %swap3A_769 = arith.index_cast %scan3A_56 : i32 to index
      %swap3A_770 = arith.constant 80 : index
      %swap3A_771 = tpu.vector_load %arg14[%swap3A_769, %swap3A_770] {strides = array<i32>} : memref<22x128xi32, #tpu.memory_space<vmem>>, vector<16xi32>,
      tpu.vector_store %arg14[%swap3A_769, %swap3A_770], %add3A_768 {strides = array<i32>} : memref<22x128xi32, #tpu.memory_space<vmem>>, vector<16xi32>,
      %swap3A_772 = arith.index_cast %scan3A_56 : i32 to index
      %swap3A_773 = arith.constant 80 : index
      %swap3A_774 = tpu.vector_load %arg11[%swap3A_772, %swap3A_773] {strides = array<i32>} : memref<22x128xi32, #tpu.memory_space<vmem>>, vector<16xi32>,
      tpu.vector_store %arg11[%swap3A_772, %swap3A_773], %add3A_709 {strides = array<i32>} : memref<22x128xi32, #tpu.memory_space<vmem>>, vector<16xi32>,
      %jit3A_775 = arith.constant 160 : i32
      %eq3A_776 = arith.constant 0 : i32
      %eq3A_777 = arith.cmpi eq, %jit3A_775, %eq3A_776 : i32
      %jit3A_778 = arith.constant 1 : i32
      %select_n3A_779 = arith.select %eq3A_777, %jit3A_778, %jit3A_775 : i32
      %rem3A_780 = vector.broadcast %select_n3A_779 : i32 to vector<16xi32>
      %rem3A_781 = arith.remsi %add3A_709, %rem3A_780 : vector<16xi32>
      %ne3A_782 = arith.constant 0 : i32
      %ne3A_783 = vector.broadcast %ne3A_782 : i32 to vector<16xi32>
      %ne3A_784 = arith.cmpi ne, %rem3A_781, %ne3A_783 : vector<16xi32>
      %lt3A_785 = arith.constant 0 : i32
      %lt3A_786 = vector.broadcast %lt3A_785 : i32 to vector<16xi32>
      %lt3A_787 = arith.cmpi slt, %rem3A_781, %lt3A_786 : vector<16xi32>
      %lt3A_788 = arith.constant 0 : i32
      %lt3A_789 = arith.cmpi slt, %select_n3A_779, %lt3A_788 : i32
      %ne3A_790 = vector.broadcast %lt3A_789 : i1 to vector<16xi1>
      %ne3A_791 = vector.broadcast %ne3A_790 : vector<16xi1> to vector<16xi1>
      %ne3A_792 = arith.xori %lt3A_787, %ne3A_791 : vector<16xi1>
      %and3A_793 = arith.andi %ne3A_792, %ne3A_784 : vector<16xi1>
      %add3A_794 = vector.broadcast %select_n3A_779 : i32 to vector<16xi32>
      %add3A_795 = arith.addi %rem3A_781, %add3A_794 : vector<16xi32>
      %select_n3A_796 = arith.select %and3A_793, %add3A_795, %rem3A_781 : vector<16xi1>, vector<16xi32>
      %add3A_797 = arith.constant 2528 : i32
      %add3A_798 = vector.broadcast %add3A_797 : i32 to vector<16xi32>
      %add3A_799 = arith.addi %add3A_798, %select_n3A_796 : vector<16xi32>
      %swap3A_800 = arith.index_cast %scan3A_56 : i32 to index
      %swap3A_801 = arith.constant 80 : index
      %swap3A_802 = tpu.vector_load %arg15[%swap3A_800, %swap3A_801] {strides = array<i32>} : memref<22x128xi32, #tpu.memory_space<vmem>>, vector<16xi32>,
      tpu.vector_store %arg15[%swap3A_800, %swap3A_801], %add3A_799 {strides = array<i32>} : memref<22x128xi32, #tpu.memory_space<vmem>>, vector<16xi32>,
      %swap3A_803 = arith.index_cast %scan3A_56 : i32 to index
      %swap3A_804 = arith.constant 80 : index
      %swap3A_805 = tpu.vector_load %arg12[%swap3A_803, %swap3A_804] {strides = array<i32>} : memref<22x128xi32, #tpu.memory_space<vmem>>, vector<16xi32>,
      tpu.vector_store %arg12[%swap3A_803, %swap3A_804], %add3A_709 {strides = array<i32>} : memref<22x128xi32, #tpu.memory_space<vmem>>, vector<16xi32>,
      %jit3A_806 = arith.constant 160 : i32
      %eq3A_807 = arith.constant 0 : i32
      %eq3A_808 = arith.cmpi eq, %jit3A_806, %eq3A_807 : i32
      %jit3A_809 = arith.constant 1 : i32
      %select_n3A_810 = arith.select %eq3A_808, %jit3A_809, %jit3A_806 : i32
      %rem3A_811 = vector.broadcast %select_n3A_810 : i32 to vector<16xi32>
      %rem3A_812 = arith.remsi %add3A_709, %rem3A_811 : vector<16xi32>
      %ne3A_813 = arith.constant 0 : i32
      %ne3A_814 = vector.broadcast %ne3A_813 : i32 to vector<16xi32>
      %ne3A_815 = arith.cmpi ne, %rem3A_812, %ne3A_814 : vector<16xi32>
      %lt3A_816 = arith.constant 0 : i32
      %lt3A_817 = vector.broadcast %lt3A_816 : i32 to vector<16xi32>
      %lt3A_818 = arith.cmpi slt, %rem3A_812, %lt3A_817 : vector<16xi32>
      %lt3A_819 = arith.constant 0 : i32
      %lt3A_820 = arith.cmpi slt, %select_n3A_810, %lt3A_819 : i32
      %ne3A_821 = vector.broadcast %lt3A_820 : i1 to vector<16xi1>
      %ne3A_822 = vector.broadcast %ne3A_821 : vector<16xi1> to vector<16xi1>
      %ne3A_823 = arith.xori %lt3A_818, %ne3A_822 : vector<16xi1>
      %and3A_824 = arith.andi %ne3A_823, %ne3A_815 : vector<16xi1>
      %add3A_825 = vector.broadcast %select_n3A_810 : i32 to vector<16xi32>
      %add3A_826 = arith.addi %rem3A_812, %add3A_825 : vector<16xi32>
      %select_n3A_827 = arith.select %and3A_824, %add3A_826, %rem3A_812 : vector<16xi1>, vector<16xi32>
      %add3A_828 = arith.constant 2528 : i32
      %add3A_829 = vector.broadcast %add3A_828 : i32 to vector<16xi32>
      %add3A_830 = arith.addi %add3A_829, %select_n3A_827 : vector<16xi32>
      %swap3A_831 = arith.index_cast %scan3A_56 : i32 to index
      %swap3A_832 = arith.constant 80 : index
      %swap3A_833 = tpu.vector_load %arg16[%swap3A_831, %swap3A_832] {strides = array<i32>} : memref<22x128xi32, #tpu.memory_space<vmem>>, vector<16xi32>,
      tpu.vector_store %arg16[%swap3A_831, %swap3A_832], %add3A_830 {strides = array<i32>} : memref<22x128xi32, #tpu.memory_space<vmem>>, vector<16xi32>,
      %mul3A_834 = arith.constant 128 : i32
      %mul3A_835 = arith.muli %scan3A_56, %mul3A_834 : i32
      %add3A_836 = arith.constant 96 : i32
      %add3A_837 = arith.addi %mul3A_835, %add3A_836 : i32
      %add3A_838 = vector.broadcast %add3A_837 : i32 to vector<16xi32>
      %add3A_839 = arith.addi %add3A_838, %iota3A : vector<16xi32>
      %swap3A_840 = arith.index_cast %scan3A_56 : i32 to index
      %swap3A_841 = arith.constant 96 : index
      %swap3A_842 = tpu.vector_load %arg9[%swap3A_840, %swap3A_841] {strides = array<i32>} : memref<22x128xi32, #tpu.memory_space<vmem>>, vector<16xi32>,
      tpu.vector_store %arg9[%swap3A_840, %swap3A_841], %add3A_839 {strides = array<i32>} : memref<22x128xi32, #tpu.memory_space<vmem>>, vector<16xi32>,
      %jit3A_843 = arith.constant 160 : i32
      %eq3A_844 = arith.constant 0 : i32
      %eq3A_845 = arith.cmpi eq, %jit3A_843, %eq3A_844 : i32
      %jit3A_846 = arith.constant 1 : i32
      %select_n3A_847 = arith.select %eq3A_845, %jit3A_846, %jit3A_843 : i32
      %rem3A_848 = vector.broadcast %select_n3A_847 : i32 to vector<16xi32>
      %rem3A_849 = arith.remsi %add3A_839, %rem3A_848 : vector<16xi32>
      %ne3A_850 = arith.constant 0 : i32
      %ne3A_851 = vector.broadcast %ne3A_850 : i32 to vector<16xi32>
      %ne3A_852 = arith.cmpi ne, %rem3A_849, %ne3A_851 : vector<16xi32>
      %lt3A_853 = arith.constant 0 : i32
      %lt3A_854 = vector.broadcast %lt3A_853 : i32 to vector<16xi32>
      %lt3A_855 = arith.cmpi slt, %rem3A_849, %lt3A_854 : vector<16xi32>
      %lt3A_856 = arith.constant 0 : i32
      %lt3A_857 = arith.cmpi slt, %select_n3A_847, %lt3A_856 : i32
      %ne3A_858 = vector.broadcast %lt3A_857 : i1 to vector<16xi1>
      %ne3A_859 = vector.broadcast %ne3A_858 : vector<16xi1> to vector<16xi1>
      %ne3A_860 = arith.xori %lt3A_855, %ne3A_859 : vector<16xi1>
      %and3A_861 = arith.andi %ne3A_860, %ne3A_852 : vector<16xi1>
      %add3A_862 = vector.broadcast %select_n3A_847 : i32 to vector<16xi32>
      %add3A_863 = arith.addi %rem3A_849, %add3A_862 : vector<16xi32>
      %select_n3A_864 = arith.select %and3A_861, %add3A_863, %rem3A_849 : vector<16xi1>, vector<16xi32>
      %add3A_865 = arith.constant 2528 : i32
      %add3A_866 = vector.broadcast %add3A_865 : i32 to vector<16xi32>
      %add3A_867 = arith.addi %add3A_866, %select_n3A_864 : vector<16xi32>
      %swap3A_868 = arith.index_cast %scan3A_56 : i32 to index
      %swap3A_869 = arith.constant 96 : index
      %swap3A_870 = tpu.vector_load %arg13[%swap3A_868, %swap3A_869] {strides = array<i32>} : memref<22x128xi32, #tpu.memory_space<vmem>>, vector<16xi32>,
      tpu.vector_store %arg13[%swap3A_868, %swap3A_869], %add3A_867 {strides = array<i32>} : memref<22x128xi32, #tpu.memory_space<vmem>>, vector<16xi32>,
      %swap3A_871 = arith.index_cast %scan3A_56 : i32 to index
      %swap3A_872 = arith.constant 96 : index
      %swap3A_873 = tpu.vector_load %arg10[%swap3A_871, %swap3A_872] {strides = array<i32>} : memref<22x128xi32, #tpu.memory_space<vmem>>, vector<16xi32>,
      tpu.vector_store %arg10[%swap3A_871, %swap3A_872], %add3A_839 {strides = array<i32>} : memref<22x128xi32, #tpu.memory_space<vmem>>, vector<16xi32>,
      %jit3A_874 = arith.constant 160 : i32
      %eq3A_875 = arith.constant 0 : i32
      %eq3A_876 = arith.cmpi eq, %jit3A_874, %eq3A_875 : i32
      %jit3A_877 = arith.constant 1 : i32
      %select_n3A_878 = arith.select %eq3A_876, %jit3A_877, %jit3A_874 : i32
      %rem3A_879 = vector.broadcast %select_n3A_878 : i32 to vector<16xi32>
      %rem3A_880 = arith.remsi %add3A_839, %rem3A_879 : vector<16xi32>
      %ne3A_881 = arith.constant 0 : i32
      %ne3A_882 = vector.broadcast %ne3A_881 : i32 to vector<16xi32>
      %ne3A_883 = arith.cmpi ne, %rem3A_880, %ne3A_882 : vector<16xi32>
      %lt3A_884 = arith.constant 0 : i32
      %lt3A_885 = vector.broadcast %lt3A_884 : i32 to vector<16xi32>
      %lt3A_886 = arith.cmpi slt, %rem3A_880, %lt3A_885 : vector<16xi32>
      %lt3A_887 = arith.constant 0 : i32
      %lt3A_888 = arith.cmpi slt, %select_n3A_878, %lt3A_887 : i32
      %ne3A_889 = vector.broadcast %lt3A_888 : i1 to vector<16xi1>
      %ne3A_890 = vector.broadcast %ne3A_889 : vector<16xi1> to vector<16xi1>
      %ne3A_891 = arith.xori %lt3A_886, %ne3A_890 : vector<16xi1>
      %and3A_892 = arith.andi %ne3A_891, %ne3A_883 : vector<16xi1>
      %add3A_893 = vector.broadcast %select_n3A_878 : i32 to vector<16xi32>
      %add3A_894 = arith.addi %rem3A_880, %add3A_893 : vector<16xi32>
      %select_n3A_895 = arith.select %and3A_892, %add3A_894, %rem3A_880 : vector<16xi1>, vector<16xi32>
      %add3A_896 = arith.constant 2528 : i32
      %add3A_897 = vector.broadcast %add3A_896 : i32 to vector<16xi32>
      %add3A_898 = arith.addi %add3A_897, %select_n3A_895 : vector<16xi32>
      %swap3A_899 = arith.index_cast %scan3A_56 : i32 to index
      %swap3A_900 = arith.constant 96 : index
      %swap3A_901 = tpu.vector_load %arg14[%swap3A_899, %swap3A_900] {strides = array<i32>} : memref<22x128xi32, #tpu.memory_space<vmem>>, vector<16xi32>,
      tpu.vector_store %arg14[%swap3A_899, %swap3A_900], %add3A_898 {strides = array<i32>} : memref<22x128xi32, #tpu.memory_space<vmem>>, vector<16xi32>,
      %swap3A_902 = arith.index_cast %scan3A_56 : i32 to index
      %swap3A_903 = arith.constant 96 : index
      %swap3A_904 = tpu.vector_load %arg11[%swap3A_902, %swap3A_903] {strides = array<i32>} : memref<22x128xi32, #tpu.memory_space<vmem>>, vector<16xi32>,
      tpu.vector_store %arg11[%swap3A_902, %swap3A_903], %add3A_839 {strides = array<i32>} : memref<22x128xi32, #tpu.memory_space<vmem>>, vector<16xi32>,
      %jit3A_905 = arith.constant 160 : i32
      %eq3A_906 = arith.constant 0 : i32
      %eq3A_907 = arith.cmpi eq, %jit3A_905, %eq3A_906 : i32
      %jit3A_908 = arith.constant 1 : i32
      %select_n3A_909 = arith.select %eq3A_907, %jit3A_908, %jit3A_905 : i32
      %rem3A_910 = vector.broadcast %select_n3A_909 : i32 to vector<16xi32>
      %rem3A_911 = arith.remsi %add3A_839, %rem3A_910 : vector<16xi32>
      %ne3A_912 = arith.constant 0 : i32
      %ne3A_913 = vector.broadcast %ne3A_912 : i32 to vector<16xi32>
      %ne3A_914 = arith.cmpi ne, %rem3A_911, %ne3A_913 : vector<16xi32>
      %lt3A_915 = arith.constant 0 : i32
      %lt3A_916 = vector.broadcast %lt3A_915 : i32 to vector<16xi32>
      %lt3A_917 = arith.cmpi slt, %rem3A_911, %lt3A_916 : vector<16xi32>
      %lt3A_918 = arith.constant 0 : i32
      %lt3A_919 = arith.cmpi slt, %select_n3A_909, %lt3A_918 : i32
      %ne3A_920 = vector.broadcast %lt3A_919 : i1 to vector<16xi1>
      %ne3A_921 = vector.broadcast %ne3A_920 : vector<16xi1> to vector<16xi1>
      %ne3A_922 = arith.xori %lt3A_917, %ne3A_921 : vector<16xi1>
      %and3A_923 = arith.andi %ne3A_922, %ne3A_914 : vector<16xi1>
      %add3A_924 = vector.broadcast %select_n3A_909 : i32 to vector<16xi32>
      %add3A_925 = arith.addi %rem3A_911, %add3A_924 : vector<16xi32>
      %select_n3A_926 = arith.select %and3A_923, %add3A_925, %rem3A_911 : vector<16xi1>, vector<16xi32>
      %add3A_927 = arith.constant 2528 : i32
      %add3A_928 = vector.broadcast %add3A_927 : i32 to vector<16xi32>
      %add3A_929 = arith.addi %add3A_928, %select_n3A_926 : vector<16xi32>
      %swap3A_930 = arith.index_cast %scan3A_56 : i32 to index
      %swap3A_931 = arith.constant 96 : index
      %swap3A_932 = tpu.vector_load %arg15[%swap3A_930, %swap3A_931] {strides = array<i32>} : memref<22x128xi32, #tpu.memory_space<vmem>>, vector<16xi32>,
      tpu.vector_store %arg15[%swap3A_930, %swap3A_931], %add3A_929 {strides = array<i32>} : memref<22x128xi32, #tpu.memory_space<vmem>>, vector<16xi32>,
      %swap3A_933 = arith.index_cast %scan3A_56 : i32 to index
      %swap3A_934 = arith.constant 96 : index
      %swap3A_935 = tpu.vector_load %arg12[%swap3A_933, %swap3A_934] {strides = array<i32>} : memref<22x128xi32, #tpu.memory_space<vmem>>, vector<16xi32>,
      tpu.vector_store %arg12[%swap3A_933, %swap3A_934], %add3A_839 {strides = array<i32>} : memref<22x128xi32, #tpu.memory_space<vmem>>, vector<16xi32>,
      %jit3A_936 = arith.constant 160 : i32
      %eq3A_937 = arith.constant 0 : i32
      %eq3A_938 = arith.cmpi eq, %jit3A_936, %eq3A_937 : i32
      %jit3A_939 = arith.constant 1 : i32
      %select_n3A_940 = arith.select %eq3A_938, %jit3A_939, %jit3A_936 : i32
      %rem3A_941 = vector.broadcast %select_n3A_940 : i32 to vector<16xi32>
      %rem3A_942 = arith.remsi %add3A_839, %rem3A_941 : vector<16xi32>
      %ne3A_943 = arith.constant 0 : i32
      %ne3A_944 = vector.broadcast %ne3A_943 : i32 to vector<16xi32>
      %ne3A_945 = arith.cmpi ne, %rem3A_942, %ne3A_944 : vector<16xi32>
      %lt3A_946 = arith.constant 0 : i32
      %lt3A_947 = vector.broadcast %lt3A_946 : i32 to vector<16xi32>
      %lt3A_948 = arith.cmpi slt, %rem3A_942, %lt3A_947 : vector<16xi32>
      %lt3A_949 = arith.constant 0 : i32
      %lt3A_950 = arith.cmpi slt, %select_n3A_940, %lt3A_949 : i32
      %ne3A_951 = vector.broadcast %lt3A_950 : i1 to vector<16xi1>
      %ne3A_952 = vector.broadcast %ne3A_951 : vector<16xi1> to vector<16xi1>
      %ne3A_953 = arith.xori %lt3A_948, %ne3A_952 : vector<16xi1>
      %and3A_954 = arith.andi %ne3A_953, %ne3A_945 : vector<16xi1>
      %add3A_955 = vector.broadcast %select_n3A_940 : i32 to vector<16xi32>
      %add3A_956 = arith.addi %rem3A_942, %add3A_955 : vector<16xi32>
      %select_n3A_957 = arith.select %and3A_954, %add3A_956, %rem3A_942 : vector<16xi1>, vector<16xi32>
      %add3A_958 = arith.constant 2528 : i32
      %add3A_959 = vector.broadcast %add3A_958 : i32 to vector<16xi32>
      %add3A_960 = arith.addi %add3A_959, %select_n3A_957 : vector<16xi32>
      %swap3A_961 = arith.index_cast %scan3A_56 : i32 to index
      %swap3A_962 = arith.constant 96 : index
      %swap3A_963 = tpu.vector_load %arg16[%swap3A_961, %swap3A_962] {strides = array<i32>} : memref<22x128xi32, #tpu.memory_space<vmem>>, vector<16xi32>,
      tpu.vector_store %arg16[%swap3A_961, %swap3A_962], %add3A_960 {strides = array<i32>} : memref<22x128xi32, #tpu.memory_space<vmem>>, vector<16xi32>,
      %mul3A_964 = arith.constant 128 : i32
      %mul3A_965 = arith.muli %scan3A_56, %mul3A_964 : i32
      %add3A_966 = arith.constant 112 : i32
      %add3A_967 = arith.addi %mul3A_965, %add3A_966 : i32
      %add3A_968 = vector.broadcast %add3A_967 : i32 to vector<16xi32>
      %add3A_969 = arith.addi %add3A_968, %iota3A : vector<16xi32>
      %swap3A_970 = arith.index_cast %scan3A_56 : i32 to index
      %swap3A_971 = arith.constant 112 : index
      %swap3A_972 = tpu.vector_load %arg9[%swap3A_970, %swap3A_971] {strides = array<i32>} : memref<22x128xi32, #tpu.memory_space<vmem>>, vector<16xi32>,
      tpu.vector_store %arg9[%swap3A_970, %swap3A_971], %add3A_969 {strides = array<i32>} : memref<22x128xi32, #tpu.memory_space<vmem>>, vector<16xi32>,
      %jit3A_973 = arith.constant 160 : i32
      %eq3A_974 = arith.constant 0 : i32
      %eq3A_975 = arith.cmpi eq, %jit3A_973, %eq3A_974 : i32
      %jit3A_976 = arith.constant 1 : i32
      %select_n3A_977 = arith.select %eq3A_975, %jit3A_976, %jit3A_973 : i32
      %rem3A_978 = vector.broadcast %select_n3A_977 : i32 to vector<16xi32>
      %rem3A_979 = arith.remsi %add3A_969, %rem3A_978 : vector<16xi32>
      %ne3A_980 = arith.constant 0 : i32
      %ne3A_981 = vector.broadcast %ne3A_980 : i32 to vector<16xi32>
      %ne3A_982 = arith.cmpi ne, %rem3A_979, %ne3A_981 : vector<16xi32>
      %lt3A_983 = arith.constant 0 : i32
      %lt3A_984 = vector.broadcast %lt3A_983 : i32 to vector<16xi32>
      %lt3A_985 = arith.cmpi slt, %rem3A_979, %lt3A_984 : vector<16xi32>
      %lt3A_986 = arith.constant 0 : i32
      %lt3A_987 = arith.cmpi slt, %select_n3A_977, %lt3A_986 : i32
      %ne3A_988 = vector.broadcast %lt3A_987 : i1 to vector<16xi1>
      %ne3A_989 = vector.broadcast %ne3A_988 : vector<16xi1> to vector<16xi1>
      %ne3A_990 = arith.xori %lt3A_985, %ne3A_989 : vector<16xi1>
      %and3A_991 = arith.andi %ne3A_990, %ne3A_982 : vector<16xi1>
      %add3A_992 = vector.broadcast %select_n3A_977 : i32 to vector<16xi32>
      %add3A_993 = arith.addi %rem3A_979, %add3A_992 : vector<16xi32>
      %select_n3A_994 = arith.select %and3A_991, %add3A_993, %rem3A_979 : vector<16xi1>, vector<16xi32>
      %add3A_995 = arith.constant 2528 : i32
      %add3A_996 = vector.broadcast %add3A_995 : i32 to vector<16xi32>
      %add3A_997 = arith.addi %add3A_996, %select_n3A_994 : vector<16xi32>
      %swap3A_998 = arith.index_cast %scan3A_56 : i32 to index
      %swap3A_999 = arith.constant 112 : index
      %swap3A_1000 = tpu.vector_load %arg13[%swap3A_998, %swap3A_999] {strides = array<i32>} : memref<22x128xi32, #tpu.memory_space<vmem>>, vector<16xi32>,
      tpu.vector_store %arg13[%swap3A_998, %swap3A_999], %add3A_997 {strides = array<i32>} : memref<22x128xi32, #tpu.memory_space<vmem>>, vector<16xi32>,
      %swap3A_1001 = arith.index_cast %scan3A_56 : i32 to index
      %swap3A_1002 = arith.constant 112 : index
      %swap3A_1003 = tpu.vector_load %arg10[%swap3A_1001, %swap3A_1002] {strides = array<i32>} : memref<22x128xi32, #tpu.memory_space<vmem>>, vector<16xi32>,
      tpu.vector_store %arg10[%swap3A_1001, %swap3A_1002], %add3A_969 {strides = array<i32>} : memref<22x128xi32, #tpu.memory_space<vmem>>, vector<16xi32>,
      %jit3A_1004 = arith.constant 160 : i32
      %eq3A_1005 = arith.constant 0 : i32
      %eq3A_1006 = arith.cmpi eq, %jit3A_1004, %eq3A_1005 : i32
      %jit3A_1007 = arith.constant 1 : i32
      %select_n3A_1008 = arith.select %eq3A_1006, %jit3A_1007, %jit3A_1004 : i32
      %rem3A_1009 = vector.broadcast %select_n3A_1008 : i32 to vector<16xi32>
      %rem3A_1010 = arith.remsi %add3A_969, %rem3A_1009 : vector<16xi32>
      %ne3A_1011 = arith.constant 0 : i32
      %ne3A_1012 = vector.broadcast %ne3A_1011 : i32 to vector<16xi32>
      %ne3A_1013 = arith.cmpi ne, %rem3A_1010, %ne3A_1012 : vector<16xi32>
      %lt3A_1014 = arith.constant 0 : i32
      %lt3A_1015 = vector.broadcast %lt3A_1014 : i32 to vector<16xi32>
      %lt3A_1016 = arith.cmpi slt, %rem3A_1010, %lt3A_1015 : vector<16xi32>
      %lt3A_1017 = arith.constant 0 : i32
      %lt3A_1018 = arith.cmpi slt, %select_n3A_1008, %lt3A_1017 : i32
      %ne3A_1019 = vector.broadcast %lt3A_1018 : i1 to vector<16xi1>
      %ne3A_1020 = vector.broadcast %ne3A_1019 : vector<16xi1> to vector<16xi1>
      %ne3A_1021 = arith.xori %lt3A_1016, %ne3A_1020 : vector<16xi1>
      %and3A_1022 = arith.andi %ne3A_1021, %ne3A_1013 : vector<16xi1>
      %add3A_1023 = vector.broadcast %select_n3A_1008 : i32 to vector<16xi32>
      %add3A_1024 = arith.addi %rem3A_1010, %add3A_1023 : vector<16xi32>
      %select_n3A_1025 = arith.select %and3A_1022, %add3A_1024, %rem3A_1010 : vector<16xi1>, vector<16xi32>
      %add3A_1026 = arith.constant 2528 : i32
      %add3A_1027 = vector.broadcast %add3A_1026 : i32 to vector<16xi32>
      %add3A_1028 = arith.addi %add3A_1027, %select_n3A_1025 : vector<16xi32>
      %swap3A_1029 = arith.index_cast %scan3A_56 : i32 to index
      %swap3A_1030 = arith.constant 112 : index
      %swap3A_1031 = tpu.vector_load %arg14[%swap3A_1029, %swap3A_1030] {strides = array<i32>} : memref<22x128xi32, #tpu.memory_space<vmem>>, vector<16xi32>,
      tpu.vector_store %arg14[%swap3A_1029, %swap3A_1030], %add3A_1028 {strides = array<i32>} : memref<22x128xi32, #tpu.memory_space<vmem>>, vector<16xi32>,
      %swap3A_1032 = arith.index_cast %scan3A_56 : i32 to index
      %swap3A_1033 = arith.constant 112 : index
      %swap3A_1034 = tpu.vector_load %arg11[%swap3A_1032, %swap3A_1033] {strides = array<i32>} : memref<22x128xi32, #tpu.memory_space<vmem>>, vector<16xi32>,
      tpu.vector_store %arg11[%swap3A_1032, %swap3A_1033], %add3A_969 {strides = array<i32>} : memref<22x128xi32, #tpu.memory_space<vmem>>, vector<16xi32>,
      %jit3A_1035 = arith.constant 160 : i32
      %eq3A_1036 = arith.constant 0 : i32
      %eq3A_1037 = arith.cmpi eq, %jit3A_1035, %eq3A_1036 : i32
      %jit3A_1038 = arith.constant 1 : i32
      %select_n3A_1039 = arith.select %eq3A_1037, %jit3A_1038, %jit3A_1035 : i32
      %rem3A_1040 = vector.broadcast %select_n3A_1039 : i32 to vector<16xi32>
      %rem3A_1041 = arith.remsi %add3A_969, %rem3A_1040 : vector<16xi32>
      %ne3A_1042 = arith.constant 0 : i32
      %ne3A_1043 = vector.broadcast %ne3A_1042 : i32 to vector<16xi32>
      %ne3A_1044 = arith.cmpi ne, %rem3A_1041, %ne3A_1043 : vector<16xi32>
      %lt3A_1045 = arith.constant 0 : i32
      %lt3A_1046 = vector.broadcast %lt3A_1045 : i32 to vector<16xi32>
      %lt3A_1047 = arith.cmpi slt, %rem3A_1041, %lt3A_1046 : vector<16xi32>
      %lt3A_1048 = arith.constant 0 : i32
      %lt3A_1049 = arith.cmpi slt, %select_n3A_1039, %lt3A_1048 : i32
      %ne3A_1050 = vector.broadcast %lt3A_1049 : i1 to vector<16xi1>
      %ne3A_1051 = vector.broadcast %ne3A_1050 : vector<16xi1> to vector<16xi1>
      %ne3A_1052 = arith.xori %lt3A_1047, %ne3A_1051 : vector<16xi1>
      %and3A_1053 = arith.andi %ne3A_1052, %ne3A_1044 : vector<16xi1>
      %add3A_1054 = vector.broadcast %select_n3A_1039 : i32 to vector<16xi32>
      %add3A_1055 = arith.addi %rem3A_1041, %add3A_1054 : vector<16xi32>
      %select_n3A_1056 = arith.select %and3A_1053, %add3A_1055, %rem3A_1041 : vector<16xi1>, vector<16xi32>
      %add3A_1057 = arith.constant 2528 : i32
      %add3A_1058 = vector.broadcast %add3A_1057 : i32 to vector<16xi32>
      %add3A_1059 = arith.addi %add3A_1058, %select_n3A_1056 : vector<16xi32>
      %swap3A_1060 = arith.index_cast %scan3A_56 : i32 to index
      %swap3A_1061 = arith.constant 112 : index
      %swap3A_1062 = tpu.vector_load %arg15[%swap3A_1060, %swap3A_1061] {strides = array<i32>} : memref<22x128xi32, #tpu.memory_space<vmem>>, vector<16xi32>,
      tpu.vector_store %arg15[%swap3A_1060, %swap3A_1061], %add3A_1059 {strides = array<i32>} : memref<22x128xi32, #tpu.memory_space<vmem>>, vector<16xi32>,
      %swap3A_1063 = arith.index_cast %scan3A_56 : i32 to index
      %swap3A_1064 = arith.constant 112 : index
      %swap3A_1065 = tpu.vector_load %arg12[%swap3A_1063, %swap3A_1064] {strides = array<i32>} : memref<22x128xi32, #tpu.memory_space<vmem>>, vector<16xi32>,
      tpu.vector_store %arg12[%swap3A_1063, %swap3A_1064], %add3A_969 {strides = array<i32>} : memref<22x128xi32, #tpu.memory_space<vmem>>, vector<16xi32>,
      %jit3A_1066 = arith.constant 160 : i32
      %eq3A_1067 = arith.constant 0 : i32
      %eq3A_1068 = arith.cmpi eq, %jit3A_1066, %eq3A_1067 : i32
      %jit3A_1069 = arith.constant 1 : i32
      %select_n3A_1070 = arith.select %eq3A_1068, %jit3A_1069, %jit3A_1066 : i32
      %rem3A_1071 = vector.broadcast %select_n3A_1070 : i32 to vector<16xi32>
      %rem3A_1072 = arith.remsi %add3A_969, %rem3A_1071 : vector<16xi32>
      %ne3A_1073 = arith.constant 0 : i32
      %ne3A_1074 = vector.broadcast %ne3A_1073 : i32 to vector<16xi32>
      %ne3A_1075 = arith.cmpi ne, %rem3A_1072, %ne3A_1074 : vector<16xi32>
      %lt3A_1076 = arith.constant 0 : i32
      %lt3A_1077 = vector.broadcast %lt3A_1076 : i32 to vector<16xi32>
      %lt3A_1078 = arith.cmpi slt, %rem3A_1072, %lt3A_1077 : vector<16xi32>
      %lt3A_1079 = arith.constant 0 : i32
      %lt3A_1080 = arith.cmpi slt, %select_n3A_1070, %lt3A_1079 : i32
      %ne3A_1081 = vector.broadcast %lt3A_1080 : i1 to vector<16xi1>
      %ne3A_1082 = vector.broadcast %ne3A_1081 : vector<16xi1> to vector<16xi1>
      %ne3A_1083 = arith.xori %lt3A_1078, %ne3A_1082 : vector<16xi1>
      %and3A_1084 = arith.andi %ne3A_1083, %ne3A_1075 : vector<16xi1>
      %add3A_1085 = vector.broadcast %select_n3A_1070 : i32 to vector<16xi32>
      %add3A_1086 = arith.addi %rem3A_1072, %add3A_1085 : vector<16xi32>
      %select_n3A_1087 = arith.select %and3A_1084, %add3A_1086, %rem3A_1072 : vector<16xi1>, vector<16xi32>
      %add3A_1088 = arith.constant 2528 : i32
      %add3A_1089 = vector.broadcast %add3A_1088 : i32 to vector<16xi32>
      %add3A_1090 = arith.addi %add3A_1089, %select_n3A_1087 : vector<16xi32>
      %swap3A_1091 = arith.index_cast %scan3A_56 : i32 to index
      %swap3A_1092 = arith.constant 112 : index
      %swap3A_1093 = tpu.vector_load %arg16[%swap3A_1091, %swap3A_1092] {strides = array<i32>} : memref<22x128xi32, #tpu.memory_space<vmem>>, vector<16xi32>,
      tpu.vector_store %arg16[%swap3A_1091, %swap3A_1092], %add3A_1090 {strides = array<i32>} : memref<22x128xi32, #tpu.memory_space<vmem>>, vector<16xi32>,
      %scan3A_1094 = arith.constant 0 : i32
      scf.yield %scan3A_1094 : i32
    }
    %scan3A_6 = arith.constant 22 : i32
    %scan3A_7 = arith.constant 0 : i32
    %scan3A_8 = arith.constant 0 : i32
    %scan3A_9 = arith.constant 632 : i32
    %scan3A_10 = arith.addi %scan3A_8, %scan3A_9 : i32
    %scan3A_11 = arith.constant 1 : i32
    %scan3A_12 = scf.for %scan3A_56 = %scan3A_8 to %scan3A_10 step %scan3A_11 iter_args(%scan3A_57 = %scan3A_7) -> (i32)  : i32 {
      %broadcast_in_dim3A_58 = arith.constant 0.000000e+00 : f32
      %broadcast_in_dim3A_59 = vector.broadcast %broadcast_in_dim3A_58 : f32 to vector<16xf32>
      %mul3A_60 = arith.constant 16 : i32
      %mul3A_61 = arith.muli %scan3A_56, %mul3A_60 : i32
      %swap3A_62 = arith.index_cast %mul3A_61 : i32 to index
      %swap3A_63 = tpu.vector_load %arg18[%swap3A_62] {strides = array<i32>} : memref<10112xf32, #tpu.memory_space<vmem>>, vector<16xf32>,
      tpu.vector_store %arg18[%swap3A_62], %broadcast_in_dim3A_59 {strides = array<i32>} : memref<10112xf32, #tpu.memory_space<vmem>>, vector<16xf32>,
      %scan3A_64 = arith.constant 0 : i32
      scf.yield %scan3A_64 : i32
    }
    %scan3A_13 = arith.constant 632 : i32
    %mul3A_14 = arith.constant 9984 : i32
    %mul3A_15 = arith.muli %add3A, %mul3A_14 : i32
    %run_scoped3A = arith.constant 0 : i32
    "tpu.region"() ({
      %run_scoped3A_56 = tpu.sem_alloc : memref<!tpu.dma_semaphore, #tpu.memory_space<semaphore_mem>>
      %dma_start3A = arith.constant 0 : i32
      %dma_start3A_57 = tpu.memref_slice %arg7[%dma_start3A] : memref<10112xi32, #tpu.memory_space<vmem>> -> memref<9984xi32, #tpu.memory_space<vmem>>
      %dma_start3A_58 = arith.constant 0 : i32
      %dma_start3A_59 = tpu.memref_slice %arg2[%run_scoped3A, %dma_start3A_58] : memref<2x320000xi32, #tpu.memory_space<hbm>> -> memref<1x320000xi32, #tpu.memory_space<hbm>>
      %dma_start3A_60 = tpu.memref_squeeze %dma_start3A_59 : memref<1x320000xi32, #tpu.memory_space<hbm>> -> memref<320000xi32, #tpu.memory_space<hbm>>
      %dma_start3A_61 = tpu.memref_slice %dma_start3A_60[%mul3A_15] : memref<320000xi32, #tpu.memory_space<hbm>> -> memref<9984xi32, #tpu.memory_space<hbm>>
      %dma_start3A_62 = arith.constant 0 : i32
      %dma_start3A_63 = tpu.memref_slice %arg7[%dma_start3A_62] : memref<10112xi32, #tpu.memory_space<vmem>> -> memref<9984xi32, #tpu.memory_space<vmem>>
      %dma_start3A_64 = arith.constant 0 : i32
      %dma_start3A_65 = tpu.memref_slice %arg2[%run_scoped3A, %dma_start3A_64] : memref<2x320000xi32, #tpu.memory_space<hbm>> -> memref<1x320000xi32, #tpu.memory_space<hbm>>
      %dma_start3A_66 = tpu.memref_squeeze %dma_start3A_65 : memref<1x320000xi32, #tpu.memory_space<hbm>> -> memref<320000xi32, #tpu.memory_space<hbm>>
      %dma_start3A_67 = tpu.memref_slice %dma_start3A_66[%mul3A_15] : memref<320000xi32, #tpu.memory_space<hbm>> -> memref<9984xi32, #tpu.memory_space<hbm>>
      tpu.enqueue_dma source(%dma_start3A_67 : memref<9984xi32, #tpu.memory_space<hbm>>) target(%dma_start3A_63 : memref<9984xi32, #tpu.memory_space<vmem>>) target_semaphore(%run_scoped3A_56 : memref<!tpu.dma_semaphore, #tpu.memory_space<semaphore_mem>>)
      %dma_wait3A = arith.constant 0 : i32
      %dma_wait3A_68 = tpu.memref_slice %arg7[%dma_wait3A] : memref<10112xi32, #tpu.memory_space<vmem>> -> memref<9984xi32, #tpu.memory_space<vmem>>
      %dma_wait3A_69 = arith.constant 0 : i32
      %dma_wait3A_70 = tpu.memref_slice %arg2[%run_scoped3A, %dma_wait3A_69] : memref<2x320000xi32, #tpu.memory_space<hbm>> -> memref<1x320000xi32, #tpu.memory_space<hbm>>
      %dma_wait3A_71 = tpu.memref_squeeze %dma_wait3A_70 : memref<1x320000xi32, #tpu.memory_space<hbm>> -> memref<320000xi32, #tpu.memory_space<hbm>>
      %dma_wait3A_72 = tpu.memref_slice %dma_wait3A_71[%mul3A_15] : memref<320000xi32, #tpu.memory_space<hbm>> -> memref<9984xi32, #tpu.memory_space<hbm>>
      %dma_wait3A_73 = arith.constant 0 : i32
      %dma_wait3A_74 = tpu.memref_slice %arg7[%dma_wait3A_73] : memref<10112xi32, #tpu.memory_space<vmem>> -> memref<9984xi32, #tpu.memory_space<vmem>>
      %dma_wait3A_75 = arith.constant 0 : i32
      %dma_wait3A_76 = tpu.memref_slice %arg2[%run_scoped3A, %dma_wait3A_75] : memref<2x320000xi32, #tpu.memory_space<hbm>> -> memref<1x320000xi32, #tpu.memory_space<hbm>>
      %dma_wait3A_77 = tpu.memref_squeeze %dma_wait3A_76 : memref<1x320000xi32, #tpu.memory_space<hbm>> -> memref<320000xi32, #tpu.memory_space<hbm>>
      %dma_wait3A_78 = tpu.memref_slice %dma_wait3A_77[%mul3A_15] : memref<320000xi32, #tpu.memory_space<hbm>> -> memref<9984xi32, #tpu.memory_space<hbm>>
      tpu.wait_dma2 semaphore(%run_scoped3A_56 : memref<!tpu.dma_semaphore, #tpu.memory_space<semaphore_mem>>) src(%dma_wait3A_78 : memref<9984xi32, #tpu.memory_space<hbm>>) dst(%dma_wait3A_74 : memref<9984xi32, #tpu.memory_space<vmem>>)
      tpu.yield
    }) : () -> ()
    %run_scoped3A_16 = arith.constant 1 : i32
    "tpu.region"() ({
      %run_scoped3A_56 = tpu.sem_alloc : memref<!tpu.dma_semaphore, #tpu.memory_space<semaphore_mem>>
      %dma_start3A = arith.constant 0 : i32
      %dma_start3A_57 = tpu.memref_slice %arg8[%dma_start3A] : memref<10112xi32, #tpu.memory_space<vmem>> -> memref<9984xi32, #tpu.memory_space<vmem>>
      %dma_start3A_58 = arith.constant 0 : i32
      %dma_start3A_59 = tpu.memref_slice %arg2[%run_scoped3A_16, %dma_start3A_58] : memref<2x320000xi32, #tpu.memory_space<hbm>> -> memref<1x320000xi32, #tpu.memory_space<hbm>>
      %dma_start3A_60 = tpu.memref_squeeze %dma_start3A_59 : memref<1x320000xi32, #tpu.memory_space<hbm>> -> memref<320000xi32, #tpu.memory_space<hbm>>
      %dma_start3A_61 = tpu.memref_slice %dma_start3A_60[%mul3A_15] : memref<320000xi32, #tpu.memory_space<hbm>> -> memref<9984xi32, #tpu.memory_space<hbm>>
      %dma_start3A_62 = arith.constant 0 : i32
      %dma_start3A_63 = tpu.memref_slice %arg8[%dma_start3A_62] : memref<10112xi32, #tpu.memory_space<vmem>> -> memref<9984xi32, #tpu.memory_space<vmem>>
      %dma_start3A_64 = arith.constant 0 : i32
      %dma_start3A_65 = tpu.memref_slice %arg2[%run_scoped3A_16, %dma_start3A_64] : memref<2x320000xi32, #tpu.memory_space<hbm>> -> memref<1x320000xi32, #tpu.memory_space<hbm>>
      %dma_start3A_66 = tpu.memref_squeeze %dma_start3A_65 : memref<1x320000xi32, #tpu.memory_space<hbm>> -> memref<320000xi32, #tpu.memory_space<hbm>>
      %dma_start3A_67 = tpu.memref_slice %dma_start3A_66[%mul3A_15] : memref<320000xi32, #tpu.memory_space<hbm>> -> memref<9984xi32, #tpu.memory_space<hbm>>
      tpu.enqueue_dma source(%dma_start3A_67 : memref<9984xi32, #tpu.memory_space<hbm>>) target(%dma_start3A_63 : memref<9984xi32, #tpu.memory_space<vmem>>) target_semaphore(%run_scoped3A_56 : memref<!tpu.dma_semaphore, #tpu.memory_space<semaphore_mem>>)
      %dma_wait3A = arith.constant 0 : i32
      %dma_wait3A_68 = tpu.memref_slice %arg8[%dma_wait3A] : memref<10112xi32, #tpu.memory_space<vmem>> -> memref<9984xi32, #tpu.memory_space<vmem>>
      %dma_wait3A_69 = arith.constant 0 : i32
      %dma_wait3A_70 = tpu.memref_slice %arg2[%run_scoped3A_16, %dma_wait3A_69] : memref<2x320000xi32, #tpu.memory_space<hbm>> -> memref<1x320000xi32, #tpu.memory_space<hbm>>
      %dma_wait3A_71 = tpu.memref_squeeze %dma_wait3A_70 : memref<1x320000xi32, #tpu.memory_space<hbm>> -> memref<320000xi32, #tpu.memory_space<hbm>>
      %dma_wait3A_72 = tpu.memref_slice %dma_wait3A_71[%mul3A_15] : memref<320000xi32, #tpu.memory_space<hbm>> -> memref<9984xi32, #tpu.memory_space<hbm>>
      %dma_wait3A_73 = arith.constant 0 : i32
      %dma_wait3A_74 = tpu.memref_slice %arg8[%dma_wait3A_73] : memref<10112xi32, #tpu.memory_space<vmem>> -> memref<9984xi32, #tpu.memory_space<vmem>>
      %dma_wait3A_75 = arith.constant 0 : i32
      %dma_wait3A_76 = tpu.memref_slice %arg2[%run_scoped3A_16, %dma_wait3A_75] : memref<2x320000xi32, #tpu.memory_space<hbm>> -> memref<1x320000xi32, #tpu.memory_space<hbm>>
      %dma_wait3A_77 = tpu.memref_squeeze %dma_wait3A_76 : memref<1x320000xi32, #tpu.memory_space<hbm>> -> memref<320000xi32, #tpu.memory_space<hbm>>
      %dma_wait3A_78 = tpu.memref_slice %dma_wait3A_77[%mul3A_15] : memref<320000xi32, #tpu.memory_space<hbm>> -> memref<9984xi32, #tpu.memory_space<hbm>>
      tpu.wait_dma2 semaphore(%run_scoped3A_56 : memref<!tpu.dma_semaphore, #tpu.memory_space<semaphore_mem>>) src(%dma_wait3A_78 : memref<9984xi32, #tpu.memory_space<hbm>>) dst(%dma_wait3A_74 : memref<9984xi32, #tpu.memory_space<vmem>>)
      tpu.yield
    }) : () -> ()
    %lt3A = arith.constant 4 : i32
    %lt3A_17 = arith.cmpi slt, %add3A, %lt3A : i32
    %convert_element_type3A = arith.extui %lt3A_17 : i1 to i32
    %cond3A = arith.constant 0 : i32
    %cond3A_18 = arith.cmpi ne, %convert_element_type3A, %cond3A : i32
    scf.if %cond3A_18 {
      %mul3A_56 = arith.constant 128 : i32
      %mul3A_57 = arith.muli %add3A, %mul3A_56 : i32
      %add3A_58 = arith.constant 319488 : i32
      %add3A_59 = arith.addi %add3A_58, %mul3A_57 : i32
      %run_scoped3A_60 = arith.constant 0 : i32
      "tpu.region"() ({
        %run_scoped3A_62 = tpu.sem_alloc : memref<!tpu.dma_semaphore, #tpu.memory_space<semaphore_mem>>
        %dma_start3A = arith.constant 9984 : i32
        %dma_start3A_63 = tpu.memref_slice %arg7[%dma_start3A] : memref<10112xi32, #tpu.memory_space<vmem>> -> memref<128xi32, #tpu.memory_space<vmem>>
        %dma_start3A_64 = arith.constant 0 : i32
        %dma_start3A_65 = tpu.memref_slice %arg2[%run_scoped3A_60, %dma_start3A_64] : memref<2x320000xi32, #tpu.memory_space<hbm>> -> memref<1x320000xi32, #tpu.memory_space<hbm>>
        %dma_start3A_66 = tpu.memref_squeeze %dma_start3A_65 : memref<1x320000xi32, #tpu.memory_space<hbm>> -> memref<320000xi32, #tpu.memory_space<hbm>>
        %dma_start3A_67 = tpu.memref_slice %dma_start3A_66[%add3A_59] : memref<320000xi32, #tpu.memory_space<hbm>> -> memref<128xi32, #tpu.memory_space<hbm>>
        %dma_start3A_68 = arith.constant 9984 : i32
        %dma_start3A_69 = tpu.memref_slice %arg7[%dma_start3A_68] : memref<10112xi32, #tpu.memory_space<vmem>> -> memref<128xi32, #tpu.memory_space<vmem>>
        %dma_start3A_70 = arith.constant 0 : i32
        %dma_start3A_71 = tpu.memref_slice %arg2[%run_scoped3A_60, %dma_start3A_70] : memref<2x320000xi32, #tpu.memory_space<hbm>> -> memref<1x320000xi32, #tpu.memory_space<hbm>>
        %dma_start3A_72 = tpu.memref_squeeze %dma_start3A_71 : memref<1x320000xi32, #tpu.memory_space<hbm>> -> memref<320000xi32, #tpu.memory_space<hbm>>
        %dma_start3A_73 = tpu.memref_slice %dma_start3A_72[%add3A_59] : memref<320000xi32, #tpu.memory_space<hbm>> -> memref<128xi32, #tpu.memory_space<hbm>>
        tpu.enqueue_dma source(%dma_start3A_73 : memref<128xi32, #tpu.memory_space<hbm>>) target(%dma_start3A_69 : memref<128xi32, #tpu.memory_space<vmem>>) target_semaphore(%run_scoped3A_62 : memref<!tpu.dma_semaphore, #tpu.memory_space<semaphore_mem>>)
        %dma_wait3A = arith.constant 9984 : i32
        %dma_wait3A_74 = tpu.memref_slice %arg7[%dma_wait3A] : memref<10112xi32, #tpu.memory_space<vmem>> -> memref<128xi32, #tpu.memory_space<vmem>>
        %dma_wait3A_75 = arith.constant 0 : i32
        %dma_wait3A_76 = tpu.memref_slice %arg2[%run_scoped3A_60, %dma_wait3A_75] : memref<2x320000xi32, #tpu.memory_space<hbm>> -> memref<1x320000xi32, #tpu.memory_space<hbm>>
        %dma_wait3A_77 = tpu.memref_squeeze %dma_wait3A_76 : memref<1x320000xi32, #tpu.memory_space<hbm>> -> memref<320000xi32, #tpu.memory_space<hbm>>
        %dma_wait3A_78 = tpu.memref_slice %dma_wait3A_77[%add3A_59] : memref<320000xi32, #tpu.memory_space<hbm>> -> memref<128xi32, #tpu.memory_space<hbm>>
        %dma_wait3A_79 = arith.constant 9984 : i32
        %dma_wait3A_80 = tpu.memref_slice %arg7[%dma_wait3A_79] : memref<10112xi32, #tpu.memory_space<vmem>> -> memref<128xi32, #tpu.memory_space<vmem>>
        %dma_wait3A_81 = arith.constant 0 : i32
        %dma_wait3A_82 = tpu.memref_slice %arg2[%run_scoped3A_60, %dma_wait3A_81] : memref<2x320000xi32, #tpu.memory_space<hbm>> -> memref<1x320000xi32, #tpu.memory_space<hbm>>
        %dma_wait3A_83 = tpu.memref_squeeze %dma_wait3A_82 : memref<1x320000xi32, #tpu.memory_space<hbm>> -> memref<320000xi32, #tpu.memory_space<hbm>>
        %dma_wait3A_84 = tpu.memref_slice %dma_wait3A_83[%add3A_59] : memref<320000xi32, #tpu.memory_space<hbm>> -> memref<128xi32, #tpu.memory_space<hbm>>
        tpu.wait_dma2 semaphore(%run_scoped3A_62 : memref<!tpu.dma_semaphore, #tpu.memory_space<semaphore_mem>>) src(%dma_wait3A_84 : memref<128xi32, #tpu.memory_space<hbm>>) dst(%dma_wait3A_80 : memref<128xi32, #tpu.memory_space<vmem>>)
        tpu.yield
      }) : () -> ()
      %run_scoped3A_61 = arith.constant 1 : i32
      "tpu.region"() ({
        %run_scoped3A_62 = tpu.sem_alloc : memref<!tpu.dma_semaphore, #tpu.memory_space<semaphore_mem>>
        %dma_start3A = arith.constant 9984 : i32
        %dma_start3A_63 = tpu.memref_slice %arg8[%dma_start3A] : memref<10112xi32, #tpu.memory_space<vmem>> -> memref<128xi32, #tpu.memory_space<vmem>>
        %dma_start3A_64 = arith.constant 0 : i32
        %dma_start3A_65 = tpu.memref_slice %arg2[%run_scoped3A_61, %dma_start3A_64] : memref<2x320000xi32, #tpu.memory_space<hbm>> -> memref<1x320000xi32, #tpu.memory_space<hbm>>
        %dma_start3A_66 = tpu.memref_squeeze %dma_start3A_65 : memref<1x320000xi32, #tpu.memory_space<hbm>> -> memref<320000xi32, #tpu.memory_space<hbm>>
        %dma_start3A_67 = tpu.memref_slice %dma_start3A_66[%add3A_59] : memref<320000xi32, #tpu.memory_space<hbm>> -> memref<128xi32, #tpu.memory_space<hbm>>
        %dma_start3A_68 = arith.constant 9984 : i32
        %dma_start3A_69 = tpu.memref_slice %arg8[%dma_start3A_68] : memref<10112xi32, #tpu.memory_space<vmem>> -> memref<128xi32, #tpu.memory_space<vmem>>
        %dma_start3A_70 = arith.constant 0 : i32
        %dma_start3A_71 = tpu.memref_slice %arg2[%run_scoped3A_61, %dma_start3A_70] : memref<2x320000xi32, #tpu.memory_space<hbm>> -> memref<1x320000xi32, #tpu.memory_space<hbm>>
        %dma_start3A_72 = tpu.memref_squeeze %dma_start3A_71 : memref<1x320000xi32, #tpu.memory_space<hbm>> -> memref<320000xi32, #tpu.memory_space<hbm>>
        %dma_start3A_73 = tpu.memref_slice %dma_start3A_72[%add3A_59] : memref<320000xi32, #tpu.memory_space<hbm>> -> memref<128xi32, #tpu.memory_space<hbm>>
        tpu.enqueue_dma source(%dma_start3A_73 : memref<128xi32, #tpu.memory_space<hbm>>) target(%dma_start3A_69 : memref<128xi32, #tpu.memory_space<vmem>>) target_semaphore(%run_scoped3A_62 : memref<!tpu.dma_semaphore, #tpu.memory_space<semaphore_mem>>)
        %dma_wait3A = arith.constant 9984 : i32
        %dma_wait3A_74 = tpu.memref_slice %arg8[%dma_wait3A] : memref<10112xi32, #tpu.memory_space<vmem>> -> memref<128xi32, #tpu.memory_space<vmem>>
        %dma_wait3A_75 = arith.constant 0 : i32
        %dma_wait3A_76 = tpu.memref_slice %arg2[%run_scoped3A_61, %dma_wait3A_75] : memref<2x320000xi32, #tpu.memory_space<hbm>> -> memref<1x320000xi32, #tpu.memory_space<hbm>>
        %dma_wait3A_77 = tpu.memref_squeeze %dma_wait3A_76 : memref<1x320000xi32, #tpu.memory_space<hbm>> -> memref<320000xi32, #tpu.memory_space<hbm>>
        %dma_wait3A_78 = tpu.memref_slice %dma_wait3A_77[%add3A_59] : memref<320000xi32, #tpu.memory_space<hbm>> -> memref<128xi32, #tpu.memory_space<hbm>>
        %dma_wait3A_79 = arith.constant 9984 : i32
        %dma_wait3A_80 = tpu.memref_slice %arg8[%dma_wait3A_79] : memref<10112xi32, #tpu.memory_space<vmem>> -> memref<128xi32, #tpu.memory_space<vmem>>
        %dma_wait3A_81 = arith.constant 0 : i32
        %dma_wait3A_82 = tpu.memref_slice %arg2[%run_scoped3A_61, %dma_wait3A_81] : memref<2x320000xi32, #tpu.memory_space<hbm>> -> memref<1x320000xi32, #tpu.memory_space<hbm>>
        %dma_wait3A_83 = tpu.memref_squeeze %dma_wait3A_82 : memref<1x320000xi32, #tpu.memory_space<hbm>> -> memref<320000xi32, #tpu.memory_space<hbm>>
        %dma_wait3A_84 = tpu.memref_slice %dma_wait3A_83[%add3A_59] : memref<320000xi32, #tpu.memory_space<hbm>> -> memref<128xi32, #tpu.memory_space<hbm>>
        tpu.wait_dma2 semaphore(%run_scoped3A_62 : memref<!tpu.dma_semaphore, #tpu.memory_space<semaphore_mem>>) src(%dma_wait3A_84 : memref<128xi32, #tpu.memory_space<hbm>>) dst(%dma_wait3A_80 : memref<128xi32, #tpu.memory_space<vmem>>)
        tpu.yield
      }) : () -> ()
    } else {
    }
    %lt3A_19 = arith.constant 4 : i32
    %lt3A_20 = arith.cmpi slt, %add3A, %lt3A_19 : i32
    %jit3A = arith.constant 632 : i32
    %jit3A_21 = arith.constant 624 : i32
    %select_n3A = arith.select %lt3A_20, %jit3A, %jit3A_21 : i32
    %broadcast_in_dim3A = arith.constant 1.000000e+00 : f32
    %broadcast_in_dim3A_22 = vector.broadcast %broadcast_in_dim3A : f32 to vector<16xf32>
    %while3A = arith.constant 0 : i32
    %while3A_23 = arith.constant 0 : i32
    %while3A_24 = arith.constant 0 : i32
    %while3A_25 = arith.constant 0 : i32
    %while3A_26 = arith.constant 0 : i32
    %while3A_27 = arith.subi %select_n3A, %while3A : i32
    %while3A_28 = arith.addi %while3A, %while3A_27 : i32
    %while3A_29 = arith.constant 1 : i32
    %while3A_30 = arith.divsi %while3A_27, %while3A_29 : i32
    %while3A_31 = arith.muli %while3A_30, %while3A_29 : i32
    %while3A_32 = arith.addi %while3A, %while3A_31 : i32
    %while3A_33 = arith.constant 1 : i32
    %while3A_34:4 = scf.for %while3A_56 = %while3A to %while3A_32 step %while3A_33 iter_args(%while3A_57 = %while3A_23, %while3A_58 = %while3A_24, %while3A_59 = %while3A_25, %while3A_60 = %while3A_26) -> (i32, i32, i32, i32)  : i32 {
      %mul3A_61 = arith.constant 16 : i32
      %mul3A_62 = arith.muli %while3A_56, %mul3A_61 : i32
      %get3A = arith.index_cast %mul3A_62 : i32 to index
      %get3A_63 = tpu.vector_load %arg7[%get3A] {strides = array<i32>} : memref<10112xi32, #tpu.memory_space<vmem>>, vector<16xi32>,
      %mul3A_64 = arith.constant 16 : i32
      %mul3A_65 = arith.muli %while3A_56, %mul3A_64 : i32
      %get3A_66 = arith.index_cast %mul3A_65 : i32 to index
      %get3A_67 = tpu.vector_load %arg8[%get3A_66] {strides = array<i32>} : memref<10112xi32, #tpu.memory_space<vmem>>, vector<16xi32>,
      tpu.vector_store_idx %arg18[%get3A_67], %broadcast_in_dim3A_22 {add = true} : memref<10112xf32, #tpu.memory_space<vmem>>[vector<16xi32>], vector<16xf32>,
      %lt3A_68 = arith.constant 2528 : i32
      %lt3A_69 = vector.broadcast %lt3A_68 : i32 to vector<16xi32>
      %lt3A_70 = arith.cmpi slt, %get3A_67, %lt3A_69 : vector<16xi32>
      %convert_element_type3A_71 = arith.extui %lt3A_70 : vector<16xi1> to vector<16xi32>
      %broadcast_in_dim3A_72 = arith.constant true
      %broadcast_in_dim3A_73 = vector.broadcast %broadcast_in_dim3A_72 : i1 to vector<16xi1>
      %masked_cumsum3A = tpu.scan <sum>, %convert_element_type3A_71 masked %broadcast_in_dim3A_73 : vector<16xi32>, vector<16xi1> -> vector<16xi32>
      %add3A_74 = vector.broadcast %while3A_57 : i32 to vector<16xi32>
      %add3A_75 = arith.addi %add3A_74, %masked_cumsum3A : vector<16xi32>
      %sub3A = arith.constant 1 : i32
      %sub3A_76 = vector.broadcast %sub3A : i32 to vector<16xi32>
      %sub3A_77 = arith.subi %add3A_75, %sub3A_76 : vector<16xi32>
      %shift_right_logical3A = arith.constant 7 : i32
      %shift_right_logical3A_78 = vector.broadcast %shift_right_logical3A : i32 to vector<16xi32>
      %shift_right_logical3A_79 = arith.shrui %sub3A_77, %shift_right_logical3A_78 : vector<16xi32>
      %and3A = arith.constant 127 : i32
      %and3A_80 = vector.broadcast %and3A : i32 to vector<16xi32>
      %and3A_81 = arith.andi %sub3A_77, %and3A_80 : vector<16xi32>
      tpu.vector_store_idx %arg9[%shift_right_logical3A_79, %and3A_81], %get3A_63 masked %lt3A_70 : memref<22x128xi32, #tpu.memory_space<vmem>>[vector<16xi32>, vector<16xi32>], vector<16xi32>, vector<16xi1>
      %sub3A_82 = arith.constant 0 : i32
      %sub3A_83 = vector.broadcast %sub3A_82 : i32 to vector<16xi32>
      %sub3A_84 = arith.subi %get3A_67, %sub3A_83 : vector<16xi32>
      tpu.vector_store_idx %arg13[%shift_right_logical3A_79, %and3A_81], %sub3A_84 masked %lt3A_70 : memref<22x128xi32, #tpu.memory_space<vmem>>[vector<16xi32>, vector<16xi32>], vector<16xi32>, vector<16xi1>
      %reduce_sum3A = arith.constant true
      %reduce_sum3A_85 = vector.broadcast %reduce_sum3A : i1 to vector<16xi1>
      %reduce_sum3A_86 = tpu.scan <sum>, %convert_element_type3A_71 masked %reduce_sum3A_85 : vector<16xi32>, vector<16xi1> -> vector<16xi32>
      %reduce_sum3A_87 = vector.extract %reduce_sum3A_86[15] : i32 from vector<16xi32>
      %add3A_88 = arith.addi %while3A_57, %reduce_sum3A_87 : i32
      %min3A = arith.constant 2800 : i32
      %min3A_89 = arith.minsi %add3A_88, %min3A : i32
      %ge3A = arith.constant 2528 : i32
      %ge3A_90 = vector.broadcast %ge3A : i32 to vector<16xi32>
      %ge3A_91 = arith.cmpi sge, %get3A_67, %ge3A_90 : vector<16xi32>
      %lt3A_92 = arith.constant 5056 : i32
      %lt3A_93 = vector.broadcast %lt3A_92 : i32 to vector<16xi32>
      %lt3A_94 = arith.cmpi slt, %get3A_67, %lt3A_93 : vector<16xi32>
      %and3A_95 = arith.andi %ge3A_91, %lt3A_94 : vector<16xi1>
      %convert_element_type3A_96 = arith.extui %and3A_95 : vector<16xi1> to vector<16xi32>
      %broadcast_in_dim3A_97 = arith.constant true
      %broadcast_in_dim3A_98 = vector.broadcast %broadcast_in_dim3A_97 : i1 to vector<16xi1>
      %masked_cumsum3A_99 = tpu.scan <sum>, %convert_element_type3A_96 masked %broadcast_in_dim3A_98 : vector<16xi32>, vector<16xi1> -> vector<16xi32>
      %add3A_100 = vector.broadcast %while3A_58 : i32 to vector<16xi32>
      %add3A_101 = arith.addi %add3A_100, %masked_cumsum3A_99 : vector<16xi32>
      %sub3A_102 = arith.constant 1 : i32
      %sub3A_103 = vector.broadcast %sub3A_102 : i32 to vector<16xi32>
      %sub3A_104 = arith.subi %add3A_101, %sub3A_103 : vector<16xi32>
      %shift_right_logical3A_105 = arith.constant 7 : i32
      %shift_right_logical3A_106 = vector.broadcast %shift_right_logical3A_105 : i32 to vector<16xi32>
      %shift_right_logical3A_107 = arith.shrui %sub3A_104, %shift_right_logical3A_106 : vector<16xi32>
      %and3A_108 = arith.constant 127 : i32
      %and3A_109 = vector.broadcast %and3A_108 : i32 to vector<16xi32>
      %and3A_110 = arith.andi %sub3A_104, %and3A_109 : vector<16xi32>
      tpu.vector_store_idx %arg10[%shift_right_logical3A_107, %and3A_110], %get3A_63 masked %and3A_95 : memref<22x128xi32, #tpu.memory_space<vmem>>[vector<16xi32>, vector<16xi32>], vector<16xi32>, vector<16xi1>
      %sub3A_111 = arith.constant 2528 : i32
      %sub3A_112 = vector.broadcast %sub3A_111 : i32 to vector<16xi32>
      %sub3A_113 = arith.subi %get3A_67, %sub3A_112 : vector<16xi32>
      tpu.vector_store_idx %arg14[%shift_right_logical3A_107, %and3A_110], %sub3A_113 masked %and3A_95 : memref<22x128xi32, #tpu.memory_space<vmem>>[vector<16xi32>, vector<16xi32>], vector<16xi32>, vector<16xi1>
      %reduce_sum3A_114 = arith.constant true
      %reduce_sum3A_115 = vector.broadcast %reduce_sum3A_114 : i1 to vector<16xi1>
      %reduce_sum3A_116 = tpu.scan <sum>, %convert_element_type3A_96 masked %reduce_sum3A_115 : vector<16xi32>, vector<16xi1> -> vector<16xi32>
      %reduce_sum3A_117 = vector.extract %reduce_sum3A_116[15] : i32 from vector<16xi32>
      %add3A_118 = arith.addi %while3A_58, %reduce_sum3A_117 : i32
      %min3A_119 = arith.constant 2800 : i32
      %min3A_120 = arith.minsi %add3A_118, %min3A_119 : i32
      %ge3A_121 = arith.constant 5056 : i32
      %ge3A_122 = vector.broadcast %ge3A_121 : i32 to vector<16xi32>
      %ge3A_123 = arith.cmpi sge, %get3A_67, %ge3A_122 : vector<16xi32>
      %lt3A_124 = arith.constant 7584 : i32
      %lt3A_125 = vector.broadcast %lt3A_124 : i32 to vector<16xi32>
      %lt3A_126 = arith.cmpi slt, %get3A_67, %lt3A_125 : vector<16xi32>
      %and3A_127 = arith.andi %ge3A_123, %lt3A_126 : vector<16xi1>
      %convert_element_type3A_128 = arith.extui %and3A_127 : vector<16xi1> to vector<16xi32>
      %broadcast_in_dim3A_129 = arith.constant true
      %broadcast_in_dim3A_130 = vector.broadcast %broadcast_in_dim3A_129 : i1 to vector<16xi1>
      %masked_cumsum3A_131 = tpu.scan <sum>, %convert_element_type3A_128 masked %broadcast_in_dim3A_130 : vector<16xi32>, vector<16xi1> -> vector<16xi32>
      %add3A_132 = vector.broadcast %while3A_59 : i32 to vector<16xi32>
      %add3A_133 = arith.addi %add3A_132, %masked_cumsum3A_131 : vector<16xi32>
      %sub3A_134 = arith.constant 1 : i32
      %sub3A_135 = vector.broadcast %sub3A_134 : i32 to vector<16xi32>
      %sub3A_136 = arith.subi %add3A_133, %sub3A_135 : vector<16xi32>
      %shift_right_logical3A_137 = arith.constant 7 : i32
      %shift_right_logical3A_138 = vector.broadcast %shift_right_logical3A_137 : i32 to vector<16xi32>
      %shift_right_logical3A_139 = arith.shrui %sub3A_136, %shift_right_logical3A_138 : vector<16xi32>
      %and3A_140 = arith.constant 127 : i32
      %and3A_141 = vector.broadcast %and3A_140 : i32 to vector<16xi32>
      %and3A_142 = arith.andi %sub3A_136, %and3A_141 : vector<16xi32>
      tpu.vector_store_idx %arg11[%shift_right_logical3A_139, %and3A_142], %get3A_63 masked %and3A_127 : memref<22x128xi32, #tpu.memory_space<vmem>>[vector<16xi32>, vector<16xi32>], vector<16xi32>, vector<16xi1>
      %sub3A_143 = arith.constant 5056 : i32
      %sub3A_144 = vector.broadcast %sub3A_143 : i32 to vector<16xi32>
      %sub3A_145 = arith.subi %get3A_67, %sub3A_144 : vector<16xi32>
      tpu.vector_store_idx %arg15[%shift_right_logical3A_139, %and3A_142], %sub3A_145 masked %and3A_127 : memref<22x128xi32, #tpu.memory_space<vmem>>[vector<16xi32>, vector<16xi32>], vector<16xi32>, vector<16xi1>
      %reduce_sum3A_146 = arith.constant true
      %reduce_sum3A_147 = vector.broadcast %reduce_sum3A_146 : i1 to vector<16xi1>
      %reduce_sum3A_148 = tpu.scan <sum>, %convert_element_type3A_128 masked %reduce_sum3A_147 : vector<16xi32>, vector<16xi1> -> vector<16xi32>
      %reduce_sum3A_149 = vector.extract %reduce_sum3A_148[15] : i32 from vector<16xi32>
      %add3A_150 = arith.addi %while3A_59, %reduce_sum3A_149 : i32
      %min3A_151 = arith.constant 2800 : i32
      %min3A_152 = arith.minsi %add3A_150, %min3A_151 : i32
      %ge3A_153 = arith.constant 7584 : i32
      %ge3A_154 = vector.broadcast %ge3A_153 : i32 to vector<16xi32>
      %ge3A_155 = arith.cmpi sge, %get3A_67, %ge3A_154 : vector<16xi32>
      %lt3A_156 = arith.constant 10112 : i32
      %lt3A_157 = vector.broadcast %lt3A_156 : i32 to vector<16xi32>
      %lt3A_158 = arith.cmpi slt, %get3A_67, %lt3A_157 : vector<16xi32>
      %and3A_159 = arith.andi %ge3A_155, %lt3A_158 : vector<16xi1>
      %convert_element_type3A_160 = arith.extui %and3A_159 : vector<16xi1> to vector<16xi32>
      %broadcast_in_dim3A_161 = arith.constant true
      %broadcast_in_dim3A_162 = vector.broadcast %broadcast_in_dim3A_161 : i1 to vector<16xi1>
      %masked_cumsum3A_163 = tpu.scan <sum>, %convert_element_type3A_160 masked %broadcast_in_dim3A_162 : vector<16xi32>, vector<16xi1> -> vector<16xi32>
      %add3A_164 = vector.broadcast %while3A_60 : i32 to vector<16xi32>
      %add3A_165 = arith.addi %add3A_164, %masked_cumsum3A_163 : vector<16xi32>
      %sub3A_166 = arith.constant 1 : i32
      %sub3A_167 = vector.broadcast %sub3A_166 : i32 to vector<16xi32>
      %sub3A_168 = arith.subi %add3A_165, %sub3A_167 : vector<16xi32>
      %shift_right_logical3A_169 = arith.constant 7 : i32
      %shift_right_logical3A_170 = vector.broadcast %shift_right_logical3A_169 : i32 to vector<16xi32>
      %shift_right_logical3A_171 = arith.shrui %sub3A_168, %shift_right_logical3A_170 : vector<16xi32>
      %and3A_172 = arith.constant 127 : i32
      %and3A_173 = vector.broadcast %and3A_172 : i32 to vector<16xi32>
      %and3A_174 = arith.andi %sub3A_168, %and3A_173 : vector<16xi32>
      tpu.vector_store_idx %arg12[%shift_right_logical3A_171, %and3A_174], %get3A_63 masked %and3A_159 : memref<22x128xi32, #tpu.memory_space<vmem>>[vector<16xi32>, vector<16xi32>], vector<16xi32>, vector<16xi1>
      %sub3A_175 = arith.constant 7584 : i32
      %sub3A_176 = vector.broadcast %sub3A_175 : i32 to vector<16xi32>
      %sub3A_177 = arith.subi %get3A_67, %sub3A_176 : vector<16xi32>
      tpu.vector_store_idx %arg16[%shift_right_logical3A_171, %and3A_174], %sub3A_177 masked %and3A_159 : memref<22x128xi32, #tpu.memory_space<vmem>>[vector<16xi32>, vector<16xi32>], vector<16xi32>, vector<16xi1>
      %reduce_sum3A_178 = arith.constant true
      %reduce_sum3A_179 = vector.broadcast %reduce_sum3A_178 : i1 to vector<16xi1>
      %reduce_sum3A_180 = tpu.scan <sum>, %convert_element_type3A_160 masked %reduce_sum3A_179 : vector<16xi32>, vector<16xi1> -> vector<16xi32>
      %reduce_sum3A_181 = vector.extract %reduce_sum3A_180[15] : i32 from vector<16xi32>
      %add3A_182 = arith.addi %while3A_60, %reduce_sum3A_181 : i32
      %min3A_183 = arith.constant 2800 : i32
      %min3A_184 = arith.minsi %add3A_182, %min3A_183 : i32
      scf.yield %min3A_89, %min3A_120, %min3A_152, %min3A_184 : i32, i32, i32, i32
    }
    %while3A_35 = arith.constant 1 : i32
    %while3A_36:4 = scf.for %while3A_56 = %while3A_32 to %while3A_28 step %while3A_35 iter_args(%while3A_57 = %while3A_34#0, %while3A_58 = %while3A_34#1, %while3A_59 = %while3A_34#2, %while3A_60 = %while3A_34#3) -> (i32, i32, i32, i32)  : i32 {
      %mul3A_61 = arith.constant 16 : i32
      %mul3A_62 = arith.muli %while3A_56, %mul3A_61 : i32
      %get3A = arith.index_cast %mul3A_62 : i32 to index
      %get3A_63 = tpu.vector_load %arg7[%get3A] {strides = array<i32>} : memref<10112xi32, #tpu.memory_space<vmem>>, vector<16xi32>,
      %mul3A_64 = arith.constant 16 : i32
      %mul3A_65 = arith.muli %while3A_56, %mul3A_64 : i32
      %get3A_66 = arith.index_cast %mul3A_65 : i32 to index
      %get3A_67 = tpu.vector_load %arg8[%get3A_66] {strides = array<i32>} : memref<10112xi32, #tpu.memory_space<vmem>>, vector<16xi32>,
      tpu.vector_store_idx %arg18[%get3A_67], %broadcast_in_dim3A_22 {add = true} : memref<10112xf32, #tpu.memory_space<vmem>>[vector<16xi32>], vector<16xf32>,
      %lt3A_68 = arith.constant 2528 : i32
      %lt3A_69 = vector.broadcast %lt3A_68 : i32 to vector<16xi32>
      %lt3A_70 = arith.cmpi slt, %get3A_67, %lt3A_69 : vector<16xi32>
      %convert_element_type3A_71 = arith.extui %lt3A_70 : vector<16xi1> to vector<16xi32>
      %broadcast_in_dim3A_72 = arith.constant true
      %broadcast_in_dim3A_73 = vector.broadcast %broadcast_in_dim3A_72 : i1 to vector<16xi1>
      %masked_cumsum3A = tpu.scan <sum>, %convert_element_type3A_71 masked %broadcast_in_dim3A_73 : vector<16xi32>, vector<16xi1> -> vector<16xi32>
      %add3A_74 = vector.broadcast %while3A_57 : i32 to vector<16xi32>
      %add3A_75 = arith.addi %add3A_74, %masked_cumsum3A : vector<16xi32>
      %sub3A = arith.constant 1 : i32
      %sub3A_76 = vector.broadcast %sub3A : i32 to vector<16xi32>
      %sub3A_77 = arith.subi %add3A_75, %sub3A_76 : vector<16xi32>
      %shift_right_logical3A = arith.constant 7 : i32
      %shift_right_logical3A_78 = vector.broadcast %shift_right_logical3A : i32 to vector<16xi32>
      %shift_right_logical3A_79 = arith.shrui %sub3A_77, %shift_right_logical3A_78 : vector<16xi32>
      %and3A = arith.constant 127 : i32
      %and3A_80 = vector.broadcast %and3A : i32 to vector<16xi32>
      %and3A_81 = arith.andi %sub3A_77, %and3A_80 : vector<16xi32>
      tpu.vector_store_idx %arg9[%shift_right_logical3A_79, %and3A_81], %get3A_63 masked %lt3A_70 : memref<22x128xi32, #tpu.memory_space<vmem>>[vector<16xi32>, vector<16xi32>], vector<16xi32>, vector<16xi1>
      %sub3A_82 = arith.constant 0 : i32
      %sub3A_83 = vector.broadcast %sub3A_82 : i32 to vector<16xi32>
      %sub3A_84 = arith.subi %get3A_67, %sub3A_83 : vector<16xi32>
      tpu.vector_store_idx %arg13[%shift_right_logical3A_79, %and3A_81], %sub3A_84 masked %lt3A_70 : memref<22x128xi32, #tpu.memory_space<vmem>>[vector<16xi32>, vector<16xi32>], vector<16xi32>, vector<16xi1>
      %reduce_sum3A = arith.constant true
      %reduce_sum3A_85 = vector.broadcast %reduce_sum3A : i1 to vector<16xi1>
      %reduce_sum3A_86 = tpu.scan <sum>, %convert_element_type3A_71 masked %reduce_sum3A_85 : vector<16xi32>, vector<16xi1> -> vector<16xi32>
      %reduce_sum3A_87 = vector.extract %reduce_sum3A_86[15] : i32 from vector<16xi32>
      %add3A_88 = arith.addi %while3A_57, %reduce_sum3A_87 : i32
      %min3A = arith.constant 2800 : i32
      %min3A_89 = arith.minsi %add3A_88, %min3A : i32
      %ge3A = arith.constant 2528 : i32
      %ge3A_90 = vector.broadcast %ge3A : i32 to vector<16xi32>
      %ge3A_91 = arith.cmpi sge, %get3A_67, %ge3A_90 : vector<16xi32>
      %lt3A_92 = arith.constant 5056 : i32
      %lt3A_93 = vector.broadcast %lt3A_92 : i32 to vector<16xi32>
      %lt3A_94 = arith.cmpi slt, %get3A_67, %lt3A_93 : vector<16xi32>
      %and3A_95 = arith.andi %ge3A_91, %lt3A_94 : vector<16xi1>
      %convert_element_type3A_96 = arith.extui %and3A_95 : vector<16xi1> to vector<16xi32>
      %broadcast_in_dim3A_97 = arith.constant true
      %broadcast_in_dim3A_98 = vector.broadcast %broadcast_in_dim3A_97 : i1 to vector<16xi1>
      %masked_cumsum3A_99 = tpu.scan <sum>, %convert_element_type3A_96 masked %broadcast_in_dim3A_98 : vector<16xi32>, vector<16xi1> -> vector<16xi32>
      %add3A_100 = vector.broadcast %while3A_58 : i32 to vector<16xi32>
      %add3A_101 = arith.addi %add3A_100, %masked_cumsum3A_99 : vector<16xi32>
      %sub3A_102 = arith.constant 1 : i32
      %sub3A_103 = vector.broadcast %sub3A_102 : i32 to vector<16xi32>
      %sub3A_104 = arith.subi %add3A_101, %sub3A_103 : vector<16xi32>
      %shift_right_logical3A_105 = arith.constant 7 : i32
      %shift_right_logical3A_106 = vector.broadcast %shift_right_logical3A_105 : i32 to vector<16xi32>
      %shift_right_logical3A_107 = arith.shrui %sub3A_104, %shift_right_logical3A_106 : vector<16xi32>
      %and3A_108 = arith.constant 127 : i32
      %and3A_109 = vector.broadcast %and3A_108 : i32 to vector<16xi32>
      %and3A_110 = arith.andi %sub3A_104, %and3A_109 : vector<16xi32>
      tpu.vector_store_idx %arg10[%shift_right_logical3A_107, %and3A_110], %get3A_63 masked %and3A_95 : memref<22x128xi32, #tpu.memory_space<vmem>>[vector<16xi32>, vector<16xi32>], vector<16xi32>, vector<16xi1>
      %sub3A_111 = arith.constant 2528 : i32
      %sub3A_112 = vector.broadcast %sub3A_111 : i32 to vector<16xi32>
      %sub3A_113 = arith.subi %get3A_67, %sub3A_112 : vector<16xi32>
      tpu.vector_store_idx %arg14[%shift_right_logical3A_107, %and3A_110], %sub3A_113 masked %and3A_95 : memref<22x128xi32, #tpu.memory_space<vmem>>[vector<16xi32>, vector<16xi32>], vector<16xi32>, vector<16xi1>
      %reduce_sum3A_114 = arith.constant true
      %reduce_sum3A_115 = vector.broadcast %reduce_sum3A_114 : i1 to vector<16xi1>
      %reduce_sum3A_116 = tpu.scan <sum>, %convert_element_type3A_96 masked %reduce_sum3A_115 : vector<16xi32>, vector<16xi1> -> vector<16xi32>
      %reduce_sum3A_117 = vector.extract %reduce_sum3A_116[15] : i32 from vector<16xi32>
      %add3A_118 = arith.addi %while3A_58, %reduce_sum3A_117 : i32
      %min3A_119 = arith.constant 2800 : i32
      %min3A_120 = arith.minsi %add3A_118, %min3A_119 : i32
      %ge3A_121 = arith.constant 5056 : i32
      %ge3A_122 = vector.broadcast %ge3A_121 : i32 to vector<16xi32>
      %ge3A_123 = arith.cmpi sge, %get3A_67, %ge3A_122 : vector<16xi32>
      %lt3A_124 = arith.constant 7584 : i32
      %lt3A_125 = vector.broadcast %lt3A_124 : i32 to vector<16xi32>
      %lt3A_126 = arith.cmpi slt, %get3A_67, %lt3A_125 : vector<16xi32>
      %and3A_127 = arith.andi %ge3A_123, %lt3A_126 : vector<16xi1>
      %convert_element_type3A_128 = arith.extui %and3A_127 : vector<16xi1> to vector<16xi32>
      %broadcast_in_dim3A_129 = arith.constant true
      %broadcast_in_dim3A_130 = vector.broadcast %broadcast_in_dim3A_129 : i1 to vector<16xi1>
      %masked_cumsum3A_131 = tpu.scan <sum>, %convert_element_type3A_128 masked %broadcast_in_dim3A_130 : vector<16xi32>, vector<16xi1> -> vector<16xi32>
      %add3A_132 = vector.broadcast %while3A_59 : i32 to vector<16xi32>
      %add3A_133 = arith.addi %add3A_132, %masked_cumsum3A_131 : vector<16xi32>
      %sub3A_134 = arith.constant 1 : i32
      %sub3A_135 = vector.broadcast %sub3A_134 : i32 to vector<16xi32>
      %sub3A_136 = arith.subi %add3A_133, %sub3A_135 : vector<16xi32>
      %shift_right_logical3A_137 = arith.constant 7 : i32
      %shift_right_logical3A_138 = vector.broadcast %shift_right_logical3A_137 : i32 to vector<16xi32>
      %shift_right_logical3A_139 = arith.shrui %sub3A_136, %shift_right_logical3A_138 : vector<16xi32>
      %and3A_140 = arith.constant 127 : i32
      %and3A_141 = vector.broadcast %and3A_140 : i32 to vector<16xi32>
      %and3A_142 = arith.andi %sub3A_136, %and3A_141 : vector<16xi32>
      tpu.vector_store_idx %arg11[%shift_right_logical3A_139, %and3A_142], %get3A_63 masked %and3A_127 : memref<22x128xi32, #tpu.memory_space<vmem>>[vector<16xi32>, vector<16xi32>], vector<16xi32>, vector<16xi1>
      %sub3A_143 = arith.constant 5056 : i32
      %sub3A_144 = vector.broadcast %sub3A_143 : i32 to vector<16xi32>
      %sub3A_145 = arith.subi %get3A_67, %sub3A_144 : vector<16xi32>
      tpu.vector_store_idx %arg15[%shift_right_logical3A_139, %and3A_142], %sub3A_145 masked %and3A_127 : memref<22x128xi32, #tpu.memory_space<vmem>>[vector<16xi32>, vector<16xi32>], vector<16xi32>, vector<16xi1>
      %reduce_sum3A_146 = arith.constant true
      %reduce_sum3A_147 = vector.broadcast %reduce_sum3A_146 : i1 to vector<16xi1>
      %reduce_sum3A_148 = tpu.scan <sum>, %convert_element_type3A_128 masked %reduce_sum3A_147 : vector<16xi32>, vector<16xi1> -> vector<16xi32>
      %reduce_sum3A_149 = vector.extract %reduce_sum3A_148[15] : i32 from vector<16xi32>
      %add3A_150 = arith.addi %while3A_59, %reduce_sum3A_149 : i32
      %min3A_151 = arith.constant 2800 : i32
      %min3A_152 = arith.minsi %add3A_150, %min3A_151 : i32
      %ge3A_153 = arith.constant 7584 : i32
      %ge3A_154 = vector.broadcast %ge3A_153 : i32 to vector<16xi32>
      %ge3A_155 = arith.cmpi sge, %get3A_67, %ge3A_154 : vector<16xi32>
      %lt3A_156 = arith.constant 10112 : i32
      %lt3A_157 = vector.broadcast %lt3A_156 : i32 to vector<16xi32>
      %lt3A_158 = arith.cmpi slt, %get3A_67, %lt3A_157 : vector<16xi32>
      %and3A_159 = arith.andi %ge3A_155, %lt3A_158 : vector<16xi1>
      %convert_element_type3A_160 = arith.extui %and3A_159 : vector<16xi1> to vector<16xi32>
      %broadcast_in_dim3A_161 = arith.constant true
      %broadcast_in_dim3A_162 = vector.broadcast %broadcast_in_dim3A_161 : i1 to vector<16xi1>
      %masked_cumsum3A_163 = tpu.scan <sum>, %convert_element_type3A_160 masked %broadcast_in_dim3A_162 : vector<16xi32>, vector<16xi1> -> vector<16xi32>
      %add3A_164 = vector.broadcast %while3A_60 : i32 to vector<16xi32>
      %add3A_165 = arith.addi %add3A_164, %masked_cumsum3A_163 : vector<16xi32>
      %sub3A_166 = arith.constant 1 : i32
      %sub3A_167 = vector.broadcast %sub3A_166 : i32 to vector<16xi32>
      %sub3A_168 = arith.subi %add3A_165, %sub3A_167 : vector<16xi32>
      %shift_right_logical3A_169 = arith.constant 7 : i32
      %shift_right_logical3A_170 = vector.broadcast %shift_right_logical3A_169 : i32 to vector<16xi32>
      %shift_right_logical3A_171 = arith.shrui %sub3A_168, %shift_right_logical3A_170 : vector<16xi32>
      %and3A_172 = arith.constant 127 : i32
      %and3A_173 = vector.broadcast %and3A_172 : i32 to vector<16xi32>
      %and3A_174 = arith.andi %sub3A_168, %and3A_173 : vector<16xi32>
      tpu.vector_store_idx %arg12[%shift_right_logical3A_171, %and3A_174], %get3A_63 masked %and3A_159 : memref<22x128xi32, #tpu.memory_space<vmem>>[vector<16xi32>, vector<16xi32>], vector<16xi32>, vector<16xi1>
      %sub3A_175 = arith.constant 7584 : i32
      %sub3A_176 = vector.broadcast %sub3A_175 : i32 to vector<16xi32>
      %sub3A_177 = arith.subi %get3A_67, %sub3A_176 : vector<16xi32>
      tpu.vector_store_idx %arg16[%shift_right_logical3A_171, %and3A_174], %sub3A_177 masked %and3A_159 : memref<22x128xi32, #tpu.memory_space<vmem>>[vector<16xi32>, vector<16xi32>], vector<16xi32>, vector<16xi1>
      %reduce_sum3A_178 = arith.constant true
      %reduce_sum3A_179 = vector.broadcast %reduce_sum3A_178 : i1 to vector<16xi1>
      %reduce_sum3A_180 = tpu.scan <sum>, %convert_element_type3A_160 masked %reduce_sum3A_179 : vector<16xi32>, vector<16xi1> -> vector<16xi32>
      %reduce_sum3A_181 = vector.extract %reduce_sum3A_180[15] : i32 from vector<16xi32>
      %add3A_182 = arith.addi %while3A_60, %reduce_sum3A_181 : i32
      %min3A_183 = arith.constant 2800 : i32
      %min3A_184 = arith.minsi %add3A_182, %min3A_183 : i32
      scf.yield %min3A_89, %min3A_120, %min3A_152, %min3A_184 : i32, i32, i32, i32
    }
    %run_scoped3A_37 = arith.constant 0 : i32
    "tpu.region"() ({
      %run_scoped3A_56 = tpu.sem_alloc : memref<!tpu.dma_semaphore, #tpu.memory_space<semaphore_mem>>
      %dma_start3A = arith.constant 0 : i32
      %dma_start3A_57 = arith.constant 0 : i32
      %dma_start3A_58 = tpu.memref_slice %arg3[%add3A, %run_scoped3A_37, %dma_start3A, %dma_start3A_57] : memref<32x4x22x128xi32, #tpu.memory_space<hbm>> -> memref<1x1x22x128xi32, #tpu.memory_space<hbm>>
      %dma_start3A_59 = tpu.memref_squeeze %dma_start3A_58 : memref<1x1x22x128xi32, #tpu.memory_space<hbm>> -> memref<22x128xi32, #tpu.memory_space<hbm>>
      %dma_start3A_60 = arith.constant 0 : i32
      %dma_start3A_61 = arith.constant 0 : i32
      %dma_start3A_62 = tpu.memref_slice %arg3[%add3A, %run_scoped3A_37, %dma_start3A_60, %dma_start3A_61] : memref<32x4x22x128xi32, #tpu.memory_space<hbm>> -> memref<1x1x22x128xi32, #tpu.memory_space<hbm>>
      %dma_start3A_63 = tpu.memref_squeeze %dma_start3A_62 : memref<1x1x22x128xi32, #tpu.memory_space<hbm>> -> memref<22x128xi32, #tpu.memory_space<hbm>>
      tpu.enqueue_dma source(%arg9 : memref<22x128xi32, #tpu.memory_space<vmem>>) target(%dma_start3A_63 : memref<22x128xi32, #tpu.memory_space<hbm>>) target_semaphore(%run_scoped3A_56 : memref<!tpu.dma_semaphore, #tpu.memory_space<semaphore_mem>>)
      %dma_wait3A = arith.constant 0 : i32
      %dma_wait3A_64 = arith.constant 0 : i32
      %dma_wait3A_65 = tpu.memref_slice %arg3[%add3A, %run_scoped3A_37, %dma_wait3A, %dma_wait3A_64] : memref<32x4x22x128xi32, #tpu.memory_space<hbm>> -> memref<1x1x22x128xi32, #tpu.memory_space<hbm>>
      %dma_wait3A_66 = tpu.memref_squeeze %dma_wait3A_65 : memref<1x1x22x128xi32, #tpu.memory_space<hbm>> -> memref<22x128xi32, #tpu.memory_space<hbm>>
      %dma_wait3A_67 = arith.constant 0 : i32
      %dma_wait3A_68 = arith.constant 0 : i32
      %dma_wait3A_69 = tpu.memref_slice %arg3[%add3A, %run_scoped3A_37, %dma_wait3A_67, %dma_wait3A_68] : memref<32x4x22x128xi32, #tpu.memory_space<hbm>> -> memref<1x1x22x128xi32, #tpu.memory_space<hbm>>
      %dma_wait3A_70 = tpu.memref_squeeze %dma_wait3A_69 : memref<1x1x22x128xi32, #tpu.memory_space<hbm>> -> memref<22x128xi32, #tpu.memory_space<hbm>>
      tpu.wait_dma2 semaphore(%run_scoped3A_56 : memref<!tpu.dma_semaphore, #tpu.memory_space<semaphore_mem>>) src(%arg9 : memref<22x128xi32, #tpu.memory_space<vmem>>) dst(%dma_wait3A_70 : memref<22x128xi32, #tpu.memory_space<hbm>>)
      tpu.yield
    }) : () -> ()
    %run_scoped3A_38 = arith.constant 0 : i32
    "tpu.region"() ({
      %run_scoped3A_56 = tpu.sem_alloc : memref<!tpu.dma_semaphore, #tpu.memory_space<semaphore_mem>>
      %dma_start3A = arith.constant 0 : i32
      %dma_start3A_57 = arith.constant 0 : i32
      %dma_start3A_58 = tpu.memref_slice %arg4[%add3A, %run_scoped3A_38, %dma_start3A, %dma_start3A_57] : memref<32x4x22x128xi32, #tpu.memory_space<hbm>> -> memref<1x1x22x128xi32, #tpu.memory_space<hbm>>
      %dma_start3A_59 = tpu.memref_squeeze %dma_start3A_58 : memref<1x1x22x128xi32, #tpu.memory_space<hbm>> -> memref<22x128xi32, #tpu.memory_space<hbm>>
      %dma_start3A_60 = arith.constant 0 : i32
      %dma_start3A_61 = arith.constant 0 : i32
      %dma_start3A_62 = tpu.memref_slice %arg4[%add3A, %run_scoped3A_38, %dma_start3A_60, %dma_start3A_61] : memref<32x4x22x128xi32, #tpu.memory_space<hbm>> -> memref<1x1x22x128xi32, #tpu.memory_space<hbm>>
      %dma_start3A_63 = tpu.memref_squeeze %dma_start3A_62 : memref<1x1x22x128xi32, #tpu.memory_space<hbm>> -> memref<22x128xi32, #tpu.memory_space<hbm>>
      tpu.enqueue_dma source(%arg13 : memref<22x128xi32, #tpu.memory_space<vmem>>) target(%dma_start3A_63 : memref<22x128xi32, #tpu.memory_space<hbm>>) target_semaphore(%run_scoped3A_56 : memref<!tpu.dma_semaphore, #tpu.memory_space<semaphore_mem>>)
      %dma_wait3A = arith.constant 0 : i32
      %dma_wait3A_64 = arith.constant 0 : i32
      %dma_wait3A_65 = tpu.memref_slice %arg4[%add3A, %run_scoped3A_38, %dma_wait3A, %dma_wait3A_64] : memref<32x4x22x128xi32, #tpu.memory_space<hbm>> -> memref<1x1x22x128xi32, #tpu.memory_space<hbm>>
      %dma_wait3A_66 = tpu.memref_squeeze %dma_wait3A_65 : memref<1x1x22x128xi32, #tpu.memory_space<hbm>> -> memref<22x128xi32, #tpu.memory_space<hbm>>
      %dma_wait3A_67 = arith.constant 0 : i32
      %dma_wait3A_68 = arith.constant 0 : i32
      %dma_wait3A_69 = tpu.memref_slice %arg4[%add3A, %run_scoped3A_38, %dma_wait3A_67, %dma_wait3A_68] : memref<32x4x22x128xi32, #tpu.memory_space<hbm>> -> memref<1x1x22x128xi32, #tpu.memory_space<hbm>>
      %dma_wait3A_70 = tpu.memref_squeeze %dma_wait3A_69 : memref<1x1x22x128xi32, #tpu.memory_space<hbm>> -> memref<22x128xi32, #tpu.memory_space<hbm>>
      tpu.wait_dma2 semaphore(%run_scoped3A_56 : memref<!tpu.dma_semaphore, #tpu.memory_space<semaphore_mem>>) src(%arg13 : memref<22x128xi32, #tpu.memory_space<vmem>>) dst(%dma_wait3A_70 : memref<22x128xi32, #tpu.memory_space<hbm>>)
      tpu.yield
    }) : () -> ()
    %broadcast_in_dim3A_39 = vector.broadcast %while3A_36#0 : i32 to vector<16xi32>
    %swap3A = arith.constant 0 : index
    %swap3A_40 = tpu.vector_load %arg17[%swap3A] {strides = array<i32>} : memref<64xi32, #tpu.memory_space<vmem>>, vector<16xi32>,
    tpu.vector_store %arg17[%swap3A], %broadcast_in_dim3A_39 {strides = array<i32>} : memref<64xi32, #tpu.memory_space<vmem>>, vector<16xi32>,
    %run_scoped3A_41 = arith.constant 1 : i32
    "tpu.region"() ({
      %run_scoped3A_56 = tpu.sem_alloc : memref<!tpu.dma_semaphore, #tpu.memory_space<semaphore_mem>>
      %dma_start3A = arith.constant 0 : i32
      %dma_start3A_57 = arith.constant 0 : i32
      %dma_start3A_58 = tpu.memref_slice %arg3[%add3A, %run_scoped3A_41, %dma_start3A, %dma_start3A_57] : memref<32x4x22x128xi32, #tpu.memory_space<hbm>> -> memref<1x1x22x128xi32, #tpu.memory_space<hbm>>
      %dma_start3A_59 = tpu.memref_squeeze %dma_start3A_58 : memref<1x1x22x128xi32, #tpu.memory_space<hbm>> -> memref<22x128xi32, #tpu.memory_space<hbm>>
      %dma_start3A_60 = arith.constant 0 : i32
      %dma_start3A_61 = arith.constant 0 : i32
      %dma_start3A_62 = tpu.memref_slice %arg3[%add3A, %run_scoped3A_41, %dma_start3A_60, %dma_start3A_61] : memref<32x4x22x128xi32, #tpu.memory_space<hbm>> -> memref<1x1x22x128xi32, #tpu.memory_space<hbm>>
      %dma_start3A_63 = tpu.memref_squeeze %dma_start3A_62 : memref<1x1x22x128xi32, #tpu.memory_space<hbm>> -> memref<22x128xi32, #tpu.memory_space<hbm>>
      tpu.enqueue_dma source(%arg10 : memref<22x128xi32, #tpu.memory_space<vmem>>) target(%dma_start3A_63 : memref<22x128xi32, #tpu.memory_space<hbm>>) target_semaphore(%run_scoped3A_56 : memref<!tpu.dma_semaphore, #tpu.memory_space<semaphore_mem>>)
      %dma_wait3A = arith.constant 0 : i32
      %dma_wait3A_64 = arith.constant 0 : i32
      %dma_wait3A_65 = tpu.memref_slice %arg3[%add3A, %run_scoped3A_41, %dma_wait3A, %dma_wait3A_64] : memref<32x4x22x128xi32, #tpu.memory_space<hbm>> -> memref<1x1x22x128xi32, #tpu.memory_space<hbm>>
      %dma_wait3A_66 = tpu.memref_squeeze %dma_wait3A_65 : memref<1x1x22x128xi32, #tpu.memory_space<hbm>> -> memref<22x128xi32, #tpu.memory_space<hbm>>
      %dma_wait3A_67 = arith.constant 0 : i32
      %dma_wait3A_68 = arith.constant 0 : i32
      %dma_wait3A_69 = tpu.memref_slice %arg3[%add3A, %run_scoped3A_41, %dma_wait3A_67, %dma_wait3A_68] : memref<32x4x22x128xi32, #tpu.memory_space<hbm>> -> memref<1x1x22x128xi32, #tpu.memory_space<hbm>>
      %dma_wait3A_70 = tpu.memref_squeeze %dma_wait3A_69 : memref<1x1x22x128xi32, #tpu.memory_space<hbm>> -> memref<22x128xi32, #tpu.memory_space<hbm>>
      tpu.wait_dma2 semaphore(%run_scoped3A_56 : memref<!tpu.dma_semaphore, #tpu.memory_space<semaphore_mem>>) src(%arg10 : memref<22x128xi32, #tpu.memory_space<vmem>>) dst(%dma_wait3A_70 : memref<22x128xi32, #tpu.memory_space<hbm>>)
      tpu.yield
    }) : () -> ()
    %run_scoped3A_42 = arith.constant 1 : i32
    "tpu.region"() ({
      %run_scoped3A_56 = tpu.sem_alloc : memref<!tpu.dma_semaphore, #tpu.memory_space<semaphore_mem>>
      %dma_start3A = arith.constant 0 : i32
      %dma_start3A_57 = arith.constant 0 : i32
      %dma_start3A_58 = tpu.memref_slice %arg4[%add3A, %run_scoped3A_42, %dma_start3A, %dma_start3A_57] : memref<32x4x22x128xi32, #tpu.memory_space<hbm>> -> memref<1x1x22x128xi32, #tpu.memory_space<hbm>>
      %dma_start3A_59 = tpu.memref_squeeze %dma_start3A_58 : memref<1x1x22x128xi32, #tpu.memory_space<hbm>> -> memref<22x128xi32, #tpu.memory_space<hbm>>
      %dma_start3A_60 = arith.constant 0 : i32
      %dma_start3A_61 = arith.constant 0 : i32
      %dma_start3A_62 = tpu.memref_slice %arg4[%add3A, %run_scoped3A_42, %dma_start3A_60, %dma_start3A_61] : memref<32x4x22x128xi32, #tpu.memory_space<hbm>> -> memref<1x1x22x128xi32, #tpu.memory_space<hbm>>
      %dma_start3A_63 = tpu.memref_squeeze %dma_start3A_62 : memref<1x1x22x128xi32, #tpu.memory_space<hbm>> -> memref<22x128xi32, #tpu.memory_space<hbm>>
      tpu.enqueue_dma source(%arg14 : memref<22x128xi32, #tpu.memory_space<vmem>>) target(%dma_start3A_63 : memref<22x128xi32, #tpu.memory_space<hbm>>) target_semaphore(%run_scoped3A_56 : memref<!tpu.dma_semaphore, #tpu.memory_space<semaphore_mem>>)
      %dma_wait3A = arith.constant 0 : i32
      %dma_wait3A_64 = arith.constant 0 : i32
      %dma_wait3A_65 = tpu.memref_slice %arg4[%add3A, %run_scoped3A_42, %dma_wait3A, %dma_wait3A_64] : memref<32x4x22x128xi32, #tpu.memory_space<hbm>> -> memref<1x1x22x128xi32, #tpu.memory_space<hbm>>
      %dma_wait3A_66 = tpu.memref_squeeze %dma_wait3A_65 : memref<1x1x22x128xi32, #tpu.memory_space<hbm>> -> memref<22x128xi32, #tpu.memory_space<hbm>>
      %dma_wait3A_67 = arith.constant 0 : i32
      %dma_wait3A_68 = arith.constant 0 : i32
      %dma_wait3A_69 = tpu.memref_slice %arg4[%add3A, %run_scoped3A_42, %dma_wait3A_67, %dma_wait3A_68] : memref<32x4x22x128xi32, #tpu.memory_space<hbm>> -> memref<1x1x22x128xi32, #tpu.memory_space<hbm>>
      %dma_wait3A_70 = tpu.memref_squeeze %dma_wait3A_69 : memref<1x1x22x128xi32, #tpu.memory_space<hbm>> -> memref<22x128xi32, #tpu.memory_space<hbm>>
      tpu.wait_dma2 semaphore(%run_scoped3A_56 : memref<!tpu.dma_semaphore, #tpu.memory_space<semaphore_mem>>) src(%arg14 : memref<22x128xi32, #tpu.memory_space<vmem>>) dst(%dma_wait3A_70 : memref<22x128xi32, #tpu.memory_space<hbm>>)
      tpu.yield
    }) : () -> ()
    %broadcast_in_dim3A_43 = vector.broadcast %while3A_36#1 : i32 to vector<16xi32>
    %swap3A_44 = arith.constant 16 : index
    %swap3A_45 = tpu.vector_load %arg17[%swap3A_44] {strides = array<i32>} : memref<64xi32, #tpu.memory_space<vmem>>, vector<16xi32>,
    tpu.vector_store %arg17[%swap3A_44], %broadcast_in_dim3A_43 {strides = array<i32>} : memref<64xi32, #tpu.memory_space<vmem>>, vector<16xi32>,
    %run_scoped3A_46 = arith.constant 2 : i32
    "tpu.region"() ({
      %run_scoped3A_56 = tpu.sem_alloc : memref<!tpu.dma_semaphore, #tpu.memory_space<semaphore_mem>>
      %dma_start3A = arith.constant 0 : i32
      %dma_start3A_57 = arith.constant 0 : i32
      %dma_start3A_58 = tpu.memref_slice %arg3[%add3A, %run_scoped3A_46, %dma_start3A, %dma_start3A_57] : memref<32x4x22x128xi32, #tpu.memory_space<hbm>> -> memref<1x1x22x128xi32, #tpu.memory_space<hbm>>
      %dma_start3A_59 = tpu.memref_squeeze %dma_start3A_58 : memref<1x1x22x128xi32, #tpu.memory_space<hbm>> -> memref<22x128xi32, #tpu.memory_space<hbm>>
      %dma_start3A_60 = arith.constant 0 : i32
      %dma_start3A_61 = arith.constant 0 : i32
      %dma_start3A_62 = tpu.memref_slice %arg3[%add3A, %run_scoped3A_46, %dma_start3A_60, %dma_start3A_61] : memref<32x4x22x128xi32, #tpu.memory_space<hbm>> -> memref<1x1x22x128xi32, #tpu.memory_space<hbm>>
      %dma_start3A_63 = tpu.memref_squeeze %dma_start3A_62 : memref<1x1x22x128xi32, #tpu.memory_space<hbm>> -> memref<22x128xi32, #tpu.memory_space<hbm>>
      tpu.enqueue_dma source(%arg11 : memref<22x128xi32, #tpu.memory_space<vmem>>) target(%dma_start3A_63 : memref<22x128xi32, #tpu.memory_space<hbm>>) target_semaphore(%run_scoped3A_56 : memref<!tpu.dma_semaphore, #tpu.memory_space<semaphore_mem>>)
      %dma_wait3A = arith.constant 0 : i32
      %dma_wait3A_64 = arith.constant 0 : i32
      %dma_wait3A_65 = tpu.memref_slice %arg3[%add3A, %run_scoped3A_46, %dma_wait3A, %dma_wait3A_64] : memref<32x4x22x128xi32, #tpu.memory_space<hbm>> -> memref<1x1x22x128xi32, #tpu.memory_space<hbm>>
      %dma_wait3A_66 = tpu.memref_squeeze %dma_wait3A_65 : memref<1x1x22x128xi32, #tpu.memory_space<hbm>> -> memref<22x128xi32, #tpu.memory_space<hbm>>
      %dma_wait3A_67 = arith.constant 0 : i32
      %dma_wait3A_68 = arith.constant 0 : i32
      %dma_wait3A_69 = tpu.memref_slice %arg3[%add3A, %run_scoped3A_46, %dma_wait3A_67, %dma_wait3A_68] : memref<32x4x22x128xi32, #tpu.memory_space<hbm>> -> memref<1x1x22x128xi32, #tpu.memory_space<hbm>>
      %dma_wait3A_70 = tpu.memref_squeeze %dma_wait3A_69 : memref<1x1x22x128xi32, #tpu.memory_space<hbm>> -> memref<22x128xi32, #tpu.memory_space<hbm>>
      tpu.wait_dma2 semaphore(%run_scoped3A_56 : memref<!tpu.dma_semaphore, #tpu.memory_space<semaphore_mem>>) src(%arg11 : memref<22x128xi32, #tpu.memory_space<vmem>>) dst(%dma_wait3A_70 : memref<22x128xi32, #tpu.memory_space<hbm>>)
      tpu.yield
    }) : () -> ()
    %run_scoped3A_47 = arith.constant 2 : i32
    "tpu.region"() ({
      %run_scoped3A_56 = tpu.sem_alloc : memref<!tpu.dma_semaphore, #tpu.memory_space<semaphore_mem>>
      %dma_start3A = arith.constant 0 : i32
      %dma_start3A_57 = arith.constant 0 : i32
      %dma_start3A_58 = tpu.memref_slice %arg4[%add3A, %run_scoped3A_47, %dma_start3A, %dma_start3A_57] : memref<32x4x22x128xi32, #tpu.memory_space<hbm>> -> memref<1x1x22x128xi32, #tpu.memory_space<hbm>>
      %dma_start3A_59 = tpu.memref_squeeze %dma_start3A_58 : memref<1x1x22x128xi32, #tpu.memory_space<hbm>> -> memref<22x128xi32, #tpu.memory_space<hbm>>
      %dma_start3A_60 = arith.constant 0 : i32
      %dma_start3A_61 = arith.constant 0 : i32
      %dma_start3A_62 = tpu.memref_slice %arg4[%add3A, %run_scoped3A_47, %dma_start3A_60, %dma_start3A_61] : memref<32x4x22x128xi32, #tpu.memory_space<hbm>> -> memref<1x1x22x128xi32, #tpu.memory_space<hbm>>
      %dma_start3A_63 = tpu.memref_squeeze %dma_start3A_62 : memref<1x1x22x128xi32, #tpu.memory_space<hbm>> -> memref<22x128xi32, #tpu.memory_space<hbm>>
      tpu.enqueue_dma source(%arg15 : memref<22x128xi32, #tpu.memory_space<vmem>>) target(%dma_start3A_63 : memref<22x128xi32, #tpu.memory_space<hbm>>) target_semaphore(%run_scoped3A_56 : memref<!tpu.dma_semaphore, #tpu.memory_space<semaphore_mem>>)
      %dma_wait3A = arith.constant 0 : i32
      %dma_wait3A_64 = arith.constant 0 : i32
      %dma_wait3A_65 = tpu.memref_slice %arg4[%add3A, %run_scoped3A_47, %dma_wait3A, %dma_wait3A_64] : memref<32x4x22x128xi32, #tpu.memory_space<hbm>> -> memref<1x1x22x128xi32, #tpu.memory_space<hbm>>
      %dma_wait3A_66 = tpu.memref_squeeze %dma_wait3A_65 : memref<1x1x22x128xi32, #tpu.memory_space<hbm>> -> memref<22x128xi32, #tpu.memory_space<hbm>>
      %dma_wait3A_67 = arith.constant 0 : i32
      %dma_wait3A_68 = arith.constant 0 : i32
      %dma_wait3A_69 = tpu.memref_slice %arg4[%add3A, %run_scoped3A_47, %dma_wait3A_67, %dma_wait3A_68] : memref<32x4x22x128xi32, #tpu.memory_space<hbm>> -> memref<1x1x22x128xi32, #tpu.memory_space<hbm>>
      %dma_wait3A_70 = tpu.memref_squeeze %dma_wait3A_69 : memref<1x1x22x128xi32, #tpu.memory_space<hbm>> -> memref<22x128xi32, #tpu.memory_space<hbm>>
      tpu.wait_dma2 semaphore(%run_scoped3A_56 : memref<!tpu.dma_semaphore, #tpu.memory_space<semaphore_mem>>) src(%arg15 : memref<22x128xi32, #tpu.memory_space<vmem>>) dst(%dma_wait3A_70 : memref<22x128xi32, #tpu.memory_space<hbm>>)
      tpu.yield
    }) : () -> ()
    %broadcast_in_dim3A_48 = vector.broadcast %while3A_36#2 : i32 to vector<16xi32>
    %swap3A_49 = arith.constant 32 : index
    %swap3A_50 = tpu.vector_load %arg17[%swap3A_49] {strides = array<i32>} : memref<64xi32, #tpu.memory_space<vmem>>, vector<16xi32>,
    tpu.vector_store %arg17[%swap3A_49], %broadcast_in_dim3A_48 {strides = array<i32>} : memref<64xi32, #tpu.memory_space<vmem>>, vector<16xi32>,
    %run_scoped3A_51 = arith.constant 3 : i32
    "tpu.region"() ({
      %run_scoped3A_56 = tpu.sem_alloc : memref<!tpu.dma_semaphore, #tpu.memory_space<semaphore_mem>>
      %dma_start3A = arith.constant 0 : i32
      %dma_start3A_57 = arith.constant 0 : i32
      %dma_start3A_58 = tpu.memref_slice %arg3[%add3A, %run_scoped3A_51, %dma_start3A, %dma_start3A_57] : memref<32x4x22x128xi32, #tpu.memory_space<hbm>> -> memref<1x1x22x128xi32, #tpu.memory_space<hbm>>
      %dma_start3A_59 = tpu.memref_squeeze %dma_start3A_58 : memref<1x1x22x128xi32, #tpu.memory_space<hbm>> -> memref<22x128xi32, #tpu.memory_space<hbm>>
      %dma_start3A_60 = arith.constant 0 : i32
      %dma_start3A_61 = arith.constant 0 : i32
      %dma_start3A_62 = tpu.memref_slice %arg3[%add3A, %run_scoped3A_51, %dma_start3A_60, %dma_start3A_61] : memref<32x4x22x128xi32, #tpu.memory_space<hbm>> -> memref<1x1x22x128xi32, #tpu.memory_space<hbm>>
      %dma_start3A_63 = tpu.memref_squeeze %dma_start3A_62 : memref<1x1x22x128xi32, #tpu.memory_space<hbm>> -> memref<22x128xi32, #tpu.memory_space<hbm>>
      tpu.enqueue_dma source(%arg12 : memref<22x128xi32, #tpu.memory_space<vmem>>) target(%dma_start3A_63 : memref<22x128xi32, #tpu.memory_space<hbm>>) target_semaphore(%run_scoped3A_56 : memref<!tpu.dma_semaphore, #tpu.memory_space<semaphore_mem>>)
      %dma_wait3A = arith.constant 0 : i32
      %dma_wait3A_64 = arith.constant 0 : i32
      %dma_wait3A_65 = tpu.memref_slice %arg3[%add3A, %run_scoped3A_51, %dma_wait3A, %dma_wait3A_64] : memref<32x4x22x128xi32, #tpu.memory_space<hbm>> -> memref<1x1x22x128xi32, #tpu.memory_space<hbm>>
      %dma_wait3A_66 = tpu.memref_squeeze %dma_wait3A_65 : memref<1x1x22x128xi32, #tpu.memory_space<hbm>> -> memref<22x128xi32, #tpu.memory_space<hbm>>
      %dma_wait3A_67 = arith.constant 0 : i32
      %dma_wait3A_68 = arith.constant 0 : i32
      %dma_wait3A_69 = tpu.memref_slice %arg3[%add3A, %run_scoped3A_51, %dma_wait3A_67, %dma_wait3A_68] : memref<32x4x22x128xi32, #tpu.memory_space<hbm>> -> memref<1x1x22x128xi32, #tpu.memory_space<hbm>>
      %dma_wait3A_70 = tpu.memref_squeeze %dma_wait3A_69 : memref<1x1x22x128xi32, #tpu.memory_space<hbm>> -> memref<22x128xi32, #tpu.memory_space<hbm>>
      tpu.wait_dma2 semaphore(%run_scoped3A_56 : memref<!tpu.dma_semaphore, #tpu.memory_space<semaphore_mem>>) src(%arg12 : memref<22x128xi32, #tpu.memory_space<vmem>>) dst(%dma_wait3A_70 : memref<22x128xi32, #tpu.memory_space<hbm>>)
      tpu.yield
    }) : () -> ()
    %run_scoped3A_52 = arith.constant 3 : i32
    "tpu.region"() ({
      %run_scoped3A_56 = tpu.sem_alloc : memref<!tpu.dma_semaphore, #tpu.memory_space<semaphore_mem>>
      %dma_start3A = arith.constant 0 : i32
      %dma_start3A_57 = arith.constant 0 : i32
      %dma_start3A_58 = tpu.memref_slice %arg4[%add3A, %run_scoped3A_52, %dma_start3A, %dma_start3A_57] : memref<32x4x22x128xi32, #tpu.memory_space<hbm>> -> memref<1x1x22x128xi32, #tpu.memory_space<hbm>>
      %dma_start3A_59 = tpu.memref_squeeze %dma_start3A_58 : memref<1x1x22x128xi32, #tpu.memory_space<hbm>> -> memref<22x128xi32, #tpu.memory_space<hbm>>
      %dma_start3A_60 = arith.constant 0 : i32
      %dma_start3A_61 = arith.constant 0 : i32
      %dma_start3A_62 = tpu.memref_slice %arg4[%add3A, %run_scoped3A_52, %dma_start3A_60, %dma_start3A_61] : memref<32x4x22x128xi32, #tpu.memory_space<hbm>> -> memref<1x1x22x128xi32, #tpu.memory_space<hbm>>
      %dma_start3A_63 = tpu.memref_squeeze %dma_start3A_62 : memref<1x1x22x128xi32, #tpu.memory_space<hbm>> -> memref<22x128xi32, #tpu.memory_space<hbm>>
      tpu.enqueue_dma source(%arg16 : memref<22x128xi32, #tpu.memory_space<vmem>>) target(%dma_start3A_63 : memref<22x128xi32, #tpu.memory_space<hbm>>) target_semaphore(%run_scoped3A_56 : memref<!tpu.dma_semaphore, #tpu.memory_space<semaphore_mem>>)
      %dma_wait3A = arith.constant 0 : i32
      %dma_wait3A_64 = arith.constant 0 : i32
      %dma_wait3A_65 = tpu.memref_slice %arg4[%add3A, %run_scoped3A_52, %dma_wait3A, %dma_wait3A_64] : memref<32x4x22x128xi32, #tpu.memory_space<hbm>> -> memref<1x1x22x128xi32, #tpu.memory_space<hbm>>
      %dma_wait3A_66 = tpu.memref_squeeze %dma_wait3A_65 : memref<1x1x22x128xi32, #tpu.memory_space<hbm>> -> memref<22x128xi32, #tpu.memory_space<hbm>>
      %dma_wait3A_67 = arith.constant 0 : i32
      %dma_wait3A_68 = arith.constant 0 : i32
      %dma_wait3A_69 = tpu.memref_slice %arg4[%add3A, %run_scoped3A_52, %dma_wait3A_67, %dma_wait3A_68] : memref<32x4x22x128xi32, #tpu.memory_space<hbm>> -> memref<1x1x22x128xi32, #tpu.memory_space<hbm>>
      %dma_wait3A_70 = tpu.memref_squeeze %dma_wait3A_69 : memref<1x1x22x128xi32, #tpu.memory_space<hbm>> -> memref<22x128xi32, #tpu.memory_space<hbm>>
      tpu.wait_dma2 semaphore(%run_scoped3A_56 : memref<!tpu.dma_semaphore, #tpu.memory_space<semaphore_mem>>) src(%arg16 : memref<22x128xi32, #tpu.memory_space<vmem>>) dst(%dma_wait3A_70 : memref<22x128xi32, #tpu.memory_space<hbm>>)
      tpu.yield
    }) : () -> ()
    %broadcast_in_dim3A_53 = vector.broadcast %while3A_36#3 : i32 to vector<16xi32>
    %swap3A_54 = arith.constant 48 : index
    %swap3A_55 = tpu.vector_load %arg17[%swap3A_54] {strides = array<i32>} : memref<64xi32, #tpu.memory_space<vmem>>, vector<16xi32>,
    tpu.vector_store %arg17[%swap3A_54], %broadcast_in_dim3A_53 {strides = array<i32>} : memref<64xi32, #tpu.memory_space<vmem>>, vector<16xi32>,
    "tpu.region"() ({
      %run_scoped3A_56 = tpu.sem_alloc : memref<!tpu.dma_semaphore, #tpu.memory_space<semaphore_mem>>
      %dma_start3A = arith.constant 0 : i32
      %dma_start3A_57 = tpu.memref_slice %arg5[%add3A, %dma_start3A] : memref<32x64xi32, #tpu.memory_space<hbm>> -> memref<1x64xi32, #tpu.memory_space<hbm>>
      %dma_start3A_58 = tpu.memref_squeeze %dma_start3A_57 : memref<1x64xi32, #tpu.memory_space<hbm>> -> memref<64xi32, #tpu.memory_space<hbm>>
      %dma_start3A_59 = arith.constant 0 : i32
      %dma_start3A_60 = tpu.memref_slice %arg5[%add3A, %dma_start3A_59] : memref<32x64xi32, #tpu.memory_space<hbm>> -> memref<1x64xi32, #tpu.memory_space<hbm>>
      %dma_start3A_61 = tpu.memref_squeeze %dma_start3A_60 : memref<1x64xi32, #tpu.memory_space<hbm>> -> memref<64xi32, #tpu.memory_space<hbm>>
      tpu.enqueue_dma source(%arg17 : memref<64xi32, #tpu.memory_space<vmem>>) target(%dma_start3A_61 : memref<64xi32, #tpu.memory_space<hbm>>) target_semaphore(%run_scoped3A_56 : memref<!tpu.dma_semaphore, #tpu.memory_space<semaphore_mem>>)
      %dma_wait3A = arith.constant 0 : i32
      %dma_wait3A_62 = tpu.memref_slice %arg5[%add3A, %dma_wait3A] : memref<32x64xi32, #tpu.memory_space<hbm>> -> memref<1x64xi32, #tpu.memory_space<hbm>>
      %dma_wait3A_63 = tpu.memref_squeeze %dma_wait3A_62 : memref<1x64xi32, #tpu.memory_space<hbm>> -> memref<64xi32, #tpu.memory_space<hbm>>
      %dma_wait3A_64 = arith.constant 0 : i32
      %dma_wait3A_65 = tpu.memref_slice %arg5[%add3A, %dma_wait3A_64] : memref<32x64xi32, #tpu.memory_space<hbm>> -> memref<1x64xi32, #tpu.memory_space<hbm>>
      %dma_wait3A_66 = tpu.memref_squeeze %dma_wait3A_65 : memref<1x64xi32, #tpu.memory_space<hbm>> -> memref<64xi32, #tpu.memory_space<hbm>>
      tpu.wait_dma2 semaphore(%run_scoped3A_56 : memref<!tpu.dma_semaphore, #tpu.memory_space<semaphore_mem>>) src(%arg17 : memref<64xi32, #tpu.memory_space<vmem>>) dst(%dma_wait3A_66 : memref<64xi32, #tpu.memory_space<hbm>>)
      tpu.yield
    }) : () -> ()
    "tpu.region"() ({
      %run_scoped3A_56 = tpu.sem_alloc : memref<!tpu.dma_semaphore, #tpu.memory_space<semaphore_mem>>
      %dma_start3A = arith.constant 0 : i32
      %dma_start3A_57 = tpu.memref_slice %arg6[%add3A, %dma_start3A] : memref<32x10112xf32, #tpu.memory_space<hbm>> -> memref<1x10112xf32, #tpu.memory_space<hbm>>
      %dma_start3A_58 = tpu.memref_squeeze %dma_start3A_57 : memref<1x10112xf32, #tpu.memory_space<hbm>> -> memref<10112xf32, #tpu.memory_space<hbm>>
      %dma_start3A_59 = arith.constant 0 : i32
      %dma_start3A_60 = tpu.memref_slice %arg6[%add3A, %dma_start3A_59] : memref<32x10112xf32, #tpu.memory_space<hbm>> -> memref<1x10112xf32, #tpu.memory_space<hbm>>
      %dma_start3A_61 = tpu.memref_squeeze %dma_start3A_60 : memref<1x10112xf32, #tpu.memory_space<hbm>> -> memref<10112xf32, #tpu.memory_space<hbm>>
      tpu.enqueue_dma source(%arg18 : memref<10112xf32, #tpu.memory_space<vmem>>) target(%dma_start3A_61 : memref<10112xf32, #tpu.memory_space<hbm>>) target_semaphore(%run_scoped3A_56 : memref<!tpu.dma_semaphore, #tpu.memory_space<semaphore_mem>>)
      %dma_wait3A = arith.constant 0 : i32
      %dma_wait3A_62 = tpu.memref_slice %arg6[%add3A, %dma_wait3A] : memref<32x10112xf32, #tpu.memory_space<hbm>> -> memref<1x10112xf32, #tpu.memory_space<hbm>>
      %dma_wait3A_63 = tpu.memref_squeeze %dma_wait3A_62 : memref<1x10112xf32, #tpu.memory_space<hbm>> -> memref<10112xf32, #tpu.memory_space<hbm>>
      %dma_wait3A_64 = arith.constant 0 : i32
      %dma_wait3A_65 = tpu.memref_slice %arg6[%add3A, %dma_wait3A_64] : memref<32x10112xf32, #tpu.memory_space<hbm>> -> memref<1x10112xf32, #tpu.memory_space<hbm>>
      %dma_wait3A_66 = tpu.memref_squeeze %dma_wait3A_65 : memref<1x10112xf32, #tpu.memory_space<hbm>> -> memref<10112xf32, #tpu.memory_space<hbm>>
      tpu.wait_dma2 semaphore(%run_scoped3A_56 : memref<!tpu.dma_semaphore, #tpu.memory_space<semaphore_mem>>) src(%arg18 : memref<10112xf32, #tpu.memory_space<vmem>>) dst(%dma_wait3A_66 : memref<10112xf32, #tpu.memory_space<hbm>>)
      tpu.yield
    }) : () -> ()
    return
  }
}

module attributes {stable_mosaic.version = 14 : i64} {
  func.func @_kdeg_body(%arg0: memref<32x10112xf32, #tpu.memory_space<vmem>>, %arg1: memref<1x10112xf32, #tpu.memory_space<vmem>>) attributes {dimension_semantics = [], scalar_prefetch = 0 : i64, scratch_operands = 0 : i64, tpu.core_type = #tpu.core_type<tc>} {
    %get3A = arith.constant 0 : index
    %get3A_0 = arith.constant 0 : index
    %get3A_1 = vector.load %arg0[%get3A, %get3A_0] : memref<32x10112xf32, #tpu.memory_space<vmem>>, vector<32x10112xf32>
    %reduce_sum3A = arith.constant dense<0.000000e+00> : vector<10112xf32>
    %reduce_sum3A_2 = vector.multi_reduction <add>, %get3A_1, %reduce_sum3A [0] : vector<32x10112xf32> to vector<10112xf32>
    %max3A = arith.constant 1.000000e+00 : f32
    %max3A_3 = vector.broadcast %max3A : f32 to vector<10112xf32>
    %max3A_4 = arith.maximumf %reduce_sum3A_2, %max3A_3 : vector<10112xf32>
    %div3A = arith.constant 1.000000e+00 : f32
    %div3A_5 = vector.broadcast %div3A : f32 to vector<10112xf32>
    %div3A_6 = arith.divf %div3A_5, %max3A_4 : vector<10112xf32>
    %reshape3A = vector.shape_cast %div3A_6 : vector<10112xf32> to vector<1x10112xf32>
    %swap3A = arith.constant 0 : index
    %swap3A_7 = arith.constant 0 : index
    %swap3A_8 = vector.load %arg1[%swap3A, %swap3A_7] : memref<1x10112xf32, #tpu.memory_space<vmem>>, vector<1x10112xf32>
    tpu.vector_store %arg1[%swap3A, %swap3A_7], %reshape3A {strides = array<i32>} : memref<1x10112xf32, #tpu.memory_space<vmem>>, vector<1x10112xf32>,
    return
  }
}

module attributes {stable_mosaic.version = 14 : i64} {
  func.func @_k1_body(%arg0: memref<10000x128xf32, #tpu.memory_space<vmem>>, %arg1: memref<128x128xf32, #tpu.memory_space<vmem>>, %arg2: memref<10000x128xf32, #tpu.memory_space<vmem>>) attributes {dimension_semantics = [], scalar_prefetch = 0 : i64, scratch_operands = 0 : i64, tpu.core_type = #tpu.core_type<tc>} {
    %get3A = arith.constant 0 : index
    %get3A_0 = arith.constant 0 : index
    %get3A_1 = vector.load %arg0[%get3A, %get3A_0] : memref<10000x128xf32, #tpu.memory_space<vmem>>, vector<10000x128xf32>
    %get3A_2 = arith.constant 0 : index
    %get3A_3 = arith.constant 0 : index
    %get3A_4 = vector.load %arg1[%get3A_2, %get3A_3] : memref<128x128xf32, #tpu.memory_space<vmem>>, vector<128x128xf32>
    %dot_general3A = arith.constant dense<0.000000e+00> : vector<10000x128xf32>
    %dot_general3A_5 = tpu.matmul %get3A_1, %get3A_4, %dot_general3A {dimension_numbers = #tpu.dot_dimension_numbers<[1], [0], [0], [1], [0, 0, 1, 1], [], []>, transpose_lhs_hint = false} : vector<10000x128xf32>, vector<128x128xf32>, vector<10000x128xf32> -> vector<10000x128xf32>
    %swap3A = arith.constant 0 : index
    %swap3A_6 = arith.constant 0 : index
    %swap3A_7 = vector.load %arg2[%swap3A, %swap3A_6] : memref<10000x128xf32, #tpu.memory_space<vmem>>, vector<10000x128xf32>
    tpu.vector_store %arg2[%swap3A, %swap3A_6], %dot_general3A_5 {strides = array<i32>} : memref<10000x128xf32, #tpu.memory_space<vmem>>, vector<10000x128xf32>,
    return
  }
}

module attributes {stable_mosaic.version = 14 : i64} {
  func.func @_k3_body(%arg0: memref<10000x128xf32, #tpu.memory_space<vmem>>, %arg1: memref<10112x128xf32, #tpu.memory_space<vmem>>, %arg2: memref<10000x1xf32, #tpu.memory_space<vmem>>, %arg3: memref<128x128xf32, #tpu.memory_space<vmem>>, %arg4: memref<1x128xf32, #tpu.memory_space<vmem>>, %arg5: memref<128x128xf32, #tpu.memory_space<vmem>>, %arg6: memref<10000x128xf32, #tpu.memory_space<vmem>>, %arg7: memref<10000x128xf32, #tpu.memory_space<vmem>>) attributes {dimension_semantics = [], scalar_prefetch = 0 : i64, scratch_operands = 0 : i64, tpu.core_type = #tpu.core_type<tc>} {
    %get3A = arith.constant 0 : index
    %get3A_0 = arith.constant 0 : index
    %get3A_1 = vector.load %arg1[%get3A, %get3A_0] : memref<10112x128xf32, #tpu.memory_space<vmem>>, vector<10000x128xf32>
    %get3A_2 = arith.constant 0 : index
    %get3A_3 = arith.constant 0 : index
    %get3A_4 = vector.load %arg2[%get3A_2, %get3A_3] : memref<10000x1xf32, #tpu.memory_space<vmem>>, vector<10000x1xf32>
    %mul3A = vector.broadcast %get3A_4 : vector<10000x1xf32> to vector<10000x128xf32>
    %mul3A_5 = arith.mulf %get3A_1, %mul3A : vector<10000x128xf32>
    %get3A_6 = arith.constant 0 : index
    %get3A_7 = arith.constant 0 : index
    %get3A_8 = vector.load %arg0[%get3A_6, %get3A_7] : memref<10000x128xf32, #tpu.memory_space<vmem>>, vector<10000x128xf32>
    %get3A_9 = arith.constant 0 : index
    %get3A_10 = arith.constant 0 : index
    %get3A_11 = vector.load %arg3[%get3A_9, %get3A_10] : memref<128x128xf32, #tpu.memory_space<vmem>>, vector<128x128xf32>
    %dot_general3A = arith.constant dense<0.000000e+00> : vector<10000x128xf32>
    %dot_general3A_12 = tpu.matmul %get3A_8, %get3A_11, %dot_general3A {dimension_numbers = #tpu.dot_dimension_numbers<[1], [0], [0], [1], [0, 0, 1, 1], [], []>, transpose_lhs_hint = false} : vector<10000x128xf32>, vector<128x128xf32>, vector<10000x128xf32> -> vector<10000x128xf32>
    %add3A = arith.addf %dot_general3A_12, %mul3A_5 : vector<10000x128xf32>
    %get3A_13 = arith.constant 0 : index
    %get3A_14 = arith.constant 0 : index
    %get3A_15 = vector.load %arg4[%get3A_13, %get3A_14] : memref<1x128xf32, #tpu.memory_space<vmem>>, vector<1x128xf32>
    %add3A_16 = vector.broadcast %get3A_15 : vector<1x128xf32> to vector<10000x128xf32>
    %add3A_17 = arith.addf %add3A, %add3A_16 : vector<10000x128xf32>
    %max3A = arith.constant 0.000000e+00 : f32
    %max3A_18 = vector.broadcast %max3A : f32 to vector<10000x128xf32>
    %max3A_19 = arith.maximumf %add3A_17, %max3A_18 : vector<10000x128xf32>
    %swap3A = arith.constant 0 : index
    %swap3A_20 = arith.constant 0 : index
    %swap3A_21 = vector.load %arg6[%swap3A, %swap3A_20] : memref<10000x128xf32, #tpu.memory_space<vmem>>, vector<10000x128xf32>
    tpu.vector_store %arg6[%swap3A, %swap3A_20], %max3A_19 {strides = array<i32>} : memref<10000x128xf32, #tpu.memory_space<vmem>>, vector<10000x128xf32>,
    %get3A_22 = arith.constant 0 : index
    %get3A_23 = arith.constant 0 : index
    %get3A_24 = vector.load %arg5[%get3A_22, %get3A_23] : memref<128x128xf32, #tpu.memory_space<vmem>>, vector<128x128xf32>
    %dot_general3A_25 = arith.constant dense<0.000000e+00> : vector<10000x128xf32>
    %dot_general3A_26 = tpu.matmul %max3A_19, %get3A_24, %dot_general3A_25 {dimension_numbers = #tpu.dot_dimension_numbers<[1], [0], [0], [1], [0, 0, 1, 1], [], []>, transpose_lhs_hint = false} : vector<10000x128xf32>, vector<128x128xf32>, vector<10000x128xf32> -> vector<10000x128xf32>
    %swap3A_27 = arith.constant 0 : index
    %swap3A_28 = arith.constant 0 : index
    %swap3A_29 = vector.load %arg7[%swap3A_27, %swap3A_28] : memref<10000x128xf32, #tpu.memory_space<vmem>>, vector<10000x128xf32>
    tpu.vector_store %arg7[%swap3A_27, %swap3A_28], %dot_general3A_26 {strides = array<i32>} : memref<10000x128xf32, #tpu.memory_space<vmem>>, vector<10000x128xf32>,
    return
  }
}

module attributes {stable_mosaic.version = 14 : i64} {
  func.func @_k5_body(%arg0: memref<10000x128xf32, #tpu.memory_space<vmem>>, %arg1: memref<10112x128xf32, #tpu.memory_space<vmem>>, %arg2: memref<10000x1xf32, #tpu.memory_space<vmem>>, %arg3: memref<128x128xf32, #tpu.memory_space<vmem>>, %arg4: memref<1x128xf32, #tpu.memory_space<vmem>>, %arg5: memref<128x40xf32, #tpu.memory_space<vmem>>, %arg6: memref<1x40xf32, #tpu.memory_space<vmem>>, %arg7: memref<10000x40xf32, #tpu.memory_space<vmem>>) attributes {dimension_semantics = [], scalar_prefetch = 0 : i64, scratch_operands = 0 : i64, tpu.core_type = #tpu.core_type<tc>} {
    %get3A = arith.constant 0 : index
    %get3A_0 = arith.constant 0 : index
    %get3A_1 = vector.load %arg1[%get3A, %get3A_0] : memref<10112x128xf32, #tpu.memory_space<vmem>>, vector<10000x128xf32>
    %get3A_2 = arith.constant 0 : index
    %get3A_3 = arith.constant 0 : index
    %get3A_4 = vector.load %arg2[%get3A_2, %get3A_3] : memref<10000x1xf32, #tpu.memory_space<vmem>>, vector<10000x1xf32>
    %mul3A = vector.broadcast %get3A_4 : vector<10000x1xf32> to vector<10000x128xf32>
    %mul3A_5 = arith.mulf %get3A_1, %mul3A : vector<10000x128xf32>
    %get3A_6 = arith.constant 0 : index
    %get3A_7 = arith.constant 0 : index
    %get3A_8 = vector.load %arg0[%get3A_6, %get3A_7] : memref<10000x128xf32, #tpu.memory_space<vmem>>, vector<10000x128xf32>
    %get3A_9 = arith.constant 0 : index
    %get3A_10 = arith.constant 0 : index
    %get3A_11 = vector.load %arg3[%get3A_9, %get3A_10] : memref<128x128xf32, #tpu.memory_space<vmem>>, vector<128x128xf32>
    %dot_general3A = arith.constant dense<0.000000e+00> : vector<10000x128xf32>
    %dot_general3A_12 = tpu.matmul %get3A_8, %get3A_11, %dot_general3A {dimension_numbers = #tpu.dot_dimension_numbers<[1], [0], [0], [1], [0, 0, 1, 1], [], []>, transpose_lhs_hint = false} : vector<10000x128xf32>, vector<128x128xf32>, vector<10000x128xf32> -> vector<10000x128xf32>
    %add3A = arith.addf %dot_general3A_12, %mul3A_5 : vector<10000x128xf32>
    %get3A_13 = arith.constant 0 : index
    %get3A_14 = arith.constant 0 : index
    %get3A_15 = vector.load %arg4[%get3A_13, %get3A_14] : memref<1x128xf32, #tpu.memory_space<vmem>>, vector<1x128xf32>
    %add3A_16 = vector.broadcast %get3A_15 : vector<1x128xf32> to vector<10000x128xf32>
    %add3A_17 = arith.addf %add3A, %add3A_16 : vector<10000x128xf32>
    %get3A_18 = arith.constant 0 : index
    %get3A_19 = arith.constant 0 : index
    %get3A_20 = vector.load %arg5[%get3A_18, %get3A_19] : memref<128x40xf32, #tpu.memory_space<vmem>>, vector<128x40xf32>
    %dot_general3A_21 = arith.constant dense<0.000000e+00> : vector<10000x40xf32>
    %dot_general3A_22 = tpu.matmul %add3A_17, %get3A_20, %dot_general3A_21 {dimension_numbers = #tpu.dot_dimension_numbers<[1], [0], [0], [1], [0, 0, 1, 1], [], []>, transpose_lhs_hint = false} : vector<10000x128xf32>, vector<128x40xf32>, vector<10000x40xf32> -> vector<10000x40xf32>
    %get3A_23 = arith.constant 0 : index
    %get3A_24 = arith.constant 0 : index
    %get3A_25 = vector.load %arg6[%get3A_23, %get3A_24] : memref<1x40xf32, #tpu.memory_space<vmem>>, vector<1x40xf32>
    %add3A_26 = vector.broadcast %get3A_25 : vector<1x40xf32> to vector<10000x40xf32>
    %add3A_27 = arith.addf %dot_general3A_22, %add3A_26 : vector<10000x40xf32>
    %swap3A = arith.constant 0 : index
    %swap3A_28 = arith.constant 0 : index
    %swap3A_29 = vector.load %arg7[%swap3A, %swap3A_28] : memref<10000x40xf32, #tpu.memory_space<vmem>>, vector<10000x40xf32>
    tpu.vector_store %arg7[%swap3A, %swap3A_28], %add3A_27 {strides = array<i32>} : memref<10000x40xf32, #tpu.memory_space<vmem>>, vector<10000x40xf32>,
    return
  }
}

</mosaic_0001>

<sc_bundles>
// kernel: kernel.12.cloned.1.call-start
scs
__scs_entry_jumppad:
0x0: {  	(pc) =	sbr.rel $0x88, $3  }
0x1: {  	(tag) =	ssettag $0x0;
	lr =	simm.s32 $0x1  }
0x2: {  	[smem:$0x3F97] =	sst lr;
	_ =	strace $0xD0000000  }
0x3: {  	_ = 	snop  }
0x4: {  	_ = 	snop  }
0x5: {  	_ = 	snop  }
0x6: {  	_ = 	snop  }
0x7: {  	_ = 	snop  }
__scs_overlays_trampoline_lowered:
0x8: {  	[smem:$0x3FA6] =	sst s0  }
0x9: {  	[smem:$0x3FA7] =	sst s1  }
0xa: {  	[smem:$0x3FA8] =	sst s2  }
0xb: {  	[smem:$0x3FA9] =	sst s3  }
0xc: {  	[smem:$0x3FAA] =	sst s4  }
0xd: {  	[smem:$0x3FAB] =	sst s5  }
0xe: {  	[smem:$0x3FAC] =	sst s6  }
0xf: {  	[smem:$0x3FAD] =	sst s7  }
0x10: {  	[smem:$0x3FAE] =	sst s8  }
0x11: {  	[smem:$0x3FAF] =	sst s9;
	s0 =	simm.s32 @!p0 $0x0  }
0x12: {  	s1 =	sld [smem:$0x3F95];
	s0 =	simm.s32 @p0 $0x1  }
0x13: {  	[smem:$0x3FB0] =	sst s0;
	s0 =	simm.s32 @!p1 $0x0  }
0x14: {  	s2 =	sld [smem:$0x3F94];
	s0 =	simm.s32 @p1 $0x1  }
0x15: {  	[smem:$0x3FB1] =	sst s0;
	s0 =	simm.s32 @!p2 $0x0  }
0x16: {  	s3 =	sld [smem:$0x3FDB];
	s0 =	simm.s32 @p2 $0x1  }
0x17: {  	s4 =	simm.s32 $0x1BF5;
	[smem:$0x3FB3] =	sst s0  }
0x18: {  	s0 =	sld [smem:$0x3F96];
	_ =	swait.ge [sflag:s4], $0x0  }
0x19: {  	s7 =	sld [smem:$0x3F97]  }
0x1a: {  	s8 =	sadd.s32 $0xFFFFE003, lr  }
0x1b: {  	s9 =	sadd.s32 $0xFFFFFEF7, lr;
	s5 =	simm.s32 $0xFFFFFFFF;
	p2 =	slt.u32 s8, $0xFFFFF086  }
0x1c: {  	p1 =	slt.u32 s9, $0xF7A;
	s5 =	simm.s32 @!p2 $0x0  }
0x1d: {  	s5 =	simm.s32 @p1 $0x1;
	p0 =	seq.s32 s7, s2  }
0x1e: {  	s7 =	smul.u32 @!p0 $0xF7A, s2;
	p2 =	seq.s32 @!p0 s5, $0x0  }
0x1f: {  	s9 =	smul.u32 $0xF7A, s1;
	s8 =	simm.s32 @!p0 $0x1BF5;
	p2 =	por !p2, p0  }
0x20: {  	[sflag:s8] =	ssyncset.s32 @!p0 $0xFFFFF086;
	s6 =	sadd.s32 @!p0 s3, s7;
	s7 =	simm.s32 @!p0 $0x108  }
0x21: {  	s3 =	sadd.s32 s3, s9;
	s6 =	sadd.s32 @!p0 $0x88, s6;
	s7 =	simm.s32 @p2 $0x1082  }
0x22: {  	[simem:s7], [sflag:s8] =	dma.local @!p0 [hbm:s6], $0xF7A  }
0x23: {  	s9 =	sor.u32 $0xD0000000, s2;
	s6 =	simm.s32 $0x108;
	_ =	swait.ge @!p0 [sflag:s8], $0x0  }
0x24: {  	s3 =	sadd.s32 $0x88, s3;
	s6 =	simm.s32 @!p1 $0x1082;
	[sflag:s4] =	ssyncset.s32 $0xFFFFF086  }
0x25: {  	[simem:s6], [sflag:s4] =	dma.local [hbm:s3], $0xF7A  }
0x26: {  	[smem:$0x3F97] =	sst s1;
	(tag) =	ssettag s2;
	_ =	strace s9  }
0x27: {  	s1 =	sld [smem:$0x3FA7]  }
0x28: {  	s2 =	sld [smem:$0x3FA8]  }
0x29: {  	s4 =	sld [smem:$0x3FAA]  }
0x2a: {  	p0 =	seq.s32 s5, $0x0;
	s5 =	sld [smem:$0x3FAB]  }
0x2b: {  	s6 =	sld [smem:$0x3FAC]  }
0x2c: {  	s7 =	sld [smem:$0x3FAD]  }
0x2d: {  	s3 =	simm.s32 $0x108;
	s8 =	sld [smem:$0x3FAE]  }
0x2e: {  	s3 =	simm.s32 @!p0 $0x1082;
	s9 =	sld [smem:$0x3FAF]  }
0x2f: {  	lr =	sadd.s32 s0, s3;
	s0 =	sld [smem:$0x3FA6]  }
0x30: {  	s3 =	sld [smem:$0x3FA9]  }
0x31: {  	[smem:$0x3FB2] =	sst s10  }
0x32: {  	s10 =	sld [smem:$0x3FB0];
	_ =	sdelay $0x3  }
0x33: {  	p0 =	seq.s32 s10, $0x1;
	s10 =	sld [smem:$0x3FB2];
	_ =	sdelay $0x3  }
0x34: {  	[smem:$0x3FB2] =	sst s10  }
0x35: {  	s10 =	sld [smem:$0x3FB1];
	_ =	sdelay $0x3  }
0x36: {  	p1 =	seq.s32 s10, $0x1;
	s10 =	sld [smem:$0x3FB2];
	_ =	sdelay $0x3  }
0x37: {  	[smem:$0x3FB2] =	sst s10  }
0x38: {  	s10 =	sld [smem:$0x3FB3]  }
0x39: {  	_ = 	snop;
	(pc) =	sbr.ind lr, $3  }
0x3a: {  	_ = 	snop  }
0x3b: {  	_ = 	snop  }
0x3c: {  	p2 =	seq.s32 s10, $0x1;
	s10 =	sld [smem:$0x3FB2]  }
0x3d: {  	_ =	shalt  }
0x3e: {  	_ =	shalt  }
0x3f: {  	_ =	shalt  }
0x40: {  	_ =	shalt  }
0x41: {  	_ =	shalt  }
0x42: {  	_ =	shalt  }
0x43: {  	_ =	shalt  }
0x44: {  	_ =	shalt  }
0x45: {  	_ =	shalt  }
0x46: {  	_ =	shalt  }
0x47: {  	_ =	shalt  }
0x48: {  	_ =	shalt  }
0x49: {  	_ =	shalt  }
0x4a: {  	_ =	shalt  }
0x4b: {  	_ =	shalt  }
0x4c: {  	_ =	shalt  }
0x4d: {  	_ =	shalt  }
0x4e: {  	_ =	shalt  }
0x4f: {  	_ =	shalt  }
0x50: {  	_ =	shalt  }
0x51: {  	_ =	shalt  }
0x52: {  	_ =	shalt  }
0x53: {  	_ =	shalt  }
0x54: {  	_ =	shalt  }
0x55: {  	_ =	shalt  }
0x56: {  	_ =	shalt  }
0x57: {  	_ =	shalt  }
0x58: {  	_ =	shalt  }
0x59: {  	_ =	shalt  }
0x5a: {  	_ =	shalt  }
0x5b: {  	_ =	shalt  }
0x5c: {  	_ =	shalt  }
0x5d: {  	_ =	shalt  }
0x5e: {  	_ =	shalt  }
0x5f: {  	_ =	shalt  }
0x60: {  	_ =	shalt  }
0x61: {  	_ =	shalt  }
0x62: {  	_ =	shalt  }
0x63: {  	_ =	shalt  }
0x64: {  	_ =	shalt  }
0x65: {  	_ =	shalt  }
0x66: {  	_ =	shalt  }
0x67: {  	_ =	shalt  }
0x68: {  	_ =	shalt  }
0x69: {  	_ =	shalt  }
0x6a: {  	_ =	shalt  }
0x6b: {  	_ =	shalt  }
0x6c: {  	_ =	shalt  }
0x6d: {  	_ =	shalt  }
0x6e: {  	_ =	shalt  }
0x6f: {  	_ =	shalt  }
0x70: {  	_ =	shalt  }
0x71: {  	_ =	shalt  }
0x72: {  	_ =	shalt  }
0x73: {  	_ =	shalt  }
0x74: {  	_ =	shalt  }
0x75: {  	_ =	shalt  }
0x76: {  	_ =	shalt  }
0x77: {  	_ =	shalt  }
0x78: {  	_ =	shalt  }
0x79: {  	_ =	shalt  }
0x7a: {  	_ =	shalt  }
0x7b: {  	_ =	shalt  }
0x7c: {  	_ =	shalt  }
0x7d: {  	_ =	shalt  }
0x7e: {  	_ =	shalt  }
0x7f: {  	_ =	shalt  }
0x80: {  	_ =	shalt  }
0x81: {  	_ =	shalt  }
0x82: {  	_ =	shalt  }
0x83: {  	_ =	shalt  }
0x84: {  	_ =	shalt  }
0x85: {  	_ =	shalt  }
0x86: {  	_ =	shalt  }
0x87: {  	_ =	shalt  }
.Lfunc_end0:
.L_simem_size_0:
called_computation.1_lowered:
.L_overlay_start_0:
0x88: {  	s2 =	sld [smem:$0x3FD9]  }
0x89: {  	s3 =	sld [smem:$0x3FFE];
	_ =	sdelay $0x1  }
0x8a: {  	s1 =	srdreg.scid  }
0x8b: {  	s0 =	sand.u32 $0x1, s1  }
0x8c: {  	s17 =	sshll.u32 s0, $0xA;
	s2 =	sadd.s32 s3, s2  }
0x8d: {  	s2 =	sadd.s32 s2, s17  }
0x8e: {  	[smem:$0x3FBE] =	sst s2  }
0x8f: {  	_ = 	snop  }
0x90: {  	s2 =	sld [smem:$0x3FD0];
	(tm) =	ssettm $0x1  }
0x91: {  	s18 =	sld [smem:$0x3FFB];
	_ =	sdelay $0x3  }
0x92: {  	_ =	strace s18  }
0x93: {  	s3 =	sld [smem:$0x3FFC];
	_ =	sdelay $0x3  }
0x94: {  	_ =	strace s3  }
0x95: {  	s3 =	sld [smem:$0x3FFD];
	_ =	sdelay $0x3  }
0x96: {  	_ =	strace s3  }
0x97: {  	_ =	strace $0x8FFFFFFF  }
0x98: {  	s19 =	sld [smem:$0x3FDB];
	_ =	sdelay $0x1  }
0x99: {  	s4 =	simm.s32 $_scs_section_size  }
0x9a: {  	s5 =	simm.s32 $_size__tile_overlayer_lowered;
	s6 =	simm.s32 $_tile_overlayer_lowered  }
0x9b: {  	s22 =	simm.s32 $0x1BFF;
	s21 =	sshll.u32 s6, $0x1;
	s3 =	sadd.s32 s4, s19  }
0x9c: {  	s7 =	simm.s32 $0x0;
	s20 =	sshll.u32 s5, $0x1;
	s5 =	sadd.s32 s21, s3  }
0x9d: {  	[timem:s7], [sflag:s22] =	dma.local [hbm:s5], s20  }
0x9e: {  	_ =	swait.ge [sflag:s22], s20  }
0x9f: {  	s4 =	ssub.s32 $0x0, s20;
	[sflag:s22] =	ssyncset.done $0x0  }
0xa0: {  	[sflag:s22] =	ssyncadd.s32 s4;
	_ =	sdelay $0x1  }
0xa1: {  	s23 =	simm.s32 $0x1B8B  }
0xa2: {  	_ =	swait.ge [sflag:s23], $0x1  }
0xa3: {  	[sflag:s23] =	ssyncset.done $0x0  }
0xa4: {  	s25 =	simm.s32 $0x1B8E;
	s24 =	sld [smem:$0x3FFE];
	[sflag:s23] =	ssyncadd.s32 $0xFFFFFFFF  }
0xa5: {  	s26 =	simm.s32 $execute0_lowered;
	[smem:$0x3FD2] =	sst s25  }
0xa6: {  	s5 =	sshll.u32 s26, $0x1;
	_ =	strace $0x80000049;
	[dreg:$0x1] =	wrdreg $0xFFFFFFFF  }
0xa7: {  	s28 =	simm.s32 $_size_execute0_lowered;
	s3 =	sadd.s32 s3, s5;
	[dreg:$0x0] =	wrdreg $0x0  }
0xa8: {  	s5 =	sshll.u32 s28, $0x1;
	[dreg:$0x2] =	wrdreg s3  }
0xa9: {  	[dreg:$0x3] =	wrdreg s5  }
0xaa: {  	[dreg:$0x4] =	wrdreg $0xC0  }
0xab: {  	_ =	task [dreg:s7], $0x5FFFF  }
0xac: {  	[dreg:$0x1] =	wrdreg $0xFFFFFFFF  }
0xad: {  	[dreg:$0x0] =	wrdreg $0x60  }
0xae: {  	[dreg:$0x2] =	wrdreg s24  }
0xaf: {  	[dreg:$0x3] =	wrdreg s2  }
0xb0: {  	[dreg:$0x4] =	wrdreg $0xF1000  }
0xb1: {  	[dreg:$0x5] =	wrdreg $0x9  }
0xb2: {  	_ =	task.clear_ibuf [dreg:s7], $0x6FFFF;
	_ =	strace $0x90000049  }
0xb3: {  	s29 =	simm.s32 $0x9;
	_ =	strace $0x8000004B  }
0xb4: {  	_ =	swait.ge [sflag:s29], $0x1  }
0xb5: {  	[sflag:s29] =	ssyncadd.s32 $0xFFFFFFFF  }
0xb6: {  	_ =	strace $0x9000004B  }
0xb7: {  	_ =	sfence  }
0xb8: {  	s30 =	sld [smem:$0x0];
	_ =	sdelay $0x2  }
0xb9: {  	s31 =	sshll.u32 s1, $0xD;
	s1 =	sshrl.u32 s1, $0x2  }
0xba: {  	s3 =	sand.u32 $0x4000, s31;
	s1 =	sadd.s32 s1, s30  }
0xbb: {  	s0 =	sor.u32 s3, s0;
	s1 =	sshll.u32 s1, $0x11  }
0xbc: {  	s0 =	sor.u32 s1, s0  }
0xbd: {  	s0 =	sadd.s32 $0x8F2B, s0  }
0xbe: {  	[sflag:s0] =	ssyncadd.remote.s32 $0x1  }
0xbf: {  	_ =	sfence.sel $0xFFFF  }
0xc0: {  	[dreg:$0x0] =	wrdreg $0xFFFFFFFF;
	(pc) =	sbr.abs _section_cstart, $3  }
0xc1: {  	[dreg:$0x1] =	wrdreg $0xFFFFFFFF  }
0xc2: {  	_ =	task.clear_ibuf [dreg:s7], $0x2FFFF;
	_ =	strace $0x9FFFFFFF  }
0xc3: {  	(tm) =	ssettm $0x7FFFFFFF  }
tec
execute0_lowered:
.L_overlay_start_1:
0x0: {  	(tag) =	ssettag $0x1  }
0x1: {  	s0 =	rddreg [dreg:$0x0]  }
0x2: {  	s4 =	rddreg [dreg:$0x1]  }
0x3: {  	s1 =	rddreg [dreg:$0x2];
	s2 =	simm.s32 $0x0  }
0x4: {  	s5 =	srdreg.scid;
	s18 =	stileid.u32;
	s28 =	simm.s32 $0xB100  }
0x5: {  	s29 =	simm.s32 $0x1800;
	s30 =	simm.s32 $0x2300;
	[smem:$0x7FF] =	sst s2  }
0x6: {  	s3 =	sadd.s32 $0x18C00, s0;
	s5 =	sand.u32 $0x1, s5;
	s10 =	smul.u32 $0x15000, s18  }
0x7: {  	s6 =	sadd.s32 $0xCA00, s0;
	s7 =	sadd.s32 $0x18A00, s0;
	s14 =	smul.u32 $0x6000, s18  }
0x8: {  	s0 =	sadd.s32 $0x3FE00, s0;
	s16 =	sshllo.u32 s18, $0x1;
	s31 =	smul.u32 $0x14000, s18  }
0x9: {  	s11 =	sshll.u32 s18, $0x5;
	p0 =	seq.s32 s18, $0xF;
	s15 =	smul.u32 $0xC00, s5  }
0xa: {  	_ =	strace $0x8000004A;
	s12 =	sshll.u32 s16, $0x4;
	s16 =	smul.u32 $0x3000, s16  }
0xb: {  	s8 =	ssub.s32 $0x2, s5;
	s13 =	sand.u32 $0x180, s11;
	s22 =	smul.u32 $0x9E0, s5  }
0xc: {  	s9 =	sshrl.u32 s8, $0x1;
	s12 =	sand.u32 $0x70, s12;
	s13 =	sadd.s32 s7, s13  }
0xd: {  	s10 =	sshrl.u32 s10, $0x2;
	s7 =	sadd.s32 s7, s11;
	s9 =	ssub.s32 s8, s9  }
0xe: {  	[dreg:$0x8] =	wrdreg s7;
	s17 =	sadd.s32 s12, s13;
	s19 =	sor.u32 s15, s14  }
0xf: {  	s7 =	sadd.s32 s10, s1;
	s21 =	sor.u32 s15, s16;
	s10 =	sshrl.u32 s19, $0x3  }
0x10: {  	[dreg:$0x9] =	wrdreg s17;
	s11 =	sshrl.u32 s21, $0x3;
	s23 =	sadd.s32 s4, s10  }
0x11: {  	s17 =	smul.u32 $0xA0, s18;
	s24 =	sadd.s32 s4, s11;
	[dreg:$0xa] =	wrdreg s23  }
0x12: {  	s25 =	sadd.s32 s6, s10;
	s26 =	sadd.s32 s6, s11;
	[dreg:$0xb] =	wrdreg s24  }
0x13: {  	s11 =	sshll.u32 s5, $0x4;
	s5 =	sor.u32 $0x2, s5;
	[dreg:$0xc] =	wrdreg s25  }
0x14: {  	s10 =	sshrl.u32 s31, $0x2;
	s31 =	smax.u32 s9, $0x1;
	[dreg:$0xd] =	wrdreg s26  }
0x15: {  	[dreg:$0xe] =	wrdreg s11;
	s12 =	sadd.s32 s17, s22;
	s13 =	smul.u32 $0xC00, s5  }
0x16: {  	s15 =	sadd.s32 s10, s1;
	s19 =	smul.u32 $0x9E0, s5;
	[dreg:$0x15] =	wrdreg s31  }
0x17: {  	s22 =	sadd.s32 $0x4B000, s1;
	s11 =	sshll.u32 s12, $0x4;
	[dreg:$0xf] =	wrdreg s15  }
0x18: {  	s20 =	sadd.s32 $0x4000, s7;
	[dreg:$0x10] =	wrdreg s22;
	s15 =	sadd.s32 s0, s11  }
0x19: {  	s21 =	sadd.s32 s14, s13;
	s12 =	sadd.s32 s13, s16;
	s10 =	sadd.s32 s17, s19  }
0x1a: {  	s11 =	sshrl.u32 s21, $0x3;
	s12 =	sshrl.u32 s12, $0x3;
	s21 =	sshll.u32 s5, $0x4  }
0x1b: {  	s26 =	sshll.u32 s10, $0x4;
	s5 =	simm.s32 $0x0;
	s23 =	sadd.s32 s4, s11  }
.Ltmp0:
0x1c: {  	s4 =	sadd.s32 s4, s12;
	[dreg:$0x11] =	wrdreg s23;
	(pc) =	sbr.rel .LBB2_1-.Ltmp0, $4  }
0x1d: {  	s24 =	sadd.s32 s6, s11;
	s25 =	sadd.s32 s6, s12;
	[dreg:$0x12] =	wrdreg s4  }
0x1e: {  	s22 =	sadd.s32 s0, s26;
	s0 =	simm.s32 $0x80;
	[dreg:$0x13] =	wrdreg s24  }
0x1f: {  	s26 =	simm.s32 $0x1;
	[dreg:$0x14] =	wrdreg s25;
	s25 =	simm.s32 $0x3  }
0x20: {  	v0 =	vimm.f32 $0.0e+00;
	s23 =	simm.s32 $0xB00;
	s24 =	simm.s32 $0x3000;
	s4 =	simm.s32 $0x4  }
.LBB2_9:
0x21: {  	[bflag:$0x0] =	sbarrier.arrive $0xFFFF  }
0x22: {  	[hbm:s22], [sflag:s10] =	dma.local @p0 [spmem:s6], $0x800  }
0x23: {  	_ =	swait.ge @p0 [sflag:s9], $0x800  }
0x24: {  	[sflag:s9] =	ssyncset.done @p0 $0x0  }
0x25: {  	[sflag:s9] =	ssyncadd.s32 @p0 $0xFFFFF800  }
0x26: {  	[hbm:s22], [sflag:s12] =	dma.local @!p0 [spmem:s14], $0xA00  }
0x27: {  	_ =	swait.ge @!p0 [sflag:s11], $0xA00  }
0x28: {  	s5 =	sadd.s32 $0x1, s5;
	s31 =	rddreg [dreg:$0x15]  }
0x29: {  	p1 =	sne.s32 s5, s31  }
.Ltmp1:
0x2a: {  	_ = 	snop;
	(pc) =	sbr.rel @!p1 .LBB2_10-.Ltmp1, $4  }
0x2b: {  	[sflag:s11] =	ssyncset.done @!p0 $0x0  }
0x2c: {  	[sflag:s11] =	ssyncadd.s32 @!p0 $0xFFFFF600  }
0x2d: {  	s20 =	smov.u32 s7;
	s7 =	smov.u32 s13;
	[bflag:$0x0] =	sbarrier.arrive $0xFFFF  }
0x2e: {  	s23 =	simm.s32 $0xB00;
	s29 =	simm.s32 $0x1800;
	s30 =	simm.s32 $0x2300  }
.LBB2_1:
0x2f: {  	s6 =	simm.s32 $0x0;
	s9 =	simm.s32 $0x200  }
.LBB2_2:
0x30: {  	p1 =	sne.s32 s9, $0xFE00;
	[tilespmem:s6+$0xB170] =	vst v0  }
0x31: {  	[tilespmem:s6+$0xB100] =	vst v0  }
0x32: {  	[tilespmem:s6+$0xB110] =	vst v0  }
.Ltmp2:
0x33: {  	[tilespmem:s6+$0xB120] =	vst v0;
	(pc) =	sbr.rel @p1 .LBB2_2-.Ltmp2, $4  }
0x34: {  	[tilespmem:s6+$0xB130] =	vst v0  }
0x35: {  	[tilespmem:s6+$0xB140] =	vst v0  }
0x36: {  	[tilespmem:s6+$0xB150] =	vst v0  }
0x37: {  	[tilespmem:s6+$0xB160] =	vst v0;
	s6 =	sshra.s32 s9, $0x2;
	s9 =	sadd.s32 $0x200, s9  }
0x38: {  	[tilespmem:s6+$0xB170] =	vst v0  }
0x39: {  	[tilespmem:s6+$0xB100] =	vst v0  }
0x3a: {  	[tilespmem:s6+$0xB110] =	vst v0  }
0x3b: {  	[tilespmem:s6+$0xB120] =	vst v0  }
0x3c: {  	[tilespmem:s6+$0xB130] =	vst v0  }
0x3d: {  	[tilespmem:s6+$0xB140] =	vst v0  }
0x3e: {  	[tilespmem:s6+$0xB150] =	vst v0  }
0x3f: {  	[tilespmem:s6+$0xB160] =	vst v0;
	s11 =	rddreg [dreg:$0x8];
	s8 =	simm.s32 $0xB000  }
0x40: {  	[tilespmem:s8], [sflag:$0x3] =	stream.linear.gather [hbm4b:s11+s2], $0x80, $0x38;
	[tilespmem:$0x14500] =	vst v63  }
0x41: {  	_ =	swait.ge [sflag:s25], $0x80  }
0x42: {  	[sflag:s25] =	ssyncset.done $0x0  }
0x43: {  	s13 =	simm.s32 $0xB080;
	s12 =	rddreg [dreg:$0x9];
	[sflag:s25] =	ssyncadd.s32 $0xFFFFFF80  }
0x44: {  	[tilespmem:s13], [sflag:$0x3] =	stream.linear.gather [hbm4b:s12+s2], $0x80, $0x38;
	[tilespmem:$0x14500] =	vst v63  }
0x45: {  	_ =	swait.ge [sflag:s25], $0x80  }
0x46: {  	[sflag:s25] =	ssyncset.done $0x0  }
0x47: {  	[sflag:s25] =	ssyncadd.s32 $0xFFFFFF80  }
0x48: {  	[spmem:s7] =	stream.linear.scatter [tilespmem:s28], [sflag:$0x3], $0x4000, $0x38;
	[tilespmem:$0x14500] =	vst v63  }
0x49: {  	_ =	swait.ge [sflag:s25], $0x4000  }
0x4a: {  	[sflag:s25] =	ssyncset.done $0x0  }
0x4b: {  	[sflag:s25] =	ssyncadd.s32 $0xFFFFC000  }
0x4c: {  	[spmem:s20] =	stream.linear.scatter [tilespmem:s28], [sflag:$0x3], $0x1400, $0x38;
	[tilespmem:$0x14500] =	vst v63  }
0x4d: {  	_ =	swait.ge [sflag:s25], $0x1400  }
0x4e: {  	[sflag:s25] =	ssyncset.done $0x0  }
0x4f: {  	[sflag:s25] =	ssyncadd.s32 $0xFFFFEC00  }
0x50: {  	[bflag:$0x0] =	sbarrier.arrive $0xFFFF  }
0x51: {  	s14 =	rddreg [dreg:$0xa]  }
0x52: {  	[tilespmem:s2], [sflag:$0x3] =	stream.linear.gather [hbm4b:s14+s2], $0xB00, $0x38;
	[tilespmem:$0x14500] =	vst v63  }
0x53: {  	_ =	swait.ge [sflag:s25], $0xB00  }
0x54: {  	[sflag:s25] =	ssyncset.done $0x0  }
0x55: {  	s16 =	rddreg [dreg:$0xb];
	[sflag:s25] =	ssyncadd.s32 $0xFFFFF500  }
0x56: {  	[tilespmem:s23], [sflag:$0x3] =	stream.linear.gather [hbm4b:s16+s2], $0xB00, $0x38;
	[tilespmem:$0x14500] =	vst v63  }
0x57: {  	_ =	swait.ge [sflag:s25], $0xB00  }
0x58: {  	[sflag:s25] =	ssyncset.done $0x0  }
0x59: {  	s17 =	rddreg [dreg:$0xc];
	[sflag:s25] =	ssyncadd.s32 $0xFFFFF500  }
0x5a: {  	[tilespmem:s29], [sflag:$0x3] =	stream.linear.gather [hbm4b:s17+s2], $0xB00, $0x38;
	[tilespmem:$0x14500] =	vst v63  }
0x5b: {  	_ =	swait.ge [sflag:s25], $0xB00  }
0x5c: {  	[sflag:s25] =	ssyncset.done $0x0  }
0x5d: {  	s18 =	rddreg [dreg:$0xd];
	[sflag:s25] =	ssyncadd.s32 $0xFFFFF500  }
0x5e: {  	[tilespmem:s30], [sflag:$0x3] =	stream.linear.gather [hbm4b:s18+s2], $0xB00, $0x38;
	[tilespmem:$0x14500] =	vst v63  }
0x5f: {  	_ =	swait.ge [sflag:s25], $0xB00  }
0x60: {  	[sflag:s25] =	ssyncset.done $0x0  }
0x61: {  	s19 =	rddreg [dreg:$0xe];
	[sflag:s25] =	ssyncadd.s32 $0xFFFFF500  }
0x62: {  	v1 =	vld [tilespmem:s19+$0xB000]  }
0x63: {  	v2 =	vld [tilespmem:s19+$0xB080];
	_ =	sdelay $0x3  }
0x64: {  	v1 =	vxor.u32 $0x80000000, v1  }
0x65: {  	(xrf0) =	vmax.scan.msk.u32 $0xffff, v1;
	v1 =	vxor.u32 $0x80000000, v2  }
0x66: {  	(xrf0) =	vmax.scan.msk.u32 $0xffff, v1;
	_ =	sdelay $0x4  }
0x67: {  	v1, _, _ =	vpop (xrf0)  }
0x68: {  	(v2sf) =	vpush v1, $0xF;
	v1, _, _ =	vpop (xrf0)  }
0x69: {  	(v2sf) =	vpush v1, $0xF;
	_ =	sdelay $0xd  }
0x6a: {  	s31 =	spop (v2sf)  }
0x6b: {  	s9 =	spop (v2sf)  }
0x6c: {  	s6 =	sadd.s32 $0x8000007F, s31;
	s9 =	sadd.s32 $0x8000007F, s9  }
0x6d: {  	s6 =	sshrl.u32 s6, $0x7;
	s9 =	sshrl.u32 s9, $0x7  }
0x6e: {  	s9 =	sadd.s32 s6, s9  }
0x6f: {  	p1 =	seq.s32 s9, $0x0  }
.Ltmp3:
0x70: {  	_ = 	snop;
	(pc) =	sbr.rel @p1 .LBB2_6-.Ltmp3, $1  }
0x71: {  	_ =	sdelay $0x3  }
0x72: {  	p1 =	seq.s32 s6, $0x0;
	s10 =	simm.s32 $0xB00  }
0x73: {  	s31 =	sadd.s32 $0x1, s9;
	s11 =	ssub.s32 $0x16, s6;
	s10 =	simm.s32 @!p1 $0x0  }
0x74: {  	[tilespmem:s24], [sflag:$0x1] =	stream.indirect.gather [hbm4b:s3+s0], $0x80, s10, s0, $0xb8;
	[tilespmem:$0x14500] =	vst v63  }
0x75: {  	[dreg:$0x4] =	wrdreg s11;
	s10 =	sand.u32 $0x7FFFFFE, s31  }
0x76: {  	s11 =	simm.s32 $0x0;
	[dreg:$0x5] =	wrdreg s10;
	s10 =	ssub.s32 $0x0, s6  }
.LBB2_5:
0x77: {  	s12 =	smov.u32 s11;
	s11 =	sadd.s32 $0x1, s11  }
0x78: {  	p1 =	sge.u32 s11, s9  }
0x79: {  	p2 =	slt.u32 @!p1 s11, s6  }
0x7a: {  	s14 =	rddreg [dreg:$0x4];
	p2 =	por !p2, p1  }
0x7b: {  	s14 =	simm.s32 @!p2 $0x0  }
0x7c: {  	s11 =	sadd.s32 @!p1 s12, s14  }
0x7d: {  	s19 =	sadd.s32 s12, s10;
	s11 =	sshll.u32 @!p1 s11, $0x9  }
0x7e: {  	s16 =	simm.s32 @!p1 $0x80;
	s17 =	simm.s32 @!p1 $0x7000;
	s11 =	sadd.s32 @!p1 $0x200, s11  }
0x7f: {  	p2 =	slt.u32 s12, s6;
	s14 =	sshra.s32 @!p1 s11, $0x2;
	s11 =	sadd.s32 $0x16, s19  }
0x80: {  	[tilespmem:s17], [sflag:$0x2] =	stream.indirect.gather @!p1 [hbm4b:s3+s16], $0x80, s14, s16, $0xb8;
	[tilespmem:$0x14500] =	vst v63  }
0x81: {  	s11 =	smov.u32 @p2 s12  }
0x82: {  	_ =	swait.ge [sflag:s26], $0x4000;
	s11 =	sshll.u32 s11, $0x9  }
0x83: {  	[sflag:s26] =	ssyncset.done $0x0;
	s11 =	sshra.s32 s11, $0x2  }
0x84: {  	[sflag:s26] =	ssyncadd.s32 $0xFFFFC000;
	s11 =	sadd.s32 $0x1800, s11  }
0x85: {  	[spmem:s1] =	stream.indirect.scatter.add.f32 [tilespmem:s24], [sflag:$0x4], $0x80, s11, s0, $0xb8;
	[tilespmem:$0x14500] =	vst v63  }
0x86: {  	s11 =	sadd.s32 $0x2, s12  }
0x87: {  	p2 =	sge.u32 s11, s9  }
0x88: {  	p3 =	slt.u32 @!p2 s11, s6;
	s12 =	sadd.s32 @!p2 s12, s10  }
0x89: {  	s18 =	smov.u32 s11;
	s12 =	sadd.s32 @!p2 $0x18, s12;
	p3 =	por !p3, p2  }
0x8a: {  	_ =	swait.ge [sflag:s4], $0x4000;
	s18 =	smov.u32 @p3 s12  }
0x8b: {  	[sflag:s4] =	ssyncset.done $0x0;
	s19 =	simm.s32 @!p2 $0x3000;
	s12 =	sshll.u32 @!p2 s18, $0x9  }
0x8c: {  	[sflag:s4] =	ssyncadd.s32 $0xFFFFC000;
	s18 =	simm.s32 @!p2 $0x80;
	s12 =	sshra.s32 @!p2 s12, $0x2  }
0x8d: {  	[tilespmem:s19], [sflag:$0x1] =	stream.indirect.gather @!p2 [hbm4b:s3+s18], $0x80, s12, s18, $0xb8;
	[tilespmem:$0x14500] =	vst v63  }
0x8e: {  	s12 =	simm.s32 @!p1 $0x2  }
0x8f: {  	_ =	swait.ge @!p1 [sflag:s12], $0x4000  }
0x90: {  	[sflag:s12] =	ssyncset.done @!p1 $0x0  }
0x91: {  	[sflag:s12] =	ssyncadd.s32 @!p1 $0xFFFFC000;
	s12 =	sadd.s32 @!p1 $0x1800, s14  }
0x92: {  	[spmem:s1] =	stream.indirect.scatter.add.f32 @!p1 [tilespmem:s17], [sflag:$0x3], $0x80, s12, s16, $0xb8;
	[tilespmem:$0x14500] =	vst v63  }
0x93: {  	s12 =	simm.s32 @!p1 $0x3  }
0x94: {  	_ =	swait.ge @!p1 [sflag:s12], $0x4000  }
0x95: {  	s31 =	rddreg [dreg:$0x5]  }
0x96: {  	p2 =	sne.s32 s31, s11  }
.Ltmp4:
0x97: {  	_ = 	snop;
	(pc) =	sbr.rel @p2 .LBB2_5-.Ltmp4, $3  }
0x98: {  	_ =	sdelay $0x1  }
0x99: {  	[sflag:s12] =	ssyncset.done @!p1 $0x0  }
0x9a: {  	[sflag:s12] =	ssyncadd.s32 @!p1 $0xFFFFC000  }
.LBB2_6:
0x9b: {  	[bflag:$0x0] =	sbarrier.arrive $0xFFFF  }
0x9c: {  	s10 =	simm.s32 @p0 $0x1FC3;
	s6 =	rddreg [dreg:$0x10]  }
0x9d: {  	s9 =	simm.s32 @p0 $0x3;
	s8 =	stileid.u32;
	s6 =	sshrl.u32 @p0 s6, $0x3  }
0x9e: {  	[hbm:s15], [sflag:s10] =	dma.local @p0 [spmem:s6], $0x800  }
0x9f: {  	s11 =	sshll.u32 @!p0 s8, $0x6;
	_ =	swait.ge @p0 [sflag:s9], $0x800  }
0xa0: {  	s12 =	sor.u32 @!p0 $0x1C03, s11;
	[sflag:s9] =	ssyncset.done @p0 $0x0;
	s8 =	rddreg [dreg:$0xf]  }
0xa1: {  	s11 =	simm.s32 @!p0 $0x3;
	[sflag:s9] =	ssyncadd.s32 @p0 $0xFFFFF800;
	s14 =	sshrl.u32 @!p0 s8, $0x3  }
0xa2: {  	[hbm:s15], [sflag:s12] =	dma.local @!p0 [spmem:s14], $0xA00  }
0xa3: {  	_ =	swait.ge @!p0 [sflag:s11], $0xA00  }
0xa4: {  	[sflag:s11] =	ssyncset.done @!p0 $0x0  }
0xa5: {  	[sflag:s11] =	ssyncadd.s32 @!p0 $0xFFFFF600  }
0xa6: {  	[bflag:$0x0] =	sbarrier.arrive $0xFFFF  }
0xa7: {  	[spmem:s7] =	stream.linear.scatter [tilespmem:s28], [sflag:$0x3], $0x4000, $0x38;
	[tilespmem:$0x14500] =	vst v63  }
0xa8: {  	_ =	swait.ge [sflag:s25], $0x4000  }
0xa9: {  	[sflag:s25] =	ssyncset.done $0x0  }
0xaa: {  	[sflag:s25] =	ssyncadd.s32 $0xFFFFC000  }
0xab: {  	[spmem:s20] =	stream.linear.scatter [tilespmem:s28], [sflag:$0x3], $0x1400, $0x38;
	[tilespmem:$0x14500] =	vst v63  }
0xac: {  	_ =	swait.ge [sflag:s25], $0x1400  }
0xad: {  	[sflag:s25] =	ssyncset.done $0x0  }
0xae: {  	[sflag:s25] =	ssyncadd.s32 $0xFFFFEC00  }
0xaf: {  	[bflag:$0x0] =	sbarrier.arrive $0xFFFF  }
0xb0: {  	s19 =	rddreg [dreg:$0x11]  }
0xb1: {  	[tilespmem:s2], [sflag:$0x3] =	stream.linear.gather [hbm4b:s19+s2], $0xB00, $0x38;
	[tilespmem:$0x14500] =	vst v63  }
0xb2: {  	_ =	swait.ge [sflag:s25], $0xB00  }
0xb3: {  	s13 =	smov.u32 s7;
	[sflag:s25] =	ssyncset.done $0x0  }
0xb4: {  	s7 =	smov.u32 s20;
	s20 =	rddreg [dreg:$0x12];
	[sflag:s25] =	ssyncadd.s32 $0xFFFFF500  }
0xb5: {  	[tilespmem:s23], [sflag:$0x3] =	stream.linear.gather [hbm4b:s20+s2], $0xB00, $0x38;
	[tilespmem:$0x14500] =	vst v63  }
0xb6: {  	_ =	swait.ge [sflag:s25], $0xB00  }
0xb7: {  	[sflag:s25] =	ssyncset.done $0x0  }
0xb8: {  	s23 =	rddreg [dreg:$0x13];
	[sflag:s25] =	ssyncadd.s32 $0xFFFFF500  }
0xb9: {  	[tilespmem:s29], [sflag:$0x3] =	stream.linear.gather [hbm4b:s23+s2], $0xB00, $0x38;
	[tilespmem:$0x14500] =	vst v63  }
0xba: {  	_ =	swait.ge [sflag:s25], $0xB00  }
0xbb: {  	[sflag:s25] =	ssyncset.done $0x0  }
0xbc: {  	s31 =	rddreg [dreg:$0x14];
	[sflag:s25] =	ssyncadd.s32 $0xFFFFF500  }
0xbd: {  	[tilespmem:s30], [sflag:$0x3] =	stream.linear.gather [hbm4b:s31+s2], $0xB00, $0x38;
	[tilespmem:$0x14500] =	vst v63  }
0xbe: {  	_ =	swait.ge [sflag:s25], $0xB00  }
0xbf: {  	[sflag:s25] =	ssyncset.done $0x0  }
0xc0: {  	[sflag:s25] =	ssyncadd.s32 $0xFFFFF500  }
0xc1: {  	v1 =	vld [tilespmem:s21+$0xB000]  }
0xc2: {  	v2 =	vld [tilespmem:s21+$0xB080];
	_ =	sdelay $0x3  }
0xc3: {  	v1 =	vxor.u32 $0x80000000, v1  }
0xc4: {  	(xrf0) =	vmax.scan.msk.u32 $0xffff, v1;
	v1 =	vxor.u32 $0x80000000, v2  }
0xc5: {  	(xrf0) =	vmax.scan.msk.u32 $0xffff, v1;
	_ =	sdelay $0x4  }
0xc6: {  	v1, _, _ =	vpop (xrf0)  }
0xc7: {  	(v2sf) =	vpush v1, $0xF;
	v1, _, _ =	vpop (xrf0)  }
0xc8: {  	(v2sf) =	vpush v1, $0xF;
	_ =	sdelay $0xd  }
0xc9: {  	s16 =	spop (v2sf)  }
0xca: {  	s17 =	spop (v2sf)  }
0xcb: {  	s16 =	sadd.s32 $0x8000007F, s16;
	s17 =	sadd.s32 $0x8000007F, s17  }
0xcc: {  	s16 =	sshrl.u32 s16, $0x7;
	s17 =	sshrl.u32 s17, $0x7  }
0xcd: {  	s17 =	sadd.s32 s16, s17  }
0xce: {  	p1 =	seq.s32 s17, $0x0  }
.Ltmp5:
0xcf: {  	_ = 	snop;
	(pc) =	sbr.rel @p1 .LBB2_9-.Ltmp5, $1  }
0xd0: {  	_ =	sdelay $0x3  }
0xd1: {  	p1 =	seq.s32 s16, $0x0;
	s18 =	simm.s32 $0xB00  }
0xd2: {  	s31 =	sadd.s32 $0x1, s17;
	s19 =	ssub.s32 $0x16, s16;
	s18 =	simm.s32 @!p1 $0x0  }
0xd3: {  	[tilespmem:s24], [sflag:$0x1] =	stream.indirect.gather [hbm4b:s3+s0], $0x80, s18, s0, $0xb8;
	[tilespmem:$0x14500] =	vst v63  }
0xd4: {  	[dreg:$0x6] =	wrdreg s19;
	s18 =	sand.u32 $0x7FFFFFE, s31  }
0xd5: {  	s20 =	simm.s32 $0x0;
	[dreg:$0x7] =	wrdreg s18;
	s18 =	ssub.s32 $0x0, s16  }
.LBB2_8:
0xd6: {  	s19 =	smov.u32 s20;
	s20 =	sadd.s32 $0x1, s20  }
0xd7: {  	p1 =	sge.u32 s20, s17  }
0xd8: {  	p2 =	slt.u32 @!p1 s20, s16  }
0xd9: {  	s23 =	rddreg [dreg:$0x6];
	p2 =	por !p2, p1  }
0xda: {  	s23 =	simm.s32 @!p2 $0x0  }
0xdb: {  	s20 =	sadd.s32 @!p1 s19, s23  }
0xdc: {  	s8 =	sadd.s32 s19, s18;
	s20 =	sshll.u32 @!p1 s20, $0x9  }
0xdd: {  	s29 =	simm.s32 @!p1 $0x80;
	s30 =	simm.s32 @!p1 $0x7000;
	s20 =	sadd.s32 @!p1 $0x200, s20  }
0xde: {  	p2 =	slt.u32 s19, s16;
	s23 =	sshra.s32 @!p1 s20, $0x2;
	s20 =	sadd.s32 $0x16, s8  }
0xdf: {  	[tilespmem:s30], [sflag:$0x2] =	stream.indirect.gather @!p1 [hbm4b:s3+s29], $0x80, s23, s29, $0xb8;
	[tilespmem:$0x14500] =	vst v63  }
0xe0: {  	s20 =	smov.u32 @p2 s19  }
0xe1: {  	_ =	swait.ge [sflag:s26], $0x4000;
	s20 =	sshll.u32 s20, $0x9  }
0xe2: {  	[sflag:s26] =	ssyncset.done $0x0;
	s20 =	sshra.s32 s20, $0x2  }
0xe3: {  	[sflag:s26] =	ssyncadd.s32 $0xFFFFC000;
	s20 =	sadd.s32 $0x1800, s20  }
0xe4: {  	[spmem:s1] =	stream.indirect.scatter.add.f32 [tilespmem:s24], [sflag:$0x4], $0x80, s20, s0, $0xb8;
	[tilespmem:$0x14500] =	vst v63  }
0xe5: {  	s20 =	sadd.s32 $0x2, s19  }
0xe6: {  	p2 =	sge.u32 s20, s17  }
0xe7: {  	p3 =	slt.u32 @!p2 s20, s16;
	s19 =	sadd.s32 @!p2 s19, s18  }
0xe8: {  	s31 =	smov.u32 s20;
	s19 =	sadd.s32 @!p2 $0x18, s19;
	p3 =	por !p3, p2  }
0xe9: {  	_ =	swait.ge [sflag:s4], $0x4000;
	s31 =	smov.u32 @p3 s19  }
0xea: {  	[sflag:s4] =	ssyncset.done $0x0;
	s8 =	simm.s32 @!p2 $0x3000;
	s19 =	sshll.u32 @!p2 s31, $0x9  }
0xeb: {  	[sflag:s4] =	ssyncadd.s32 $0xFFFFC000;
	s31 =	simm.s32 @!p2 $0x80;
	s19 =	sshra.s32 @!p2 s19, $0x2  }
0xec: {  	[tilespmem:s8], [sflag:$0x1] =	stream.indirect.gather @!p2 [hbm4b:s3+s31], $0x80, s19, s31, $0xb8;
	[tilespmem:$0x14500] =	vst v63  }
0xed: {  	s8 =	simm.s32 @!p1 $0x2  }
0xee: {  	_ =	swait.ge @!p1 [sflag:s8], $0x4000  }
0xef: {  	[sflag:s8] =	ssyncset.done @!p1 $0x0  }
0xf0: {  	[sflag:s8] =	ssyncadd.s32 @!p1 $0xFFFFC000;
	s8 =	sadd.s32 @!p1 $0x1800, s23  }
0xf1: {  	[spmem:s1] =	stream.indirect.scatter.add.f32 @!p1 [tilespmem:s30], [sflag:$0x3], $0x80, s8, s29, $0xb8;
	[tilespmem:$0x14500] =	vst v63  }
0xf2: {  	s8 =	simm.s32 @!p1 $0x3  }
0xf3: {  	_ =	swait.ge @!p1 [sflag:s8], $0x4000  }
0xf4: {  	s31 =	rddreg [dreg:$0x7]  }
0xf5: {  	p2 =	sne.s32 s31, s20  }
.Ltmp6:
0xf6: {  	_ = 	snop;
	(pc) =	sbr.rel @p2 .LBB2_8-.Ltmp6, $3  }
0xf7: {  	_ =	sdelay $0x1  }
0xf8: {  	[sflag:s8] =	ssyncset.done @!p1 $0x0  }
0xf9: {  	[sflag:s8] =	ssyncadd.s32 @!p1 $0xFFFFC000  }
.Ltmp7:
0xfa: {  	_ = 	snop;
	(pc) =	sbr.rel .LBB2_9-.Ltmp7, $1  }
0xfb: {  	_ =	sdelay $0x3  }
.LBB2_10:
0xfc: {  	_ =	sfence.sel $0x180000  }
0xfd: {  	[bflag:$0x0] =	sbarrier.arrive $0xFFFF  }
0xfe: {  	_ =	strace $0x9000004A  }
0xff: {  	s0 =	stileid.u32;
	[bflag:$0x2] =	sbarrier.arrive $0xFFFF  }
0x100: {  	p0 =	sne.s32 s0, $0x0;
	s0 =	rddreg [dreg:$0x3]  }
0x101: {  	s0 =	sadd.s32 @!p0 $0x100000, s0  }
0x102: {  	[sflag:s0] =	ssyncadd.tile.s32 @!p0 $0x1;
	_ =	shalt  }
.Lfunc_end2:
_tile_overlayer_lowered:
.L_overlay_start_2:
0x103: {  	(tag) =	ssettag $0x2  }
0x104: {  	s0 =	rddreg [dreg:$0x0];
	s2 =	stileid.u32  }
0x105: {  	s1 =	rddreg [dreg:$0x1];
	p0 =	sne.s32 s2, $0x0  }
0x106: {  	s3 =	rddreg [dreg:$0x2];
	[bflag:$0x3] =	sbarrier.arrive $0xFFFF;
	s2 =	simm.s32 @!p0 $0x1C03  }
0x107: {  	[timem:s3], [sflag:s2] =	dma.local @!p0 [hbm:s0], s1  }
0x108: {  	s0 =	simm.s32 @!p0 $0x3  }
0x109: {  	_ =	swait.ge @!p0 [sflag:s0], s1  }
0x10a: {  	s1 =	ssub.s32 @!p0 $0x0, s1;
	[sflag:s0] =	ssyncset.done @!p0 $0x0  }
0x10b: {  	[sflag:s0] =	ssyncadd.s32 @!p0 s1  }
0x10c: {  	[bflag:$0x3] =	sbarrier.arrive $0xFFFF  }
0x10d: {  	_ =	shalt  }

// kernel: kernel.15.cloned.1.call-start
scs
__scs_entry_jumppad:
0x0: {  	(pc) =	sbr.rel $0x88, $3  }
0x1: {  	(tag) =	ssettag $0x0;
	lr =	simm.s32 $0x1  }
0x2: {  	[smem:$0x3F97] =	sst lr;
	_ =	strace $0xD0000000  }
0x3: {  	_ = 	snop  }
0x4: {  	_ = 	snop  }
0x5: {  	_ = 	snop  }
0x6: {  	_ = 	snop  }
0x7: {  	_ = 	snop  }
__scs_overlays_trampoline_lowered:
0x8: {  	[smem:$0x3FA6] =	sst s0  }
0x9: {  	[smem:$0x3FA7] =	sst s1  }
0xa: {  	[smem:$0x3FA8] =	sst s2  }
0xb: {  	[smem:$0x3FA9] =	sst s3  }
0xc: {  	[smem:$0x3FAA] =	sst s4  }
0xd: {  	[smem:$0x3FAB] =	sst s5  }
0xe: {  	[smem:$0x3FAC] =	sst s6  }
0xf: {  	[smem:$0x3FAD] =	sst s7  }
0x10: {  	[smem:$0x3FAE] =	sst s8  }
0x11: {  	[smem:$0x3FAF] =	sst s9;
	s0 =	simm.s32 @!p0 $0x0  }
0x12: {  	s1 =	sld [smem:$0x3F95];
	s0 =	simm.s32 @p0 $0x1  }
0x13: {  	[smem:$0x3FB0] =	sst s0;
	s0 =	simm.s32 @!p1 $0x0  }
0x14: {  	s2 =	sld [smem:$0x3F94];
	s0 =	simm.s32 @p1 $0x1  }
0x15: {  	[smem:$0x3FB1] =	sst s0;
	s0 =	simm.s32 @!p2 $0x0  }
0x16: {  	s3 =	sld [smem:$0x3FDB];
	s0 =	simm.s32 @p2 $0x1  }
0x17: {  	s4 =	simm.s32 $0x1BF5;
	[smem:$0x3FB3] =	sst s0  }
0x18: {  	s0 =	sld [smem:$0x3F96];
	_ =	swait.ge [sflag:s4], $0x0  }
0x19: {  	s7 =	sld [smem:$0x3F97]  }
0x1a: {  	s8 =	sadd.s32 $0xFFFFE003, lr  }
0x1b: {  	s9 =	sadd.s32 $0xFFFFFEF7, lr;
	s5 =	simm.s32 $0xFFFFFFFF;
	p2 =	slt.u32 s8, $0xFFFFF086  }
0x1c: {  	p1 =	slt.u32 s9, $0xF7A;
	s5 =	simm.s32 @!p2 $0x0  }
0x1d: {  	s5 =	simm.s32 @p1 $0x1;
	p0 =	seq.s32 s7, s2  }
0x1e: {  	s7 =	smul.u32 @!p0 $0xF7A, s2;
	p2 =	seq.s32 @!p0 s5, $0x0  }
0x1f: {  	s9 =	smul.u32 $0xF7A, s1;
	s8 =	simm.s32 @!p0 $0x1BF5;
	p2 =	por !p2, p0  }
0x20: {  	[sflag:s8] =	ssyncset.s32 @!p0 $0xFFFFF086;
	s6 =	sadd.s32 @!p0 s3, s7;
	s7 =	simm.s32 @!p0 $0x108  }
0x21: {  	s3 =	sadd.s32 s3, s9;
	s6 =	sadd.s32 @!p0 $0x88, s6;
	s7 =	simm.s32 @p2 $0x1082  }
0x22: {  	[simem:s7], [sflag:s8] =	dma.local @!p0 [hbm:s6], $0xF7A  }
0x23: {  	s9 =	sor.u32 $0xD0000000, s2;
	s6 =	simm.s32 $0x108;
	_ =	swait.ge @!p0 [sflag:s8], $0x0  }
0x24: {  	s3 =	sadd.s32 $0x88, s3;
	s6 =	simm.s32 @!p1 $0x1082;
	[sflag:s4] =	ssyncset.s32 $0xFFFFF086  }
0x25: {  	[simem:s6], [sflag:s4] =	dma.local [hbm:s3], $0xF7A  }
0x26: {  	[smem:$0x3F97] =	sst s1;
	(tag) =	ssettag s2;
	_ =	strace s9  }
0x27: {  	s1 =	sld [smem:$0x3FA7]  }
0x28: {  	s2 =	sld [smem:$0x3FA8]  }
0x29: {  	s4 =	sld [smem:$0x3FAA]  }
0x2a: {  	p0 =	seq.s32 s5, $0x0;
	s5 =	sld [smem:$0x3FAB]  }
0x2b: {  	s6 =	sld [smem:$0x3FAC]  }
0x2c: {  	s7 =	sld [smem:$0x3FAD]  }
0x2d: {  	s3 =	simm.s32 $0x108;
	s8 =	sld [smem:$0x3FAE]  }
0x2e: {  	s3 =	simm.s32 @!p0 $0x1082;
	s9 =	sld [smem:$0x3FAF]  }
0x2f: {  	lr =	sadd.s32 s0, s3;
	s0 =	sld [smem:$0x3FA6]  }
0x30: {  	s3 =	sld [smem:$0x3FA9]  }
0x31: {  	[smem:$0x3FB2] =	sst s10  }
0x32: {  	s10 =	sld [smem:$0x3FB0];
	_ =	sdelay $0x3  }
0x33: {  	p0 =	seq.s32 s10, $0x1;
	s10 =	sld [smem:$0x3FB2];
	_ =	sdelay $0x3  }
0x34: {  	[smem:$0x3FB2] =	sst s10  }
0x35: {  	s10 =	sld [smem:$0x3FB1];
	_ =	sdelay $0x3  }
0x36: {  	p1 =	seq.s32 s10, $0x1;
	s10 =	sld [smem:$0x3FB2];
	_ =	sdelay $0x3  }
0x37: {  	[smem:$0x3FB2] =	sst s10  }
0x38: {  	s10 =	sld [smem:$0x3FB3]  }
0x39: {  	_ = 	snop;
	(pc) =	sbr.ind lr, $3  }
0x3a: {  	_ = 	snop  }
0x3b: {  	_ = 	snop  }
0x3c: {  	p2 =	seq.s32 s10, $0x1;
	s10 =	sld [smem:$0x3FB2]  }
0x3d: {  	_ =	shalt  }
0x3e: {  	_ =	shalt  }
0x3f: {  	_ =	shalt  }
0x40: {  	_ =	shalt  }
0x41: {  	_ =	shalt  }
0x42: {  	_ =	shalt  }
0x43: {  	_ =	shalt  }
0x44: {  	_ =	shalt  }
0x45: {  	_ =	shalt  }
0x46: {  	_ =	shalt  }
0x47: {  	_ =	shalt  }
0x48: {  	_ =	shalt  }
0x49: {  	_ =	shalt  }
0x4a: {  	_ =	shalt  }
0x4b: {  	_ =	shalt  }
0x4c: {  	_ =	shalt  }
0x4d: {  	_ =	shalt  }
0x4e: {  	_ =	shalt  }
0x4f: {  	_ =	shalt  }
0x50: {  	_ =	shalt  }
0x51: {  	_ =	shalt  }
0x52: {  	_ =	shalt  }
0x53: {  	_ =	shalt  }
0x54: {  	_ =	shalt  }
0x55: {  	_ =	shalt  }
0x56: {  	_ =	shalt  }
0x57: {  	_ =	shalt  }
0x58: {  	_ =	shalt  }
0x59: {  	_ =	shalt  }
0x5a: {  	_ =	shalt  }
0x5b: {  	_ =	shalt  }
0x5c: {  	_ =	shalt  }
0x5d: {  	_ =	shalt  }
0x5e: {  	_ =	shalt  }
0x5f: {  	_ =	shalt  }
0x60: {  	_ =	shalt  }
0x61: {  	_ =	shalt  }
0x62: {  	_ =	shalt  }
0x63: {  	_ =	shalt  }
0x64: {  	_ =	shalt  }
0x65: {  	_ =	shalt  }
0x66: {  	_ =	shalt  }
0x67: {  	_ =	shalt  }
0x68: {  	_ =	shalt  }
0x69: {  	_ =	shalt  }
0x6a: {  	_ =	shalt  }
0x6b: {  	_ =	shalt  }
0x6c: {  	_ =	shalt  }
0x6d: {  	_ =	shalt  }
0x6e: {  	_ =	shalt  }
0x6f: {  	_ =	shalt  }
0x70: {  	_ =	shalt  }
0x71: {  	_ =	shalt  }
0x72: {  	_ =	shalt  }
0x73: {  	_ =	shalt  }
0x74: {  	_ =	shalt  }
0x75: {  	_ =	shalt  }
0x76: {  	_ =	shalt  }
0x77: {  	_ =	shalt  }
0x78: {  	_ =	shalt  }
0x79: {  	_ =	shalt  }
0x7a: {  	_ =	shalt  }
0x7b: {  	_ =	shalt  }
0x7c: {  	_ =	shalt  }
0x7d: {  	_ =	shalt  }
0x7e: {  	_ =	shalt  }
0x7f: {  	_ =	shalt  }
0x80: {  	_ =	shalt  }
0x81: {  	_ =	shalt  }
0x82: {  	_ =	shalt  }
0x83: {  	_ =	shalt  }
0x84: {  	_ =	shalt  }
0x85: {  	_ =	shalt  }
0x86: {  	_ =	shalt  }
0x87: {  	_ =	shalt  }
.Lfunc_end0:
.L_simem_size_0:
called_computation.2_lowered:
.L_overlay_start_0:
0x88: {  	s2 =	sld [smem:$0x3FD9]  }
0x89: {  	s3 =	sld [smem:$0x3FFE];
	_ =	sdelay $0x1  }
0x8a: {  	s1 =	srdreg.scid  }
0x8b: {  	s0 =	sand.u32 $0x1, s1  }
0x8c: {  	s17 =	sshll.u32 s0, $0xA;
	s2 =	sadd.s32 s3, s2  }
0x8d: {  	s2 =	sadd.s32 s2, s17  }
0x8e: {  	[smem:$0x3FBE] =	sst s2  }
0x8f: {  	_ = 	snop  }
0x90: {  	s2 =	sld [smem:$0x3FD0];
	(tm) =	ssettm $0x1  }
0x91: {  	s18 =	sld [smem:$0x3FFB];
	_ =	sdelay $0x3  }
0x92: {  	_ =	strace s18  }
0x93: {  	s3 =	sld [smem:$0x3FFC];
	_ =	sdelay $0x3  }
0x94: {  	_ =	strace s3  }
0x95: {  	s3 =	sld [smem:$0x3FFD];
	_ =	sdelay $0x3  }
0x96: {  	_ =	strace s3  }
0x97: {  	_ =	strace $0x8FFFFFFF  }
0x98: {  	s19 =	sld [smem:$0x3FDB];
	_ =	sdelay $0x1  }
0x99: {  	s4 =	simm.s32 $_scs_section_size  }
0x9a: {  	s5 =	simm.s32 $_size__tile_overlayer_lowered;
	s6 =	simm.s32 $_tile_overlayer_lowered  }
0x9b: {  	s22 =	simm.s32 $0x1BFF;
	s21 =	sshll.u32 s6, $0x1;
	s3 =	sadd.s32 s4, s19  }
0x9c: {  	s7 =	simm.s32 $0x0;
	s20 =	sshll.u32 s5, $0x1;
	s5 =	sadd.s32 s21, s3  }
0x9d: {  	[timem:s7], [sflag:s22] =	dma.local [hbm:s5], s20  }
0x9e: {  	_ =	swait.ge [sflag:s22], s20  }
0x9f: {  	s4 =	ssub.s32 $0x0, s20;
	[sflag:s22] =	ssyncset.done $0x0  }
0xa0: {  	[sflag:s22] =	ssyncadd.s32 s4;
	_ =	sdelay $0x1  }
0xa1: {  	s23 =	simm.s32 $0x1B8B  }
0xa2: {  	_ =	swait.ge [sflag:s23], $0x1  }
0xa3: {  	[sflag:s23] =	ssyncset.done $0x0  }
0xa4: {  	s25 =	simm.s32 $0x1B8E;
	s24 =	sld [smem:$0x3FFE];
	[sflag:s23] =	ssyncadd.s32 $0xFFFFFFFF  }
0xa5: {  	s26 =	simm.s32 $execute0_lowered;
	[smem:$0x3FD2] =	sst s25  }
0xa6: {  	s5 =	sshll.u32 s26, $0x1;
	_ =	strace $0x8000004C;
	[dreg:$0x1] =	wrdreg $0xFFFFFFFF  }
0xa7: {  	s28 =	simm.s32 $_size_execute0_lowered;
	s3 =	sadd.s32 s3, s5;
	[dreg:$0x0] =	wrdreg $0x0  }
0xa8: {  	s5 =	sshll.u32 s28, $0x1;
	[dreg:$0x2] =	wrdreg s3  }
0xa9: {  	[dreg:$0x3] =	wrdreg s5  }
0xaa: {  	[dreg:$0x4] =	wrdreg $0xC0  }
0xab: {  	_ =	task [dreg:s7], $0x5FFFF  }
0xac: {  	[dreg:$0x1] =	wrdreg $0xFFFFFFFF  }
0xad: {  	[dreg:$0x0] =	wrdreg $0x60  }
0xae: {  	[dreg:$0x2] =	wrdreg s24  }
0xaf: {  	[dreg:$0x3] =	wrdreg s2  }
0xb0: {  	[dreg:$0x4] =	wrdreg $0xF1000  }
0xb1: {  	[dreg:$0x5] =	wrdreg $0x9  }
0xb2: {  	_ =	task.clear_ibuf [dreg:s7], $0x6FFFF;
	_ =	strace $0x9000004C  }
0xb3: {  	s29 =	simm.s32 $0x9;
	_ =	strace $0x8000004E  }
0xb4: {  	_ =	swait.ge [sflag:s29], $0x1  }
0xb5: {  	[sflag:s29] =	ssyncadd.s32 $0xFFFFFFFF  }
0xb6: {  	_ =	strace $0x9000004E  }
0xb7: {  	_ =	sfence  }
0xb8: {  	s30 =	sld [smem:$0x0];
	_ =	sdelay $0x2  }
0xb9: {  	s31 =	sshll.u32 s1, $0xD;
	s1 =	sshrl.u32 s1, $0x2  }
0xba: {  	s3 =	sand.u32 $0x4000, s31;
	s1 =	sadd.s32 s1, s30  }
0xbb: {  	s0 =	sor.u32 s3, s0;
	s1 =	sshll.u32 s1, $0x11  }
0xbc: {  	s0 =	sor.u32 s1, s0  }
0xbd: {  	s0 =	sadd.s32 $0x8F2B, s0  }
0xbe: {  	[sflag:s0] =	ssyncadd.remote.s32 $0x1  }
0xbf: {  	_ =	sfence.sel $0xFFFF  }
0xc0: {  	[dreg:$0x0] =	wrdreg $0xFFFFFFFF;
	(pc) =	sbr.abs _section_cstart, $3  }
0xc1: {  	[dreg:$0x1] =	wrdreg $0xFFFFFFFF  }
0xc2: {  	_ =	task.clear_ibuf [dreg:s7], $0x2FFFF;
	_ =	strace $0x9FFFFFFF  }
0xc3: {  	(tm) =	ssettm $0x7FFFFFFF  }
tec
execute0_lowered:
.L_overlay_start_1:
0x0: {  	(tag) =	ssettag $0x1  }
0x1: {  	s0 =	rddreg [dreg:$0x0]  }
0x2: {  	s4 =	rddreg [dreg:$0x1]  }
0x3: {  	s1 =	rddreg [dreg:$0x2];
	s2 =	simm.s32 $0x0  }
0x4: {  	s5 =	srdreg.scid;
	s18 =	stileid.u32;
	s28 =	simm.s32 $0xB100  }
0x5: {  	s29 =	simm.s32 $0x1800;
	s30 =	simm.s32 $0x2300;
	[smem:$0x7FF] =	sst s2  }
0x6: {  	s3 =	sadd.s32 $0x18C00, s0;
	s5 =	sand.u32 $0x1, s5;
	s10 =	smul.u32 $0x15000, s18  }
0x7: {  	s6 =	sadd.s32 $0xCA00, s0;
	s7 =	sadd.s32 $0x18A00, s0;
	s14 =	smul.u32 $0x6000, s18  }
0x8: {  	s0 =	sadd.s32 $0x3FE00, s0;
	s16 =	sshllo.u32 s18, $0x1;
	s31 =	smul.u32 $0x14000, s18  }
0x9: {  	s11 =	sshll.u32 s18, $0x5;
	p0 =	seq.s32 s18, $0xF;
	s15 =	smul.u32 $0xC00, s5  }
0xa: {  	_ =	strace $0x8000004D;
	s12 =	sshll.u32 s16, $0x4;
	s16 =	smul.u32 $0x3000, s16  }
0xb: {  	s8 =	ssub.s32 $0x2, s5;
	s13 =	sand.u32 $0x180, s11;
	s22 =	smul.u32 $0x9E0, s5  }
0xc: {  	s9 =	sshrl.u32 s8, $0x1;
	s12 =	sand.u32 $0x70, s12;
	s13 =	sadd.s32 s7, s13  }
0xd: {  	s10 =	sshrl.u32 s10, $0x2;
	s7 =	sadd.s32 s7, s11;
	s9 =	ssub.s32 s8, s9  }
0xe: {  	[dreg:$0x8] =	wrdreg s7;
	s17 =	sadd.s32 s12, s13;
	s19 =	sor.u32 s15, s14  }
0xf: {  	s7 =	sadd.s32 s10, s1;
	s21 =	sor.u32 s15, s16;
	s10 =	sshrl.u32 s19, $0x3  }
0x10: {  	[dreg:$0x9] =	wrdreg s17;
	s11 =	sshrl.u32 s21, $0x3;
	s23 =	sadd.s32 s4, s10  }
0x11: {  	s17 =	smul.u32 $0xA0, s18;
	s24 =	sadd.s32 s4, s11;
	[dreg:$0xa] =	wrdreg s23  }
0x12: {  	s25 =	sadd.s32 s6, s10;
	s26 =	sadd.s32 s6, s11;
	[dreg:$0xb] =	wrdreg s24  }
0x13: {  	s11 =	sshll.u32 s5, $0x4;
	s5 =	sor.u32 $0x2, s5;
	[dreg:$0xc] =	wrdreg s25  }
0x14: {  	s10 =	sshrl.u32 s31, $0x2;
	s31 =	smax.u32 s9, $0x1;
	[dreg:$0xd] =	wrdreg s26  }
0x15: {  	[dreg:$0xe] =	wrdreg s11;
	s12 =	sadd.s32 s17, s22;
	s13 =	smul.u32 $0xC00, s5  }
0x16: {  	s15 =	sadd.s32 s10, s1;
	s19 =	smul.u32 $0x9E0, s5;
	[dreg:$0x15] =	wrdreg s31  }
0x17: {  	s22 =	sadd.s32 $0x4B000, s1;
	s11 =	sshll.u32 s12, $0x4;
	[dreg:$0xf] =	wrdreg s15  }
0x18: {  	s20 =	sadd.s32 $0x4000, s7;
	[dreg:$0x10] =	wrdreg s22;
	s15 =	sadd.s32 s0, s11  }
0x19: {  	s21 =	sadd.s32 s14, s13;
	s12 =	sadd.s32 s13, s16;
	s10 =	sadd.s32 s17, s19  }
0x1a: {  	s11 =	sshrl.u32 s21, $0x3;
	s12 =	sshrl.u32 s12, $0x3;
	s21 =	sshll.u32 s5, $0x4  }
0x1b: {  	s26 =	sshll.u32 s10, $0x4;
	s5 =	simm.s32 $0x0;
	s23 =	sadd.s32 s4, s11  }
.Ltmp0:
0x1c: {  	s4 =	sadd.s32 s4, s12;
	[dreg:$0x11] =	wrdreg s23;
	(pc) =	sbr.rel .LBB2_1-.Ltmp0, $4  }
0x1d: {  	s24 =	sadd.s32 s6, s11;
	s25 =	sadd.s32 s6, s12;
	[dreg:$0x12] =	wrdreg s4  }
0x1e: {  	s22 =	sadd.s32 s0, s26;
	s0 =	simm.s32 $0x80;
	[dreg:$0x13] =	wrdreg s24  }
0x1f: {  	s26 =	simm.s32 $0x1;
	[dreg:$0x14] =	wrdreg s25;
	s25 =	simm.s32 $0x3  }
0x20: {  	v0 =	vimm.f32 $0.0e+00;
	s23 =	simm.s32 $0xB00;
	s24 =	simm.s32 $0x3000;
	s4 =	simm.s32 $0x4  }
.LBB2_9:
0x21: {  	[bflag:$0x0] =	sbarrier.arrive $0xFFFF  }
0x22: {  	[hbm:s22], [sflag:s10] =	dma.local @p0 [spmem:s6], $0x800  }
0x23: {  	_ =	swait.ge @p0 [sflag:s9], $0x800  }
0x24: {  	[sflag:s9] =	ssyncset.done @p0 $0x0  }
0x25: {  	[sflag:s9] =	ssyncadd.s32 @p0 $0xFFFFF800  }
0x26: {  	[hbm:s22], [sflag:s12] =	dma.local @!p0 [spmem:s14], $0xA00  }
0x27: {  	_ =	swait.ge @!p0 [sflag:s11], $0xA00  }
0x28: {  	s5 =	sadd.s32 $0x1, s5;
	s31 =	rddreg [dreg:$0x15]  }
0x29: {  	p1 =	sne.s32 s5, s31  }
.Ltmp1:
0x2a: {  	_ = 	snop;
	(pc) =	sbr.rel @!p1 .LBB2_10-.Ltmp1, $4  }
0x2b: {  	[sflag:s11] =	ssyncset.done @!p0 $0x0  }
0x2c: {  	[sflag:s11] =	ssyncadd.s32 @!p0 $0xFFFFF600  }
0x2d: {  	s20 =	smov.u32 s7;
	s7 =	smov.u32 s13;
	[bflag:$0x0] =	sbarrier.arrive $0xFFFF  }
0x2e: {  	s23 =	simm.s32 $0xB00;
	s29 =	simm.s32 $0x1800;
	s30 =	simm.s32 $0x2300  }
.LBB2_1:
0x2f: {  	s6 =	simm.s32 $0x0;
	s9 =	simm.s32 $0x200  }
.LBB2_2:
0x30: {  	p1 =	sne.s32 s9, $0xFE00;
	[tilespmem:s6+$0xB170] =	vst v0  }
0x31: {  	[tilespmem:s6+$0xB100] =	vst v0  }
0x32: {  	[tilespmem:s6+$0xB110] =	vst v0  }
.Ltmp2:
0x33: {  	[tilespmem:s6+$0xB120] =	vst v0;
	(pc) =	sbr.rel @p1 .LBB2_2-.Ltmp2, $4  }
0x34: {  	[tilespmem:s6+$0xB130] =	vst v0  }
0x35: {  	[tilespmem:s6+$0xB140] =	vst v0  }
0x36: {  	[tilespmem:s6+$0xB150] =	vst v0  }
0x37: {  	[tilespmem:s6+$0xB160] =	vst v0;
	s6 =	sshra.s32 s9, $0x2;
	s9 =	sadd.s32 $0x200, s9  }
0x38: {  	[tilespmem:s6+$0xB170] =	vst v0  }
0x39: {  	[tilespmem:s6+$0xB100] =	vst v0  }
0x3a: {  	[tilespmem:s6+$0xB110] =	vst v0  }
0x3b: {  	[tilespmem:s6+$0xB120] =	vst v0  }
0x3c: {  	[tilespmem:s6+$0xB130] =	vst v0  }
0x3d: {  	[tilespmem:s6+$0xB140] =	vst v0  }
0x3e: {  	[tilespmem:s6+$0xB150] =	vst v0  }
0x3f: {  	[tilespmem:s6+$0xB160] =	vst v0;
	s11 =	rddreg [dreg:$0x8];
	s8 =	simm.s32 $0xB000  }
0x40: {  	[tilespmem:s8], [sflag:$0x3] =	stream.linear.gather [hbm4b:s11+s2], $0x80, $0x38;
	[tilespmem:$0x14500] =	vst v63  }
0x41: {  	_ =	swait.ge [sflag:s25], $0x80  }
0x42: {  	[sflag:s25] =	ssyncset.done $0x0  }
0x43: {  	s13 =	simm.s32 $0xB080;
	s12 =	rddreg [dreg:$0x9];
	[sflag:s25] =	ssyncadd.s32 $0xFFFFFF80  }
0x44: {  	[tilespmem:s13], [sflag:$0x3] =	stream.linear.gather [hbm4b:s12+s2], $0x80, $0x38;
	[tilespmem:$0x14500] =	vst v63  }
0x45: {  	_ =	swait.ge [sflag:s25], $0x80  }
0x46: {  	[sflag:s25] =	ssyncset.done $0x0  }
0x47: {  	[sflag:s25] =	ssyncadd.s32 $0xFFFFFF80  }
0x48: {  	[spmem:s7] =	stream.linear.scatter [tilespmem:s28], [sflag:$0x3], $0x4000, $0x38;
	[tilespmem:$0x14500] =	vst v63  }
0x49: {  	_ =	swait.ge [sflag:s25], $0x4000  }
0x4a: {  	[sflag:s25] =	ssyncset.done $0x0  }
0x4b: {  	[sflag:s25] =	ssyncadd.s32 $0xFFFFC000  }
0x4c: {  	[spmem:s20] =	stream.linear.scatter [tilespmem:s28], [sflag:$0x3], $0x1400, $0x38;
	[tilespmem:$0x14500] =	vst v63  }
0x4d: {  	_ =	swait.ge [sflag:s25], $0x1400  }
0x4e: {  	[sflag:s25] =	ssyncset.done $0x0  }
0x4f: {  	[sflag:s25] =	ssyncadd.s32 $0xFFFFEC00  }
0x50: {  	[bflag:$0x0] =	sbarrier.arrive $0xFFFF  }
0x51: {  	s14 =	rddreg [dreg:$0xa]  }
0x52: {  	[tilespmem:s2], [sflag:$0x3] =	stream.linear.gather [hbm4b:s14+s2], $0xB00, $0x38;
	[tilespmem:$0x14500] =	vst v63  }
0x53: {  	_ =	swait.ge [sflag:s25], $0xB00  }
0x54: {  	[sflag:s25] =	ssyncset.done $0x0  }
0x55: {  	s16 =	rddreg [dreg:$0xb];
	[sflag:s25] =	ssyncadd.s32 $0xFFFFF500  }
0x56: {  	[tilespmem:s23], [sflag:$0x3] =	stream.linear.gather [hbm4b:s16+s2], $0xB00, $0x38;
	[tilespmem:$0x14500] =	vst v63  }
0x57: {  	_ =	swait.ge [sflag:s25], $0xB00  }
0x58: {  	[sflag:s25] =	ssyncset.done $0x0  }
0x59: {  	s17 =	rddreg [dreg:$0xc];
	[sflag:s25] =	ssyncadd.s32 $0xFFFFF500  }
0x5a: {  	[tilespmem:s29], [sflag:$0x3] =	stream.linear.gather [hbm4b:s17+s2], $0xB00, $0x38;
	[tilespmem:$0x14500] =	vst v63  }
0x5b: {  	_ =	swait.ge [sflag:s25], $0xB00  }
0x5c: {  	[sflag:s25] =	ssyncset.done $0x0  }
0x5d: {  	s18 =	rddreg [dreg:$0xd];
	[sflag:s25] =	ssyncadd.s32 $0xFFFFF500  }
0x5e: {  	[tilespmem:s30], [sflag:$0x3] =	stream.linear.gather [hbm4b:s18+s2], $0xB00, $0x38;
	[tilespmem:$0x14500] =	vst v63  }
0x5f: {  	_ =	swait.ge [sflag:s25], $0xB00  }
0x60: {  	[sflag:s25] =	ssyncset.done $0x0  }
0x61: {  	s19 =	rddreg [dreg:$0xe];
	[sflag:s25] =	ssyncadd.s32 $0xFFFFF500  }
0x62: {  	v1 =	vld [tilespmem:s19+$0xB000]  }
0x63: {  	v2 =	vld [tilespmem:s19+$0xB080];
	_ =	sdelay $0x3  }
0x64: {  	v1 =	vxor.u32 $0x80000000, v1  }
0x65: {  	(xrf0) =	vmax.scan.msk.u32 $0xffff, v1;
	v1 =	vxor.u32 $0x80000000, v2  }
0x66: {  	(xrf0) =	vmax.scan.msk.u32 $0xffff, v1;
	_ =	sdelay $0x4  }
0x67: {  	v1, _, _ =	vpop (xrf0)  }
0x68: {  	(v2sf) =	vpush v1, $0xF;
	v1, _, _ =	vpop (xrf0)  }
0x69: {  	(v2sf) =	vpush v1, $0xF;
	_ =	sdelay $0xd  }
0x6a: {  	s31 =	spop (v2sf)  }
0x6b: {  	s9 =	spop (v2sf)  }
0x6c: {  	s6 =	sadd.s32 $0x8000007F, s31;
	s9 =	sadd.s32 $0x8000007F, s9  }
0x6d: {  	s6 =	sshrl.u32 s6, $0x7;
	s9 =	sshrl.u32 s9, $0x7  }
0x6e: {  	s9 =	sadd.s32 s6, s9  }
0x6f: {  	p1 =	seq.s32 s9, $0x0  }
.Ltmp3:
0x70: {  	_ = 	snop;
	(pc) =	sbr.rel @p1 .LBB2_6-.Ltmp3, $1  }
0x71: {  	_ =	sdelay $0x3  }
0x72: {  	p1 =	seq.s32 s6, $0x0;
	s10 =	simm.s32 $0xB00  }
0x73: {  	s31 =	sadd.s32 $0x1, s9;
	s11 =	ssub.s32 $0x16, s6;
	s10 =	simm.s32 @!p1 $0x0  }
0x74: {  	[tilespmem:s24], [sflag:$0x1] =	stream.indirect.gather [hbm4b:s3+s0], $0x80, s10, s0, $0xb8;
	[tilespmem:$0x14500] =	vst v63  }
0x75: {  	[dreg:$0x4] =	wrdreg s11;
	s10 =	sand.u32 $0x7FFFFFE, s31  }
0x76: {  	s11 =	simm.s32 $0x0;
	[dreg:$0x5] =	wrdreg s10;
	s10 =	ssub.s32 $0x0, s6  }
.LBB2_5:
0x77: {  	s12 =	smov.u32 s11;
	s11 =	sadd.s32 $0x1, s11  }
0x78: {  	p1 =	sge.u32 s11, s9  }
0x79: {  	p2 =	slt.u32 @!p1 s11, s6  }
0x7a: {  	s14 =	rddreg [dreg:$0x4];
	p2 =	por !p2, p1  }
0x7b: {  	s14 =	simm.s32 @!p2 $0x0  }
0x7c: {  	s11 =	sadd.s32 @!p1 s12, s14  }
0x7d: {  	s19 =	sadd.s32 s12, s10;
	s11 =	sshll.u32 @!p1 s11, $0x9  }
0x7e: {  	s16 =	simm.s32 @!p1 $0x80;
	s17 =	simm.s32 @!p1 $0x7000;
	s11 =	sadd.s32 @!p1 $0x200, s11  }
0x7f: {  	p2 =	slt.u32 s12, s6;
	s14 =	sshra.s32 @!p1 s11, $0x2;
	s11 =	sadd.s32 $0x16, s19  }
0x80: {  	[tilespmem:s17], [sflag:$0x2] =	stream.indirect.gather @!p1 [hbm4b:s3+s16], $0x80, s14, s16, $0xb8;
	[tilespmem:$0x14500] =	vst v63  }
0x81: {  	s11 =	smov.u32 @p2 s12  }
0x82: {  	_ =	swait.ge [sflag:s26], $0x4000;
	s11 =	sshll.u32 s11, $0x9  }
0x83: {  	[sflag:s26] =	ssyncset.done $0x0;
	s11 =	sshra.s32 s11, $0x2  }
0x84: {  	[sflag:s26] =	ssyncadd.s32 $0xFFFFC000;
	s11 =	sadd.s32 $0x1800, s11  }
0x85: {  	[spmem:s1] =	stream.indirect.scatter.add.f32 [tilespmem:s24], [sflag:$0x4], $0x80, s11, s0, $0xb8;
	[tilespmem:$0x14500] =	vst v63  }
0x86: {  	s11 =	sadd.s32 $0x2, s12  }
0x87: {  	p2 =	sge.u32 s11, s9  }
0x88: {  	p3 =	slt.u32 @!p2 s11, s6;
	s12 =	sadd.s32 @!p2 s12, s10  }
0x89: {  	s18 =	smov.u32 s11;
	s12 =	sadd.s32 @!p2 $0x18, s12;
	p3 =	por !p3, p2  }
0x8a: {  	_ =	swait.ge [sflag:s4], $0x4000;
	s18 =	smov.u32 @p3 s12  }
0x8b: {  	[sflag:s4] =	ssyncset.done $0x0;
	s19 =	simm.s32 @!p2 $0x3000;
	s12 =	sshll.u32 @!p2 s18, $0x9  }
0x8c: {  	[sflag:s4] =	ssyncadd.s32 $0xFFFFC000;
	s18 =	simm.s32 @!p2 $0x80;
	s12 =	sshra.s32 @!p2 s12, $0x2  }
0x8d: {  	[tilespmem:s19], [sflag:$0x1] =	stream.indirect.gather @!p2 [hbm4b:s3+s18], $0x80, s12, s18, $0xb8;
	[tilespmem:$0x14500] =	vst v63  }
0x8e: {  	s12 =	simm.s32 @!p1 $0x2  }
0x8f: {  	_ =	swait.ge @!p1 [sflag:s12], $0x4000  }
0x90: {  	[sflag:s12] =	ssyncset.done @!p1 $0x0  }
0x91: {  	[sflag:s12] =	ssyncadd.s32 @!p1 $0xFFFFC000;
	s12 =	sadd.s32 @!p1 $0x1800, s14  }
0x92: {  	[spmem:s1] =	stream.indirect.scatter.add.f32 @!p1 [tilespmem:s17], [sflag:$0x3], $0x80, s12, s16, $0xb8;
	[tilespmem:$0x14500] =	vst v63  }
0x93: {  	s12 =	simm.s32 @!p1 $0x3  }
0x94: {  	_ =	swait.ge @!p1 [sflag:s12], $0x4000  }
0x95: {  	s31 =	rddreg [dreg:$0x5]  }
0x96: {  	p2 =	sne.s32 s31, s11  }
.Ltmp4:
0x97: {  	_ = 	snop;
	(pc) =	sbr.rel @p2 .LBB2_5-.Ltmp4, $3  }
0x98: {  	_ =	sdelay $0x1  }
0x99: {  	[sflag:s12] =	ssyncset.done @!p1 $0x0  }
0x9a: {  	[sflag:s12] =	ssyncadd.s32 @!p1 $0xFFFFC000  }
.LBB2_6:
0x9b: {  	[bflag:$0x0] =	sbarrier.arrive $0xFFFF  }
0x9c: {  	s10 =	simm.s32 @p0 $0x1FC3;
	s6 =	rddreg [dreg:$0x10]  }
0x9d: {  	s9 =	simm.s32 @p0 $0x3;
	s8 =	stileid.u32;
	s6 =	sshrl.u32 @p0 s6, $0x3  }
0x9e: {  	[hbm:s15], [sflag:s10] =	dma.local @p0 [spmem:s6], $0x800  }
0x9f: {  	s11 =	sshll.u32 @!p0 s8, $0x6;
	_ =	swait.ge @p0 [sflag:s9], $0x800  }
0xa0: {  	s12 =	sor.u32 @!p0 $0x1C03, s11;
	[sflag:s9] =	ssyncset.done @p0 $0x0;
	s8 =	rddreg [dreg:$0xf]  }
0xa1: {  	s11 =	simm.s32 @!p0 $0x3;
	[sflag:s9] =	ssyncadd.s32 @p0 $0xFFFFF800;
	s14 =	sshrl.u32 @!p0 s8, $0x3  }
0xa2: {  	[hbm:s15], [sflag:s12] =	dma.local @!p0 [spmem:s14], $0xA00  }
0xa3: {  	_ =	swait.ge @!p0 [sflag:s11], $0xA00  }
0xa4: {  	[sflag:s11] =	ssyncset.done @!p0 $0x0  }
0xa5: {  	[sflag:s11] =	ssyncadd.s32 @!p0 $0xFFFFF600  }
0xa6: {  	[bflag:$0x0] =	sbarrier.arrive $0xFFFF  }
0xa7: {  	[spmem:s7] =	stream.linear.scatter [tilespmem:s28], [sflag:$0x3], $0x4000, $0x38;
	[tilespmem:$0x14500] =	vst v63  }
0xa8: {  	_ =	swait.ge [sflag:s25], $0x4000  }
0xa9: {  	[sflag:s25] =	ssyncset.done $0x0  }
0xaa: {  	[sflag:s25] =	ssyncadd.s32 $0xFFFFC000  }
0xab: {  	[spmem:s20] =	stream.linear.scatter [tilespmem:s28], [sflag:$0x3], $0x1400, $0x38;
	[tilespmem:$0x14500] =	vst v63  }
0xac: {  	_ =	swait.ge [sflag:s25], $0x1400  }
0xad: {  	[sflag:s25] =	ssyncset.done $0x0  }
0xae: {  	[sflag:s25] =	ssyncadd.s32 $0xFFFFEC00  }
0xaf: {  	[bflag:$0x0] =	sbarrier.arrive $0xFFFF  }
0xb0: {  	s19 =	rddreg [dreg:$0x11]  }
0xb1: {  	[tilespmem:s2], [sflag:$0x3] =	stream.linear.gather [hbm4b:s19+s2], $0xB00, $0x38;
	[tilespmem:$0x14500] =	vst v63  }
0xb2: {  	_ =	swait.ge [sflag:s25], $0xB00  }
0xb3: {  	s13 =	smov.u32 s7;
	[sflag:s25] =	ssyncset.done $0x0  }
0xb4: {  	s7 =	smov.u32 s20;
	s20 =	rddreg [dreg:$0x12];
	[sflag:s25] =	ssyncadd.s32 $0xFFFFF500  }
0xb5: {  	[tilespmem:s23], [sflag:$0x3] =	stream.linear.gather [hbm4b:s20+s2], $0xB00, $0x38;
	[tilespmem:$0x14500] =	vst v63  }
0xb6: {  	_ =	swait.ge [sflag:s25], $0xB00  }
0xb7: {  	[sflag:s25] =	ssyncset.done $0x0  }
0xb8: {  	s23 =	rddreg [dreg:$0x13];
	[sflag:s25] =	ssyncadd.s32 $0xFFFFF500  }
0xb9: {  	[tilespmem:s29], [sflag:$0x3] =	stream.linear.gather [hbm4b:s23+s2], $0xB00, $0x38;
	[tilespmem:$0x14500] =	vst v63  }
0xba: {  	_ =	swait.ge [sflag:s25], $0xB00  }
0xbb: {  	[sflag:s25] =	ssyncset.done $0x0  }
0xbc: {  	s31 =	rddreg [dreg:$0x14];
	[sflag:s25] =	ssyncadd.s32 $0xFFFFF500  }
0xbd: {  	[tilespmem:s30], [sflag:$0x3] =	stream.linear.gather [hbm4b:s31+s2], $0xB00, $0x38;
	[tilespmem:$0x14500] =	vst v63  }
0xbe: {  	_ =	swait.ge [sflag:s25], $0xB00  }
0xbf: {  	[sflag:s25] =	ssyncset.done $0x0  }
0xc0: {  	[sflag:s25] =	ssyncadd.s32 $0xFFFFF500  }
0xc1: {  	v1 =	vld [tilespmem:s21+$0xB000]  }
0xc2: {  	v2 =	vld [tilespmem:s21+$0xB080];
	_ =	sdelay $0x3  }
0xc3: {  	v1 =	vxor.u32 $0x80000000, v1  }
0xc4: {  	(xrf0) =	vmax.scan.msk.u32 $0xffff, v1;
	v1 =	vxor.u32 $0x80000000, v2  }
0xc5: {  	(xrf0) =	vmax.scan.msk.u32 $0xffff, v1;
	_ =	sdelay $0x4  }
0xc6: {  	v1, _, _ =	vpop (xrf0)  }
0xc7: {  	(v2sf) =	vpush v1, $0xF;
	v1, _, _ =	vpop (xrf0)  }
0xc8: {  	(v2sf) =	vpush v1, $0xF;
	_ =	sdelay $0xd  }
0xc9: {  	s16 =	spop (v2sf)  }
0xca: {  	s17 =	spop (v2sf)  }
0xcb: {  	s16 =	sadd.s32 $0x8000007F, s16;
	s17 =	sadd.s32 $0x8000007F, s17  }
0xcc: {  	s16 =	sshrl.u32 s16, $0x7;
	s17 =	sshrl.u32 s17, $0x7  }
0xcd: {  	s17 =	sadd.s32 s16, s17  }
0xce: {  	p1 =	seq.s32 s17, $0x0  }
.Ltmp5:
0xcf: {  	_ = 	snop;
	(pc) =	sbr.rel @p1 .LBB2_9-.Ltmp5, $1  }
0xd0: {  	_ =	sdelay $0x3  }
0xd1: {  	p1 =	seq.s32 s16, $0x0;
	s18 =	simm.s32 $0xB00  }
0xd2: {  	s31 =	sadd.s32 $0x1, s17;
	s19 =	ssub.s32 $0x16, s16;
	s18 =	simm.s32 @!p1 $0x0  }
0xd3: {  	[tilespmem:s24], [sflag:$0x1] =	stream.indirect.gather [hbm4b:s3+s0], $0x80, s18, s0, $0xb8;
	[tilespmem:$0x14500] =	vst v63  }
0xd4: {  	[dreg:$0x6] =	wrdreg s19;
	s18 =	sand.u32 $0x7FFFFFE, s31  }
0xd5: {  	s20 =	simm.s32 $0x0;
	[dreg:$0x7] =	wrdreg s18;
	s18 =	ssub.s32 $0x0, s16  }
.LBB2_8:
0xd6: {  	s19 =	smov.u32 s20;
	s20 =	sadd.s32 $0x1, s20  }
0xd7: {  	p1 =	sge.u32 s20, s17  }
0xd8: {  	p2 =	slt.u32 @!p1 s20, s16  }
0xd9: {  	s23 =	rddreg [dreg:$0x6];
	p2 =	por !p2, p1  }
0xda: {  	s23 =	simm.s32 @!p2 $0x0  }
0xdb: {  	s20 =	sadd.s32 @!p1 s19, s23  }
0xdc: {  	s8 =	sadd.s32 s19, s18;
	s20 =	sshll.u32 @!p1 s20, $0x9  }
0xdd: {  	s29 =	simm.s32 @!p1 $0x80;
	s30 =	simm.s32 @!p1 $0x7000;
	s20 =	sadd.s32 @!p1 $0x200, s20  }
0xde: {  	p2 =	slt.u32 s19, s16;
	s23 =	sshra.s32 @!p1 s20, $0x2;
	s20 =	sadd.s32 $0x16, s8  }
0xdf: {  	[tilespmem:s30], [sflag:$0x2] =	stream.indirect.gather @!p1 [hbm4b:s3+s29], $0x80, s23, s29, $0xb8;
	[tilespmem:$0x14500] =	vst v63  }
0xe0: {  	s20 =	smov.u32 @p2 s19  }
0xe1: {  	_ =	swait.ge [sflag:s26], $0x4000;
	s20 =	sshll.u32 s20, $0x9  }
0xe2: {  	[sflag:s26] =	ssyncset.done $0x0;
	s20 =	sshra.s32 s20, $0x2  }
0xe3: {  	[sflag:s26] =	ssyncadd.s32 $0xFFFFC000;
	s20 =	sadd.s32 $0x1800, s20  }
0xe4: {  	[spmem:s1] =	stream.indirect.scatter.add.f32 [tilespmem:s24], [sflag:$0x4], $0x80, s20, s0, $0xb8;
	[tilespmem:$0x14500] =	vst v63  }
0xe5: {  	s20 =	sadd.s32 $0x2, s19  }
0xe6: {  	p2 =	sge.u32 s20, s17  }
0xe7: {  	p3 =	slt.u32 @!p2 s20, s16;
	s19 =	sadd.s32 @!p2 s19, s18  }
0xe8: {  	s31 =	smov.u32 s20;
	s19 =	sadd.s32 @!p2 $0x18, s19;
	p3 =	por !p3, p2  }
0xe9: {  	_ =	swait.ge [sflag:s4], $0x4000;
	s31 =	smov.u32 @p3 s19  }
0xea: {  	[sflag:s4] =	ssyncset.done $0x0;
	s8 =	simm.s32 @!p2 $0x3000;
	s19 =	sshll.u32 @!p2 s31, $0x9  }
0xeb: {  	[sflag:s4] =	ssyncadd.s32 $0xFFFFC000;
	s31 =	simm.s32 @!p2 $0x80;
	s19 =	sshra.s32 @!p2 s19, $0x2  }
0xec: {  	[tilespmem:s8], [sflag:$0x1] =	stream.indirect.gather @!p2 [hbm4b:s3+s31], $0x80, s19, s31, $0xb8;
	[tilespmem:$0x14500] =	vst v63  }
0xed: {  	s8 =	simm.s32 @!p1 $0x2  }
0xee: {  	_ =	swait.ge @!p1 [sflag:s8], $0x4000  }
0xef: {  	[sflag:s8] =	ssyncset.done @!p1 $0x0  }
0xf0: {  	[sflag:s8] =	ssyncadd.s32 @!p1 $0xFFFFC000;
	s8 =	sadd.s32 @!p1 $0x1800, s23  }
0xf1: {  	[spmem:s1] =	stream.indirect.scatter.add.f32 @!p1 [tilespmem:s30], [sflag:$0x3], $0x80, s8, s29, $0xb8;
	[tilespmem:$0x14500] =	vst v63  }
0xf2: {  	s8 =	simm.s32 @!p1 $0x3  }
0xf3: {  	_ =	swait.ge @!p1 [sflag:s8], $0x4000  }
0xf4: {  	s31 =	rddreg [dreg:$0x7]  }
0xf5: {  	p2 =	sne.s32 s31, s20  }
.Ltmp6:
0xf6: {  	_ = 	snop;
	(pc) =	sbr.rel @p2 .LBB2_8-.Ltmp6, $3  }
0xf7: {  	_ =	sdelay $0x1  }
0xf8: {  	[sflag:s8] =	ssyncset.done @!p1 $0x0  }
0xf9: {  	[sflag:s8] =	ssyncadd.s32 @!p1 $0xFFFFC000  }
.Ltmp7:
0xfa: {  	_ = 	snop;
	(pc) =	sbr.rel .LBB2_9-.Ltmp7, $1  }
0xfb: {  	_ =	sdelay $0x3  }
.LBB2_10:
0xfc: {  	_ =	sfence.sel $0x180000  }
0xfd: {  	[bflag:$0x0] =	sbarrier.arrive $0xFFFF  }
0xfe: {  	_ =	strace $0x9000004D  }
0xff: {  	s0 =	stileid.u32;
	[bflag:$0x2] =	sbarrier.arrive $0xFFFF  }
0x100: {  	p0 =	sne.s32 s0, $0x0;
	s0 =	rddreg [dreg:$0x3]  }
0x101: {  	s0 =	sadd.s32 @!p0 $0x100000, s0  }
0x102: {  	[sflag:s0] =	ssyncadd.tile.s32 @!p0 $0x1;
	_ =	shalt  }
.Lfunc_end2:
_tile_overlayer_lowered:
.L_overlay_start_2:
0x103: {  	(tag) =	ssettag $0x2  }
0x104: {  	s0 =	rddreg [dreg:$0x0];
	s2 =	stileid.u32  }
0x105: {  	s1 =	rddreg [dreg:$0x1];
	p0 =	sne.s32 s2, $0x0  }
0x106: {  	s3 =	rddreg [dreg:$0x2];
	[bflag:$0x3] =	sbarrier.arrive $0xFFFF;
	s2 =	simm.s32 @!p0 $0x1C03  }
0x107: {  	[timem:s3], [sflag:s2] =	dma.local @!p0 [hbm:s0], s1  }
0x108: {  	s0 =	simm.s32 @!p0 $0x3  }
0x109: {  	_ =	swait.ge @!p0 [sflag:s0], s1  }
0x10a: {  	s1 =	ssub.s32 @!p0 $0x0, s1;
	[sflag:s0] =	ssyncset.done @!p0 $0x0  }
0x10b: {  	[sflag:s0] =	ssyncadd.s32 @!p0 s1  }
0x10c: {  	[bflag:$0x3] =	sbarrier.arrive $0xFFFF  }
0x10d: {  	_ =	shalt  }

// kernel: kernel.9.cloned.1.call-start
scs
__scs_entry_jumppad:
0x0: {  	(pc) =	sbr.rel $0x88, $3  }
0x1: {  	(tag) =	ssettag $0x0;
	lr =	simm.s32 $0x1  }
0x2: {  	[smem:$0x3F97] =	sst lr;
	_ =	strace $0xD0000000  }
0x3: {  	_ = 	snop  }
0x4: {  	_ = 	snop  }
0x5: {  	_ = 	snop  }
0x6: {  	_ = 	snop  }
0x7: {  	_ = 	snop  }
__scs_overlays_trampoline_lowered:
0x8: {  	[smem:$0x3FA6] =	sst s0  }
0x9: {  	[smem:$0x3FA7] =	sst s1  }
0xa: {  	[smem:$0x3FA8] =	sst s2  }
0xb: {  	[smem:$0x3FA9] =	sst s3  }
0xc: {  	[smem:$0x3FAA] =	sst s4  }
0xd: {  	[smem:$0x3FAB] =	sst s5  }
0xe: {  	[smem:$0x3FAC] =	sst s6  }
0xf: {  	[smem:$0x3FAD] =	sst s7  }
0x10: {  	[smem:$0x3FAE] =	sst s8  }
0x11: {  	[smem:$0x3FAF] =	sst s9;
	s0 =	simm.s32 @!p0 $0x0  }
0x12: {  	s1 =	sld [smem:$0x3F95];
	s0 =	simm.s32 @p0 $0x1  }
0x13: {  	[smem:$0x3FB0] =	sst s0;
	s0 =	simm.s32 @!p1 $0x0  }
0x14: {  	s2 =	sld [smem:$0x3F94];
	s0 =	simm.s32 @p1 $0x1  }
0x15: {  	[smem:$0x3FB1] =	sst s0;
	s0 =	simm.s32 @!p2 $0x0  }
0x16: {  	s3 =	sld [smem:$0x3FDB];
	s0 =	simm.s32 @p2 $0x1  }
0x17: {  	s4 =	simm.s32 $0x1BF5;
	[smem:$0x3FB3] =	sst s0  }
0x18: {  	s0 =	sld [smem:$0x3F96];
	_ =	swait.ge [sflag:s4], $0x0  }
0x19: {  	s7 =	sld [smem:$0x3F97]  }
0x1a: {  	s8 =	sadd.s32 $0xFFFFE003, lr  }
0x1b: {  	s9 =	sadd.s32 $0xFFFFFEF7, lr;
	s5 =	simm.s32 $0xFFFFFFFF;
	p2 =	slt.u32 s8, $0xFFFFF086  }
0x1c: {  	p1 =	slt.u32 s9, $0xF7A;
	s5 =	simm.s32 @!p2 $0x0  }
0x1d: {  	s5 =	simm.s32 @p1 $0x1;
	p0 =	seq.s32 s7, s2  }
0x1e: {  	s7 =	smul.u32 @!p0 $0xF7A, s2;
	p2 =	seq.s32 @!p0 s5, $0x0  }
0x1f: {  	s9 =	smul.u32 $0xF7A, s1;
	s8 =	simm.s32 @!p0 $0x1BF5;
	p2 =	por !p2, p0  }
0x20: {  	[sflag:s8] =	ssyncset.s32 @!p0 $0xFFFFF086;
	s6 =	sadd.s32 @!p0 s3, s7;
	s7 =	simm.s32 @!p0 $0x108  }
0x21: {  	s3 =	sadd.s32 s3, s9;
	s6 =	sadd.s32 @!p0 $0x88, s6;
	s7 =	simm.s32 @p2 $0x1082  }
0x22: {  	[simem:s7], [sflag:s8] =	dma.local @!p0 [hbm:s6], $0xF7A  }
0x23: {  	s9 =	sor.u32 $0xD0000000, s2;
	s6 =	simm.s32 $0x108;
	_ =	swait.ge @!p0 [sflag:s8], $0x0  }
0x24: {  	s3 =	sadd.s32 $0x88, s3;
	s6 =	simm.s32 @!p1 $0x1082;
	[sflag:s4] =	ssyncset.s32 $0xFFFFF086  }
0x25: {  	[simem:s6], [sflag:s4] =	dma.local [hbm:s3], $0xF7A  }
0x26: {  	[smem:$0x3F97] =	sst s1;
	(tag) =	ssettag s2;
	_ =	strace s9  }
0x27: {  	s1 =	sld [smem:$0x3FA7]  }
0x28: {  	s2 =	sld [smem:$0x3FA8]  }
0x29: {  	s4 =	sld [smem:$0x3FAA]  }
0x2a: {  	p0 =	seq.s32 s5, $0x0;
	s5 =	sld [smem:$0x3FAB]  }
0x2b: {  	s6 =	sld [smem:$0x3FAC]  }
0x2c: {  	s7 =	sld [smem:$0x3FAD]  }
0x2d: {  	s3 =	simm.s32 $0x108;
	s8 =	sld [smem:$0x3FAE]  }
0x2e: {  	s3 =	simm.s32 @!p0 $0x1082;
	s9 =	sld [smem:$0x3FAF]  }
0x2f: {  	lr =	sadd.s32 s0, s3;
	s0 =	sld [smem:$0x3FA6]  }
0x30: {  	s3 =	sld [smem:$0x3FA9]  }
0x31: {  	[smem:$0x3FB2] =	sst s10  }
0x32: {  	s10 =	sld [smem:$0x3FB0];
	_ =	sdelay $0x3  }
0x33: {  	p0 =	seq.s32 s10, $0x1;
	s10 =	sld [smem:$0x3FB2];
	_ =	sdelay $0x3  }
0x34: {  	[smem:$0x3FB2] =	sst s10  }
0x35: {  	s10 =	sld [smem:$0x3FB1];
	_ =	sdelay $0x3  }
0x36: {  	p1 =	seq.s32 s10, $0x1;
	s10 =	sld [smem:$0x3FB2];
	_ =	sdelay $0x3  }
0x37: {  	[smem:$0x3FB2] =	sst s10  }
0x38: {  	s10 =	sld [smem:$0x3FB3]  }
0x39: {  	_ = 	snop;
	(pc) =	sbr.ind lr, $3  }
0x3a: {  	_ = 	snop  }
0x3b: {  	_ = 	snop  }
0x3c: {  	p2 =	seq.s32 s10, $0x1;
	s10 =	sld [smem:$0x3FB2]  }
0x3d: {  	_ =	shalt  }
0x3e: {  	_ =	shalt  }
0x3f: {  	_ =	shalt  }
0x40: {  	_ =	shalt  }
0x41: {  	_ =	shalt  }
0x42: {  	_ =	shalt  }
0x43: {  	_ =	shalt  }
0x44: {  	_ =	shalt  }
0x45: {  	_ =	shalt  }
0x46: {  	_ =	shalt  }
0x47: {  	_ =	shalt  }
0x48: {  	_ =	shalt  }
0x49: {  	_ =	shalt  }
0x4a: {  	_ =	shalt  }
0x4b: {  	_ =	shalt  }
0x4c: {  	_ =	shalt  }
0x4d: {  	_ =	shalt  }
0x4e: {  	_ =	shalt  }
0x4f: {  	_ =	shalt  }
0x50: {  	_ =	shalt  }
0x51: {  	_ =	shalt  }
0x52: {  	_ =	shalt  }
0x53: {  	_ =	shalt  }
0x54: {  	_ =	shalt  }
0x55: {  	_ =	shalt  }
0x56: {  	_ =	shalt  }
0x57: {  	_ =	shalt  }
0x58: {  	_ =	shalt  }
0x59: {  	_ =	shalt  }
0x5a: {  	_ =	shalt  }
0x5b: {  	_ =	shalt  }
0x5c: {  	_ =	shalt  }
0x5d: {  	_ =	shalt  }
0x5e: {  	_ =	shalt  }
0x5f: {  	_ =	shalt  }
0x60: {  	_ =	shalt  }
0x61: {  	_ =	shalt  }
0x62: {  	_ =	shalt  }
0x63: {  	_ =	shalt  }
0x64: {  	_ =	shalt  }
0x65: {  	_ =	shalt  }
0x66: {  	_ =	shalt  }
0x67: {  	_ =	shalt  }
0x68: {  	_ =	shalt  }
0x69: {  	_ =	shalt  }
0x6a: {  	_ =	shalt  }
0x6b: {  	_ =	shalt  }
0x6c: {  	_ =	shalt  }
0x6d: {  	_ =	shalt  }
0x6e: {  	_ =	shalt  }
0x6f: {  	_ =	shalt  }
0x70: {  	_ =	shalt  }
0x71: {  	_ =	shalt  }
0x72: {  	_ =	shalt  }
0x73: {  	_ =	shalt  }
0x74: {  	_ =	shalt  }
0x75: {  	_ =	shalt  }
0x76: {  	_ =	shalt  }
0x77: {  	_ =	shalt  }
0x78: {  	_ =	shalt  }
0x79: {  	_ =	shalt  }
0x7a: {  	_ =	shalt  }
0x7b: {  	_ =	shalt  }
0x7c: {  	_ =	shalt  }
0x7d: {  	_ =	shalt  }
0x7e: {  	_ =	shalt  }
0x7f: {  	_ =	shalt  }
0x80: {  	_ =	shalt  }
0x81: {  	_ =	shalt  }
0x82: {  	_ =	shalt  }
0x83: {  	_ =	shalt  }
0x84: {  	_ =	shalt  }
0x85: {  	_ =	shalt  }
0x86: {  	_ =	shalt  }
0x87: {  	_ =	shalt  }
.Lfunc_end0:
.L_simem_size_0:
called_computation_lowered:
.L_overlay_start_0:
0x88: {  	s2 =	sld [smem:$0x3FD9]  }
0x89: {  	s3 =	sld [smem:$0x3FFE];
	_ =	sdelay $0x1  }
0x8a: {  	s1 =	srdreg.scid  }
0x8b: {  	s0 =	sand.u32 $0x1, s1  }
0x8c: {  	s17 =	sshll.u32 s0, $0xA;
	s2 =	sadd.s32 s3, s2  }
0x8d: {  	s2 =	sadd.s32 s2, s17  }
0x8e: {  	[smem:$0x3FBE] =	sst s2  }
0x8f: {  	_ = 	snop  }
0x90: {  	s2 =	sld [smem:$0x3FC8]  }
0x91: {  	s18 =	sld [smem:$0x3FD0];
	(tm) =	ssettm $0x1  }
0x92: {  	s4 =	sld [smem:$0x3FFB];
	_ =	sdelay $0x3  }
0x93: {  	_ =	strace s4  }
0x94: {  	s4 =	sld [smem:$0x3FFC];
	_ =	sdelay $0x3  }
0x95: {  	_ =	strace s4  }
0x96: {  	s4 =	sld [smem:$0x3FFD];
	_ =	sdelay $0x3  }
0x97: {  	_ =	strace s4  }
0x98: {  	_ =	strace $0x8FFFFFFF  }
0x99: {  	s19 =	sld [smem:$0x3FDB];
	_ =	sdelay $0x1  }
0x9a: {  	s5 =	simm.s32 $_scs_section_size  }
0x9b: {  	s6 =	simm.s32 $_size__tile_overlayer_lowered;
	s7 =	simm.s32 $_tile_overlayer_lowered  }
0x9c: {  	s22 =	simm.s32 $0x1BFF;
	s21 =	sshll.u32 s7, $0x1;
	s4 =	sadd.s32 s5, s19  }
0x9d: {  	s8 =	simm.s32 $0x0;
	s20 =	sshll.u32 s6, $0x1;
	s6 =	sadd.s32 s21, s4  }
0x9e: {  	[timem:s8], [sflag:s22] =	dma.local [hbm:s6], s20  }
0x9f: {  	_ =	swait.ge [sflag:s22], s20  }
0xa0: {  	s5 =	ssub.s32 $0x0, s20;
	[sflag:s22] =	ssyncset.done $0x0  }
0xa1: {  	[sflag:s22] =	ssyncadd.s32 s5;
	_ =	sdelay $0x1  }
0xa2: {  	s23 =	simm.s32 $0x1B8B  }
0xa3: {  	_ =	swait.ge [sflag:s23], $0x1  }
0xa4: {  	[sflag:s23] =	ssyncset.done $0x0  }
0xa5: {  	s25 =	simm.s32 $0x1B8E;
	s24 =	sld [smem:$0x3FFE];
	[sflag:s23] =	ssyncadd.s32 $0xFFFFFFFF  }
0xa6: {  	s26 =	simm.s32 $execute0_lowered;
	[smem:$0x3FD2] =	sst s25  }
0xa7: {  	s6 =	sshll.u32 s26, $0x1;
	_ =	strace $0x80000046;
	[dreg:$0x1] =	wrdreg $0xFFFFFFFF  }
0xa8: {  	s28 =	simm.s32 $_size_execute0_lowered;
	s4 =	sadd.s32 s4, s6;
	[dreg:$0x0] =	wrdreg $0x0  }
0xa9: {  	s6 =	sshll.u32 s28, $0x1;
	[dreg:$0x2] =	wrdreg s4  }
0xaa: {  	[dreg:$0x3] =	wrdreg s6  }
0xab: {  	[dreg:$0x4] =	wrdreg $0xC0  }
0xac: {  	_ =	task [dreg:s8], $0x5FFFF  }
0xad: {  	[dreg:$0x1] =	wrdreg $0xFFFFFFFF  }
0xae: {  	[dreg:$0x0] =	wrdreg $0x60  }
0xaf: {  	[dreg:$0x2] =	wrdreg s2  }
0xb0: {  	[dreg:$0x3] =	wrdreg s18  }
0xb1: {  	[dreg:$0x4] =	wrdreg s24  }
0xb2: {  	[dreg:$0x5] =	wrdreg $0x9  }
0xb3: {  	_ =	task.clear_ibuf [dreg:s8], $0x6FFFF;
	_ =	strace $0x90000046  }
0xb4: {  	s29 =	simm.s32 $0x9;
	_ =	strace $0x80000048  }
0xb5: {  	_ =	swait.ge [sflag:s29], $0x1  }
0xb6: {  	[sflag:s29] =	ssyncadd.s32 $0xFFFFFFFF  }
0xb7: {  	_ =	strace $0x90000048  }
0xb8: {  	_ =	sfence  }
0xb9: {  	s30 =	sld [smem:$0x0];
	_ =	sdelay $0x2  }
0xba: {  	s31 =	sshll.u32 s1, $0xD;
	s1 =	sshrl.u32 s1, $0x2  }
0xbb: {  	s3 =	sand.u32 $0x4000, s31;
	s1 =	sadd.s32 s1, s30  }
0xbc: {  	s0 =	sor.u32 s3, s0;
	s1 =	sshll.u32 s1, $0x11  }
0xbd: {  	s0 =	sor.u32 s1, s0  }
0xbe: {  	s0 =	sadd.s32 $0x8F2B, s0  }
0xbf: {  	[sflag:s0] =	ssyncadd.remote.s32 $0x1  }
0xc0: {  	_ =	sfence.sel $0xFFFF  }
0xc1: {  	[dreg:$0x0] =	wrdreg $0xFFFFFFFF;
	(pc) =	sbr.abs _section_cstart, $3  }
0xc2: {  	[dreg:$0x1] =	wrdreg $0xFFFFFFFF  }
0xc3: {  	_ =	task.clear_ibuf [dreg:s8], $0x2FFFF;
	_ =	strace $0x9FFFFFFF  }
0xc4: {  	(tm) =	ssettm $0x7FFFFFFF  }
0xc5: {  	_ =	shalt  }
tec
execute0_lowered:
.L_overlay_start_1:
0x0: {  	(tag) =	ssettag $0x1  }
0x1: {  	s4 =	rddreg [dreg:$0x0]  }
0x2: {  	s0 =	srdreg.scid;
	s7 =	rddreg [dreg:$0x1]  }
0x3: {  	s19 =	stileid.u32;
	s5 =	rddreg [dreg:$0x2]  }
0x4: {  	s28 =	simm.s32 $0x8B00;
	s29 =	simm.s32 $0x6700;
	s30 =	simm.s32 $0x9700  }
0x5: {  	s31 =	simm.s32 $0x7300;
	s0 =	sand.u32 $0x1, s0;
	s1 =	sshll.u32 s19, $0x1  }
0x6: {  	s3 =	sshrl.u32 s19, $0x2;
	s9 =	sadd.s32 $0xCA00, s5;
	p0 =	sgt.u32 s19, $0x1  }
0x7: {  	s19 =	simm.s32 $0x80;
	s1 =	sor.u32 s0, s1;
	s6 =	sshll.u32 s3, $0xA  }
0x8: {  	s3 =	smul.u32 $0x13C00, s3;
	s0 =	ssub.s32 $0x2, s0;
	s2 =	sshll.u32 s1, $0x7  }
0x9: {  	s17 =	sshrl.u32 s0, $0x1;
	s11 =	smul.u32 $0x3000, s1;
	s8 =	sand.u32 $0x380, s2  }
0xa: {  	s2 =	simm.s32 $0x0;
	s0 =	ssub.s32 s0, s17;
	s6 =	sor.u32 s6, s8  }
0xb: {  	[smem:$0x7FF] =	sst s2;
	s16 =	sor.u32 s3, s8;
	s3 =	smul.u32 $0x9C0, s1  }
0xc: {  	s1 =	sshll.u32 s1, $0x5;
	s20 =	sshrl.u32 s11, $0x3;
	s6 =	sshrl.u32 s6, $0x3  }
0xd: {  	_ =	strace $0x80000047;
	s21 =	sor.u32 $0x180, s20;
	s22 =	sadd.s32 s7, s20  }
0xe: {  	s23 =	sadd.s32 s9, s20;
	s25 =	sadd.s32 $0x300, s20;
	s10 =	sadd.s32 s6, s5  }
0xf: {  	s6 =	sshrl.u32 s16, $0x3;
	s18 =	sadd.s32 s4, s3;
	[dreg:$0x6] =	wrdreg s22  }
0x10: {  	[dreg:$0x7] =	wrdreg s23;
	s24 =	sadd.s32 s7, s21;
	s26 =	sadd.s32 s7, s25  }
0x11: {  	s13 =	sadd.s32 s9, s25;
	s23 =	simm.s32 $0xAF80;
	s25 =	simm.s32 $0x7F00  }
0x12: {  	s12 =	sadd.s32 s6, s5;
	[dreg:$0x4] =	wrdreg s18;
	s5 =	sor.u32 $0x13800, s1  }
0x13: {  	s6 =	sadd.s32 $0x10, s4;
	[dreg:$0x8] =	wrdreg s24;
	s1 =	sadd.s32 $0x480, s20  }
0x14: {  	[dreg:$0xa] =	wrdreg s26;
	s16 =	sadd.s32 $0x18A00, s10;
	s18 =	smax.u32 s0, $0x1  }
0x15: {  	s24 =	simm.s32 $0x4F00;
	s26 =	simm.s32 $0x5B00;
	s0 =	simm.s32 $0x0  }
0x16: {  	s4 =	sadd.s32 s4, s5;
	s14 =	sadd.s32 s7, s1;
	s15 =	sadd.s32 s9, s1  }
0x17: {  	v0 =	vlaneseq.u32;
	s17 =	sadd.s32 $0x2C00, s12;
	[dreg:$0x5] =	wrdreg s4;
	s4 =	sadd.s32 s9, s21  }
0x18: {  	v1 =	vimm.f32 $0.0e+00;
	v2 =	vimm.f32 $1.000000000e+00;
	v3 =	vimm.s32 $0x0;
	s1 =	simm.s32 $0xA300;
	s21 =	simm.s32 $0x1;
	[dreg:$0x9] =	wrdreg s4  }
.LBB2_1:
0x19: {  	s7 =	simm.s32 $0x0  }
0x1a: {  	s22 =	simm.s32 $0x0;
	v6 =	vor.u32 s7, v0  }
0x1b: {  	[tilespmem:s22+$0x4F00] =	vst v6  }
0x1c: {  	[tilespmem:s22+$0x5B00] =	vst v6  }
0x1d: {  	s8 =	simm.s32 $0x10;
	[tilespmem:s22+$0x6700] =	vst v6  }
0x1e: {  	v8 =	vor.u32 s8, v0;
	[tilespmem:s22+$0x7300] =	vst v6  }
0x1f: {  	[tilespmem:s22+$0x4F10] =	vst v8  }
0x20: {  	[tilespmem:s22+$0x5B10] =	vst v8  }
0x21: {  	s9 =	simm.s32 $0x20;
	[tilespmem:s22+$0x6710] =	vst v8  }
0x22: {  	v59 =	vor.u32 s9, v0;
	[tilespmem:s22+$0x7310] =	vst v8  }
0x23: {  	[tilespmem:s22+$0x4F20] =	vst v59  }
0x24: {  	[tilespmem:s22+$0x5B20] =	vst v59  }
0x25: {  	s10 =	simm.s32 $0x30;
	[tilespmem:s22+$0x6720] =	vst v59  }
0x26: {  	v60 =	vor.u32 s10, v0;
	[tilespmem:s22+$0x7320] =	vst v59  }
0x27: {  	[tilespmem:s22+$0x4F30] =	vst v60  }
0x28: {  	[tilespmem:s22+$0x5B30] =	vst v60  }
0x29: {  	s11 =	simm.s32 $0x40;
	[tilespmem:s22+$0x6730] =	vst v60  }
0x2a: {  	s4 =	simm.s32 $0x60;
	v61 =	vor.u32 s11, v0;
	[tilespmem:s22+$0x7330] =	vst v60  }
0x2b: {  	v4 =	vor.u32 s4, v0;
	[tilespmem:s22+$0x4F40] =	vst v61  }
0x2c: {  	v5 =	vmulhi.u32 $0xCCCCCCCD, v4;
	[tilespmem:s22+$0x5B40] =	vst v61  }
0x2d: {  	s12 =	simm.s32 $0x50;
	v7 =	vmulhi.u32 $0xCCCCCCCD, v6;
	[tilespmem:s22+$0x6740] =	vst v61  }
0x2e: {  	v62 =	vor.u32 s12, v0;
	[tilespmem:s22+$0x7340] =	vst v61;
	v5 =	vshrl.u32 v5, $0x7  }
0x2f: {  	[tilespmem:s22+$0x4F50] =	vst v62;
	v7 =	vshrl.u32 v7, $0x7;
	v5 =	vmul.u32 $0xA0, v5  }
0x30: {  	[tilespmem:s22+$0x5B50] =	vst v62;
	v7 =	vmul.u32 $0xA0, v7  }
0x31: {  	v9 =	vmulhi.u32 $0xCCCCCCCD, v8;
	[tilespmem:s22+$0x6750] =	vst v62;
	v5 =	vsub.s32 v4, v5  }
0x32: {  	[tilespmem:s22+$0x7350] =	vst v62;
	v7 =	vsub.s32 v6, v7;
	v10 =	vadd.s32 $0x9E0, v5  }
0x33: {  	v5 =	vadd.s32 $0x9E0, v7;
	v7 =	vshrl.u32 v9, $0x7;
	[tilespmem:s22+$0xA360] =	vst v10  }
0x34: {  	[tilespmem:s22+$0x7F00] =	vst v5;
	v7 =	vmul.u32 $0xA0, v7  }
0x35: {  	v11 =	vmulhi.u32 $0xCCCCCCCD, v59;
	[tilespmem:s22+$0x8B00] =	vst v5  }
0x36: {  	[tilespmem:s22+$0x9700] =	vst v5;
	v7 =	vsub.s32 v8, v7  }
0x37: {  	[tilespmem:s22+$0xA300] =	vst v5;
	v5 =	vadd.s32 $0x9E0, v7;
	v7 =	vshrl.u32 v11, $0x7  }
0x38: {  	[tilespmem:s22+$0x7F10] =	vst v5;
	v7 =	vmul.u32 $0xA0, v7  }
0x39: {  	v12 =	vmulhi.u32 $0xCCCCCCCD, v60;
	[tilespmem:s22+$0x8B10] =	vst v5  }
0x3a: {  	[tilespmem:s22+$0x9710] =	vst v5;
	v7 =	vsub.s32 v59, v7  }
0x3b: {  	[tilespmem:s22+$0xA310] =	vst v5;
	v5 =	vadd.s32 $0x9E0, v7;
	v7 =	vshrl.u32 v12, $0x7  }
0x3c: {  	[tilespmem:s22+$0x7F20] =	vst v5;
	v7 =	vmul.u32 $0xA0, v7  }
0x3d: {  	v13 =	vmulhi.u32 $0xCCCCCCCD, v61;
	[tilespmem:s22+$0x8B20] =	vst v5  }
0x3e: {  	[tilespmem:s22+$0x9720] =	vst v5;
	v7 =	vsub.s32 v60, v7  }
0x3f: {  	[tilespmem:s22+$0xA320] =	vst v5;
	v5 =	vadd.s32 $0x9E0, v7;
	v7 =	vshrl.u32 v13, $0x7  }
0x40: {  	[tilespmem:s22+$0x7F30] =	vst v5;
	v7 =	vmul.u32 $0xA0, v7  }
0x41: {  	v14 =	vmulhi.u32 $0xCCCCCCCD, v62;
	[tilespmem:s22+$0x8B30] =	vst v5  }
0x42: {  	[tilespmem:s22+$0x9730] =	vst v5;
	v7 =	vsub.s32 v61, v7  }
0x43: {  	[tilespmem:s22+$0xA330] =	vst v5;
	v5 =	vadd.s32 $0x9E0, v7;
	v7 =	vshrl.u32 v14, $0x7  }
0x44: {  	[tilespmem:s22+$0x7F40] =	vst v5;
	v7 =	vmul.u32 $0xA0, v7  }
0x45: {  	[tilespmem:s22+$0x8B40] =	vst v5  }
0x46: {  	s20 =	simm.s32 $0x70;
	[tilespmem:s22+$0x9740] =	vst v5;
	v7 =	vsub.s32 v62, v7  }
0x47: {  	[tilespmem:s22+$0xA340] =	vst v5;
	v5 =	vor.u32 s20, v0;
	v7 =	vadd.s32 $0x9E0, v7  }
0x48: {  	v63 =	vmulhi.u32 $0xCCCCCCCD, v5;
	[tilespmem:s22+$0x7F50] =	vst v7  }
0x49: {  	[tilespmem:s22+$0x8B50] =	vst v7  }
0x4a: {  	v14 =	vshrl.u32 v63, $0x7;
	[tilespmem:s22+$0x9750] =	vst v7  }
0x4b: {  	[tilespmem:s22+$0xA350] =	vst v7;
	v7 =	vmul.u32 $0xA0, v14  }
0x4c: {  	[tilespmem:s22+$0x7F60] =	vst v10  }
0x4d: {  	[tilespmem:s22+$0x8B60] =	vst v10;
	v7 =	vsub.s32 v5, v7  }
0x4e: {  	[tilespmem:s22+$0x9760] =	vst v10;
	v7 =	vadd.s32 $0x9E0, v7  }
0x4f: {  	[tilespmem:s22+$0x7F70] =	vst v7  }
0x50: {  	[tilespmem:s22+$0x8B70] =	vst v7  }
0x51: {  	s4 =	simm.s32 $0xF0;
	[tilespmem:s22+$0x9770] =	vst v7  }
0x52: {  	s9 =	simm.s32 $0xE0;
	s8 =	simm.s32 $0x170;
	s7 =	simm.s32 $0x0;
	[tilespmem:s22+$0xA370] =	vst v7  }
.LBB2_2:
0x53: {  	p1 =	sne.s32 s8, $0xAF0;
	s10 =	sadd.s32 $0xFFFFFF90, s4;
	v7 =	vor.u32 s9, v0;
	[tilespmem:s22+$0x4F60] =	vst v4  }
0x54: {  	v6 =	vor.u32 s10, v0;
	v8 =	vmulhi.u32 $0xCCCCCCCD, v7;
	[tilespmem:s22+$0x5B60] =	vst v4  }
0x55: {  	v9 =	vmulhi.u32 $0xCCCCCCCD, v6;
	[tilespmem:s22+$0x6760] =	vst v4  }
0x56: {  	v8 =	vshrl.u32 v8, $0x7;
	[tilespmem:s22+$0x7360] =	vst v4;
	v4 =	vmov v7  }
0x57: {  	s9 =	sadd.s32 $0xFFFFFFA0, s4;
	v7 =	vshrl.u32 v9, $0x7;
	v8 =	vmul.u32 $0xA0, v8;
	[tilespmem:s22+$0x4F70] =	vst v5  }
0x58: {  	v9 =	vmul.u32 $0xA0, v7;
	v7 =	vor.u32 s9, v0;
	[tilespmem:s22+$0x5B70] =	vst v5  }
0x59: {  	s7 =	sadd.s32 $0x200, s7;
	v10 =	vmulhi.u32 $0xCCCCCCCD, v7;
	v8 =	vsub.s32 v4, v8;
	[tilespmem:s22+$0x6770] =	vst v5  }
0x5a: {  	v9 =	vsub.s32 v6, v9;
	v8 =	vadd.s32 $0x9E0, v8;
	[tilespmem:s22+$0x7370] =	vst v5;
	s22 =	sshra.s32 s7, $0x2  }
0x5b: {  	s9 =	sadd.s32 $0xFFFFFFB0, s4;
	v5 =	vadd.s32 $0x9E0, v9;
	v9 =	vshrl.u32 v10, $0x7;
	[tilespmem:s22+$0xA360] =	vst v8  }
0x5c: {  	v10 =	vor.u32 s9, v0;
	[tilespmem:s22+$0x7F00] =	vst v5;
	v9 =	vmul.u32 $0xA0, v9  }
0x5d: {  	v11 =	vmulhi.u32 $0xCCCCCCCD, v10;
	[tilespmem:s22+$0x8B00] =	vst v5  }
0x5e: {  	[tilespmem:s22+$0x9700] =	vst v5;
	v9 =	vsub.s32 v7, v9  }
0x5f: {  	s9 =	sadd.s32 $0xFFFFFFC0, s4;
	[tilespmem:s22+$0xA300] =	vst v5;
	v5 =	vadd.s32 $0x9E0, v9;
	v9 =	vshrl.u32 v11, $0x7  }
0x60: {  	v11 =	vor.u32 s9, v0;
	[tilespmem:s22+$0x7F10] =	vst v5;
	v9 =	vmul.u32 $0xA0, v9  }
0x61: {  	v12 =	vmulhi.u32 $0xCCCCCCCD, v11;
	[tilespmem:s22+$0x8B10] =	vst v5  }
0x62: {  	[tilespmem:s22+$0x9710] =	vst v5;
	v9 =	vsub.s32 v10, v9  }
0x63: {  	s9 =	sadd.s32 $0xFFFFFFD0, s4;
	[tilespmem:s22+$0xA310] =	vst v5;
	v5 =	vadd.s32 $0x9E0, v9;
	v9 =	vshrl.u32 v12, $0x7  }
0x64: {  	v12 =	vor.u32 s9, v0;
	[tilespmem:s22+$0x7F20] =	vst v5;
	v9 =	vmul.u32 $0xA0, v9  }
0x65: {  	v13 =	vmulhi.u32 $0xCCCCCCCD, v12;
	[tilespmem:s22+$0x8B20] =	vst v5  }
0x66: {  	[tilespmem:s22+$0x9720] =	vst v5;
	v9 =	vsub.s32 v11, v9  }
0x67: {  	s9 =	sadd.s32 $0xFFFFFFE0, s4;
	[tilespmem:s22+$0xA320] =	vst v5;
	v5 =	vadd.s32 $0x9E0, v9;
	v9 =	vshrl.u32 v13, $0x7  }
0x68: {  	v13 =	vor.u32 s9, v0;
	[tilespmem:s22+$0x7F30] =	vst v5;
	v9 =	vmul.u32 $0xA0, v9  }
0x69: {  	v14 =	vmulhi.u32 $0xCCCCCCCD, v13;
	[tilespmem:s22+$0x8B30] =	vst v5  }
0x6a: {  	[tilespmem:s22+$0x9730] =	vst v5;
	v9 =	vsub.s32 v12, v9  }
0x6b: {  	[tilespmem:s22+$0xA330] =	vst v5;
	v5 =	vadd.s32 $0x9E0, v9;
	v9 =	vshrl.u32 v14, $0x7  }
0x6c: {  	[tilespmem:s22+$0x7F40] =	vst v5;
	v9 =	vmul.u32 $0xA0, v9  }
0x6d: {  	[tilespmem:s22+$0x8B40] =	vst v5  }
0x6e: {  	[tilespmem:s22+$0x9740] =	vst v5;
	v9 =	vsub.s32 v13, v9  }
0x6f: {  	[tilespmem:s22+$0xA340] =	vst v5;
	v9 =	vadd.s32 $0x9E0, v9;
	v5 =	vor.u32 s4, v0;
	s4 =	smov.u32 s8  }
0x70: {  	[tilespmem:s22+$0x7F50] =	vst v9;
	v14 =	vmulhi.u32 $0xCCCCCCCD, v5  }
0x71: {  	[tilespmem:s22+$0x8B50] =	vst v9  }
0x72: {  	[tilespmem:s22+$0x9750] =	vst v9;
	v14 =	vshrl.u32 v14, $0x7  }
0x73: {  	[tilespmem:s22+$0xA350] =	vst v9;
	v9 =	vmul.u32 $0xA0, v14  }
0x74: {  	[tilespmem:s22+$0x7F60] =	vst v8  }
0x75: {  	[tilespmem:s22+$0x8B60] =	vst v8;
	v9 =	vsub.s32 v5, v9  }
0x76: {  	[tilespmem:s22+$0x9760] =	vst v8;
	v8 =	vadd.s32 $0x9E0, v9  }
0x77: {  	[tilespmem:s22+$0x7F70] =	vst v8  }
0x78: {  	[tilespmem:s22+$0x8B70] =	vst v8  }
0x79: {  	[tilespmem:s22+$0x9770] =	vst v8  }
0x7a: {  	[tilespmem:s22+$0xA370] =	vst v8  }
0x7b: {  	[tilespmem:s22+$0x4F00] =	vst v6  }
0x7c: {  	[tilespmem:s22+$0x5B00] =	vst v6  }
0x7d: {  	[tilespmem:s22+$0x6700] =	vst v6  }
0x7e: {  	[tilespmem:s22+$0x7300] =	vst v6  }
0x7f: {  	[tilespmem:s22+$0x4F10] =	vst v7  }
0x80: {  	[tilespmem:s22+$0x5B10] =	vst v7  }
0x81: {  	[tilespmem:s22+$0x6710] =	vst v7  }
0x82: {  	[tilespmem:s22+$0x7310] =	vst v7  }
0x83: {  	[tilespmem:s22+$0x4F20] =	vst v10  }
0x84: {  	[tilespmem:s22+$0x5B20] =	vst v10  }
0x85: {  	[tilespmem:s22+$0x6720] =	vst v10  }
0x86: {  	[tilespmem:s22+$0x7320] =	vst v10  }
0x87: {  	[tilespmem:s22+$0x4F30] =	vst v11  }
0x88: {  	[tilespmem:s22+$0x5B30] =	vst v11  }
0x89: {  	[tilespmem:s22+$0x6730] =	vst v11  }
0x8a: {  	[tilespmem:s22+$0x7330] =	vst v11  }
0x8b: {  	[tilespmem:s22+$0x4F40] =	vst v12  }
0x8c: {  	[tilespmem:s22+$0x5B40] =	vst v12  }
0x8d: {  	[tilespmem:s22+$0x6740] =	vst v12  }
.Ltmp0:
0x8e: {  	[tilespmem:s22+$0x7340] =	vst v12;
	(pc) =	sbr.rel @p1 .LBB2_2-.Ltmp0, $4  }
0x8f: {  	[tilespmem:s22+$0x4F50] =	vst v13  }
0x90: {  	[tilespmem:s22+$0x5B50] =	vst v13  }
0x91: {  	[tilespmem:s22+$0x6750] =	vst v13  }
0x92: {  	s8 =	sadd.s32 $0x80, s8;
	s9 =	sadd.s32 $0xFFFFFFF0, s4;
	[tilespmem:s22+$0x7350] =	vst v13  }
0x93: {  	[tilespmem:s22+$0x4F60] =	vst v4  }
0x94: {  	[tilespmem:s22+$0x5B60] =	vst v4  }
0x95: {  	[tilespmem:s22+$0x6760] =	vst v4  }
0x96: {  	[tilespmem:s22+$0x7360] =	vst v4  }
0x97: {  	[tilespmem:s22+$0x4F70] =	vst v5  }
0x98: {  	[tilespmem:s22+$0x5B70] =	vst v5  }
0x99: {  	s8 =	sadd.s32 $0xFFFFFF90, s4;
	[tilespmem:s22+$0x6770] =	vst v5;
	s7 =	sadd.s32 $0x200, s7  }
0x9a: {  	[tilespmem:s22+$0x7370] =	vst v5;
	v7 =	vor.u32 s8, v0;
	s7 =	sshra.s32 s7, $0x2  }
0x9b: {  	[tilespmem:s7+$0x4F00] =	vst v7  }
0x9c: {  	[tilespmem:s7+$0x5B00] =	vst v7  }
0x9d: {  	s10 =	sadd.s32 $0xFFFFFFA0, s4;
	[tilespmem:s7+$0x6700] =	vst v7  }
0x9e: {  	v58 =	vor.u32 s10, v0;
	[tilespmem:s7+$0x7300] =	vst v7  }
0x9f: {  	[tilespmem:s7+$0x4F10] =	vst v58  }
0xa0: {  	[tilespmem:s7+$0x5B10] =	vst v58  }
0xa1: {  	s11 =	sadd.s32 $0xFFFFFFB0, s4;
	[tilespmem:s7+$0x6710] =	vst v58  }
0xa2: {  	v59 =	vor.u32 s11, v0;
	[tilespmem:s7+$0x7310] =	vst v58  }
0xa3: {  	[tilespmem:s7+$0x4F20] =	vst v59  }
0xa4: {  	[tilespmem:s7+$0x5B20] =	vst v59  }
0xa5: {  	s12 =	sadd.s32 $0xFFFFFFC0, s4;
	[tilespmem:s7+$0x6720] =	vst v59  }
0xa6: {  	v60 =	vor.u32 s12, v0;
	[tilespmem:s7+$0x7320] =	vst v59  }
0xa7: {  	[tilespmem:s7+$0x4F30] =	vst v60  }
0xa8: {  	[tilespmem:s7+$0x5B30] =	vst v60  }
0xa9: {  	s20 =	sadd.s32 $0xFFFFFFD0, s4;
	[tilespmem:s7+$0x6730] =	vst v60  }
0xaa: {  	v61 =	vor.u32 s20, v0;
	[tilespmem:s7+$0x7330] =	vst v60  }
0xab: {  	[tilespmem:s7+$0x4F40] =	vst v61  }
0xac: {  	[tilespmem:s7+$0x5B40] =	vst v61  }
0xad: {  	s22 =	sadd.s32 $0xFFFFFFE0, s4;
	[tilespmem:s7+$0x6740] =	vst v61  }
0xae: {  	v62 =	vor.u32 s22, v0;
	[tilespmem:s7+$0x7340] =	vst v61  }
0xaf: {  	v6 =	vor.u32 s9, v0;
	[tilespmem:s7+$0x4F50] =	vst v62  }
0xb0: {  	v8 =	vmulhi.u32 $0xCCCCCCCD, v6;
	[tilespmem:s7+$0x5B50] =	vst v62  }
0xb1: {  	[tilespmem:s7+$0x6750] =	vst v62  }
0xb2: {  	[tilespmem:s7+$0x7350] =	vst v62;
	v8 =	vshrl.u32 v8, $0x7  }
0xb3: {  	[tilespmem:s7+$0x4F60] =	vst v6;
	v8 =	vmul.u32 $0xA0, v8  }
0xb4: {  	v9 =	vmulhi.u32 $0xCCCCCCCD, v7;
	[tilespmem:s7+$0x5B60] =	vst v6  }
0xb5: {  	[tilespmem:s7+$0x6760] =	vst v6;
	v8 =	vsub.s32 v6, v8  }
0xb6: {  	[tilespmem:s7+$0x7360] =	vst v6;
	v4 =	vshrl.u32 v9, $0x7;
	v8 =	vadd.s32 $0x9E0, v8  }
0xb7: {  	v4 =	vmul.u32 $0xA0, v4;
	[tilespmem:s7+$0xA360] =	vst v8  }
0xb8: {  	v10 =	vmulhi.u32 $0xCCCCCCCD, v58;
	[tilespmem:s7+$0x7F60] =	vst v8  }
0xb9: {  	v4 =	vsub.s32 v7, v4;
	[tilespmem:s7+$0x8B60] =	vst v8  }
0xba: {  	v5 =	vshrl.u32 v10, $0x7;
	v4 =	vadd.s32 $0x9E0, v4;
	[tilespmem:s7+$0x9760] =	vst v8  }
0xbb: {  	v5 =	vmul.u32 $0xA0, v5;
	[tilespmem:s7+$0x7F00] =	vst v4  }
0xbc: {  	v11 =	vmulhi.u32 $0xCCCCCCCD, v59;
	[tilespmem:s7+$0x8B00] =	vst v4  }
0xbd: {  	v5 =	vsub.s32 v58, v5;
	[tilespmem:s7+$0x9700] =	vst v4  }
0xbe: {  	[tilespmem:s7+$0xA300] =	vst v4;
	v4 =	vadd.s32 $0x9E0, v5;
	v5 =	vshrl.u32 v11, $0x7  }
0xbf: {  	[tilespmem:s7+$0x7F10] =	vst v4;
	v5 =	vmul.u32 $0xA0, v5  }
0xc0: {  	v12 =	vmulhi.u32 $0xCCCCCCCD, v60;
	[tilespmem:s7+$0x8B10] =	vst v4  }
0xc1: {  	[tilespmem:s7+$0x9710] =	vst v4;
	v5 =	vsub.s32 v59, v5  }
0xc2: {  	[tilespmem:s7+$0xA310] =	vst v4;
	v4 =	vadd.s32 $0x9E0, v5;
	v5 =	vshrl.u32 v12, $0x7  }
0xc3: {  	[tilespmem:s7+$0x7F20] =	vst v4;
	v5 =	vmul.u32 $0xA0, v5  }
0xc4: {  	v13 =	vmulhi.u32 $0xCCCCCCCD, v61;
	[tilespmem:s7+$0x8B20] =	vst v4  }
0xc5: {  	[tilespmem:s7+$0x9720] =	vst v4;
	v5 =	vsub.s32 v60, v5  }
0xc6: {  	[tilespmem:s7+$0xA320] =	vst v4;
	v4 =	vadd.s32 $0x9E0, v5;
	v5 =	vshrl.u32 v13, $0x7  }
0xc7: {  	[tilespmem:s7+$0x7F30] =	vst v4;
	v5 =	vmul.u32 $0xA0, v5  }
0xc8: {  	v14 =	vmulhi.u32 $0xCCCCCCCD, v62;
	[tilespmem:s7+$0x8B30] =	vst v4  }
0xc9: {  	[tilespmem:s7+$0x9730] =	vst v4;
	v5 =	vsub.s32 v61, v5  }
0xca: {  	[tilespmem:s7+$0xA330] =	vst v4;
	v4 =	vadd.s32 $0x9E0, v5;
	v5 =	vshrl.u32 v14, $0x7  }
0xcb: {  	[tilespmem:s7+$0x7F40] =	vst v4;
	v5 =	vmul.u32 $0xA0, v5  }
0xcc: {  	[tilespmem:s7+$0x8B40] =	vst v4  }
0xcd: {  	[tilespmem:s7+$0x9740] =	vst v4;
	v5 =	vsub.s32 v62, v5  }
0xce: {  	[tilespmem:s7+$0xA340] =	vst v4;
	v4 =	vadd.s32 $0x9E0, v5  }
0xcf: {  	v5 =	vor.u32 s4, v0;
	[tilespmem:s7+$0x7F50] =	vst v4  }
0xd0: {  	v63 =	vmulhi.u32 $0xCCCCCCCD, v5;
	[tilespmem:s7+$0x8B50] =	vst v4  }
0xd1: {  	[tilespmem:s7+$0x9750] =	vst v4  }
0xd2: {  	[tilespmem:s7+$0xA350] =	vst v4;
	v14 =	vshrl.u32 v63, $0x7  }
0xd3: {  	[tilespmem:s7+$0x4F70] =	vst v5;
	v4 =	vmul.u32 $0xA0, v14  }
0xd4: {  	[tilespmem:s7+$0x5B70] =	vst v5  }
0xd5: {  	[tilespmem:s7+$0x6770] =	vst v5;
	v4 =	vsub.s32 v5, v4  }
0xd6: {  	[tilespmem:s7+$0x7370] =	vst v5;
	v4 =	vadd.s32 $0x9E0, v4  }
0xd7: {  	[tilespmem:s7+$0x7F70] =	vst v4  }
0xd8: {  	[tilespmem:s7+$0x8B70] =	vst v4  }
0xd9: {  	[tilespmem:s7+$0x9770] =	vst v4  }
0xda: {  	s4 =	simm.s32 $0x40;
	[tilespmem:s7+$0xA370] =	vst v4;
	s7 =	simm.s32 $0x0  }
.LBB2_4:
0xdb: {  	p1 =	sne.s32 s4, $0x9DC0;
	[tilespmem:s7+$0xAF80] =	vst v1;
	s7 =	smov.u32 s4;
	s4 =	sadd.s32 $0x40, s4  }
.Ltmp1:
0xdc: {  	(pc) =	sbr.rel @p1 .LBB2_4-.Ltmp1, $2  }
0xdd: {  	_ =	sdelay $0x2  }
0xde: {  	s7 =	sshra.s32 s7, $0x2  }
0xdf: {  	[tilespmem:s7+$0xAF80] =	vst v1;
	s4 =	rddreg [dreg:$0x4];
	s12 =	simm.s32 $0x100  }
0xe0: {  	[tilespmem:s2], [sflag:$0x1] =	stream.strided.gather [hbm4b:s4+s19], $0x2700, s12, s19, $0x38;
	[tilespmem:$0xD700] =	vst v63  }
0xe1: {  	_ =	swait.ge [sflag:s21], $0x2700  }
0xe2: {  	[sflag:s21] =	ssyncset.done $0x0  }
0xe3: {  	s20 =	sadd.s32 s3, s6;
	s8 =	simm.s32 $0x2780;
	[sflag:s21] =	ssyncadd.s32 $0xFFFFD900  }
0xe4: {  	[tilespmem:s8], [sflag:$0x1] =	stream.strided.gather [hbm4b:s20+s19], $0x2700, s12, s19, $0x38;
	[tilespmem:$0xD700] =	vst v63  }
0xe5: {  	_ =	swait.ge [sflag:s21], $0x2700  }
0xe6: {  	s7 =	simm.s32 @!p0 $0x2700;
	[sflag:s21] =	ssyncset.done $0x0  }
0xe7: {  	s4 =	simm.s32 @!p0 $0x0;
	s8 =	rddreg [dreg:$0x5];
	[sflag:s21] =	ssyncadd.s32 $0xFFFFD900  }
0xe8: {  	[tilespmem:s7], [sflag:$0x1] =	stream.linear.gather @!p0 [hbm4b:s8+s4], $0x80, $0x38;
	[tilespmem:$0xD700] =	vst v63  }
0xe9: {  	s7 =	simm.s32 @!p0 $0x1  }
0xea: {  	_ =	swait.ge @!p0 [sflag:s7], $0x80  }
0xeb: {  	[sflag:s7] =	ssyncset.done @!p0 $0x0  }
0xec: {  	s9 =	simm.s32 @!p0 $0x4E80;
	s8 =	sadd.s32 @!p0 s5, s6;
	[sflag:s7] =	ssyncadd.s32 @!p0 $0xFFFFFF80  }
0xed: {  	[tilespmem:s9], [sflag:$0x1] =	stream.linear.gather @!p0 [hbm4b:s8+s4], $0x80, $0x38;
	[tilespmem:$0xD700] =	vst v63  }
0xee: {  	_ =	swait.ge @!p0 [sflag:s7], $0x80  }
0xef: {  	s4 =	simm.s32 @!p0 $0x278;
	[sflag:s7] =	ssyncset.done @!p0 $0x0  }
0xf0: {  	s22 =	simm.s32 $0x2780;
	s4 =	simm.s32 @p0 $0x270;
	[sflag:s7] =	ssyncadd.s32 @!p0 $0xFFFFFF80  }
0xf1: {  	p2 =	sne.s32 s4, $0x1;
	v4 =	vld [tilespmem:s22+$0x0]  }
.Ltmp2:
0xf2: {  	_ = 	snop;
	(pc) =	sbr.rel @!p2 .LBB2_6-.Ltmp2, $2  }
0xf3: {  	_ =	sdelay $0x2  }
0xf4: {  	p1 =	por $0x0, $0x0;
	s4 =	sadd.s32 $0xFFFFFFFF, s4;
	s22 =	simm.s32 $0x0;
	vm0 =	vlt.s32 v4, $0x9E0;
	v6 =	vadd.s32 $0xFFFFF620, v4;
	v5 =	vadd.s32 $0xFFFFEC40, v4  }
0xf5: {  	v7 =	vsel vm0, $0x1, v3;
	vm1 =	vlt.u32 v6, $0x9E0  }
0xf6: {  	v8 =	vsel vm1, $0x1, v3;
	(xrf0) =	vadd.scan.msk.s32 $0xffff, v7  }
0xf7: {  	vm2 =	vlt.u32 v5, $0x9E0;
	v7 =	vadd.s32 $0xFFFFE260, v4;
	(xrf0) =	vadd.scan.msk.s32 $0xffff, v8  }
0xf8: {  	v9 =	vsel vm2, $0x1, v3;
	vm3 =	vlt.u32 v7, $0x9E0  }
0xf9: {  	(xrf0) =	vadd.scan.msk.s32 $0xffff, v9;
	v8 =	vsel vm3, $0x1, v3  }
0xfa: {  	v62 =	vmov s22;
	(xrf0) =	vadd.scan.msk.s32 $0xffff, v8  }
0xfb: {  	v8 =	vadd.s32 $0xFFFFFFFF, v62  }
0xfc: {  	v8 =	vbroadcast v8, $0x0;
	v63, _, _ =	vpop (xrf0)  }
0xfd: {  	(v2sf) =	vpush v63, $0xF;
	v10, _, _ =	vpop (xrf0)  }
0xfe: {  	v11 =	vld [tilespmem:s22+$0x0];
	v9 =	vadd.s32 v63, v8;
	(v2sf) =	vpush v10, $0xF  }
0xff: {  	v12, _, _ =	vpop (xrf0)  }
0x100: {  	v10 =	vadd.s32 v10, v8;
	(v2sf) =	vpush v12, $0xF;
	v13, _, _ =	vpop (xrf0)  }
0x101: {  	(v2sf) =	vpush v13, $0xF  }
0x102: {  	[tilespmem:v4+s23+$0x0] =	vst.idx.add.f32.msk $0xffff, v2;
	v12 =	vadd.s32 v12, v8  }
0x103: {  	[tilespmem:v9+s24+$0x0] =	vst.idx.msk vm0, v11  }
0x104: {  	[tilespmem:v9+s25+$0x0] =	vst.idx.msk vm0, v4;
	v4 =	vadd.s32 v13, v8  }
0x105: {  	[tilespmem:v10+s26+$0x0] =	vst.idx.msk vm1, v11  }
0x106: {  	[tilespmem:v10+s28+$0x0] =	vst.idx.msk vm1, v6  }
0x107: {  	[tilespmem:v12+s29+$0x0] =	vst.idx.msk vm2, v11  }
0x108: {  	[tilespmem:v12+s30+$0x0] =	vst.idx.msk vm2, v5  }
0x109: {  	[tilespmem:v4+s31+$0x0] =	vst.idx.msk vm3, v11  }
0x10a: {  	s20 =	simm.s32 $0x2790;
	[tilespmem:v4+s1+$0x0] =	vst.idx.msk vm3, v7  }
0x10b: {  	p2 =	sne.s32 s4, $0x1;
	v4 =	vld [tilespmem:s20+$0x0]  }
.Ltmp3:
0x10c: {  	s7 =	spop (v2sf);
	(pc) =	sbr.rel @!p2 .LBB2_8-.Ltmp3, $4  }
0x10d: {  	s11 =	sadd.s32 $0xFFFFFFFF, s4;
	s4 =	simm.s32 $0x10;
	s10 =	spop (v2sf)  }
0x10e: {  	p1 =	por $0x1, $0x1;
	s9 =	sadd.s32 $0x0, s7;
	s8 =	sadd.s32 $0x0, s10  }
0x10f: {  	s12 =	spop (v2sf);
	p3 =	slt.s32 s9, $0xAF0;
	s10 =	simm.s32 $0x0  }
0x110: {  	p4 =	slt.s32 s8, $0xAF0;
	s7 =	sadd.s32 $0x0, s12;
	vm0 =	vlt.s32 v4, $0x9E0;
	v6 =	vadd.s32 $0xFFFFF620, v4;
	v5 =	vadd.s32 $0xFFFFEC40, v4;
	s12 =	spop (v2sf)  }
.LBB2_9:
0x111: {  	v7 =	vsel vm0, $0x1, v3;
	vm1 =	vlt.u32 v6, $0x9E0;
	v8 =	vadd.s32 $0xFFFFE260, v4;
	s8 =	simm.s32 @!p4 $0xAF0;
	p2 =	slt.s32 s7, $0xAF0;
	s10 =	sadd.s32 s10, s12  }
0x112: {  	vm3 =	vlt.u32 v5, $0x9E0;
	s9 =	simm.s32 @!p3 $0xAF0;
	v9 =	vsel vm1, $0x1, v3;
	vm2 =	vlt.u32 v8, $0x9E0;
	(xrf0) =	vadd.scan.msk.s32 $0xffff, v7;
	s7 =	simm.s32 @!p2 $0xAF0;
	p3 =	slt.s32 s10, $0xAF0  }
0x113: {  	p2 =	sne.s32 s11, $0x1;
	s11 =	sadd.s32 $0xFFFFFFFF, s11;
	v7 =	vmov s9;
	v10 =	vsel vm3, $0x1, v3;
	v11 =	vsel vm2, $0x1, v3;
	(xrf0) =	vadd.scan.msk.s32 $0xffff, v9;
	s10 =	simm.s32 @!p3 $0xAF0  }
0x114: {  	v7 =	vadd.s32 $0xFFFFFFFF, v7;
	v9 =	vmov s8;
	v12 =	vmov s7;
	(xrf0) =	vadd.scan.msk.s32 $0xffff, v10  }
0x115: {  	v9 =	vadd.s32 $0xFFFFFFFF, v9;
	v10 =	vadd.s32 $0xFFFFFFFF, v12;
	v12 =	vmov s10;
	(xrf0) =	vadd.scan.msk.s32 $0xffff, v11  }
0x116: {  	v11 =	vadd.s32 $0xFFFFFFFF, v12  }
0x117: {  	v7 =	vbroadcast v7, $0x0  }
0x118: {  	v12, _, _ =	vpop (xrf0)  }
0x119: {  	v9 =	vbroadcast v9, $0x0;
	v13 =	vld [tilespmem:s4+$0x0];
	v7 =	vadd.s32 v12, v7;
	(v2sf) =	vpush v12, $0xF;
	v12, _, _ =	vpop (xrf0)  }
0x11a: {  	(v2sf) =	vpush v12, $0xF;
	v14, _, _ =	vpop (xrf0)  }
0x11b: {  	v10 =	vbroadcast v10, $0x0;
	v9 =	vadd.s32 v12, v9;
	(v2sf) =	vpush v14, $0xF;
	v12, _, _ =	vpop (xrf0)  }
0x11c: {  	(v2sf) =	vpush v12, $0xF  }
0x11d: {  	v11 =	vbroadcast v11, $0x0;
	v10 =	vadd.s32 v14, v10;
	[tilespmem:v4+s23+$0x0] =	vst.idx.add.f32.msk $0xffff, v2  }
0x11e: {  	[tilespmem:v7+s24+$0x0] =	vst.idx.msk vm0, v13  }
0x11f: {  	[tilespmem:v7+s25+$0x0] =	vst.idx.msk vm0, v4;
	v4 =	vadd.s32 v12, v11  }
0x120: {  	[tilespmem:v9+s26+$0x0] =	vst.idx.msk vm1, v13  }
0x121: {  	[tilespmem:v9+s28+$0x0] =	vst.idx.msk vm1, v6  }
0x122: {  	[tilespmem:v10+s29+$0x0] =	vst.idx.msk vm3, v13  }
0x123: {  	[tilespmem:v10+s30+$0x0] =	vst.idx.msk vm3, v5  }
0x124: {  	[tilespmem:v4+s31+$0x0] =	vst.idx.msk vm2, v13  }
0x125: {  	s20 =	sadd.s32 $0x10, s20;
	[tilespmem:v4+s1+$0x0] =	vst.idx.msk vm2, v8  }
0x126: {  	v4 =	vld [tilespmem:s20+$0x0]  }
.Ltmp4:
0x127: {  	(pc) =	sbr.rel @p2 .LBB2_9-.Ltmp4, $4  }
0x128: {  	s12 =	spop (v2sf)  }
0x129: {  	s4 =	sadd.s32 $0x10, s4;
	s9 =	sadd.s32 s9, s12;
	s12 =	spop (v2sf)  }
0x12a: {  	p3 =	slt.s32 s9, $0xAF0;
	s8 =	sadd.s32 s8, s12;
	s12 =	spop (v2sf)  }
0x12b: {  	vm0 =	vlt.s32 v4, $0x9E0;
	v6 =	vadd.s32 $0xFFFFF620, v4;
	v5 =	vadd.s32 $0xFFFFEC40, v4;
	p4 =	slt.s32 s8, $0xAF0;
	s7 =	sadd.s32 s7, s12;
	s12 =	spop (v2sf)  }
.LBB2_10:
0x12c: {  	v7 =	vsel vm0, $0x1, v3;
	vm2 =	vlt.u32 v6, $0x9E0  }
0x12d: {  	v8 =	vadd.s32 $0xFFFFE260, v4;
	vm3 =	vlt.u32 v5, $0x9E0;
	p2 =	por !p3, !p1;
	v9 =	vsel vm2, $0x1, v3;
	(xrf0) =	vadd.scan.msk.s32 $0xffff, v7  }
0x12e: {  	s11 =	simm.s32 $0x0;
	vm1 =	vlt.u32 v8, $0x9E0;
	v58 =	vsel vm3, $0x1, v3;
	s9 =	simm.s32 @p2 $0xAF0;
	(xrf0) =	vadd.scan.msk.s32 $0xffff, v9  }
0x12f: {  	p2 =	por !p4, !p1;
	v59 =	vsel vm1, $0x1, v3;
	s11 =	smov.u32 @p1 s9;
	(xrf0) =	vadd.scan.msk.s32 $0xffff, v58  }
0x130: {  	s8 =	simm.s32 @p2 $0xAF0;
	p2 =	slt.s32 @p1 s7, $0xAF0;
	s9 =	simm.s32 $0x0;
	(xrf0) =	vadd.scan.msk.s32 $0xffff, v59  }
0x131: {  	s10 =	sadd.s32 @p1 s10, s12;
	v11 =	vmov s11;
	p2 =	por !p2, !p1;
	s9 =	smov.u32 @p1 s8  }
0x132: {  	s8 =	simm.s32 $0x0;
	v11 =	vadd.s32 $0xFFFFFFFF, v11;
	s7 =	simm.s32 @p2 $0xAF0;
	p2 =	slt.s32 @p1 s10, $0xAF0  }
0x133: {  	v13 =	vmov s9;
	v11 =	vbroadcast v11, $0x0;
	p2 =	por !p2, !p1;
	s8 =	smov.u32 @p1 s7;
	v60, _, _ =	vpop (xrf0)  }
0x134: {  	v13 =	vadd.s32 $0xFFFFFFFF, v13;
	s10 =	simm.s32 @p2 $0xAF0;
	v14 =	vmov s8;
	(v2sf) =	vpush v60, $0xF;
	v61, _, _ =	vpop (xrf0)  }
0x135: {  	v62 =	vld [tilespmem:s4+$0x0];
	v13 =	vbroadcast v13, $0x0;
	s22 =	smov.u32 @p1 s10;
	v7 =	vadd.s32 v60, v11;
	(v2sf) =	vpush v61, $0xF;
	v10, _, _ =	vpop (xrf0)  }
0x136: {  	v14 =	vadd.s32 $0xFFFFFFFF, v14;
	v63 =	vmov s22;
	(v2sf) =	vpush v10, $0xF;
	v12, _, _ =	vpop (xrf0)  }
0x137: {  	v14 =	vbroadcast v14, $0x0;
	v9 =	vadd.s32 v61, v13;
	(v2sf) =	vpush v12, $0xF  }
0x138: {  	v13 =	vadd.s32 $0xFFFFFFFF, v63  }
0x139: {  	[tilespmem:v4+s23+$0x0] =	vst.idx.add.f32.msk $0xffff, v2;
	v10 =	vadd.s32 v10, v14;
	v13 =	vbroadcast v13, $0x0  }
0x13a: {  	[tilespmem:v7+s24+$0x0] =	vst.idx.msk vm0, v62  }
0x13b: {  	[tilespmem:v7+s25+$0x0] =	vst.idx.msk vm0, v4;
	v4 =	vadd.s32 v12, v13  }
0x13c: {  	[tilespmem:v9+s26+$0x0] =	vst.idx.msk vm2, v62  }
0x13d: {  	[tilespmem:v9+s28+$0x0] =	vst.idx.msk vm2, v6  }
0x13e: {  	[tilespmem:v10+s29+$0x0] =	vst.idx.msk vm3, v62  }
0x13f: {  	[tilespmem:v10+s30+$0x0] =	vst.idx.msk vm3, v5  }
0x140: {  	[tilespmem:v4+s31+$0x0] =	vst.idx.msk vm1, v62  }
0x141: {  	s20 =	rddreg [dreg:$0x6];
	[tilespmem:v4+s1+$0x0] =	vst.idx.msk vm1, v8  }
0x142: {  	[hbm4b:s20+s2] =	stream.linear.scatter [tilespmem:s24], [sflag:$0x1], $0xB00, $0x38;
	[tilespmem:$0xD700] =	vst v63  }
0x143: {  	s4 =	spop (v2sf)  }
0x144: {  	s7 =	spop (v2sf)  }
0x145: {  	s10 =	spop (v2sf)  }
0x146: {  	s12 =	spop (v2sf)  }
0x147: {  	_ =	swait.ge [sflag:s21], $0xB00  }
0x148: {  	[sflag:s21] =	ssyncset.done $0x0  }
0x149: {  	s4 =	sadd.s32 s11, s4;
	s20 =	rddreg [dreg:$0x7];
	[sflag:s21] =	ssyncadd.s32 $0xFFFFF500  }
0x14a: {  	[hbm4b:s20+s2] =	stream.linear.scatter [tilespmem:s25], [sflag:$0x1], $0xB00, $0x38;
	[tilespmem:$0xD700] =	vst v63  }
0x14b: {  	p1 =	slt.s32 s4, $0xAF0;
	_ =	swait.ge [sflag:s21], $0xB00  }
0x14c: {  	s4 =	simm.s32 @!p1 $0xAF0;
	[sflag:s21] =	ssyncset.done $0x0  }
0x14d: {  	v4 =	vmov s4;
	[sflag:s21] =	ssyncadd.s32 $0xFFFFF500  }
0x14e: {  	s20 =	rddreg [dreg:$0x8];
	[tilespmem:$0xAF00] =	vst v4  }
0x14f: {  	[hbm4b:s20+s2] =	stream.linear.scatter [tilespmem:s26], [sflag:$0x1], $0xB00, $0x38;
	[tilespmem:$0xD700] =	vst v63  }
0x150: {  	_ =	swait.ge [sflag:s21], $0xB00  }
0x151: {  	[sflag:s21] =	ssyncset.done $0x0  }
0x152: {  	s4 =	sadd.s32 s9, s7;
	s9 =	rddreg [dreg:$0x9];
	[sflag:s21] =	ssyncadd.s32 $0xFFFFF500  }
0x153: {  	[hbm4b:s9+s2] =	stream.linear.scatter [tilespmem:s28], [sflag:$0x1], $0xB00, $0x38;
	[tilespmem:$0xD700] =	vst v63  }
0x154: {  	p1 =	slt.s32 s4, $0xAF0;
	_ =	swait.ge [sflag:s21], $0xB00  }
0x155: {  	s4 =	simm.s32 @!p1 $0xAF0;
	[sflag:s21] =	ssyncset.done $0x0  }
0x156: {  	v4 =	vmov s4;
	[sflag:s21] =	ssyncadd.s32 $0xFFFFF500  }
0x157: {  	s11 =	rddreg [dreg:$0xa];
	[tilespmem:$0xAF10] =	vst v4  }
0x158: {  	[hbm4b:s11+s2] =	stream.linear.scatter [tilespmem:s29], [sflag:$0x1], $0xB00, $0x38;
	[tilespmem:$0xD700] =	vst v63  }
0x159: {  	_ =	swait.ge [sflag:s21], $0xB00  }
0x15a: {  	[sflag:s21] =	ssyncset.done $0x0  }
0x15b: {  	s4 =	sadd.s32 s8, s10;
	[sflag:s21] =	ssyncadd.s32 $0xFFFFF500  }
0x15c: {  	[hbm4b:s13+s2] =	stream.linear.scatter [tilespmem:s30], [sflag:$0x1], $0xB00, $0x38;
	[tilespmem:$0xD700] =	vst v63  }
0x15d: {  	p1 =	slt.s32 s4, $0xAF0;
	_ =	swait.ge [sflag:s21], $0xB00  }
0x15e: {  	s4 =	simm.s32 @!p1 $0xAF0;
	[sflag:s21] =	ssyncset.done $0x0  }
0x15f: {  	v4 =	vmov s4;
	[sflag:s21] =	ssyncadd.s32 $0xFFFFF500  }
0x160: {  	[tilespmem:$0xAF20] =	vst v4  }
0x161: {  	[hbm4b:s14+s2] =	stream.linear.scatter [tilespmem:s31], [sflag:$0x1], $0xB00, $0x38;
	[tilespmem:$0xD700] =	vst v63  }
0x162: {  	_ =	swait.ge [sflag:s21], $0xB00  }
0x163: {  	[sflag:s21] =	ssyncset.done $0x0  }
0x164: {  	s4 =	sadd.s32 s22, s12;
	[sflag:s21] =	ssyncadd.s32 $0xFFFFF500  }
0x165: {  	[hbm4b:s15+s2] =	stream.linear.scatter [tilespmem:s1], [sflag:$0x1], $0xB00, $0x38;
	[tilespmem:$0xD700] =	vst v63  }
0x166: {  	p1 =	slt.s32 s4, $0xAF0;
	_ =	swait.ge [sflag:s21], $0xB00  }
0x167: {  	s4 =	simm.s32 @!p1 $0xAF0;
	[sflag:s21] =	ssyncset.done $0x0  }
0x168: {  	v4 =	vmov s4;
	[sflag:s21] =	ssyncadd.s32 $0xFFFFF500  }
0x169: {  	s20 =	simm.s32 $0xAF00;
	[tilespmem:$0xAF30] =	vst v4  }
0x16a: {  	[hbm4b:s16+s2] =	stream.linear.scatter [tilespmem:s20], [sflag:$0x1], $0x80, $0x38;
	[tilespmem:$0xD700] =	vst v63  }
0x16b: {  	_ =	swait.ge [sflag:s21], $0x80  }
0x16c: {  	s0 =	sadd.s32 $0x1, s0;
	[sflag:s21] =	ssyncset.done $0x0  }
0x16d: {  	s22 =	simm.s32 $0x400;
	p1 =	sne.s32 s0, s18;
	[sflag:s21] =	ssyncadd.s32 $0xFFFFFF80  }
0x16e: {  	[hbm4b:s17+s19] =	stream.strided.scatter [tilespmem:s23], [sflag:$0x1], $0x2780, s22, s19, $0x38;
	[tilespmem:$0xD700] =	vst v63  }
.Ltmp5:
0x16f: {  	_ = 	snop;
	(pc) =	sbr.rel @p1 .LBB2_1-.Ltmp5, $4  }
.Ltmp6:
0x170: {  	_ = 	snop;
	(pc) =	sbr.rel @!p1 .LBB2_11-.Ltmp6, $4  }
0x171: {  	_ =	swait.ge [sflag:s21], $0x2780  }
0x172: {  	[sflag:s21] =	ssyncset.done $0x0  }
0x173: {  	[sflag:s21] =	ssyncadd.s32 $0xFFFFD880  }
0x174: {  	_ = 	snop  }
.LBB2_6:
.Ltmp7:
0x175: {  	(pc) =	sbr.rel .LBB2_10-.Ltmp7, $2  }
0x176: {  	_ =	sdelay $0x2  }
0x177: {  	s10 =	simm.s32 $0x0;
	s4 =	simm.s32 $0x0  }
.LBB2_8:
.Ltmp8:
0x178: {  	(pc) =	sbr.rel .LBB2_10-.Ltmp8, $2  }
0x179: {  	_ =	sdelay $0x2  }
0x17a: {  	s10 =	simm.s32 $0x0  }
.LBB2_11:
0x17b: {  	_ =	sfence.sel $0x180000  }
0x17c: {  	[bflag:$0x0] =	sbarrier.arrive $0xFFFF  }
0x17d: {  	_ =	strace $0x90000047  }
0x17e: {  	s0 =	stileid.u32;
	[bflag:$0x2] =	sbarrier.arrive $0xFFFF  }
0x17f: {  	p0 =	sne.s32 s0, $0x0;
	s0 =	rddreg [dreg:$0x3]  }
0x180: {  	s0 =	sadd.s32 @!p0 $0x100000, s0  }
0x181: {  	[sflag:s0] =	ssyncadd.tile.s32 @!p0 $0x1;
	_ =	shalt  }
.Lfunc_end2:
_tile_overlayer_lowered:
.L_overlay_start_2:
0x182: {  	(tag) =	ssettag $0x2  }
0x183: {  	s0 =	rddreg [dreg:$0x0];
	s2 =	stileid.u32  }
0x184: {  	s1 =	rddreg [dreg:$0x1];
	p0 =	sne.s32 s2, $0x0  }
0x185: {  	s3 =	rddreg [dreg:$0x2];
	[bflag:$0x3] =	sbarrier.arrive $0xFFFF;
	s2 =	simm.s32 @!p0 $0x1C01  }
0x186: {  	[timem:s3], [sflag:s2] =	dma.local @!p0 [hbm:s0], s1  }
0x187: {  	s0 =	simm.s32 @!p0 $0x1  }
0x188: {  	_ =	swait.ge @!p0 [sflag:s0], s1  }
0x189: {  	s1 =	ssub.s32 @!p0 $0x0, s1;
	[sflag:s0] =	ssyncset.done @!p0 $0x0  }
0x18a: {  	[sflag:s0] =	ssyncadd.s32 @!p0 s1  }
0x18b: {  	[bflag:$0x3] =	sbarrier.arrive $0xFFFF  }
0x18c: {  	_ =	shalt  }

</sc_bundles>
